<compile_context>
chip_gen: v7x
topology: tpu7x:2x2x1
jax: 0.10.2.dev20260603
libtpu: 0.0.44.dev20260713+nightly
codegen_flags: <defaults>
</compile_context>

<pallas_src>
import functools

import jax
import jax.numpy as jnp
from jax import lax
from jax.experimental import pallas as pl
from jax.experimental.pallas import tpu as pltpu
from jax.experimental.pallas import tpu_sc as plsc

N_GRAPHS = 16
GRID = 8
D = 128
N_NODES = 100000

NW = 32
CHUNK = 128
N_CHUNKS = 25
PER_W = CHUNK * N_CHUNKS
N_FULL = N_NODES // CHUNK
TAIL = N_NODES - N_FULL * CHUNK
NBINS = N_GRAPHS * GRID * GRID
ROWS_PER_TILE = NBINS // 16

_mesh = plsc.VectorSubcoreMesh(core_axis_name="c", subcore_axis_name="s")


@functools.partial(
    pl.kernel,
    out_type=jax.ShapeDtypeStruct((2, NBINS, D), jnp.float32),
    mesh=_mesh,
    compiler_params=pltpu.CompilerParams(needs_layout_passes=False),
    scratch_types=[
        pltpu.VMEM((CHUNK, D), jnp.float32),
        pltpu.VMEM((CHUNK, D), jnp.float32),
        pltpu.VMEM((CHUNK, D), jnp.float32),
        pltpu.VMEM((CHUNK, 3), jnp.int32),
        pltpu.VMEM((CHUNK, 3), jnp.int32),
        pltpu.VMEM((CHUNK, 3), jnp.int32),
        pltpu.VMEM((CHUNK,), jnp.int32),
        pltpu.VMEM((CHUNK,), jnp.int32),
        pltpu.VMEM((CHUNK,), jnp.int32),
        pltpu.VMEM((CHUNK,), jnp.int32),
        pltpu.VMEM((CHUNK,), jnp.int32),
        pltpu.VMEM((CHUNK,), jnp.int32),
        pltpu.VMEM((CHUNK,), jnp.float32),
        pltpu.VMEM((ROWS_PER_TILE, D), jnp.float32),
        pltpu.VMEM_SHARED((NBINS, D), jnp.float32),
        pltpu.SemaphoreType.DMA,
        pltpu.SemaphoreType.DMA,
        pltpu.SemaphoreType.DMA,
        pltpu.SemaphoreType.DMA,
        pltpu.SemaphoreType.DMA,
        pltpu.SemaphoreType.DMA,
    ],
)
def _spp_scatter(feat, xy, gid, tail_feat, tail_xy, tail_gid, out,
                 feat_a, feat_b, feat_c, xy_a, xy_b, xy_c, gid_a, gid_b,
                 gid_c, idx_a, idx_b, idx_c, inv_c, bounce, acc,
                 sem_fa, sem_fb, sem_fc, sem_sa, sem_sb, sem_sc):
    cid = lax.axis_index("c")
    sid = lax.axis_index("s")
    w = cid * 16 + sid

    iota16 = lax.broadcasted_iota(jnp.int32, (16,), 0)
    col0 = jnp.full((16,), 0, jnp.int32)
    col1 = jnp.full((16,), 1, jnp.int32)
    col2 = jnp.full((16,), 2, jnp.int32)
    zero16 = jnp.zeros((16,), jnp.float32)

    BA = (feat_a, xy_a, gid_a, idx_a, sem_fa, sem_sa)
    BB = (feat_b, xy_b, gid_b, idx_b, sem_fb, sem_sb)
    BC = (feat_c, xy_c, gid_c, idx_c, sem_fc, sem_sc)

    def start_fetch(c, buf):
        featb, xyb, gidb, _, sem, _ = buf
        g = w * N_CHUNKS + c

        @pl.when(g < N_FULL)
        def _():
            base = g * CHUNK
            pltpu.async_copy(feat.at[pl.ds(base, CHUNK)], featb, sem)
            pltpu.async_copy(xy.at[pl.ds(base, CHUNK)], xyb, sem)
            pltpu.async_copy(gid.at[pl.ds(base, CHUNK)], gidb, sem)

        @pl.when(g >= N_FULL)
        def _():
            off = jnp.where(g == N_FULL, 0, CHUNK)
            pltpu.async_copy(tail_feat.at[pl.ds(off, CHUNK)], featb, sem)
            pltpu.async_copy(tail_xy.at[pl.ds(off, CHUNK)], xyb, sem)
            pltpu.async_copy(tail_gid.at[pl.ds(off, CHUNK)], gidb, sem)

    def wait_fetch(buf):
        featb, xyb, gidb, _, sem, _ = buf
        pltpu.make_async_copy(feat.at[pl.ds(0, CHUNK)], featb, sem).wait()
        pltpu.make_async_copy(xy.at[pl.ds(0, CHUNK)], xyb, sem).wait()
        pltpu.make_async_copy(gid.at[pl.ds(0, CHUNK)], gidb, sem).wait()

    def start_scatter(buf):
        featb, _, _, idxb, _, sem = buf
        pltpu.async_copy(featb, acc.at[idxb], sem, add=True)

    def wait_scatter(buf):
        featb, _, _, idxb, _, sem = buf
        pltpu.make_async_copy(featb, acc.at[idxb], sem).wait()

    def process(buf):
        featb, xyb, gidb, idxb, _, _ = buf

        def bin_body(i, _):
            rows = iota16 + i * 16
            xv = plsc.load_gather(xyb, [rows, col0])
            yv = plsc.load_gather(xyb, [rows, col1])
            cv = plsc.load_gather(xyb, [rows, col2])
            sl = pl.ds(i * 16, 16)
            idxb[sl] = gidb[sl] * (GRID * GRID) + xv * GRID + yv
            inv_c[sl] = 1.0 / cv.astype(jnp.float32)
            return 0

        lax.fori_loop(0, CHUNK // 16, bin_body, 0, unroll=2)

        def node_body(j, _):
            inv = plsc.load_gather(inv_c, [jnp.full((16,), j, jnp.int32)])
            for db in range(D // 16):
                sl = pl.ds(db * 16, 16)
                featb[j, sl] = featb[j, sl] * inv
            return 0

        lax.fori_loop(0, CHUNK, node_body, 0, unroll=8)

    def phase(c, cur, prev):
        wait_fetch(cur)
        process(cur)
        wait_scatter(prev)
        start_fetch(c + 2, prev)
        start_scatter(cur)

    start_fetch(0, BA)
    start_fetch(1, BB)

    def zero_row(r, _):
        for db in range(D // 16):
            bounce[r, pl.ds(db * 16, 16)] = zero16
        return 0

    lax.fori_loop(0, ROWS_PER_TILE, zero_row, 0)
    pltpu.sync_copy(bounce, acc.at[pl.ds(sid * ROWS_PER_TILE, ROWS_PER_TILE)])
    plsc.subcore_barrier()

    wait_fetch(BA)
    process(BA)
    start_fetch(2, BC)
    start_scatter(BA)

    def pipe_body(k, _):
        cb = 3 * k
        phase(cb + 1, BB, BA)
        phase(cb + 2, BC, BB)
        phase(cb + 3, BA, BC)
        return 0

    lax.fori_loop(0, (N_CHUNKS - 1) // 3, pipe_body, 0)

    wait_scatter(BA)
    wait_fetch(BB)
    wait_fetch(BC)

    plsc.subcore_barrier()
    sl = pl.ds(sid * ROWS_PER_TILE, ROWS_PER_TILE)
    pltpu.sync_copy(acc.at[sl], bounce)
    pltpu.sync_copy(bounce, out.at[cid, sl])


def _add_partials_body(p_ref, o_ref):
    o_ref[...] = p_ref[0] + p_ref[1]


_add_partials = pl.pallas_call(
    _add_partials_body,
    out_shape=jax.ShapeDtypeStruct((NBINS, D), jnp.float32),
)


def kernel(features, xy, graph_ids):
    cut = N_FULL * CHUNK
    tail_feat = jnp.zeros((2 * CHUNK, D), jnp.float32).at[:TAIL].set(
        features[cut:])
    xy32 = xy.astype(jnp.int32)
    gid32 = graph_ids.astype(jnp.int32)
    tail_xy = jnp.tile(
        jnp.array([[0, 0, 1]], jnp.int32), (2 * CHUNK, 1)).at[:TAIL].set(
        xy32[cut:])
    tail_gid = jnp.zeros((2 * CHUNK,), jnp.int32).at[:TAIL].set(gid32[cut:])
    partials = _spp_scatter(features, xy32, gid32, tail_feat, tail_xy,
                            tail_gid)
    out = _add_partials(partials)
    return out.reshape(N_GRAPHS, GRID, GRID, D)

# --- scband reference (transcript-rebuilt; emitter-appended) ---
"""Pipeline reference for scband-spp-pooling-17102559773029 (READ-ONLY COPY).

The authoritative reference and input builder live on the scoring server;
editing this copy changes nothing except your own understanding.
"""

import jax, jax.numpy as jnp
import numpy as np

N_GRAPHS = 16
GRID = 8
INPUT_DIM = 128
N_NODES = 100000


def setup_inputs(seed: int = 0) -> dict:
    key = jax.random.key(seed)
    k1, k2, k3, k4 = jax.random.split(key, 4)
    features = jax.random.normal(k1, (N_NODES, INPUT_DIM), dtype=jnp.float32)
    # xy[:, 0:2] are grid cell coordinates in [0, GRID); xy[:, 2] is a positive
    # integer divisor (e.g., cell occupancy count), so it is drawn from [1, 64).
    coords = jax.random.randint(k2, (N_NODES, 2), 0, GRID)
    counts = jax.random.randint(k3, (N_NODES, 1), 1, 64)
    xy = jnp.concatenate([coords, counts], axis=1)
    # graph membership of each node: sorted segment ids, replacing
    # DGLGraph.batch_num_nodes from the original forward signature.
    graph_ids = jnp.sort(jax.random.randint(k4, (N_NODES,), 0, N_GRAPHS))
    return {"features": features, "xy": xy, "graph_ids": graph_ids}


def reference(features, xy, graph_ids):
    # r[b, i, j, :] = sum over nodes k in graph b with xy[k,0]==i, xy[k,1]==j of
    #                 features[k, :] / xy[k, 2]
    vals = features / xy[:, 2].astype(jnp.float32)[:, None]
    flat_bin = graph_ids * (GRID * GRID) + xy[:, 0] * GRID + xy[:, 1]
    out = jnp.zeros((N_GRAPHS * GRID * GRID, INPUT_DIM), dtype=features.dtype)
    out = out.at[flat_bin].add(vals)
    return out.reshape(N_GRAPHS, GRID, GRID, INPUT_DIM)

if __name__ == "__main__":
    import jax
    _d = setup_inputs()
    print(jax.jit(kernel)(*tuple(_d.values())))

</pallas_src>

<mosaic_0001>
#map = affine_map<(d0, d1) -> (0, 0)>
#map1 = affine_map<(d0, d1) -> (0)>
#map2 = affine_map<(d0, d1) -> (0, 0, 0)>
module attributes {stable_mosaic.version = 14 : i64} {
  func.func @_spp_scatter(%arg0: i32, %arg1: i32, %arg2: memref<100000x128xf32, #tpu.memory_space<hbm>>, %arg3: memref<100000x3xi32, #tpu.memory_space<hbm>>, %arg4: memref<100000xi32, #tpu.memory_space<hbm>>, %arg5: memref<256x128xf32, #tpu.memory_space<hbm>>, %arg6: memref<256x3xi32, #tpu.memory_space<hbm>>, %arg7: memref<256xi32, #tpu.memory_space<hbm>>, %arg8: memref<2x1024x128xf32, #tpu.memory_space<hbm>>, %arg9: memref<128x128xf32, #tpu.memory_space<vmem>>, %arg10: memref<128x128xf32, #tpu.memory_space<vmem>>, %arg11: memref<128x128xf32, #tpu.memory_space<vmem>>, %arg12: memref<128x3xi32, #tpu.memory_space<vmem>>, %arg13: memref<128x3xi32, #tpu.memory_space<vmem>>, %arg14: memref<128x3xi32, #tpu.memory_space<vmem>>, %arg15: memref<128xi32, #tpu.memory_space<vmem>>, %arg16: memref<128xi32, #tpu.memory_space<vmem>>, %arg17: memref<128xi32, #tpu.memory_space<vmem>>, %arg18: memref<128xi32, #tpu.memory_space<vmem>>, %arg19: memref<128xi32, #tpu.memory_space<vmem>>, %arg20: memref<128xi32, #tpu.memory_space<vmem>>, %arg21: memref<128xf32, #tpu.memory_space<vmem>>, %arg22: memref<64x128xf32, #tpu.memory_space<vmem>>, %arg23: memref<1024x128xf32, #tpu.memory_space<vmem_shared>>, %arg24: memref<!tpu.dma_semaphore, #tpu.memory_space<semaphore_mem>>, %arg25: memref<!tpu.dma_semaphore, #tpu.memory_space<semaphore_mem>>, %arg26: memref<!tpu.dma_semaphore, #tpu.memory_space<semaphore_mem>>, %arg27: memref<!tpu.dma_semaphore, #tpu.memory_space<semaphore_mem>>, %arg28: memref<!tpu.dma_semaphore, #tpu.memory_space<semaphore_mem>>, %arg29: memref<!tpu.dma_semaphore, #tpu.memory_space<semaphore_mem>>) attributes {dimension_semantics = [#tpu.dimension_semantics<core_parallel>, #tpu.dimension_semantics<subcore_parallel>], iteration_bounds = array<i64: 2, 16>, scalar_prefetch = 0 : i64, scratch_operands = 21 : i64, tpu.core_type = #tpu.core_type<sc_vector_subcore>, window_params = [{transform_indices = #map}, {transform_indices = #map}, {transform_indices = #map1}, {transform_indices = #map}, {transform_indices = #map}, {transform_indices = #map1}, {transform_indices = #map2}]} {
    %mul3A = arith.constant 16 : i32
    %mul3A_0 = arith.muli %arg0, %mul3A : i32
    %add3A = arith.addi %mul3A_0, %arg1 : i32
    %iota3A = tpu.iota {dimensions = array<i32: 0>} : vector<16xi32>
    %broadcast_in_dim3A = arith.constant 0 : i32
    %broadcast_in_dim3A_1 = vector.broadcast %broadcast_in_dim3A : i32 to vector<16xi32>
    %broadcast_in_dim3A_2 = arith.constant 1 : i32
    %broadcast_in_dim3A_3 = vector.broadcast %broadcast_in_dim3A_2 : i32 to vector<16xi32>
    %broadcast_in_dim3A_4 = arith.constant 2 : i32
    %broadcast_in_dim3A_5 = vector.broadcast %broadcast_in_dim3A_4 : i32 to vector<16xi32>
    %broadcast_in_dim3A_6 = arith.constant 0.000000e+00 : f32
    %broadcast_in_dim3A_7 = vector.broadcast %broadcast_in_dim3A_6 : f32 to vector<16xf32>
    %mul3A_8 = arith.constant 25 : i32
    %mul3A_9 = arith.muli %add3A, %mul3A_8 : i32
    %add3A_10 = arith.constant 0 : i32
    %add3A_11 = arith.addi %mul3A_9, %add3A_10 : i32
    %lt3A = arith.constant 781 : i32
    %lt3A_12 = arith.cmpi slt, %add3A_11, %lt3A : i32
    %convert_element_type3A = arith.extui %lt3A_12 : i1 to i32
    %cond3A = arith.constant 0 : i32
    %cond3A_13 = arith.cmpi ne, %convert_element_type3A, %cond3A : i32
    scf.if %cond3A_13 {
      %mul3A_130 = arith.constant 128 : i32
      %mul3A_131 = arith.muli %add3A_11, %mul3A_130 : i32
      %dma_start3A_132 = arith.constant 0 : i32
      %dma_start3A_133 = tpu.memref_slice %arg2[%mul3A_131, %dma_start3A_132] : memref<100000x128xf32, #tpu.memory_space<hbm>> -> memref<128x128xf32, #tpu.memory_space<hbm>>
      %dma_start3A_134 = arith.constant 0 : i32
      %dma_start3A_135 = tpu.memref_slice %arg2[%mul3A_131, %dma_start3A_134] : memref<100000x128xf32, #tpu.memory_space<hbm>> -> memref<128x128xf32, #tpu.memory_space<hbm>>
      tpu.enqueue_dma source(%dma_start3A_135 : memref<128x128xf32, #tpu.memory_space<hbm>>) target(%arg9 : memref<128x128xf32, #tpu.memory_space<vmem>>) target_semaphore(%arg24 : memref<!tpu.dma_semaphore, #tpu.memory_space<semaphore_mem>>)
      %dma_start3A_136 = arith.constant 0 : i32
      %dma_start3A_137 = tpu.memref_slice %arg3[%mul3A_131, %dma_start3A_136] : memref<100000x3xi32, #tpu.memory_space<hbm>> -> memref<128x3xi32, #tpu.memory_space<hbm>>
      %dma_start3A_138 = arith.constant 0 : i32
      %dma_start3A_139 = tpu.memref_slice %arg3[%mul3A_131, %dma_start3A_138] : memref<100000x3xi32, #tpu.memory_space<hbm>> -> memref<128x3xi32, #tpu.memory_space<hbm>>
      tpu.enqueue_dma source(%dma_start3A_139 : memref<128x3xi32, #tpu.memory_space<hbm>>) target(%arg12 : memref<128x3xi32, #tpu.memory_space<vmem>>) target_semaphore(%arg24 : memref<!tpu.dma_semaphore, #tpu.memory_space<semaphore_mem>>)
      %dma_start3A_140 = tpu.memref_slice %arg4[%mul3A_131] : memref<100000xi32, #tpu.memory_space<hbm>> -> memref<128xi32, #tpu.memory_space<hbm>>
      %dma_start3A_141 = tpu.memref_slice %arg4[%mul3A_131] : memref<100000xi32, #tpu.memory_space<hbm>> -> memref<128xi32, #tpu.memory_space<hbm>>
      tpu.enqueue_dma source(%dma_start3A_141 : memref<128xi32, #tpu.memory_space<hbm>>) target(%arg15 : memref<128xi32, #tpu.memory_space<vmem>>) target_semaphore(%arg24 : memref<!tpu.dma_semaphore, #tpu.memory_space<semaphore_mem>>)
    } else {
    }
    %ge3A = arith.constant 781 : i32
    %ge3A_14 = arith.cmpi sge, %add3A_11, %ge3A : i32
    %convert_element_type3A_15 = arith.extui %ge3A_14 : i1 to i32
    %cond3A_16 = arith.constant 0 : i32
    %cond3A_17 = arith.cmpi ne, %convert_element_type3A_15, %cond3A_16 : i32
    scf.if %cond3A_17 {
      %eq3A = arith.constant 781 : i32
      %eq3A_130 = arith.cmpi eq, %add3A_11, %eq3A : i32
      %jit3A = arith.constant 0 : i32
      %jit3A_131 = arith.constant 128 : i32
      %select_n3A = arith.select %eq3A_130, %jit3A, %jit3A_131 : i32
      %dma_start3A_132 = arith.constant 0 : i32
      %dma_start3A_133 = tpu.memref_slice %arg5[%select_n3A, %dma_start3A_132] : memref<256x128xf32, #tpu.memory_space<hbm>> -> memref<128x128xf32, #tpu.memory_space<hbm>>
      %dma_start3A_134 = arith.constant 0 : i32
      %dma_start3A_135 = tpu.memref_slice %arg5[%select_n3A, %dma_start3A_134] : memref<256x128xf32, #tpu.memory_space<hbm>> -> memref<128x128xf32, #tpu.memory_space<hbm>>
      tpu.enqueue_dma source(%dma_start3A_135 : memref<128x128xf32, #tpu.memory_space<hbm>>) target(%arg9 : memref<128x128xf32, #tpu.memory_space<vmem>>) target_semaphore(%arg24 : memref<!tpu.dma_semaphore, #tpu.memory_space<semaphore_mem>>)
      %dma_start3A_136 = arith.constant 0 : i32
      %dma_start3A_137 = tpu.memref_slice %arg6[%select_n3A, %dma_start3A_136] : memref<256x3xi32, #tpu.memory_space<hbm>> -> memref<128x3xi32, #tpu.memory_space<hbm>>
      %dma_start3A_138 = arith.constant 0 : i32
      %dma_start3A_139 = tpu.memref_slice %arg6[%select_n3A, %dma_start3A_138] : memref<256x3xi32, #tpu.memory_space<hbm>> -> memref<128x3xi32, #tpu.memory_space<hbm>>
      tpu.enqueue_dma source(%dma_start3A_139 : memref<128x3xi32, #tpu.memory_space<hbm>>) target(%arg12 : memref<128x3xi32, #tpu.memory_space<vmem>>) target_semaphore(%arg24 : memref<!tpu.dma_semaphore, #tpu.memory_space<semaphore_mem>>)
      %dma_start3A_140 = tpu.memref_slice %arg7[%select_n3A] : memref<256xi32, #tpu.memory_space<hbm>> -> memref<128xi32, #tpu.memory_space<hbm>>
      %dma_start3A_141 = tpu.memref_slice %arg7[%select_n3A] : memref<256xi32, #tpu.memory_space<hbm>> -> memref<128xi32, #tpu.memory_space<hbm>>
      tpu.enqueue_dma source(%dma_start3A_141 : memref<128xi32, #tpu.memory_space<hbm>>) target(%arg15 : memref<128xi32, #tpu.memory_space<vmem>>) target_semaphore(%arg24 : memref<!tpu.dma_semaphore, #tpu.memory_space<semaphore_mem>>)
    } else {
    }
    %mul3A_18 = arith.constant 25 : i32
    %mul3A_19 = arith.muli %add3A, %mul3A_18 : i32
    %add3A_20 = arith.constant 1 : i32
    %add3A_21 = arith.addi %mul3A_19, %add3A_20 : i32
    %lt3A_22 = arith.constant 781 : i32
    %lt3A_23 = arith.cmpi slt, %add3A_21, %lt3A_22 : i32
    %convert_element_type3A_24 = arith.extui %lt3A_23 : i1 to i32
    %cond3A_25 = arith.constant 0 : i32
    %cond3A_26 = arith.cmpi ne, %convert_element_type3A_24, %cond3A_25 : i32
    scf.if %cond3A_26 {
      %mul3A_130 = arith.constant 128 : i32
      %mul3A_131 = arith.muli %add3A_21, %mul3A_130 : i32
      %dma_start3A_132 = arith.constant 0 : i32
      %dma_start3A_133 = tpu.memref_slice %arg2[%mul3A_131, %dma_start3A_132] : memref<100000x128xf32, #tpu.memory_space<hbm>> -> memref<128x128xf32, #tpu.memory_space<hbm>>
      %dma_start3A_134 = arith.constant 0 : i32
      %dma_start3A_135 = tpu.memref_slice %arg2[%mul3A_131, %dma_start3A_134] : memref<100000x128xf32, #tpu.memory_space<hbm>> -> memref<128x128xf32, #tpu.memory_space<hbm>>
      tpu.enqueue_dma source(%dma_start3A_135 : memref<128x128xf32, #tpu.memory_space<hbm>>) target(%arg10 : memref<128x128xf32, #tpu.memory_space<vmem>>) target_semaphore(%arg25 : memref<!tpu.dma_semaphore, #tpu.memory_space<semaphore_mem>>)
      %dma_start3A_136 = arith.constant 0 : i32
      %dma_start3A_137 = tpu.memref_slice %arg3[%mul3A_131, %dma_start3A_136] : memref<100000x3xi32, #tpu.memory_space<hbm>> -> memref<128x3xi32, #tpu.memory_space<hbm>>
      %dma_start3A_138 = arith.constant 0 : i32
      %dma_start3A_139 = tpu.memref_slice %arg3[%mul3A_131, %dma_start3A_138] : memref<100000x3xi32, #tpu.memory_space<hbm>> -> memref<128x3xi32, #tpu.memory_space<hbm>>
      tpu.enqueue_dma source(%dma_start3A_139 : memref<128x3xi32, #tpu.memory_space<hbm>>) target(%arg13 : memref<128x3xi32, #tpu.memory_space<vmem>>) target_semaphore(%arg25 : memref<!tpu.dma_semaphore, #tpu.memory_space<semaphore_mem>>)
      %dma_start3A_140 = tpu.memref_slice %arg4[%mul3A_131] : memref<100000xi32, #tpu.memory_space<hbm>> -> memref<128xi32, #tpu.memory_space<hbm>>
      %dma_start3A_141 = tpu.memref_slice %arg4[%mul3A_131] : memref<100000xi32, #tpu.memory_space<hbm>> -> memref<128xi32, #tpu.memory_space<hbm>>
      tpu.enqueue_dma source(%dma_start3A_141 : memref<128xi32, #tpu.memory_space<hbm>>) target(%arg16 : memref<128xi32, #tpu.memory_space<vmem>>) target_semaphore(%arg25 : memref<!tpu.dma_semaphore, #tpu.memory_space<semaphore_mem>>)
    } else {
    }
    %ge3A_27 = arith.constant 781 : i32
    %ge3A_28 = arith.cmpi sge, %add3A_21, %ge3A_27 : i32
    %convert_element_type3A_29 = arith.extui %ge3A_28 : i1 to i32
    %cond3A_30 = arith.constant 0 : i32
    %cond3A_31 = arith.cmpi ne, %convert_element_type3A_29, %cond3A_30 : i32
    scf.if %cond3A_31 {
      %eq3A = arith.constant 781 : i32
      %eq3A_130 = arith.cmpi eq, %add3A_21, %eq3A : i32
      %jit3A = arith.constant 0 : i32
      %jit3A_131 = arith.constant 128 : i32
      %select_n3A = arith.select %eq3A_130, %jit3A, %jit3A_131 : i32
      %dma_start3A_132 = arith.constant 0 : i32
      %dma_start3A_133 = tpu.memref_slice %arg5[%select_n3A, %dma_start3A_132] : memref<256x128xf32, #tpu.memory_space<hbm>> -> memref<128x128xf32, #tpu.memory_space<hbm>>
      %dma_start3A_134 = arith.constant 0 : i32
      %dma_start3A_135 = tpu.memref_slice %arg5[%select_n3A, %dma_start3A_134] : memref<256x128xf32, #tpu.memory_space<hbm>> -> memref<128x128xf32, #tpu.memory_space<hbm>>
      tpu.enqueue_dma source(%dma_start3A_135 : memref<128x128xf32, #tpu.memory_space<hbm>>) target(%arg10 : memref<128x128xf32, #tpu.memory_space<vmem>>) target_semaphore(%arg25 : memref<!tpu.dma_semaphore, #tpu.memory_space<semaphore_mem>>)
      %dma_start3A_136 = arith.constant 0 : i32
      %dma_start3A_137 = tpu.memref_slice %arg6[%select_n3A, %dma_start3A_136] : memref<256x3xi32, #tpu.memory_space<hbm>> -> memref<128x3xi32, #tpu.memory_space<hbm>>
      %dma_start3A_138 = arith.constant 0 : i32
      %dma_start3A_139 = tpu.memref_slice %arg6[%select_n3A, %dma_start3A_138] : memref<256x3xi32, #tpu.memory_space<hbm>> -> memref<128x3xi32, #tpu.memory_space<hbm>>
      tpu.enqueue_dma source(%dma_start3A_139 : memref<128x3xi32, #tpu.memory_space<hbm>>) target(%arg13 : memref<128x3xi32, #tpu.memory_space<vmem>>) target_semaphore(%arg25 : memref<!tpu.dma_semaphore, #tpu.memory_space<semaphore_mem>>)
      %dma_start3A_140 = tpu.memref_slice %arg7[%select_n3A] : memref<256xi32, #tpu.memory_space<hbm>> -> memref<128xi32, #tpu.memory_space<hbm>>
      %dma_start3A_141 = tpu.memref_slice %arg7[%select_n3A] : memref<256xi32, #tpu.memory_space<hbm>> -> memref<128xi32, #tpu.memory_space<hbm>>
      tpu.enqueue_dma source(%dma_start3A_141 : memref<128xi32, #tpu.memory_space<hbm>>) target(%arg16 : memref<128xi32, #tpu.memory_space<vmem>>) target_semaphore(%arg25 : memref<!tpu.dma_semaphore, #tpu.memory_space<semaphore_mem>>)
    } else {
    }
    %scan3A = arith.constant 0 : i32
    %scan3A_32 = arith.constant 0 : i32
    %scan3A_33 = arith.constant 64 : i32
    %scan3A_34 = arith.addi %scan3A_32, %scan3A_33 : i32
    %scan3A_35 = arith.constant 1 : i32
    %scan3A_36 = scf.for %scan3A_130 = %scan3A_32 to %scan3A_34 step %scan3A_35 iter_args(%scan3A_131 = %scan3A) -> (i32)  : i32 {
      %swap3A = arith.index_cast %scan3A_130 : i32 to index
      %swap3A_132 = arith.constant 0 : index
      %swap3A_133 = tpu.vector_load %arg22[%swap3A, %swap3A_132] {strides = array<i32>} : memref<64x128xf32, #tpu.memory_space<vmem>>, vector<16xf32>,
      tpu.vector_store %arg22[%swap3A, %swap3A_132], %broadcast_in_dim3A_7 {strides = array<i32>} : memref<64x128xf32, #tpu.memory_space<vmem>>, vector<16xf32>,
      %swap3A_134 = arith.index_cast %scan3A_130 : i32 to index
      %swap3A_135 = arith.constant 16 : index
      %swap3A_136 = tpu.vector_load %arg22[%swap3A_134, %swap3A_135] {strides = array<i32>} : memref<64x128xf32, #tpu.memory_space<vmem>>, vector<16xf32>,
      tpu.vector_store %arg22[%swap3A_134, %swap3A_135], %broadcast_in_dim3A_7 {strides = array<i32>} : memref<64x128xf32, #tpu.memory_space<vmem>>, vector<16xf32>,
      %swap3A_137 = arith.index_cast %scan3A_130 : i32 to index
      %swap3A_138 = arith.constant 32 : index
      %swap3A_139 = tpu.vector_load %arg22[%swap3A_137, %swap3A_138] {strides = array<i32>} : memref<64x128xf32, #tpu.memory_space<vmem>>, vector<16xf32>,
      tpu.vector_store %arg22[%swap3A_137, %swap3A_138], %broadcast_in_dim3A_7 {strides = array<i32>} : memref<64x128xf32, #tpu.memory_space<vmem>>, vector<16xf32>,
      %swap3A_140 = arith.index_cast %scan3A_130 : i32 to index
      %swap3A_141 = arith.constant 48 : index
      %swap3A_142 = tpu.vector_load %arg22[%swap3A_140, %swap3A_141] {strides = array<i32>} : memref<64x128xf32, #tpu.memory_space<vmem>>, vector<16xf32>,
      tpu.vector_store %arg22[%swap3A_140, %swap3A_141], %broadcast_in_dim3A_7 {strides = array<i32>} : memref<64x128xf32, #tpu.memory_space<vmem>>, vector<16xf32>,
      %swap3A_143 = arith.index_cast %scan3A_130 : i32 to index
      %swap3A_144 = arith.constant 64 : index
      %swap3A_145 = tpu.vector_load %arg22[%swap3A_143, %swap3A_144] {strides = array<i32>} : memref<64x128xf32, #tpu.memory_space<vmem>>, vector<16xf32>,
      tpu.vector_store %arg22[%swap3A_143, %swap3A_144], %broadcast_in_dim3A_7 {strides = array<i32>} : memref<64x128xf32, #tpu.memory_space<vmem>>, vector<16xf32>,
      %swap3A_146 = arith.index_cast %scan3A_130 : i32 to index
      %swap3A_147 = arith.constant 80 : index
      %swap3A_148 = tpu.vector_load %arg22[%swap3A_146, %swap3A_147] {strides = array<i32>} : memref<64x128xf32, #tpu.memory_space<vmem>>, vector<16xf32>,
      tpu.vector_store %arg22[%swap3A_146, %swap3A_147], %broadcast_in_dim3A_7 {strides = array<i32>} : memref<64x128xf32, #tpu.memory_space<vmem>>, vector<16xf32>,
      %swap3A_149 = arith.index_cast %scan3A_130 : i32 to index
      %swap3A_150 = arith.constant 96 : index
      %swap3A_151 = tpu.vector_load %arg22[%swap3A_149, %swap3A_150] {strides = array<i32>} : memref<64x128xf32, #tpu.memory_space<vmem>>, vector<16xf32>,
      tpu.vector_store %arg22[%swap3A_149, %swap3A_150], %broadcast_in_dim3A_7 {strides = array<i32>} : memref<64x128xf32, #tpu.memory_space<vmem>>, vector<16xf32>,
      %swap3A_152 = arith.index_cast %scan3A_130 : i32 to index
      %swap3A_153 = arith.constant 112 : index
      %swap3A_154 = tpu.vector_load %arg22[%swap3A_152, %swap3A_153] {strides = array<i32>} : memref<64x128xf32, #tpu.memory_space<vmem>>, vector<16xf32>,
      tpu.vector_store %arg22[%swap3A_152, %swap3A_153], %broadcast_in_dim3A_7 {strides = array<i32>} : memref<64x128xf32, #tpu.memory_space<vmem>>, vector<16xf32>,
      %scan3A_155 = arith.constant 0 : i32
      scf.yield %scan3A_155 : i32
    }
    %scan3A_37 = arith.constant 64 : i32
    %mul3A_38 = arith.constant 64 : i32
    %mul3A_39 = arith.muli %arg1, %mul3A_38 : i32
    "tpu.region"() ({
      %run_scoped3A = tpu.sem_alloc : memref<!tpu.dma_semaphore, #tpu.memory_space<semaphore_mem>>
      %dma_start3A_130 = arith.constant 0 : i32
      %dma_start3A_131 = tpu.memref_slice %arg23[%mul3A_39, %dma_start3A_130] : memref<1024x128xf32, #tpu.memory_space<vmem_shared>> -> memref<64x128xf32, #tpu.memory_space<vmem_shared>>
      %dma_start3A_132 = arith.constant 0 : i32
      %dma_start3A_133 = tpu.memref_slice %arg23[%mul3A_39, %dma_start3A_132] : memref<1024x128xf32, #tpu.memory_space<vmem_shared>> -> memref<64x128xf32, #tpu.memory_space<vmem_shared>>
      tpu.enqueue_dma source(%arg22 : memref<64x128xf32, #tpu.memory_space<vmem>>) target(%dma_start3A_133 : memref<64x128xf32, #tpu.memory_space<vmem_shared>>) target_semaphore(%run_scoped3A : memref<!tpu.dma_semaphore, #tpu.memory_space<semaphore_mem>>)
      %dma_wait3A_134 = arith.constant 0 : i32
      %dma_wait3A_135 = tpu.memref_slice %arg23[%mul3A_39, %dma_wait3A_134] : memref<1024x128xf32, #tpu.memory_space<vmem_shared>> -> memref<64x128xf32, #tpu.memory_space<vmem_shared>>
      %dma_wait3A_136 = arith.constant 0 : i32
      %dma_wait3A_137 = tpu.memref_slice %arg23[%mul3A_39, %dma_wait3A_136] : memref<1024x128xf32, #tpu.memory_space<vmem_shared>> -> memref<64x128xf32, #tpu.memory_space<vmem_shared>>
      tpu.wait_dma2 semaphore(%run_scoped3A : memref<!tpu.dma_semaphore, #tpu.memory_space<semaphore_mem>>) src(%arg22 : memref<64x128xf32, #tpu.memory_space<vmem>>) dst(%dma_wait3A_137 : memref<64x128xf32, #tpu.memory_space<vmem_shared>>)
      tpu.yield
    }) : () -> ()
    %barrier3A = arith.constant 0 : index
    tpu.barrier barrier_id(%barrier3A)
    %dma_wait3A = arith.constant 0 : i32
    %dma_wait3A_40 = arith.constant 0 : i32
    %dma_wait3A_41 = tpu.memref_slice %arg2[%dma_wait3A, %dma_wait3A_40] : memref<100000x128xf32, #tpu.memory_space<hbm>> -> memref<128x128xf32, #tpu.memory_space<hbm>>
    %dma_wait3A_42 = arith.constant 0 : i32
    %dma_wait3A_43 = arith.constant 0 : i32
    %dma_wait3A_44 = tpu.memref_slice %arg2[%dma_wait3A_42, %dma_wait3A_43] : memref<100000x128xf32, #tpu.memory_space<hbm>> -> memref<128x128xf32, #tpu.memory_space<hbm>>
    tpu.wait_dma2 semaphore(%arg24 : memref<!tpu.dma_semaphore, #tpu.memory_space<semaphore_mem>>) src(%dma_wait3A_44 : memref<128x128xf32, #tpu.memory_space<hbm>>) dst(%arg9 : memref<128x128xf32, #tpu.memory_space<vmem>>)
    %dma_wait3A_45 = arith.constant 0 : i32
    %dma_wait3A_46 = arith.constant 0 : i32
    %dma_wait3A_47 = tpu.memref_slice %arg3[%dma_wait3A_45, %dma_wait3A_46] : memref<100000x3xi32, #tpu.memory_space<hbm>> -> memref<128x3xi32, #tpu.memory_space<hbm>>
    %dma_wait3A_48 = arith.constant 0 : i32
    %dma_wait3A_49 = arith.constant 0 : i32
    %dma_wait3A_50 = tpu.memref_slice %arg3[%dma_wait3A_48, %dma_wait3A_49] : memref<100000x3xi32, #tpu.memory_space<hbm>> -> memref<128x3xi32, #tpu.memory_space<hbm>>
    tpu.wait_dma2 semaphore(%arg24 : memref<!tpu.dma_semaphore, #tpu.memory_space<semaphore_mem>>) src(%dma_wait3A_50 : memref<128x3xi32, #tpu.memory_space<hbm>>) dst(%arg12 : memref<128x3xi32, #tpu.memory_space<vmem>>)
    %dma_wait3A_51 = arith.constant 0 : i32
    %dma_wait3A_52 = tpu.memref_slice %arg4[%dma_wait3A_51] : memref<100000xi32, #tpu.memory_space<hbm>> -> memref<128xi32, #tpu.memory_space<hbm>>
    %dma_wait3A_53 = arith.constant 0 : i32
    %dma_wait3A_54 = tpu.memref_slice %arg4[%dma_wait3A_53] : memref<100000xi32, #tpu.memory_space<hbm>> -> memref<128xi32, #tpu.memory_space<hbm>>
    tpu.wait_dma2 semaphore(%arg24 : memref<!tpu.dma_semaphore, #tpu.memory_space<semaphore_mem>>) src(%dma_wait3A_54 : memref<128xi32, #tpu.memory_space<hbm>>) dst(%arg15 : memref<128xi32, #tpu.memory_space<vmem>>)
    %scan3A_55 = arith.constant 0 : i32
    %scan3A_56 = arith.constant 0 : i32
    %scan3A_57 = arith.constant 8 : i32
    %scan3A_58 = arith.addi %scan3A_56, %scan3A_57 : i32
    %scan3A_59 = arith.constant 2 : i32
    %scan3A_60 = scf.for %scan3A_130 = %scan3A_56 to %scan3A_58 step %scan3A_59 iter_args(%scan3A_131 = %scan3A_55) -> (i32)  : i32 {
      %mul3A_132 = arith.constant 16 : i32
      %mul3A_133 = arith.muli %scan3A_130, %mul3A_132 : i32
      %add3A_134 = vector.broadcast %mul3A_133 : i32 to vector<16xi32>
      %add3A_135 = arith.addi %iota3A, %add3A_134 : vector<16xi32>
      %gather3A = tpu.vector_load_idx %arg12[%add3A_135, %broadcast_in_dim3A_1] : memref<128x3xi32, #tpu.memory_space<vmem>>[vector<16xi32>, vector<16xi32>], vector<16xi32>,
      %gather3A_136 = tpu.vector_load_idx %arg12[%add3A_135, %broadcast_in_dim3A_3] : memref<128x3xi32, #tpu.memory_space<vmem>>[vector<16xi32>, vector<16xi32>], vector<16xi32>,
      %gather3A_137 = tpu.vector_load_idx %arg12[%add3A_135, %broadcast_in_dim3A_5] : memref<128x3xi32, #tpu.memory_space<vmem>>[vector<16xi32>, vector<16xi32>], vector<16xi32>,
      %mul3A_138 = arith.constant 16 : i32
      %mul3A_139 = arith.muli %scan3A_130, %mul3A_138 : i32
      %get3A = arith.index_cast %mul3A_139 : i32 to index
      %get3A_140 = tpu.vector_load %arg15[%get3A] {strides = array<i32>} : memref<128xi32, #tpu.memory_space<vmem>>, vector<16xi32>,
      %mul3A_141 = arith.constant 64 : i32
      %mul3A_142 = vector.broadcast %mul3A_141 : i32 to vector<16xi32>
      %mul3A_143 = arith.muli %get3A_140, %mul3A_142 : vector<16xi32>
      %mul3A_144 = arith.constant 8 : i32
      %mul3A_145 = vector.broadcast %mul3A_144 : i32 to vector<16xi32>
      %mul3A_146 = arith.muli %gather3A, %mul3A_145 : vector<16xi32>
      %add3A_147 = arith.addi %mul3A_143, %mul3A_146 : vector<16xi32>
      %add3A_148 = arith.addi %add3A_147, %gather3A_136 : vector<16xi32>
      %swap3A = arith.index_cast %mul3A_139 : i32 to index
      %swap3A_149 = tpu.vector_load %arg18[%swap3A] {strides = array<i32>} : memref<128xi32, #tpu.memory_space<vmem>>, vector<16xi32>,
      tpu.vector_store %arg18[%swap3A], %add3A_148 {strides = array<i32>} : memref<128xi32, #tpu.memory_space<vmem>>, vector<16xi32>,
      %convert_element_type3A_150 = arith.sitofp %gather3A_137 : vector<16xi32> to vector<16xf32>
      %div3A = arith.constant 1.000000e+00 : f32
      %div3A_151 = vector.broadcast %div3A : f32 to vector<16xf32>
      %div3A_152 = arith.divf %div3A_151, %convert_element_type3A_150 : vector<16xf32>
      %swap3A_153 = arith.index_cast %mul3A_139 : i32 to index
      %swap3A_154 = tpu.vector_load %arg21[%swap3A_153] {strides = array<i32>} : memref<128xf32, #tpu.memory_space<vmem>>, vector<16xf32>,
      tpu.vector_store %arg21[%swap3A_153], %div3A_152 {strides = array<i32>} : memref<128xf32, #tpu.memory_space<vmem>>, vector<16xf32>,
      %scan3A_155 = arith.constant 0 : i32
      %scan3A_156 = arith.constant 1 : i32
      %scan3A_157 = arith.addi %scan3A_130, %scan3A_156 : i32
      %mul3A_158 = arith.constant 16 : i32
      %mul3A_159 = arith.muli %scan3A_157, %mul3A_158 : i32
      %add3A_160 = vector.broadcast %mul3A_159 : i32 to vector<16xi32>
      %add3A_161 = arith.addi %iota3A, %add3A_160 : vector<16xi32>
      %gather3A_162 = tpu.vector_load_idx %arg12[%add3A_161, %broadcast_in_dim3A_1] : memref<128x3xi32, #tpu.memory_space<vmem>>[vector<16xi32>, vector<16xi32>], vector<16xi32>,
      %gather3A_163 = tpu.vector_load_idx %arg12[%add3A_161, %broadcast_in_dim3A_3] : memref<128x3xi32, #tpu.memory_space<vmem>>[vector<16xi32>, vector<16xi32>], vector<16xi32>,
      %gather3A_164 = tpu.vector_load_idx %arg12[%add3A_161, %broadcast_in_dim3A_5] : memref<128x3xi32, #tpu.memory_space<vmem>>[vector<16xi32>, vector<16xi32>], vector<16xi32>,
      %mul3A_165 = arith.constant 16 : i32
      %mul3A_166 = arith.muli %scan3A_157, %mul3A_165 : i32
      %get3A_167 = arith.index_cast %mul3A_166 : i32 to index
      %get3A_168 = tpu.vector_load %arg15[%get3A_167] {strides = array<i32>} : memref<128xi32, #tpu.memory_space<vmem>>, vector<16xi32>,
      %mul3A_169 = arith.constant 64 : i32
      %mul3A_170 = vector.broadcast %mul3A_169 : i32 to vector<16xi32>
      %mul3A_171 = arith.muli %get3A_168, %mul3A_170 : vector<16xi32>
      %mul3A_172 = arith.constant 8 : i32
      %mul3A_173 = vector.broadcast %mul3A_172 : i32 to vector<16xi32>
      %mul3A_174 = arith.muli %gather3A_162, %mul3A_173 : vector<16xi32>
      %add3A_175 = arith.addi %mul3A_171, %mul3A_174 : vector<16xi32>
      %add3A_176 = arith.addi %add3A_175, %gather3A_163 : vector<16xi32>
      %swap3A_177 = arith.index_cast %mul3A_166 : i32 to index
      %swap3A_178 = tpu.vector_load %arg18[%swap3A_177] {strides = array<i32>} : memref<128xi32, #tpu.memory_space<vmem>>, vector<16xi32>,
      tpu.vector_store %arg18[%swap3A_177], %add3A_176 {strides = array<i32>} : memref<128xi32, #tpu.memory_space<vmem>>, vector<16xi32>,
      %convert_element_type3A_179 = arith.sitofp %gather3A_164 : vector<16xi32> to vector<16xf32>
      %div3A_180 = arith.constant 1.000000e+00 : f32
      %div3A_181 = vector.broadcast %div3A_180 : f32 to vector<16xf32>
      %div3A_182 = arith.divf %div3A_181, %convert_element_type3A_179 : vector<16xf32>
      %swap3A_183 = arith.index_cast %mul3A_166 : i32 to index
      %swap3A_184 = tpu.vector_load %arg21[%swap3A_183] {strides = array<i32>} : memref<128xf32, #tpu.memory_space<vmem>>, vector<16xf32>,
      tpu.vector_store %arg21[%swap3A_183], %div3A_182 {strides = array<i32>} : memref<128xf32, #tpu.memory_space<vmem>>, vector<16xf32>,
      %scan3A_185 = arith.constant 0 : i32
      scf.yield %scan3A_185 : i32
    }
    %scan3A_61 = arith.constant 8 : i32
    %scan3A_62 = arith.constant 0 : i32
    %scan3A_63 = arith.constant 0 : i32
    %scan3A_64 = arith.constant 128 : i32
    %scan3A_65 = arith.addi %scan3A_63, %scan3A_64 : i32
    %scan3A_66 = arith.constant 8 : i32
    %scan3A_67 = scf.for %scan3A_130 = %scan3A_63 to %scan3A_65 step %scan3A_66 iter_args(%scan3A_131 = %scan3A_62) -> (i32)  : i32 {
      %broadcast_in_dim3A_132 = vector.broadcast %scan3A_130 : i32 to vector<16xi32>
      %gather3A = tpu.vector_load_idx %arg21[%broadcast_in_dim3A_132] : memref<128xf32, #tpu.memory_space<vmem>>[vector<16xi32>], vector<16xf32>,
      %get3A = arith.index_cast %scan3A_130 : i32 to index
      %get3A_133 = arith.constant 0 : index
      %get3A_134 = tpu.vector_load %arg9[%get3A, %get3A_133] {strides = array<i32>} : memref<128x128xf32, #tpu.memory_space<vmem>>, vector<16xf32>,
      %mul3A_135 = arith.mulf %get3A_134, %gather3A : vector<16xf32>
      %swap3A = arith.index_cast %scan3A_130 : i32 to index
      %swap3A_136 = arith.constant 0 : index
      %swap3A_137 = tpu.vector_load %arg9[%swap3A, %swap3A_136] {strides = array<i32>} : memref<128x128xf32, #tpu.memory_space<vmem>>, vector<16xf32>,
      tpu.vector_store %arg9[%swap3A, %swap3A_136], %mul3A_135 {strides = array<i32>} : memref<128x128xf32, #tpu.memory_space<vmem>>, vector<16xf32>,
      %get3A_138 = arith.index_cast %scan3A_130 : i32 to index
      %get3A_139 = arith.constant 16 : index
      %get3A_140 = tpu.vector_load %arg9[%get3A_138, %get3A_139] {strides = array<i32>} : memref<128x128xf32, #tpu.memory_space<vmem>>, vector<16xf32>,
      %mul3A_141 = arith.mulf %get3A_140, %gather3A : vector<16xf32>
      %swap3A_142 = arith.index_cast %scan3A_130 : i32 to index
      %swap3A_143 = arith.constant 16 : index
      %swap3A_144 = tpu.vector_load %arg9[%swap3A_142, %swap3A_143] {strides = array<i32>} : memref<128x128xf32, #tpu.memory_space<vmem>>, vector<16xf32>,
      tpu.vector_store %arg9[%swap3A_142, %swap3A_143], %mul3A_141 {strides = array<i32>} : memref<128x128xf32, #tpu.memory_space<vmem>>, vector<16xf32>,
      %get3A_145 = arith.index_cast %scan3A_130 : i32 to index
      %get3A_146 = arith.constant 32 : index
      %get3A_147 = tpu.vector_load %arg9[%get3A_145, %get3A_146] {strides = array<i32>} : memref<128x128xf32, #tpu.memory_space<vmem>>, vector<16xf32>,
      %mul3A_148 = arith.mulf %get3A_147, %gather3A : vector<16xf32>
      %swap3A_149 = arith.index_cast %scan3A_130 : i32 to index
      %swap3A_150 = arith.constant 32 : index
      %swap3A_151 = tpu.vector_load %arg9[%swap3A_149, %swap3A_150] {strides = array<i32>} : memref<128x128xf32, #tpu.memory_space<vmem>>, vector<16xf32>,
      tpu.vector_store %arg9[%swap3A_149, %swap3A_150], %mul3A_148 {strides = array<i32>} : memref<128x128xf32, #tpu.memory_space<vmem>>, vector<16xf32>,
      %get3A_152 = arith.index_cast %scan3A_130 : i32 to index
      %get3A_153 = arith.constant 48 : index
      %get3A_154 = tpu.vector_load %arg9[%get3A_152, %get3A_153] {strides = array<i32>} : memref<128x128xf32, #tpu.memory_space<vmem>>, vector<16xf32>,
      %mul3A_155 = arith.mulf %get3A_154, %gather3A : vector<16xf32>
      %swap3A_156 = arith.index_cast %scan3A_130 : i32 to index
      %swap3A_157 = arith.constant 48 : index
      %swap3A_158 = tpu.vector_load %arg9[%swap3A_156, %swap3A_157] {strides = array<i32>} : memref<128x128xf32, #tpu.memory_space<vmem>>, vector<16xf32>,
      tpu.vector_store %arg9[%swap3A_156, %swap3A_157], %mul3A_155 {strides = array<i32>} : memref<128x128xf32, #tpu.memory_space<vmem>>, vector<16xf32>,
      %get3A_159 = arith.index_cast %scan3A_130 : i32 to index
      %get3A_160 = arith.constant 64 : index
      %get3A_161 = tpu.vector_load %arg9[%get3A_159, %get3A_160] {strides = array<i32>} : memref<128x128xf32, #tpu.memory_space<vmem>>, vector<16xf32>,
      %mul3A_162 = arith.mulf %get3A_161, %gather3A : vector<16xf32>
      %swap3A_163 = arith.index_cast %scan3A_130 : i32 to index
      %swap3A_164 = arith.constant 64 : index
      %swap3A_165 = tpu.vector_load %arg9[%swap3A_163, %swap3A_164] {strides = array<i32>} : memref<128x128xf32, #tpu.memory_space<vmem>>, vector<16xf32>,
      tpu.vector_store %arg9[%swap3A_163, %swap3A_164], %mul3A_162 {strides = array<i32>} : memref<128x128xf32, #tpu.memory_space<vmem>>, vector<16xf32>,
      %get3A_166 = arith.index_cast %scan3A_130 : i32 to index
      %get3A_167 = arith.constant 80 : index
      %get3A_168 = tpu.vector_load %arg9[%get3A_166, %get3A_167] {strides = array<i32>} : memref<128x128xf32, #tpu.memory_space<vmem>>, vector<16xf32>,
      %mul3A_169 = arith.mulf %get3A_168, %gather3A : vector<16xf32>
      %swap3A_170 = arith.index_cast %scan3A_130 : i32 to index
      %swap3A_171 = arith.constant 80 : index
      %swap3A_172 = tpu.vector_load %arg9[%swap3A_170, %swap3A_171] {strides = array<i32>} : memref<128x128xf32, #tpu.memory_space<vmem>>, vector<16xf32>,
      tpu.vector_store %arg9[%swap3A_170, %swap3A_171], %mul3A_169 {strides = array<i32>} : memref<128x128xf32, #tpu.memory_space<vmem>>, vector<16xf32>,
      %get3A_173 = arith.index_cast %scan3A_130 : i32 to index
      %get3A_174 = arith.constant 96 : index
      %get3A_175 = tpu.vector_load %arg9[%get3A_173, %get3A_174] {strides = array<i32>} : memref<128x128xf32, #tpu.memory_space<vmem>>, vector<16xf32>,
      %mul3A_176 = arith.mulf %get3A_175, %gather3A : vector<16xf32>
      %swap3A_177 = arith.index_cast %scan3A_130 : i32 to index
      %swap3A_178 = arith.constant 96 : index
      %swap3A_179 = tpu.vector_load %arg9[%swap3A_177, %swap3A_178] {strides = array<i32>} : memref<128x128xf32, #tpu.memory_space<vmem>>, vector<16xf32>,
      tpu.vector_store %arg9[%swap3A_177, %swap3A_178], %mul3A_176 {strides = array<i32>} : memref<128x128xf32, #tpu.memory_space<vmem>>, vector<16xf32>,
      %get3A_180 = arith.index_cast %scan3A_130 : i32 to index
      %get3A_181 = arith.constant 112 : index
      %get3A_182 = tpu.vector_load %arg9[%get3A_180, %get3A_181] {strides = array<i32>} : memref<128x128xf32, #tpu.memory_space<vmem>>, vector<16xf32>,
      %mul3A_183 = arith.mulf %get3A_182, %gather3A : vector<16xf32>
      %swap3A_184 = arith.index_cast %scan3A_130 : i32 to index
      %swap3A_185 = arith.constant 112 : index
      %swap3A_186 = tpu.vector_load %arg9[%swap3A_184, %swap3A_185] {strides = array<i32>} : memref<128x128xf32, #tpu.memory_space<vmem>>, vector<16xf32>,
      tpu.vector_store %arg9[%swap3A_184, %swap3A_185], %mul3A_183 {strides = array<i32>} : memref<128x128xf32, #tpu.memory_space<vmem>>, vector<16xf32>,
      %scan3A_187 = arith.constant 0 : i32
      %scan3A_188 = arith.constant 1 : i32
      %scan3A_189 = arith.addi %scan3A_130, %scan3A_188 : i32
      %broadcast_in_dim3A_190 = vector.broadcast %scan3A_189 : i32 to vector<16xi32>
      %gather3A_191 = tpu.vector_load_idx %arg21[%broadcast_in_dim3A_190] : memref<128xf32, #tpu.memory_space<vmem>>[vector<16xi32>], vector<16xf32>,
      %get3A_192 = arith.index_cast %scan3A_189 : i32 to index
      %get3A_193 = arith.constant 0 : index
      %get3A_194 = tpu.vector_load %arg9[%get3A_192, %get3A_193] {strides = array<i32>} : memref<128x128xf32, #tpu.memory_space<vmem>>, vector<16xf32>,
      %mul3A_195 = arith.mulf %get3A_194, %gather3A_191 : vector<16xf32>
      %swap3A_196 = arith.index_cast %scan3A_189 : i32 to index
      %swap3A_197 = arith.constant 0 : index
      %swap3A_198 = tpu.vector_load %arg9[%swap3A_196, %swap3A_197] {strides = array<i32>} : memref<128x128xf32, #tpu.memory_space<vmem>>, vector<16xf32>,
      tpu.vector_store %arg9[%swap3A_196, %swap3A_197], %mul3A_195 {strides = array<i32>} : memref<128x128xf32, #tpu.memory_space<vmem>>, vector<16xf32>,
      %get3A_199 = arith.index_cast %scan3A_189 : i32 to index
      %get3A_200 = arith.constant 16 : index
      %get3A_201 = tpu.vector_load %arg9[%get3A_199, %get3A_200] {strides = array<i32>} : memref<128x128xf32, #tpu.memory_space<vmem>>, vector<16xf32>,
      %mul3A_202 = arith.mulf %get3A_201, %gather3A_191 : vector<16xf32>
      %swap3A_203 = arith.index_cast %scan3A_189 : i32 to index
      %swap3A_204 = arith.constant 16 : index
      %swap3A_205 = tpu.vector_load %arg9[%swap3A_203, %swap3A_204] {strides = array<i32>} : memref<128x128xf32, #tpu.memory_space<vmem>>, vector<16xf32>,
      tpu.vector_store %arg9[%swap3A_203, %swap3A_204], %mul3A_202 {strides = array<i32>} : memref<128x128xf32, #tpu.memory_space<vmem>>, vector<16xf32>,
      %get3A_206 = arith.index_cast %scan3A_189 : i32 to index
      %get3A_207 = arith.constant 32 : index
      %get3A_208 = tpu.vector_load %arg9[%get3A_206, %get3A_207] {strides = array<i32>} : memref<128x128xf32, #tpu.memory_space<vmem>>, vector<16xf32>,
      %mul3A_209 = arith.mulf %get3A_208, %gather3A_191 : vector<16xf32>
      %swap3A_210 = arith.index_cast %scan3A_189 : i32 to index
      %swap3A_211 = arith.constant 32 : index
      %swap3A_212 = tpu.vector_load %arg9[%swap3A_210, %swap3A_211] {strides = array<i32>} : memref<128x128xf32, #tpu.memory_space<vmem>>, vector<16xf32>,
      tpu.vector_store %arg9[%swap3A_210, %swap3A_211], %mul3A_209 {strides = array<i32>} : memref<128x128xf32, #tpu.memory_space<vmem>>, vector<16xf32>,
      %get3A_213 = arith.index_cast %scan3A_189 : i32 to index
      %get3A_214 = arith.constant 48 : index
      %get3A_215 = tpu.vector_load %arg9[%get3A_213, %get3A_214] {strides = array<i32>} : memref<128x128xf32, #tpu.memory_space<vmem>>, vector<16xf32>,
      %mul3A_216 = arith.mulf %get3A_215, %gather3A_191 : vector<16xf32>
      %swap3A_217 = arith.index_cast %scan3A_189 : i32 to index
      %swap3A_218 = arith.constant 48 : index
      %swap3A_219 = tpu.vector_load %arg9[%swap3A_217, %swap3A_218] {strides = array<i32>} : memref<128x128xf32, #tpu.memory_space<vmem>>, vector<16xf32>,
      tpu.vector_store %arg9[%swap3A_217, %swap3A_218], %mul3A_216 {strides = array<i32>} : memref<128x128xf32, #tpu.memory_space<vmem>>, vector<16xf32>,
      %get3A_220 = arith.index_cast %scan3A_189 : i32 to index
      %get3A_221 = arith.constant 64 : index
      %get3A_222 = tpu.vector_load %arg9[%get3A_220, %get3A_221] {strides = array<i32>} : memref<128x128xf32, #tpu.memory_space<vmem>>, vector<16xf32>,
      %mul3A_223 = arith.mulf %get3A_222, %gather3A_191 : vector<16xf32>
      %swap3A_224 = arith.index_cast %scan3A_189 : i32 to index
      %swap3A_225 = arith.constant 64 : index
      %swap3A_226 = tpu.vector_load %arg9[%swap3A_224, %swap3A_225] {strides = array<i32>} : memref<128x128xf32, #tpu.memory_space<vmem>>, vector<16xf32>,
      tpu.vector_store %arg9[%swap3A_224, %swap3A_225], %mul3A_223 {strides = array<i32>} : memref<128x128xf32, #tpu.memory_space<vmem>>, vector<16xf32>,
      %get3A_227 = arith.index_cast %scan3A_189 : i32 to index
      %get3A_228 = arith.constant 80 : index
      %get3A_229 = tpu.vector_load %arg9[%get3A_227, %get3A_228] {strides = array<i32>} : memref<128x128xf32, #tpu.memory_space<vmem>>, vector<16xf32>,
      %mul3A_230 = arith.mulf %get3A_229, %gather3A_191 : vector<16xf32>
      %swap3A_231 = arith.index_cast %scan3A_189 : i32 to index
      %swap3A_232 = arith.constant 80 : index
      %swap3A_233 = tpu.vector_load %arg9[%swap3A_231, %swap3A_232] {strides = array<i32>} : memref<128x128xf32, #tpu.memory_space<vmem>>, vector<16xf32>,
      tpu.vector_store %arg9[%swap3A_231, %swap3A_232], %mul3A_230 {strides = array<i32>} : memref<128x128xf32, #tpu.memory_space<vmem>>, vector<16xf32>,
      %get3A_234 = arith.index_cast %scan3A_189 : i32 to index
      %get3A_235 = arith.constant 96 : index
      %get3A_236 = tpu.vector_load %arg9[%get3A_234, %get3A_235] {strides = array<i32>} : memref<128x128xf32, #tpu.memory_space<vmem>>, vector<16xf32>,
      %mul3A_237 = arith.mulf %get3A_236, %gather3A_191 : vector<16xf32>
      %swap3A_238 = arith.index_cast %scan3A_189 : i32 to index
      %swap3A_239 = arith.constant 96 : index
      %swap3A_240 = tpu.vector_load %arg9[%swap3A_238, %swap3A_239] {strides = array<i32>} : memref<128x128xf32, #tpu.memory_space<vmem>>, vector<16xf32>,
      tpu.vector_store %arg9[%swap3A_238, %swap3A_239], %mul3A_237 {strides = array<i32>} : memref<128x128xf32, #tpu.memory_space<vmem>>, vector<16xf32>,
      %get3A_241 = arith.index_cast %scan3A_189 : i32 to index
      %get3A_242 = arith.constant 112 : index
      %get3A_243 = tpu.vector_load %arg9[%get3A_241, %get3A_242] {strides = array<i32>} : memref<128x128xf32, #tpu.memory_space<vmem>>, vector<16xf32>,
      %mul3A_244 = arith.mulf %get3A_243, %gather3A_191 : vector<16xf32>
      %swap3A_245 = arith.index_cast %scan3A_189 : i32 to index
      %swap3A_246 = arith.constant 112 : index
      %swap3A_247 = tpu.vector_load %arg9[%swap3A_245, %swap3A_246] {strides = array<i32>} : memref<128x128xf32, #tpu.memory_space<vmem>>, vector<16xf32>,
      tpu.vector_store %arg9[%swap3A_245, %swap3A_246], %mul3A_244 {strides = array<i32>} : memref<128x128xf32, #tpu.memory_space<vmem>>, vector<16xf32>,
      %scan3A_248 = arith.constant 0 : i32
      %scan3A_249 = arith.constant 2 : i32
      %scan3A_250 = arith.addi %scan3A_130, %scan3A_249 : i32
      %broadcast_in_dim3A_251 = vector.broadcast %scan3A_250 : i32 to vector<16xi32>
      %gather3A_252 = tpu.vector_load_idx %arg21[%broadcast_in_dim3A_251] : memref<128xf32, #tpu.memory_space<vmem>>[vector<16xi32>], vector<16xf32>,
      %get3A_253 = arith.index_cast %scan3A_250 : i32 to index
      %get3A_254 = arith.constant 0 : index
      %get3A_255 = tpu.vector_load %arg9[%get3A_253, %get3A_254] {strides = array<i32>} : memref<128x128xf32, #tpu.memory_space<vmem>>, vector<16xf32>,
      %mul3A_256 = arith.mulf %get3A_255, %gather3A_252 : vector<16xf32>
      %swap3A_257 = arith.index_cast %scan3A_250 : i32 to index
      %swap3A_258 = arith.constant 0 : index
      %swap3A_259 = tpu.vector_load %arg9[%swap3A_257, %swap3A_258] {strides = array<i32>} : memref<128x128xf32, #tpu.memory_space<vmem>>, vector<16xf32>,
      tpu.vector_store %arg9[%swap3A_257, %swap3A_258], %mul3A_256 {strides = array<i32>} : memref<128x128xf32, #tpu.memory_space<vmem>>, vector<16xf32>,
      %get3A_260 = arith.index_cast %scan3A_250 : i32 to index
      %get3A_261 = arith.constant 16 : index
      %get3A_262 = tpu.vector_load %arg9[%get3A_260, %get3A_261] {strides = array<i32>} : memref<128x128xf32, #tpu.memory_space<vmem>>, vector<16xf32>,
      %mul3A_263 = arith.mulf %get3A_262, %gather3A_252 : vector<16xf32>
      %swap3A_264 = arith.index_cast %scan3A_250 : i32 to index
      %swap3A_265 = arith.constant 16 : index
      %swap3A_266 = tpu.vector_load %arg9[%swap3A_264, %swap3A_265] {strides = array<i32>} : memref<128x128xf32, #tpu.memory_space<vmem>>, vector<16xf32>,
      tpu.vector_store %arg9[%swap3A_264, %swap3A_265], %mul3A_263 {strides = array<i32>} : memref<128x128xf32, #tpu.memory_space<vmem>>, vector<16xf32>,
      %get3A_267 = arith.index_cast %scan3A_250 : i32 to index
      %get3A_268 = arith.constant 32 : index
      %get3A_269 = tpu.vector_load %arg9[%get3A_267, %get3A_268] {strides = array<i32>} : memref<128x128xf32, #tpu.memory_space<vmem>>, vector<16xf32>,
      %mul3A_270 = arith.mulf %get3A_269, %gather3A_252 : vector<16xf32>
      %swap3A_271 = arith.index_cast %scan3A_250 : i32 to index
      %swap3A_272 = arith.constant 32 : index
      %swap3A_273 = tpu.vector_load %arg9[%swap3A_271, %swap3A_272] {strides = array<i32>} : memref<128x128xf32, #tpu.memory_space<vmem>>, vector<16xf32>,
      tpu.vector_store %arg9[%swap3A_271, %swap3A_272], %mul3A_270 {strides = array<i32>} : memref<128x128xf32, #tpu.memory_space<vmem>>, vector<16xf32>,
      %get3A_274 = arith.index_cast %scan3A_250 : i32 to index
      %get3A_275 = arith.constant 48 : index
      %get3A_276 = tpu.vector_load %arg9[%get3A_274, %get3A_275] {strides = array<i32>} : memref<128x128xf32, #tpu.memory_space<vmem>>, vector<16xf32>,
      %mul3A_277 = arith.mulf %get3A_276, %gather3A_252 : vector<16xf32>
      %swap3A_278 = arith.index_cast %scan3A_250 : i32 to index
      %swap3A_279 = arith.constant 48 : index
      %swap3A_280 = tpu.vector_load %arg9[%swap3A_278, %swap3A_279] {strides = array<i32>} : memref<128x128xf32, #tpu.memory_space<vmem>>, vector<16xf32>,
      tpu.vector_store %arg9[%swap3A_278, %swap3A_279], %mul3A_277 {strides = array<i32>} : memref<128x128xf32, #tpu.memory_space<vmem>>, vector<16xf32>,
      %get3A_281 = arith.index_cast %scan3A_250 : i32 to index
      %get3A_282 = arith.constant 64 : index
      %get3A_283 = tpu.vector_load %arg9[%get3A_281, %get3A_282] {strides = array<i32>} : memref<128x128xf32, #tpu.memory_space<vmem>>, vector<16xf32>,
      %mul3A_284 = arith.mulf %get3A_283, %gather3A_252 : vector<16xf32>
      %swap3A_285 = arith.index_cast %scan3A_250 : i32 to index
      %swap3A_286 = arith.constant 64 : index
      %swap3A_287 = tpu.vector_load %arg9[%swap3A_285, %swap3A_286] {strides = array<i32>} : memref<128x128xf32, #tpu.memory_space<vmem>>, vector<16xf32>,
      tpu.vector_store %arg9[%swap3A_285, %swap3A_286], %mul3A_284 {strides = array<i32>} : memref<128x128xf32, #tpu.memory_space<vmem>>, vector<16xf32>,
      %get3A_288 = arith.index_cast %scan3A_250 : i32 to index
      %get3A_289 = arith.constant 80 : index
      %get3A_290 = tpu.vector_load %arg9[%get3A_288, %get3A_289] {strides = array<i32>} : memref<128x128xf32, #tpu.memory_space<vmem>>, vector<16xf32>,
      %mul3A_291 = arith.mulf %get3A_290, %gather3A_252 : vector<16xf32>
      %swap3A_292 = arith.index_cast %scan3A_250 : i32 to index
      %swap3A_293 = arith.constant 80 : index
      %swap3A_294 = tpu.vector_load %arg9[%swap3A_292, %swap3A_293] {strides = array<i32>} : memref<128x128xf32, #tpu.memory_space<vmem>>, vector<16xf32>,
      tpu.vector_store %arg9[%swap3A_292, %swap3A_293], %mul3A_291 {strides = array<i32>} : memref<128x128xf32, #tpu.memory_space<vmem>>, vector<16xf32>,
      %get3A_295 = arith.index_cast %scan3A_250 : i32 to index
      %get3A_296 = arith.constant 96 : index
      %get3A_297 = tpu.vector_load %arg9[%get3A_295, %get3A_296] {strides = array<i32>} : memref<128x128xf32, #tpu.memory_space<vmem>>, vector<16xf32>,
      %mul3A_298 = arith.mulf %get3A_297, %gather3A_252 : vector<16xf32>
      %swap3A_299 = arith.index_cast %scan3A_250 : i32 to index
      %swap3A_300 = arith.constant 96 : index
      %swap3A_301 = tpu.vector_load %arg9[%swap3A_299, %swap3A_300] {strides = array<i32>} : memref<128x128xf32, #tpu.memory_space<vmem>>, vector<16xf32>,
      tpu.vector_store %arg9[%swap3A_299, %swap3A_300], %mul3A_298 {strides = array<i32>} : memref<128x128xf32, #tpu.memory_space<vmem>>, vector<16xf32>,
      %get3A_302 = arith.index_cast %scan3A_250 : i32 to index
      %get3A_303 = arith.constant 112 : index
      %get3A_304 = tpu.vector_load %arg9[%get3A_302, %get3A_303] {strides = array<i32>} : memref<128x128xf32, #tpu.memory_space<vmem>>, vector<16xf32>,
      %mul3A_305 = arith.mulf %get3A_304, %gather3A_252 : vector<16xf32>
      %swap3A_306 = arith.index_cast %scan3A_250 : i32 to index
      %swap3A_307 = arith.constant 112 : index
      %swap3A_308 = tpu.vector_load %arg9[%swap3A_306, %swap3A_307] {strides = array<i32>} : memref<128x128xf32, #tpu.memory_space<vmem>>, vector<16xf32>,
      tpu.vector_store %arg9[%swap3A_306, %swap3A_307], %mul3A_305 {strides = array<i32>} : memref<128x128xf32, #tpu.memory_space<vmem>>, vector<16xf32>,
      %scan3A_309 = arith.constant 0 : i32
      %scan3A_310 = arith.constant 3 : i32
      %scan3A_311 = arith.addi %scan3A_130, %scan3A_310 : i32
      %broadcast_in_dim3A_312 = vector.broadcast %scan3A_311 : i32 to vector<16xi32>
      %gather3A_313 = tpu.vector_load_idx %arg21[%broadcast_in_dim3A_312] : memref<128xf32, #tpu.memory_space<vmem>>[vector<16xi32>], vector<16xf32>,
      %get3A_314 = arith.index_cast %scan3A_311 : i32 to index
      %get3A_315 = arith.constant 0 : index
      %get3A_316 = tpu.vector_load %arg9[%get3A_314, %get3A_315] {strides = array<i32>} : memref<128x128xf32, #tpu.memory_space<vmem>>, vector<16xf32>,
      %mul3A_317 = arith.mulf %get3A_316, %gather3A_313 : vector<16xf32>
      %swap3A_318 = arith.index_cast %scan3A_311 : i32 to index
      %swap3A_319 = arith.constant 0 : index
      %swap3A_320 = tpu.vector_load %arg9[%swap3A_318, %swap3A_319] {strides = array<i32>} : memref<128x128xf32, #tpu.memory_space<vmem>>, vector<16xf32>,
      tpu.vector_store %arg9[%swap3A_318, %swap3A_319], %mul3A_317 {strides = array<i32>} : memref<128x128xf32, #tpu.memory_space<vmem>>, vector<16xf32>,
      %get3A_321 = arith.index_cast %scan3A_311 : i32 to index
      %get3A_322 = arith.constant 16 : index
      %get3A_323 = tpu.vector_load %arg9[%get3A_321, %get3A_322] {strides = array<i32>} : memref<128x128xf32, #tpu.memory_space<vmem>>, vector<16xf32>,
      %mul3A_324 = arith.mulf %get3A_323, %gather3A_313 : vector<16xf32>
      %swap3A_325 = arith.index_cast %scan3A_311 : i32 to index
      %swap3A_326 = arith.constant 16 : index
      %swap3A_327 = tpu.vector_load %arg9[%swap3A_325, %swap3A_326] {strides = array<i32>} : memref<128x128xf32, #tpu.memory_space<vmem>>, vector<16xf32>,
      tpu.vector_store %arg9[%swap3A_325, %swap3A_326], %mul3A_324 {strides = array<i32>} : memref<128x128xf32, #tpu.memory_space<vmem>>, vector<16xf32>,
      %get3A_328 = arith.index_cast %scan3A_311 : i32 to index
      %get3A_329 = arith.constant 32 : index
      %get3A_330 = tpu.vector_load %arg9[%get3A_328, %get3A_329] {strides = array<i32>} : memref<128x128xf32, #tpu.memory_space<vmem>>, vector<16xf32>,
      %mul3A_331 = arith.mulf %get3A_330, %gather3A_313 : vector<16xf32>
      %swap3A_332 = arith.index_cast %scan3A_311 : i32 to index
      %swap3A_333 = arith.constant 32 : index
      %swap3A_334 = tpu.vector_load %arg9[%swap3A_332, %swap3A_333] {strides = array<i32>} : memref<128x128xf32, #tpu.memory_space<vmem>>, vector<16xf32>,
      tpu.vector_store %arg9[%swap3A_332, %swap3A_333], %mul3A_331 {strides = array<i32>} : memref<128x128xf32, #tpu.memory_space<vmem>>, vector<16xf32>,
      %get3A_335 = arith.index_cast %scan3A_311 : i32 to index
      %get3A_336 = arith.constant 48 : index
      %get3A_337 = tpu.vector_load %arg9[%get3A_335, %get3A_336] {strides = array<i32>} : memref<128x128xf32, #tpu.memory_space<vmem>>, vector<16xf32>,
      %mul3A_338 = arith.mulf %get3A_337, %gather3A_313 : vector<16xf32>
      %swap3A_339 = arith.index_cast %scan3A_311 : i32 to index
      %swap3A_340 = arith.constant 48 : index
      %swap3A_341 = tpu.vector_load %arg9[%swap3A_339, %swap3A_340] {strides = array<i32>} : memref<128x128xf32, #tpu.memory_space<vmem>>, vector<16xf32>,
      tpu.vector_store %arg9[%swap3A_339, %swap3A_340], %mul3A_338 {strides = array<i32>} : memref<128x128xf32, #tpu.memory_space<vmem>>, vector<16xf32>,
      %get3A_342 = arith.index_cast %scan3A_311 : i32 to index
      %get3A_343 = arith.constant 64 : index
      %get3A_344 = tpu.vector_load %arg9[%get3A_342, %get3A_343] {strides = array<i32>} : memref<128x128xf32, #tpu.memory_space<vmem>>, vector<16xf32>,
      %mul3A_345 = arith.mulf %get3A_344, %gather3A_313 : vector<16xf32>
      %swap3A_346 = arith.index_cast %scan3A_311 : i32 to index
      %swap3A_347 = arith.constant 64 : index
      %swap3A_348 = tpu.vector_load %arg9[%swap3A_346, %swap3A_347] {strides = array<i32>} : memref<128x128xf32, #tpu.memory_space<vmem>>, vector<16xf32>,
      tpu.vector_store %arg9[%swap3A_346, %swap3A_347], %mul3A_345 {strides = array<i32>} : memref<128x128xf32, #tpu.memory_space<vmem>>, vector<16xf32>,
      %get3A_349 = arith.index_cast %scan3A_311 : i32 to index
      %get3A_350 = arith.constant 80 : index
      %get3A_351 = tpu.vector_load %arg9[%get3A_349, %get3A_350] {strides = array<i32>} : memref<128x128xf32, #tpu.memory_space<vmem>>, vector<16xf32>,
      %mul3A_352 = arith.mulf %get3A_351, %gather3A_313 : vector<16xf32>
      %swap3A_353 = arith.index_cast %scan3A_311 : i32 to index
      %swap3A_354 = arith.constant 80 : index
      %swap3A_355 = tpu.vector_load %arg9[%swap3A_353, %swap3A_354] {strides = array<i32>} : memref<128x128xf32, #tpu.memory_space<vmem>>, vector<16xf32>,
      tpu.vector_store %arg9[%swap3A_353, %swap3A_354], %mul3A_352 {strides = array<i32>} : memref<128x128xf32, #tpu.memory_space<vmem>>, vector<16xf32>,
      %get3A_356 = arith.index_cast %scan3A_311 : i32 to index
      %get3A_357 = arith.constant 96 : index
      %get3A_358 = tpu.vector_load %arg9[%get3A_356, %get3A_357] {strides = array<i32>} : memref<128x128xf32, #tpu.memory_space<vmem>>, vector<16xf32>,
      %mul3A_359 = arith.mulf %get3A_358, %gather3A_313 : vector<16xf32>
      %swap3A_360 = arith.index_cast %scan3A_311 : i32 to index
      %swap3A_361 = arith.constant 96 : index
      %swap3A_362 = tpu.vector_load %arg9[%swap3A_360, %swap3A_361] {strides = array<i32>} : memref<128x128xf32, #tpu.memory_space<vmem>>, vector<16xf32>,
      tpu.vector_store %arg9[%swap3A_360, %swap3A_361], %mul3A_359 {strides = array<i32>} : memref<128x128xf32, #tpu.memory_space<vmem>>, vector<16xf32>,
      %get3A_363 = arith.index_cast %scan3A_311 : i32 to index
      %get3A_364 = arith.constant 112 : index
      %get3A_365 = tpu.vector_load %arg9[%get3A_363, %get3A_364] {strides = array<i32>} : memref<128x128xf32, #tpu.memory_space<vmem>>, vector<16xf32>,
      %mul3A_366 = arith.mulf %get3A_365, %gather3A_313 : vector<16xf32>
      %swap3A_367 = arith.index_cast %scan3A_311 : i32 to index
      %swap3A_368 = arith.constant 112 : index
      %swap3A_369 = tpu.vector_load %arg9[%swap3A_367, %swap3A_368] {strides = array<i32>} : memref<128x128xf32, #tpu.memory_space<vmem>>, vector<16xf32>,
      tpu.vector_store %arg9[%swap3A_367, %swap3A_368], %mul3A_366 {strides = array<i32>} : memref<128x128xf32, #tpu.memory_space<vmem>>, vector<16xf32>,
      %scan3A_370 = arith.constant 0 : i32
      %scan3A_371 = arith.constant 4 : i32
      %scan3A_372 = arith.addi %scan3A_130, %scan3A_371 : i32
      %broadcast_in_dim3A_373 = vector.broadcast %scan3A_372 : i32 to vector<16xi32>
      %gather3A_374 = tpu.vector_load_idx %arg21[%broadcast_in_dim3A_373] : memref<128xf32, #tpu.memory_space<vmem>>[vector<16xi32>], vector<16xf32>,
      %get3A_375 = arith.index_cast %scan3A_372 : i32 to index
      %get3A_376 = arith.constant 0 : index
      %get3A_377 = tpu.vector_load %arg9[%get3A_375, %get3A_376] {strides = array<i32>} : memref<128x128xf32, #tpu.memory_space<vmem>>, vector<16xf32>,
      %mul3A_378 = arith.mulf %get3A_377, %gather3A_374 : vector<16xf32>
      %swap3A_379 = arith.index_cast %scan3A_372 : i32 to index
      %swap3A_380 = arith.constant 0 : index
      %swap3A_381 = tpu.vector_load %arg9[%swap3A_379, %swap3A_380] {strides = array<i32>} : memref<128x128xf32, #tpu.memory_space<vmem>>, vector<16xf32>,
      tpu.vector_store %arg9[%swap3A_379, %swap3A_380], %mul3A_378 {strides = array<i32>} : memref<128x128xf32, #tpu.memory_space<vmem>>, vector<16xf32>,
      %get3A_382 = arith.index_cast %scan3A_372 : i32 to index
      %get3A_383 = arith.constant 16 : index
      %get3A_384 = tpu.vector_load %arg9[%get3A_382, %get3A_383] {strides = array<i32>} : memref<128x128xf32, #tpu.memory_space<vmem>>, vector<16xf32>,
      %mul3A_385 = arith.mulf %get3A_384, %gather3A_374 : vector<16xf32>
      %swap3A_386 = arith.index_cast %scan3A_372 : i32 to index
      %swap3A_387 = arith.constant 16 : index
      %swap3A_388 = tpu.vector_load %arg9[%swap3A_386, %swap3A_387] {strides = array<i32>} : memref<128x128xf32, #tpu.memory_space<vmem>>, vector<16xf32>,
      tpu.vector_store %arg9[%swap3A_386, %swap3A_387], %mul3A_385 {strides = array<i32>} : memref<128x128xf32, #tpu.memory_space<vmem>>, vector<16xf32>,
      %get3A_389 = arith.index_cast %scan3A_372 : i32 to index
      %get3A_390 = arith.constant 32 : index
      %get3A_391 = tpu.vector_load %arg9[%get3A_389, %get3A_390] {strides = array<i32>} : memref<128x128xf32, #tpu.memory_space<vmem>>, vector<16xf32>,
      %mul3A_392 = arith.mulf %get3A_391, %gather3A_374 : vector<16xf32>
      %swap3A_393 = arith.index_cast %scan3A_372 : i32 to index
      %swap3A_394 = arith.constant 32 : index
      %swap3A_395 = tpu.vector_load %arg9[%swap3A_393, %swap3A_394] {strides = array<i32>} : memref<128x128xf32, #tpu.memory_space<vmem>>, vector<16xf32>,
      tpu.vector_store %arg9[%swap3A_393, %swap3A_394], %mul3A_392 {strides = array<i32>} : memref<128x128xf32, #tpu.memory_space<vmem>>, vector<16xf32>,
      %get3A_396 = arith.index_cast %scan3A_372 : i32 to index
      %get3A_397 = arith.constant 48 : index
      %get3A_398 = tpu.vector_load %arg9[%get3A_396, %get3A_397] {strides = array<i32>} : memref<128x128xf32, #tpu.memory_space<vmem>>, vector<16xf32>,
      %mul3A_399 = arith.mulf %get3A_398, %gather3A_374 : vector<16xf32>
      %swap3A_400 = arith.index_cast %scan3A_372 : i32 to index
      %swap3A_401 = arith.constant 48 : index
      %swap3A_402 = tpu.vector_load %arg9[%swap3A_400, %swap3A_401] {strides = array<i32>} : memref<128x128xf32, #tpu.memory_space<vmem>>, vector<16xf32>,
      tpu.vector_store %arg9[%swap3A_400, %swap3A_401], %mul3A_399 {strides = array<i32>} : memref<128x128xf32, #tpu.memory_space<vmem>>, vector<16xf32>,
      %get3A_403 = arith.index_cast %scan3A_372 : i32 to index
      %get3A_404 = arith.constant 64 : index
      %get3A_405 = tpu.vector_load %arg9[%get3A_403, %get3A_404] {strides = array<i32>} : memref<128x128xf32, #tpu.memory_space<vmem>>, vector<16xf32>,
      %mul3A_406 = arith.mulf %get3A_405, %gather3A_374 : vector<16xf32>
      %swap3A_407 = arith.index_cast %scan3A_372 : i32 to index
      %swap3A_408 = arith.constant 64 : index
      %swap3A_409 = tpu.vector_load %arg9[%swap3A_407, %swap3A_408] {strides = array<i32>} : memref<128x128xf32, #tpu.memory_space<vmem>>, vector<16xf32>,
      tpu.vector_store %arg9[%swap3A_407, %swap3A_408], %mul3A_406 {strides = array<i32>} : memref<128x128xf32, #tpu.memory_space<vmem>>, vector<16xf32>,
      %get3A_410 = arith.index_cast %scan3A_372 : i32 to index
      %get3A_411 = arith.constant 80 : index
      %get3A_412 = tpu.vector_load %arg9[%get3A_410, %get3A_411] {strides = array<i32>} : memref<128x128xf32, #tpu.memory_space<vmem>>, vector<16xf32>,
      %mul3A_413 = arith.mulf %get3A_412, %gather3A_374 : vector<16xf32>
      %swap3A_414 = arith.index_cast %scan3A_372 : i32 to index
      %swap3A_415 = arith.constant 80 : index
      %swap3A_416 = tpu.vector_load %arg9[%swap3A_414, %swap3A_415] {strides = array<i32>} : memref<128x128xf32, #tpu.memory_space<vmem>>, vector<16xf32>,
      tpu.vector_store %arg9[%swap3A_414, %swap3A_415], %mul3A_413 {strides = array<i32>} : memref<128x128xf32, #tpu.memory_space<vmem>>, vector<16xf32>,
      %get3A_417 = arith.index_cast %scan3A_372 : i32 to index
      %get3A_418 = arith.constant 96 : index
      %get3A_419 = tpu.vector_load %arg9[%get3A_417, %get3A_418] {strides = array<i32>} : memref<128x128xf32, #tpu.memory_space<vmem>>, vector<16xf32>,
      %mul3A_420 = arith.mulf %get3A_419, %gather3A_374 : vector<16xf32>
      %swap3A_421 = arith.index_cast %scan3A_372 : i32 to index
      %swap3A_422 = arith.constant 96 : index
      %swap3A_423 = tpu.vector_load %arg9[%swap3A_421, %swap3A_422] {strides = array<i32>} : memref<128x128xf32, #tpu.memory_space<vmem>>, vector<16xf32>,
      tpu.vector_store %arg9[%swap3A_421, %swap3A_422], %mul3A_420 {strides = array<i32>} : memref<128x128xf32, #tpu.memory_space<vmem>>, vector<16xf32>,
      %get3A_424 = arith.index_cast %scan3A_372 : i32 to index
      %get3A_425 = arith.constant 112 : index
      %get3A_426 = tpu.vector_load %arg9[%get3A_424, %get3A_425] {strides = array<i32>} : memref<128x128xf32, #tpu.memory_space<vmem>>, vector<16xf32>,
      %mul3A_427 = arith.mulf %get3A_426, %gather3A_374 : vector<16xf32>
      %swap3A_428 = arith.index_cast %scan3A_372 : i32 to index
      %swap3A_429 = arith.constant 112 : index
      %swap3A_430 = tpu.vector_load %arg9[%swap3A_428, %swap3A_429] {strides = array<i32>} : memref<128x128xf32, #tpu.memory_space<vmem>>, vector<16xf32>,
      tpu.vector_store %arg9[%swap3A_428, %swap3A_429], %mul3A_427 {strides = array<i32>} : memref<128x128xf32, #tpu.memory_space<vmem>>, vector<16xf32>,
      %scan3A_431 = arith.constant 0 : i32
      %scan3A_432 = arith.constant 5 : i32
      %scan3A_433 = arith.addi %scan3A_130, %scan3A_432 : i32
      %broadcast_in_dim3A_434 = vector.broadcast %scan3A_433 : i32 to vector<16xi32>
      %gather3A_435 = tpu.vector_load_idx %arg21[%broadcast_in_dim3A_434] : memref<128xf32, #tpu.memory_space<vmem>>[vector<16xi32>], vector<16xf32>,
      %get3A_436 = arith.index_cast %scan3A_433 : i32 to index
      %get3A_437 = arith.constant 0 : index
      %get3A_438 = tpu.vector_load %arg9[%get3A_436, %get3A_437] {strides = array<i32>} : memref<128x128xf32, #tpu.memory_space<vmem>>, vector<16xf32>,
      %mul3A_439 = arith.mulf %get3A_438, %gather3A_435 : vector<16xf32>
      %swap3A_440 = arith.index_cast %scan3A_433 : i32 to index
      %swap3A_441 = arith.constant 0 : index
      %swap3A_442 = tpu.vector_load %arg9[%swap3A_440, %swap3A_441] {strides = array<i32>} : memref<128x128xf32, #tpu.memory_space<vmem>>, vector<16xf32>,
      tpu.vector_store %arg9[%swap3A_440, %swap3A_441], %mul3A_439 {strides = array<i32>} : memref<128x128xf32, #tpu.memory_space<vmem>>, vector<16xf32>,
      %get3A_443 = arith.index_cast %scan3A_433 : i32 to index
      %get3A_444 = arith.constant 16 : index
      %get3A_445 = tpu.vector_load %arg9[%get3A_443, %get3A_444] {strides = array<i32>} : memref<128x128xf32, #tpu.memory_space<vmem>>, vector<16xf32>,
      %mul3A_446 = arith.mulf %get3A_445, %gather3A_435 : vector<16xf32>
      %swap3A_447 = arith.index_cast %scan3A_433 : i32 to index
      %swap3A_448 = arith.constant 16 : index
      %swap3A_449 = tpu.vector_load %arg9[%swap3A_447, %swap3A_448] {strides = array<i32>} : memref<128x128xf32, #tpu.memory_space<vmem>>, vector<16xf32>,
      tpu.vector_store %arg9[%swap3A_447, %swap3A_448], %mul3A_446 {strides = array<i32>} : memref<128x128xf32, #tpu.memory_space<vmem>>, vector<16xf32>,
      %get3A_450 = arith.index_cast %scan3A_433 : i32 to index
      %get3A_451 = arith.constant 32 : index
      %get3A_452 = tpu.vector_load %arg9[%get3A_450, %get3A_451] {strides = array<i32>} : memref<128x128xf32, #tpu.memory_space<vmem>>, vector<16xf32>,
      %mul3A_453 = arith.mulf %get3A_452, %gather3A_435 : vector<16xf32>
      %swap3A_454 = arith.index_cast %scan3A_433 : i32 to index
      %swap3A_455 = arith.constant 32 : index
      %swap3A_456 = tpu.vector_load %arg9[%swap3A_454, %swap3A_455] {strides = array<i32>} : memref<128x128xf32, #tpu.memory_space<vmem>>, vector<16xf32>,
      tpu.vector_store %arg9[%swap3A_454, %swap3A_455], %mul3A_453 {strides = array<i32>} : memref<128x128xf32, #tpu.memory_space<vmem>>, vector<16xf32>,
      %get3A_457 = arith.index_cast %scan3A_433 : i32 to index
      %get3A_458 = arith.constant 48 : index
      %get3A_459 = tpu.vector_load %arg9[%get3A_457, %get3A_458] {strides = array<i32>} : memref<128x128xf32, #tpu.memory_space<vmem>>, vector<16xf32>,
      %mul3A_460 = arith.mulf %get3A_459, %gather3A_435 : vector<16xf32>
      %swap3A_461 = arith.index_cast %scan3A_433 : i32 to index
      %swap3A_462 = arith.constant 48 : index
      %swap3A_463 = tpu.vector_load %arg9[%swap3A_461, %swap3A_462] {strides = array<i32>} : memref<128x128xf32, #tpu.memory_space<vmem>>, vector<16xf32>,
      tpu.vector_store %arg9[%swap3A_461, %swap3A_462], %mul3A_460 {strides = array<i32>} : memref<128x128xf32, #tpu.memory_space<vmem>>, vector<16xf32>,
      %get3A_464 = arith.index_cast %scan3A_433 : i32 to index
      %get3A_465 = arith.constant 64 : index
      %get3A_466 = tpu.vector_load %arg9[%get3A_464, %get3A_465] {strides = array<i32>} : memref<128x128xf32, #tpu.memory_space<vmem>>, vector<16xf32>,
      %mul3A_467 = arith.mulf %get3A_466, %gather3A_435 : vector<16xf32>
      %swap3A_468 = arith.index_cast %scan3A_433 : i32 to index
      %swap3A_469 = arith.constant 64 : index
      %swap3A_470 = tpu.vector_load %arg9[%swap3A_468, %swap3A_469] {strides = array<i32>} : memref<128x128xf32, #tpu.memory_space<vmem>>, vector<16xf32>,
      tpu.vector_store %arg9[%swap3A_468, %swap3A_469], %mul3A_467 {strides = array<i32>} : memref<128x128xf32, #tpu.memory_space<vmem>>, vector<16xf32>,
      %get3A_471 = arith.index_cast %scan3A_433 : i32 to index
      %get3A_472 = arith.constant 80 : index
      %get3A_473 = tpu.vector_load %arg9[%get3A_471, %get3A_472] {strides = array<i32>} : memref<128x128xf32, #tpu.memory_space<vmem>>, vector<16xf32>,
      %mul3A_474 = arith.mulf %get3A_473, %gather3A_435 : vector<16xf32>
      %swap3A_475 = arith.index_cast %scan3A_433 : i32 to index
      %swap3A_476 = arith.constant 80 : index
      %swap3A_477 = tpu.vector_load %arg9[%swap3A_475, %swap3A_476] {strides = array<i32>} : memref<128x128xf32, #tpu.memory_space<vmem>>, vector<16xf32>,
      tpu.vector_store %arg9[%swap3A_475, %swap3A_476], %mul3A_474 {strides = array<i32>} : memref<128x128xf32, #tpu.memory_space<vmem>>, vector<16xf32>,
      %get3A_478 = arith.index_cast %scan3A_433 : i32 to index
      %get3A_479 = arith.constant 96 : index
      %get3A_480 = tpu.vector_load %arg9[%get3A_478, %get3A_479] {strides = array<i32>} : memref<128x128xf32, #tpu.memory_space<vmem>>, vector<16xf32>,
      %mul3A_481 = arith.mulf %get3A_480, %gather3A_435 : vector<16xf32>
      %swap3A_482 = arith.index_cast %scan3A_433 : i32 to index
      %swap3A_483 = arith.constant 96 : index
      %swap3A_484 = tpu.vector_load %arg9[%swap3A_482, %swap3A_483] {strides = array<i32>} : memref<128x128xf32, #tpu.memory_space<vmem>>, vector<16xf32>,
      tpu.vector_store %arg9[%swap3A_482, %swap3A_483], %mul3A_481 {strides = array<i32>} : memref<128x128xf32, #tpu.memory_space<vmem>>, vector<16xf32>,
      %get3A_485 = arith.index_cast %scan3A_433 : i32 to index
      %get3A_486 = arith.constant 112 : index
      %get3A_487 = tpu.vector_load %arg9[%get3A_485, %get3A_486] {strides = array<i32>} : memref<128x128xf32, #tpu.memory_space<vmem>>, vector<16xf32>,
      %mul3A_488 = arith.mulf %get3A_487, %gather3A_435 : vector<16xf32>
      %swap3A_489 = arith.index_cast %scan3A_433 : i32 to index
      %swap3A_490 = arith.constant 112 : index
      %swap3A_491 = tpu.vector_load %arg9[%swap3A_489, %swap3A_490] {strides = array<i32>} : memref<128x128xf32, #tpu.memory_space<vmem>>, vector<16xf32>,
      tpu.vector_store %arg9[%swap3A_489, %swap3A_490], %mul3A_488 {strides = array<i32>} : memref<128x128xf32, #tpu.memory_space<vmem>>, vector<16xf32>,
      %scan3A_492 = arith.constant 0 : i32
      %scan3A_493 = arith.constant 6 : i32
      %scan3A_494 = arith.addi %scan3A_130, %scan3A_493 : i32
      %broadcast_in_dim3A_495 = vector.broadcast %scan3A_494 : i32 to vector<16xi32>
      %gather3A_496 = tpu.vector_load_idx %arg21[%broadcast_in_dim3A_495] : memref<128xf32, #tpu.memory_space<vmem>>[vector<16xi32>], vector<16xf32>,
      %get3A_497 = arith.index_cast %scan3A_494 : i32 to index
      %get3A_498 = arith.constant 0 : index
      %get3A_499 = tpu.vector_load %arg9[%get3A_497, %get3A_498] {strides = array<i32>} : memref<128x128xf32, #tpu.memory_space<vmem>>, vector<16xf32>,
      %mul3A_500 = arith.mulf %get3A_499, %gather3A_496 : vector<16xf32>
      %swap3A_501 = arith.index_cast %scan3A_494 : i32 to index
      %swap3A_502 = arith.constant 0 : index
      %swap3A_503 = tpu.vector_load %arg9[%swap3A_501, %swap3A_502] {strides = array<i32>} : memref<128x128xf32, #tpu.memory_space<vmem>>, vector<16xf32>,
      tpu.vector_store %arg9[%swap3A_501, %swap3A_502], %mul3A_500 {strides = array<i32>} : memref<128x128xf32, #tpu.memory_space<vmem>>, vector<16xf32>,
      %get3A_504 = arith.index_cast %scan3A_494 : i32 to index
      %get3A_505 = arith.constant 16 : index
      %get3A_506 = tpu.vector_load %arg9[%get3A_504, %get3A_505] {strides = array<i32>} : memref<128x128xf32, #tpu.memory_space<vmem>>, vector<16xf32>,
      %mul3A_507 = arith.mulf %get3A_506, %gather3A_496 : vector<16xf32>
      %swap3A_508 = arith.index_cast %scan3A_494 : i32 to index
      %swap3A_509 = arith.constant 16 : index
      %swap3A_510 = tpu.vector_load %arg9[%swap3A_508, %swap3A_509] {strides = array<i32>} : memref<128x128xf32, #tpu.memory_space<vmem>>, vector<16xf32>,
      tpu.vector_store %arg9[%swap3A_508, %swap3A_509], %mul3A_507 {strides = array<i32>} : memref<128x128xf32, #tpu.memory_space<vmem>>, vector<16xf32>,
      %get3A_511 = arith.index_cast %scan3A_494 : i32 to index
      %get3A_512 = arith.constant 32 : index
      %get3A_513 = tpu.vector_load %arg9[%get3A_511, %get3A_512] {strides = array<i32>} : memref<128x128xf32, #tpu.memory_space<vmem>>, vector<16xf32>,
      %mul3A_514 = arith.mulf %get3A_513, %gather3A_496 : vector<16xf32>
      %swap3A_515 = arith.index_cast %scan3A_494 : i32 to index
      %swap3A_516 = arith.constant 32 : index
      %swap3A_517 = tpu.vector_load %arg9[%swap3A_515, %swap3A_516] {strides = array<i32>} : memref<128x128xf32, #tpu.memory_space<vmem>>, vector<16xf32>,
      tpu.vector_store %arg9[%swap3A_515, %swap3A_516], %mul3A_514 {strides = array<i32>} : memref<128x128xf32, #tpu.memory_space<vmem>>, vector<16xf32>,
      %get3A_518 = arith.index_cast %scan3A_494 : i32 to index
      %get3A_519 = arith.constant 48 : index
      %get3A_520 = tpu.vector_load %arg9[%get3A_518, %get3A_519] {strides = array<i32>} : memref<128x128xf32, #tpu.memory_space<vmem>>, vector<16xf32>,
      %mul3A_521 = arith.mulf %get3A_520, %gather3A_496 : vector<16xf32>
      %swap3A_522 = arith.index_cast %scan3A_494 : i32 to index
      %swap3A_523 = arith.constant 48 : index
      %swap3A_524 = tpu.vector_load %arg9[%swap3A_522, %swap3A_523] {strides = array<i32>} : memref<128x128xf32, #tpu.memory_space<vmem>>, vector<16xf32>,
      tpu.vector_store %arg9[%swap3A_522, %swap3A_523], %mul3A_521 {strides = array<i32>} : memref<128x128xf32, #tpu.memory_space<vmem>>, vector<16xf32>,
      %get3A_525 = arith.index_cast %scan3A_494 : i32 to index
      %get3A_526 = arith.constant 64 : index
      %get3A_527 = tpu.vector_load %arg9[%get3A_525, %get3A_526] {strides = array<i32>} : memref<128x128xf32, #tpu.memory_space<vmem>>, vector<16xf32>,
      %mul3A_528 = arith.mulf %get3A_527, %gather3A_496 : vector<16xf32>
      %swap3A_529 = arith.index_cast %scan3A_494 : i32 to index
      %swap3A_530 = arith.constant 64 : index
      %swap3A_531 = tpu.vector_load %arg9[%swap3A_529, %swap3A_530] {strides = array<i32>} : memref<128x128xf32, #tpu.memory_space<vmem>>, vector<16xf32>,
      tpu.vector_store %arg9[%swap3A_529, %swap3A_530], %mul3A_528 {strides = array<i32>} : memref<128x128xf32, #tpu.memory_space<vmem>>, vector<16xf32>,
      %get3A_532 = arith.index_cast %scan3A_494 : i32 to index
      %get3A_533 = arith.constant 80 : index
      %get3A_534 = tpu.vector_load %arg9[%get3A_532, %get3A_533] {strides = array<i32>} : memref<128x128xf32, #tpu.memory_space<vmem>>, vector<16xf32>,
      %mul3A_535 = arith.mulf %get3A_534, %gather3A_496 : vector<16xf32>
      %swap3A_536 = arith.index_cast %scan3A_494 : i32 to index
      %swap3A_537 = arith.constant 80 : index
      %swap3A_538 = tpu.vector_load %arg9[%swap3A_536, %swap3A_537] {strides = array<i32>} : memref<128x128xf32, #tpu.memory_space<vmem>>, vector<16xf32>,
      tpu.vector_store %arg9[%swap3A_536, %swap3A_537], %mul3A_535 {strides = array<i32>} : memref<128x128xf32, #tpu.memory_space<vmem>>, vector<16xf32>,
      %get3A_539 = arith.index_cast %scan3A_494 : i32 to index
      %get3A_540 = arith.constant 96 : index
      %get3A_541 = tpu.vector_load %arg9[%get3A_539, %get3A_540] {strides = array<i32>} : memref<128x128xf32, #tpu.memory_space<vmem>>, vector<16xf32>,
      %mul3A_542 = arith.mulf %get3A_541, %gather3A_496 : vector<16xf32>
      %swap3A_543 = arith.index_cast %scan3A_494 : i32 to index
      %swap3A_544 = arith.constant 96 : index
      %swap3A_545 = tpu.vector_load %arg9[%swap3A_543, %swap3A_544] {strides = array<i32>} : memref<128x128xf32, #tpu.memory_space<vmem>>, vector<16xf32>,
      tpu.vector_store %arg9[%swap3A_543, %swap3A_544], %mul3A_542 {strides = array<i32>} : memref<128x128xf32, #tpu.memory_space<vmem>>, vector<16xf32>,
      %get3A_546 = arith.index_cast %scan3A_494 : i32 to index
      %get3A_547 = arith.constant 112 : index
      %get3A_548 = tpu.vector_load %arg9[%get3A_546, %get3A_547] {strides = array<i32>} : memref<128x128xf32, #tpu.memory_space<vmem>>, vector<16xf32>,
      %mul3A_549 = arith.mulf %get3A_548, %gather3A_496 : vector<16xf32>
      %swap3A_550 = arith.index_cast %scan3A_494 : i32 to index
      %swap3A_551 = arith.constant 112 : index
      %swap3A_552 = tpu.vector_load %arg9[%swap3A_550, %swap3A_551] {strides = array<i32>} : memref<128x128xf32, #tpu.memory_space<vmem>>, vector<16xf32>,
      tpu.vector_store %arg9[%swap3A_550, %swap3A_551], %mul3A_549 {strides = array<i32>} : memref<128x128xf32, #tpu.memory_space<vmem>>, vector<16xf32>,
      %scan3A_553 = arith.constant 0 : i32
      %scan3A_554 = arith.constant 7 : i32
      %scan3A_555 = arith.addi %scan3A_130, %scan3A_554 : i32
      %broadcast_in_dim3A_556 = vector.broadcast %scan3A_555 : i32 to vector<16xi32>
      %gather3A_557 = tpu.vector_load_idx %arg21[%broadcast_in_dim3A_556] : memref<128xf32, #tpu.memory_space<vmem>>[vector<16xi32>], vector<16xf32>,
      %get3A_558 = arith.index_cast %scan3A_555 : i32 to index
      %get3A_559 = arith.constant 0 : index
      %get3A_560 = tpu.vector_load %arg9[%get3A_558, %get3A_559] {strides = array<i32>} : memref<128x128xf32, #tpu.memory_space<vmem>>, vector<16xf32>,
      %mul3A_561 = arith.mulf %get3A_560, %gather3A_557 : vector<16xf32>
      %swap3A_562 = arith.index_cast %scan3A_555 : i32 to index
      %swap3A_563 = arith.constant 0 : index
      %swap3A_564 = tpu.vector_load %arg9[%swap3A_562, %swap3A_563] {strides = array<i32>} : memref<128x128xf32, #tpu.memory_space<vmem>>, vector<16xf32>,
      tpu.vector_store %arg9[%swap3A_562, %swap3A_563], %mul3A_561 {strides = array<i32>} : memref<128x128xf32, #tpu.memory_space<vmem>>, vector<16xf32>,
      %get3A_565 = arith.index_cast %scan3A_555 : i32 to index
      %get3A_566 = arith.constant 16 : index
      %get3A_567 = tpu.vector_load %arg9[%get3A_565, %get3A_566] {strides = array<i32>} : memref<128x128xf32, #tpu.memory_space<vmem>>, vector<16xf32>,
      %mul3A_568 = arith.mulf %get3A_567, %gather3A_557 : vector<16xf32>
      %swap3A_569 = arith.index_cast %scan3A_555 : i32 to index
      %swap3A_570 = arith.constant 16 : index
      %swap3A_571 = tpu.vector_load %arg9[%swap3A_569, %swap3A_570] {strides = array<i32>} : memref<128x128xf32, #tpu.memory_space<vmem>>, vector<16xf32>,
      tpu.vector_store %arg9[%swap3A_569, %swap3A_570], %mul3A_568 {strides = array<i32>} : memref<128x128xf32, #tpu.memory_space<vmem>>, vector<16xf32>,
      %get3A_572 = arith.index_cast %scan3A_555 : i32 to index
      %get3A_573 = arith.constant 32 : index
      %get3A_574 = tpu.vector_load %arg9[%get3A_572, %get3A_573] {strides = array<i32>} : memref<128x128xf32, #tpu.memory_space<vmem>>, vector<16xf32>,
      %mul3A_575 = arith.mulf %get3A_574, %gather3A_557 : vector<16xf32>
      %swap3A_576 = arith.index_cast %scan3A_555 : i32 to index
      %swap3A_577 = arith.constant 32 : index
      %swap3A_578 = tpu.vector_load %arg9[%swap3A_576, %swap3A_577] {strides = array<i32>} : memref<128x128xf32, #tpu.memory_space<vmem>>, vector<16xf32>,
      tpu.vector_store %arg9[%swap3A_576, %swap3A_577], %mul3A_575 {strides = array<i32>} : memref<128x128xf32, #tpu.memory_space<vmem>>, vector<16xf32>,
      %get3A_579 = arith.index_cast %scan3A_555 : i32 to index
      %get3A_580 = arith.constant 48 : index
      %get3A_581 = tpu.vector_load %arg9[%get3A_579, %get3A_580] {strides = array<i32>} : memref<128x128xf32, #tpu.memory_space<vmem>>, vector<16xf32>,
      %mul3A_582 = arith.mulf %get3A_581, %gather3A_557 : vector<16xf32>
      %swap3A_583 = arith.index_cast %scan3A_555 : i32 to index
      %swap3A_584 = arith.constant 48 : index
      %swap3A_585 = tpu.vector_load %arg9[%swap3A_583, %swap3A_584] {strides = array<i32>} : memref<128x128xf32, #tpu.memory_space<vmem>>, vector<16xf32>,
      tpu.vector_store %arg9[%swap3A_583, %swap3A_584], %mul3A_582 {strides = array<i32>} : memref<128x128xf32, #tpu.memory_space<vmem>>, vector<16xf32>,
      %get3A_586 = arith.index_cast %scan3A_555 : i32 to index
      %get3A_587 = arith.constant 64 : index
      %get3A_588 = tpu.vector_load %arg9[%get3A_586, %get3A_587] {strides = array<i32>} : memref<128x128xf32, #tpu.memory_space<vmem>>, vector<16xf32>,
      %mul3A_589 = arith.mulf %get3A_588, %gather3A_557 : vector<16xf32>
      %swap3A_590 = arith.index_cast %scan3A_555 : i32 to index
      %swap3A_591 = arith.constant 64 : index
      %swap3A_592 = tpu.vector_load %arg9[%swap3A_590, %swap3A_591] {strides = array<i32>} : memref<128x128xf32, #tpu.memory_space<vmem>>, vector<16xf32>,
      tpu.vector_store %arg9[%swap3A_590, %swap3A_591], %mul3A_589 {strides = array<i32>} : memref<128x128xf32, #tpu.memory_space<vmem>>, vector<16xf32>,
      %get3A_593 = arith.index_cast %scan3A_555 : i32 to index
      %get3A_594 = arith.constant 80 : index
      %get3A_595 = tpu.vector_load %arg9[%get3A_593, %get3A_594] {strides = array<i32>} : memref<128x128xf32, #tpu.memory_space<vmem>>, vector<16xf32>,
      %mul3A_596 = arith.mulf %get3A_595, %gather3A_557 : vector<16xf32>
      %swap3A_597 = arith.index_cast %scan3A_555 : i32 to index
      %swap3A_598 = arith.constant 80 : index
      %swap3A_599 = tpu.vector_load %arg9[%swap3A_597, %swap3A_598] {strides = array<i32>} : memref<128x128xf32, #tpu.memory_space<vmem>>, vector<16xf32>,
      tpu.vector_store %arg9[%swap3A_597, %swap3A_598], %mul3A_596 {strides = array<i32>} : memref<128x128xf32, #tpu.memory_space<vmem>>, vector<16xf32>,
      %get3A_600 = arith.index_cast %scan3A_555 : i32 to index
      %get3A_601 = arith.constant 96 : index
      %get3A_602 = tpu.vector_load %arg9[%get3A_600, %get3A_601] {strides = array<i32>} : memref<128x128xf32, #tpu.memory_space<vmem>>, vector<16xf32>,
      %mul3A_603 = arith.mulf %get3A_602, %gather3A_557 : vector<16xf32>
      %swap3A_604 = arith.index_cast %scan3A_555 : i32 to index
      %swap3A_605 = arith.constant 96 : index
      %swap3A_606 = tpu.vector_load %arg9[%swap3A_604, %swap3A_605] {strides = array<i32>} : memref<128x128xf32, #tpu.memory_space<vmem>>, vector<16xf32>,
      tpu.vector_store %arg9[%swap3A_604, %swap3A_605], %mul3A_603 {strides = array<i32>} : memref<128x128xf32, #tpu.memory_space<vmem>>, vector<16xf32>,
      %get3A_607 = arith.index_cast %scan3A_555 : i32 to index
      %get3A_608 = arith.constant 112 : index
      %get3A_609 = tpu.vector_load %arg9[%get3A_607, %get3A_608] {strides = array<i32>} : memref<128x128xf32, #tpu.memory_space<vmem>>, vector<16xf32>,
      %mul3A_610 = arith.mulf %get3A_609, %gather3A_557 : vector<16xf32>
      %swap3A_611 = arith.index_cast %scan3A_555 : i32 to index
      %swap3A_612 = arith.constant 112 : index
      %swap3A_613 = tpu.vector_load %arg9[%swap3A_611, %swap3A_612] {strides = array<i32>} : memref<128x128xf32, #tpu.memory_space<vmem>>, vector<16xf32>,
      tpu.vector_store %arg9[%swap3A_611, %swap3A_612], %mul3A_610 {strides = array<i32>} : memref<128x128xf32, #tpu.memory_space<vmem>>, vector<16xf32>,
      %scan3A_614 = arith.constant 0 : i32
      scf.yield %scan3A_614 : i32
    }
    %scan3A_68 = arith.constant 128 : i32
    %mul3A_69 = arith.constant 25 : i32
    %mul3A_70 = arith.muli %add3A, %mul3A_69 : i32
    %add3A_71 = arith.constant 2 : i32
    %add3A_72 = arith.addi %mul3A_70, %add3A_71 : i32
    %lt3A_73 = arith.constant 781 : i32
    %lt3A_74 = arith.cmpi slt, %add3A_72, %lt3A_73 : i32
    %convert_element_type3A_75 = arith.extui %lt3A_74 : i1 to i32
    %cond3A_76 = arith.constant 0 : i32
    %cond3A_77 = arith.cmpi ne, %convert_element_type3A_75, %cond3A_76 : i32
    scf.if %cond3A_77 {
      %mul3A_130 = arith.constant 128 : i32
      %mul3A_131 = arith.muli %add3A_72, %mul3A_130 : i32
      %dma_start3A_132 = arith.constant 0 : i32
      %dma_start3A_133 = tpu.memref_slice %arg2[%mul3A_131, %dma_start3A_132] : memref<100000x128xf32, #tpu.memory_space<hbm>> -> memref<128x128xf32, #tpu.memory_space<hbm>>
      %dma_start3A_134 = arith.constant 0 : i32
      %dma_start3A_135 = tpu.memref_slice %arg2[%mul3A_131, %dma_start3A_134] : memref<100000x128xf32, #tpu.memory_space<hbm>> -> memref<128x128xf32, #tpu.memory_space<hbm>>
      tpu.enqueue_dma source(%dma_start3A_135 : memref<128x128xf32, #tpu.memory_space<hbm>>) target(%arg11 : memref<128x128xf32, #tpu.memory_space<vmem>>) target_semaphore(%arg26 : memref<!tpu.dma_semaphore, #tpu.memory_space<semaphore_mem>>)
      %dma_start3A_136 = arith.constant 0 : i32
      %dma_start3A_137 = tpu.memref_slice %arg3[%mul3A_131, %dma_start3A_136] : memref<100000x3xi32, #tpu.memory_space<hbm>> -> memref<128x3xi32, #tpu.memory_space<hbm>>
      %dma_start3A_138 = arith.constant 0 : i32
      %dma_start3A_139 = tpu.memref_slice %arg3[%mul3A_131, %dma_start3A_138] : memref<100000x3xi32, #tpu.memory_space<hbm>> -> memref<128x3xi32, #tpu.memory_space<hbm>>
      tpu.enqueue_dma source(%dma_start3A_139 : memref<128x3xi32, #tpu.memory_space<hbm>>) target(%arg14 : memref<128x3xi32, #tpu.memory_space<vmem>>) target_semaphore(%arg26 : memref<!tpu.dma_semaphore, #tpu.memory_space<semaphore_mem>>)
      %dma_start3A_140 = tpu.memref_slice %arg4[%mul3A_131] : memref<100000xi32, #tpu.memory_space<hbm>> -> memref<128xi32, #tpu.memory_space<hbm>>
      %dma_start3A_141 = tpu.memref_slice %arg4[%mul3A_131] : memref<100000xi32, #tpu.memory_space<hbm>> -> memref<128xi32, #tpu.memory_space<hbm>>
      tpu.enqueue_dma source(%dma_start3A_141 : memref<128xi32, #tpu.memory_space<hbm>>) target(%arg17 : memref<128xi32, #tpu.memory_space<vmem>>) target_semaphore(%arg26 : memref<!tpu.dma_semaphore, #tpu.memory_space<semaphore_mem>>)
    } else {
    }
    %ge3A_78 = arith.constant 781 : i32
    %ge3A_79 = arith.cmpi sge, %add3A_72, %ge3A_78 : i32
    %convert_element_type3A_80 = arith.extui %ge3A_79 : i1 to i32
    %cond3A_81 = arith.constant 0 : i32
    %cond3A_82 = arith.cmpi ne, %convert_element_type3A_80, %cond3A_81 : i32
    scf.if %cond3A_82 {
      %eq3A = arith.constant 781 : i32
      %eq3A_130 = arith.cmpi eq, %add3A_72, %eq3A : i32
      %jit3A = arith.constant 0 : i32
      %jit3A_131 = arith.constant 128 : i32
      %select_n3A = arith.select %eq3A_130, %jit3A, %jit3A_131 : i32
      %dma_start3A_132 = arith.constant 0 : i32
      %dma_start3A_133 = tpu.memref_slice %arg5[%select_n3A, %dma_start3A_132] : memref<256x128xf32, #tpu.memory_space<hbm>> -> memref<128x128xf32, #tpu.memory_space<hbm>>
      %dma_start3A_134 = arith.constant 0 : i32
      %dma_start3A_135 = tpu.memref_slice %arg5[%select_n3A, %dma_start3A_134] : memref<256x128xf32, #tpu.memory_space<hbm>> -> memref<128x128xf32, #tpu.memory_space<hbm>>
      tpu.enqueue_dma source(%dma_start3A_135 : memref<128x128xf32, #tpu.memory_space<hbm>>) target(%arg11 : memref<128x128xf32, #tpu.memory_space<vmem>>) target_semaphore(%arg26 : memref<!tpu.dma_semaphore, #tpu.memory_space<semaphore_mem>>)
      %dma_start3A_136 = arith.constant 0 : i32
      %dma_start3A_137 = tpu.memref_slice %arg6[%select_n3A, %dma_start3A_136] : memref<256x3xi32, #tpu.memory_space<hbm>> -> memref<128x3xi32, #tpu.memory_space<hbm>>
      %dma_start3A_138 = arith.constant 0 : i32
      %dma_start3A_139 = tpu.memref_slice %arg6[%select_n3A, %dma_start3A_138] : memref<256x3xi32, #tpu.memory_space<hbm>> -> memref<128x3xi32, #tpu.memory_space<hbm>>
      tpu.enqueue_dma source(%dma_start3A_139 : memref<128x3xi32, #tpu.memory_space<hbm>>) target(%arg14 : memref<128x3xi32, #tpu.memory_space<vmem>>) target_semaphore(%arg26 : memref<!tpu.dma_semaphore, #tpu.memory_space<semaphore_mem>>)
      %dma_start3A_140 = tpu.memref_slice %arg7[%select_n3A] : memref<256xi32, #tpu.memory_space<hbm>> -> memref<128xi32, #tpu.memory_space<hbm>>
      %dma_start3A_141 = tpu.memref_slice %arg7[%select_n3A] : memref<256xi32, #tpu.memory_space<hbm>> -> memref<128xi32, #tpu.memory_space<hbm>>
      tpu.enqueue_dma source(%dma_start3A_141 : memref<128xi32, #tpu.memory_space<hbm>>) target(%arg17 : memref<128xi32, #tpu.memory_space<vmem>>) target_semaphore(%arg26 : memref<!tpu.dma_semaphore, #tpu.memory_space<semaphore_mem>>)
    } else {
    }
    %dma_start3A = arith.constant 0 : i32
    %dma_start3A_83 = arith.constant 0 : i32
    %dma_start3A_84 = tpu.memref_slice %arg23[%dma_start3A, %dma_start3A_83] : memref<1024x128xf32, #tpu.memory_space<vmem_shared>> -> memref<1024x128xf32, #tpu.memory_space<vmem_shared>>
    tpu.enqueue_indirect_dma source(%arg9 : memref<128x128xf32, #tpu.memory_space<vmem>>) target(%dma_start3A_84 : memref<1024x128xf32, #tpu.memory_space<vmem_shared>>) offsets(%arg18 : memref<128xi32, #tpu.memory_space<vmem>>) semaphore(%arg27 : memref<!tpu.dma_semaphore, #tpu.memory_space<semaphore_mem>>) {add = true}
    %scan3A_85 = arith.constant 0 : i32
    %scan3A_86 = arith.constant 0 : i32
    %scan3A_87 = arith.constant 8 : i32
    %scan3A_88 = arith.addi %scan3A_86, %scan3A_87 : i32
    %scan3A_89 = arith.constant 1 : i32
    %scan3A_90 = scf.for %scan3A_130 = %scan3A_86 to %scan3A_88 step %scan3A_89 iter_args(%scan3A_131 = %scan3A_85) -> (i32)  : i32 {
      %mul3A_132 = arith.constant 3 : i32
      %mul3A_133 = arith.muli %mul3A_132, %scan3A_130 : i32
      %add3A_134 = arith.constant 1 : i32
      %add3A_135 = arith.addi %mul3A_133, %add3A_134 : i32
      %dma_wait3A_136 = arith.constant 0 : i32
      %dma_wait3A_137 = arith.constant 0 : i32
      %dma_wait3A_138 = tpu.memref_slice %arg2[%dma_wait3A_136, %dma_wait3A_137] : memref<100000x128xf32, #tpu.memory_space<hbm>> -> memref<128x128xf32, #tpu.memory_space<hbm>>
      %dma_wait3A_139 = arith.constant 0 : i32
      %dma_wait3A_140 = arith.constant 0 : i32
      %dma_wait3A_141 = tpu.memref_slice %arg2[%dma_wait3A_139, %dma_wait3A_140] : memref<100000x128xf32, #tpu.memory_space<hbm>> -> memref<128x128xf32, #tpu.memory_space<hbm>>
      tpu.wait_dma2 semaphore(%arg25 : memref<!tpu.dma_semaphore, #tpu.memory_space<semaphore_mem>>) src(%dma_wait3A_141 : memref<128x128xf32, #tpu.memory_space<hbm>>) dst(%arg10 : memref<128x128xf32, #tpu.memory_space<vmem>>)
      %dma_wait3A_142 = arith.constant 0 : i32
      %dma_wait3A_143 = arith.constant 0 : i32
      %dma_wait3A_144 = tpu.memref_slice %arg3[%dma_wait3A_142, %dma_wait3A_143] : memref<100000x3xi32, #tpu.memory_space<hbm>> -> memref<128x3xi32, #tpu.memory_space<hbm>>
      %dma_wait3A_145 = arith.constant 0 : i32
      %dma_wait3A_146 = arith.constant 0 : i32
      %dma_wait3A_147 = tpu.memref_slice %arg3[%dma_wait3A_145, %dma_wait3A_146] : memref<100000x3xi32, #tpu.memory_space<hbm>> -> memref<128x3xi32, #tpu.memory_space<hbm>>
      tpu.wait_dma2 semaphore(%arg25 : memref<!tpu.dma_semaphore, #tpu.memory_space<semaphore_mem>>) src(%dma_wait3A_147 : memref<128x3xi32, #tpu.memory_space<hbm>>) dst(%arg13 : memref<128x3xi32, #tpu.memory_space<vmem>>)
      %dma_wait3A_148 = arith.constant 0 : i32
      %dma_wait3A_149 = tpu.memref_slice %arg4[%dma_wait3A_148] : memref<100000xi32, #tpu.memory_space<hbm>> -> memref<128xi32, #tpu.memory_space<hbm>>
      %dma_wait3A_150 = arith.constant 0 : i32
      %dma_wait3A_151 = tpu.memref_slice %arg4[%dma_wait3A_150] : memref<100000xi32, #tpu.memory_space<hbm>> -> memref<128xi32, #tpu.memory_space<hbm>>
      tpu.wait_dma2 semaphore(%arg25 : memref<!tpu.dma_semaphore, #tpu.memory_space<semaphore_mem>>) src(%dma_wait3A_151 : memref<128xi32, #tpu.memory_space<hbm>>) dst(%arg16 : memref<128xi32, #tpu.memory_space<vmem>>)
      %scan3A_152 = arith.constant 0 : i32
      %scan3A_153 = arith.constant 0 : i32
      %scan3A_154 = arith.constant 8 : i32
      %scan3A_155 = arith.addi %scan3A_153, %scan3A_154 : i32
      %scan3A_156 = arith.constant 2 : i32
      %scan3A_157 = scf.for %scan3A_294 = %scan3A_153 to %scan3A_155 step %scan3A_156 iter_args(%scan3A_295 = %scan3A_152) -> (i32)  : i32 {
        %mul3A_296 = arith.constant 16 : i32
        %mul3A_297 = arith.muli %scan3A_294, %mul3A_296 : i32
        %add3A_298 = vector.broadcast %mul3A_297 : i32 to vector<16xi32>
        %add3A_299 = arith.addi %iota3A, %add3A_298 : vector<16xi32>
        %gather3A = tpu.vector_load_idx %arg13[%add3A_299, %broadcast_in_dim3A_1] : memref<128x3xi32, #tpu.memory_space<vmem>>[vector<16xi32>, vector<16xi32>], vector<16xi32>,
        %gather3A_300 = tpu.vector_load_idx %arg13[%add3A_299, %broadcast_in_dim3A_3] : memref<128x3xi32, #tpu.memory_space<vmem>>[vector<16xi32>, vector<16xi32>], vector<16xi32>,
        %gather3A_301 = tpu.vector_load_idx %arg13[%add3A_299, %broadcast_in_dim3A_5] : memref<128x3xi32, #tpu.memory_space<vmem>>[vector<16xi32>, vector<16xi32>], vector<16xi32>,
        %mul3A_302 = arith.constant 16 : i32
        %mul3A_303 = arith.muli %scan3A_294, %mul3A_302 : i32
        %get3A = arith.index_cast %mul3A_303 : i32 to index
        %get3A_304 = tpu.vector_load %arg16[%get3A] {strides = array<i32>} : memref<128xi32, #tpu.memory_space<vmem>>, vector<16xi32>,
        %mul3A_305 = arith.constant 64 : i32
        %mul3A_306 = vector.broadcast %mul3A_305 : i32 to vector<16xi32>
        %mul3A_307 = arith.muli %get3A_304, %mul3A_306 : vector<16xi32>
        %mul3A_308 = arith.constant 8 : i32
        %mul3A_309 = vector.broadcast %mul3A_308 : i32 to vector<16xi32>
        %mul3A_310 = arith.muli %gather3A, %mul3A_309 : vector<16xi32>
        %add3A_311 = arith.addi %mul3A_307, %mul3A_310 : vector<16xi32>
        %add3A_312 = arith.addi %add3A_311, %gather3A_300 : vector<16xi32>
        %swap3A = arith.index_cast %mul3A_303 : i32 to index
        %swap3A_313 = tpu.vector_load %arg19[%swap3A] {strides = array<i32>} : memref<128xi32, #tpu.memory_space<vmem>>, vector<16xi32>,
        tpu.vector_store %arg19[%swap3A], %add3A_312 {strides = array<i32>} : memref<128xi32, #tpu.memory_space<vmem>>, vector<16xi32>,
        %convert_element_type3A_314 = arith.sitofp %gather3A_301 : vector<16xi32> to vector<16xf32>
        %div3A = arith.constant 1.000000e+00 : f32
        %div3A_315 = vector.broadcast %div3A : f32 to vector<16xf32>
        %div3A_316 = arith.divf %div3A_315, %convert_element_type3A_314 : vector<16xf32>
        %swap3A_317 = arith.index_cast %mul3A_303 : i32 to index
        %swap3A_318 = tpu.vector_load %arg21[%swap3A_317] {strides = array<i32>} : memref<128xf32, #tpu.memory_space<vmem>>, vector<16xf32>,
        tpu.vector_store %arg21[%swap3A_317], %div3A_316 {strides = array<i32>} : memref<128xf32, #tpu.memory_space<vmem>>, vector<16xf32>,
        %scan3A_319 = arith.constant 0 : i32
        %scan3A_320 = arith.constant 1 : i32
        %scan3A_321 = arith.addi %scan3A_294, %scan3A_320 : i32
        %mul3A_322 = arith.constant 16 : i32
        %mul3A_323 = arith.muli %scan3A_321, %mul3A_322 : i32
        %add3A_324 = vector.broadcast %mul3A_323 : i32 to vector<16xi32>
        %add3A_325 = arith.addi %iota3A, %add3A_324 : vector<16xi32>
        %gather3A_326 = tpu.vector_load_idx %arg13[%add3A_325, %broadcast_in_dim3A_1] : memref<128x3xi32, #tpu.memory_space<vmem>>[vector<16xi32>, vector<16xi32>], vector<16xi32>,
        %gather3A_327 = tpu.vector_load_idx %arg13[%add3A_325, %broadcast_in_dim3A_3] : memref<128x3xi32, #tpu.memory_space<vmem>>[vector<16xi32>, vector<16xi32>], vector<16xi32>,
        %gather3A_328 = tpu.vector_load_idx %arg13[%add3A_325, %broadcast_in_dim3A_5] : memref<128x3xi32, #tpu.memory_space<vmem>>[vector<16xi32>, vector<16xi32>], vector<16xi32>,
        %mul3A_329 = arith.constant 16 : i32
        %mul3A_330 = arith.muli %scan3A_321, %mul3A_329 : i32
        %get3A_331 = arith.index_cast %mul3A_330 : i32 to index
        %get3A_332 = tpu.vector_load %arg16[%get3A_331] {strides = array<i32>} : memref<128xi32, #tpu.memory_space<vmem>>, vector<16xi32>,
        %mul3A_333 = arith.constant 64 : i32
        %mul3A_334 = vector.broadcast %mul3A_333 : i32 to vector<16xi32>
        %mul3A_335 = arith.muli %get3A_332, %mul3A_334 : vector<16xi32>
        %mul3A_336 = arith.constant 8 : i32
        %mul3A_337 = vector.broadcast %mul3A_336 : i32 to vector<16xi32>
        %mul3A_338 = arith.muli %gather3A_326, %mul3A_337 : vector<16xi32>
        %add3A_339 = arith.addi %mul3A_335, %mul3A_338 : vector<16xi32>
        %add3A_340 = arith.addi %add3A_339, %gather3A_327 : vector<16xi32>
        %swap3A_341 = arith.index_cast %mul3A_330 : i32 to index
        %swap3A_342 = tpu.vector_load %arg19[%swap3A_341] {strides = array<i32>} : memref<128xi32, #tpu.memory_space<vmem>>, vector<16xi32>,
        tpu.vector_store %arg19[%swap3A_341], %add3A_340 {strides = array<i32>} : memref<128xi32, #tpu.memory_space<vmem>>, vector<16xi32>,
        %convert_element_type3A_343 = arith.sitofp %gather3A_328 : vector<16xi32> to vector<16xf32>
        %div3A_344 = arith.constant 1.000000e+00 : f32
        %div3A_345 = vector.broadcast %div3A_344 : f32 to vector<16xf32>
        %div3A_346 = arith.divf %div3A_345, %convert_element_type3A_343 : vector<16xf32>
        %swap3A_347 = arith.index_cast %mul3A_330 : i32 to index
        %swap3A_348 = tpu.vector_load %arg21[%swap3A_347] {strides = array<i32>} : memref<128xf32, #tpu.memory_space<vmem>>, vector<16xf32>,
        tpu.vector_store %arg21[%swap3A_347], %div3A_346 {strides = array<i32>} : memref<128xf32, #tpu.memory_space<vmem>>, vector<16xf32>,
        %scan3A_349 = arith.constant 0 : i32
        scf.yield %scan3A_349 : i32
      }
      %scan3A_158 = arith.constant 8 : i32
      %scan3A_159 = arith.constant 0 : i32
      %scan3A_160 = arith.constant 0 : i32
      %scan3A_161 = arith.constant 128 : i32
      %scan3A_162 = arith.addi %scan3A_160, %scan3A_161 : i32
      %scan3A_163 = arith.constant 8 : i32
      %scan3A_164 = scf.for %scan3A_294 = %scan3A_160 to %scan3A_162 step %scan3A_163 iter_args(%scan3A_295 = %scan3A_159) -> (i32)  : i32 {
        %broadcast_in_dim3A_296 = vector.broadcast %scan3A_294 : i32 to vector<16xi32>
        %gather3A = tpu.vector_load_idx %arg21[%broadcast_in_dim3A_296] : memref<128xf32, #tpu.memory_space<vmem>>[vector<16xi32>], vector<16xf32>,
        %get3A = arith.index_cast %scan3A_294 : i32 to index
        %get3A_297 = arith.constant 0 : index
        %get3A_298 = tpu.vector_load %arg10[%get3A, %get3A_297] {strides = array<i32>} : memref<128x128xf32, #tpu.memory_space<vmem>>, vector<16xf32>,
        %mul3A_299 = arith.mulf %get3A_298, %gather3A : vector<16xf32>
        %swap3A = arith.index_cast %scan3A_294 : i32 to index
        %swap3A_300 = arith.constant 0 : index
        %swap3A_301 = tpu.vector_load %arg10[%swap3A, %swap3A_300] {strides = array<i32>} : memref<128x128xf32, #tpu.memory_space<vmem>>, vector<16xf32>,
        tpu.vector_store %arg10[%swap3A, %swap3A_300], %mul3A_299 {strides = array<i32>} : memref<128x128xf32, #tpu.memory_space<vmem>>, vector<16xf32>,
        %get3A_302 = arith.index_cast %scan3A_294 : i32 to index
        %get3A_303 = arith.constant 16 : index
        %get3A_304 = tpu.vector_load %arg10[%get3A_302, %get3A_303] {strides = array<i32>} : memref<128x128xf32, #tpu.memory_space<vmem>>, vector<16xf32>,
        %mul3A_305 = arith.mulf %get3A_304, %gather3A : vector<16xf32>
        %swap3A_306 = arith.index_cast %scan3A_294 : i32 to index
        %swap3A_307 = arith.constant 16 : index
        %swap3A_308 = tpu.vector_load %arg10[%swap3A_306, %swap3A_307] {strides = array<i32>} : memref<128x128xf32, #tpu.memory_space<vmem>>, vector<16xf32>,
        tpu.vector_store %arg10[%swap3A_306, %swap3A_307], %mul3A_305 {strides = array<i32>} : memref<128x128xf32, #tpu.memory_space<vmem>>, vector<16xf32>,
        %get3A_309 = arith.index_cast %scan3A_294 : i32 to index
        %get3A_310 = arith.constant 32 : index
        %get3A_311 = tpu.vector_load %arg10[%get3A_309, %get3A_310] {strides = array<i32>} : memref<128x128xf32, #tpu.memory_space<vmem>>, vector<16xf32>,
        %mul3A_312 = arith.mulf %get3A_311, %gather3A : vector<16xf32>
        %swap3A_313 = arith.index_cast %scan3A_294 : i32 to index
        %swap3A_314 = arith.constant 32 : index
        %swap3A_315 = tpu.vector_load %arg10[%swap3A_313, %swap3A_314] {strides = array<i32>} : memref<128x128xf32, #tpu.memory_space<vmem>>, vector<16xf32>,
        tpu.vector_store %arg10[%swap3A_313, %swap3A_314], %mul3A_312 {strides = array<i32>} : memref<128x128xf32, #tpu.memory_space<vmem>>, vector<16xf32>,
        %get3A_316 = arith.index_cast %scan3A_294 : i32 to index
        %get3A_317 = arith.constant 48 : index
        %get3A_318 = tpu.vector_load %arg10[%get3A_316, %get3A_317] {strides = array<i32>} : memref<128x128xf32, #tpu.memory_space<vmem>>, vector<16xf32>,
        %mul3A_319 = arith.mulf %get3A_318, %gather3A : vector<16xf32>
        %swap3A_320 = arith.index_cast %scan3A_294 : i32 to index
        %swap3A_321 = arith.constant 48 : index
        %swap3A_322 = tpu.vector_load %arg10[%swap3A_320, %swap3A_321] {strides = array<i32>} : memref<128x128xf32, #tpu.memory_space<vmem>>, vector<16xf32>,
        tpu.vector_store %arg10[%swap3A_320, %swap3A_321], %mul3A_319 {strides = array<i32>} : memref<128x128xf32, #tpu.memory_space<vmem>>, vector<16xf32>,
        %get3A_323 = arith.index_cast %scan3A_294 : i32 to index
        %get3A_324 = arith.constant 64 : index
        %get3A_325 = tpu.vector_load %arg10[%get3A_323, %get3A_324] {strides = array<i32>} : memref<128x128xf32, #tpu.memory_space<vmem>>, vector<16xf32>,
        %mul3A_326 = arith.mulf %get3A_325, %gather3A : vector<16xf32>
        %swap3A_327 = arith.index_cast %scan3A_294 : i32 to index
        %swap3A_328 = arith.constant 64 : index
        %swap3A_329 = tpu.vector_load %arg10[%swap3A_327, %swap3A_328] {strides = array<i32>} : memref<128x128xf32, #tpu.memory_space<vmem>>, vector<16xf32>,
        tpu.vector_store %arg10[%swap3A_327, %swap3A_328], %mul3A_326 {strides = array<i32>} : memref<128x128xf32, #tpu.memory_space<vmem>>, vector<16xf32>,
        %get3A_330 = arith.index_cast %scan3A_294 : i32 to index
        %get3A_331 = arith.constant 80 : index
        %get3A_332 = tpu.vector_load %arg10[%get3A_330, %get3A_331] {strides = array<i32>} : memref<128x128xf32, #tpu.memory_space<vmem>>, vector<16xf32>,
        %mul3A_333 = arith.mulf %get3A_332, %gather3A : vector<16xf32>
        %swap3A_334 = arith.index_cast %scan3A_294 : i32 to index
        %swap3A_335 = arith.constant 80 : index
        %swap3A_336 = tpu.vector_load %arg10[%swap3A_334, %swap3A_335] {strides = array<i32>} : memref<128x128xf32, #tpu.memory_space<vmem>>, vector<16xf32>,
        tpu.vector_store %arg10[%swap3A_334, %swap3A_335], %mul3A_333 {strides = array<i32>} : memref<128x128xf32, #tpu.memory_space<vmem>>, vector<16xf32>,
        %get3A_337 = arith.index_cast %scan3A_294 : i32 to index
        %get3A_338 = arith.constant 96 : index
        %get3A_339 = tpu.vector_load %arg10[%get3A_337, %get3A_338] {strides = array<i32>} : memref<128x128xf32, #tpu.memory_space<vmem>>, vector<16xf32>,
        %mul3A_340 = arith.mulf %get3A_339, %gather3A : vector<16xf32>
        %swap3A_341 = arith.index_cast %scan3A_294 : i32 to index
        %swap3A_342 = arith.constant 96 : index
        %swap3A_343 = tpu.vector_load %arg10[%swap3A_341, %swap3A_342] {strides = array<i32>} : memref<128x128xf32, #tpu.memory_space<vmem>>, vector<16xf32>,
        tpu.vector_store %arg10[%swap3A_341, %swap3A_342], %mul3A_340 {strides = array<i32>} : memref<128x128xf32, #tpu.memory_space<vmem>>, vector<16xf32>,
        %get3A_344 = arith.index_cast %scan3A_294 : i32 to index
        %get3A_345 = arith.constant 112 : index
        %get3A_346 = tpu.vector_load %arg10[%get3A_344, %get3A_345] {strides = array<i32>} : memref<128x128xf32, #tpu.memory_space<vmem>>, vector<16xf32>,
        %mul3A_347 = arith.mulf %get3A_346, %gather3A : vector<16xf32>
        %swap3A_348 = arith.index_cast %scan3A_294 : i32 to index
        %swap3A_349 = arith.constant 112 : index
        %swap3A_350 = tpu.vector_load %arg10[%swap3A_348, %swap3A_349] {strides = array<i32>} : memref<128x128xf32, #tpu.memory_space<vmem>>, vector<16xf32>,
        tpu.vector_store %arg10[%swap3A_348, %swap3A_349], %mul3A_347 {strides = array<i32>} : memref<128x128xf32, #tpu.memory_space<vmem>>, vector<16xf32>,
        %scan3A_351 = arith.constant 0 : i32
        %scan3A_352 = arith.constant 1 : i32
        %scan3A_353 = arith.addi %scan3A_294, %scan3A_352 : i32
        %broadcast_in_dim3A_354 = vector.broadcast %scan3A_353 : i32 to vector<16xi32>
        %gather3A_355 = tpu.vector_load_idx %arg21[%broadcast_in_dim3A_354] : memref<128xf32, #tpu.memory_space<vmem>>[vector<16xi32>], vector<16xf32>,
        %get3A_356 = arith.index_cast %scan3A_353 : i32 to index
        %get3A_357 = arith.constant 0 : index
        %get3A_358 = tpu.vector_load %arg10[%get3A_356, %get3A_357] {strides = array<i32>} : memref<128x128xf32, #tpu.memory_space<vmem>>, vector<16xf32>,
        %mul3A_359 = arith.mulf %get3A_358, %gather3A_355 : vector<16xf32>
        %swap3A_360 = arith.index_cast %scan3A_353 : i32 to index
        %swap3A_361 = arith.constant 0 : index
        %swap3A_362 = tpu.vector_load %arg10[%swap3A_360, %swap3A_361] {strides = array<i32>} : memref<128x128xf32, #tpu.memory_space<vmem>>, vector<16xf32>,
        tpu.vector_store %arg10[%swap3A_360, %swap3A_361], %mul3A_359 {strides = array<i32>} : memref<128x128xf32, #tpu.memory_space<vmem>>, vector<16xf32>,
        %get3A_363 = arith.index_cast %scan3A_353 : i32 to index
        %get3A_364 = arith.constant 16 : index
        %get3A_365 = tpu.vector_load %arg10[%get3A_363, %get3A_364] {strides = array<i32>} : memref<128x128xf32, #tpu.memory_space<vmem>>, vector<16xf32>,
        %mul3A_366 = arith.mulf %get3A_365, %gather3A_355 : vector<16xf32>
        %swap3A_367 = arith.index_cast %scan3A_353 : i32 to index
        %swap3A_368 = arith.constant 16 : index
        %swap3A_369 = tpu.vector_load %arg10[%swap3A_367, %swap3A_368] {strides = array<i32>} : memref<128x128xf32, #tpu.memory_space<vmem>>, vector<16xf32>,
        tpu.vector_store %arg10[%swap3A_367, %swap3A_368], %mul3A_366 {strides = array<i32>} : memref<128x128xf32, #tpu.memory_space<vmem>>, vector<16xf32>,
        %get3A_370 = arith.index_cast %scan3A_353 : i32 to index
        %get3A_371 = arith.constant 32 : index
        %get3A_372 = tpu.vector_load %arg10[%get3A_370, %get3A_371] {strides = array<i32>} : memref<128x128xf32, #tpu.memory_space<vmem>>, vector<16xf32>,
        %mul3A_373 = arith.mulf %get3A_372, %gather3A_355 : vector<16xf32>
        %swap3A_374 = arith.index_cast %scan3A_353 : i32 to index
        %swap3A_375 = arith.constant 32 : index
        %swap3A_376 = tpu.vector_load %arg10[%swap3A_374, %swap3A_375] {strides = array<i32>} : memref<128x128xf32, #tpu.memory_space<vmem>>, vector<16xf32>,
        tpu.vector_store %arg10[%swap3A_374, %swap3A_375], %mul3A_373 {strides = array<i32>} : memref<128x128xf32, #tpu.memory_space<vmem>>, vector<16xf32>,
        %get3A_377 = arith.index_cast %scan3A_353 : i32 to index
        %get3A_378 = arith.constant 48 : index
        %get3A_379 = tpu.vector_load %arg10[%get3A_377, %get3A_378] {strides = array<i32>} : memref<128x128xf32, #tpu.memory_space<vmem>>, vector<16xf32>,
        %mul3A_380 = arith.mulf %get3A_379, %gather3A_355 : vector<16xf32>
        %swap3A_381 = arith.index_cast %scan3A_353 : i32 to index
        %swap3A_382 = arith.constant 48 : index
        %swap3A_383 = tpu.vector_load %arg10[%swap3A_381, %swap3A_382] {strides = array<i32>} : memref<128x128xf32, #tpu.memory_space<vmem>>, vector<16xf32>,
        tpu.vector_store %arg10[%swap3A_381, %swap3A_382], %mul3A_380 {strides = array<i32>} : memref<128x128xf32, #tpu.memory_space<vmem>>, vector<16xf32>,
        %get3A_384 = arith.index_cast %scan3A_353 : i32 to index
        %get3A_385 = arith.constant 64 : index
        %get3A_386 = tpu.vector_load %arg10[%get3A_384, %get3A_385] {strides = array<i32>} : memref<128x128xf32, #tpu.memory_space<vmem>>, vector<16xf32>,
        %mul3A_387 = arith.mulf %get3A_386, %gather3A_355 : vector<16xf32>
        %swap3A_388 = arith.index_cast %scan3A_353 : i32 to index
        %swap3A_389 = arith.constant 64 : index
        %swap3A_390 = tpu.vector_load %arg10[%swap3A_388, %swap3A_389] {strides = array<i32>} : memref<128x128xf32, #tpu.memory_space<vmem>>, vector<16xf32>,
        tpu.vector_store %arg10[%swap3A_388, %swap3A_389], %mul3A_387 {strides = array<i32>} : memref<128x128xf32, #tpu.memory_space<vmem>>, vector<16xf32>,
        %get3A_391 = arith.index_cast %scan3A_353 : i32 to index
        %get3A_392 = arith.constant 80 : index
        %get3A_393 = tpu.vector_load %arg10[%get3A_391, %get3A_392] {strides = array<i32>} : memref<128x128xf32, #tpu.memory_space<vmem>>, vector<16xf32>,
        %mul3A_394 = arith.mulf %get3A_393, %gather3A_355 : vector<16xf32>
        %swap3A_395 = arith.index_cast %scan3A_353 : i32 to index
        %swap3A_396 = arith.constant 80 : index
        %swap3A_397 = tpu.vector_load %arg10[%swap3A_395, %swap3A_396] {strides = array<i32>} : memref<128x128xf32, #tpu.memory_space<vmem>>, vector<16xf32>,
        tpu.vector_store %arg10[%swap3A_395, %swap3A_396], %mul3A_394 {strides = array<i32>} : memref<128x128xf32, #tpu.memory_space<vmem>>, vector<16xf32>,
        %get3A_398 = arith.index_cast %scan3A_353 : i32 to index
        %get3A_399 = arith.constant 96 : index
        %get3A_400 = tpu.vector_load %arg10[%get3A_398, %get3A_399] {strides = array<i32>} : memref<128x128xf32, #tpu.memory_space<vmem>>, vector<16xf32>,
        %mul3A_401 = arith.mulf %get3A_400, %gather3A_355 : vector<16xf32>
        %swap3A_402 = arith.index_cast %scan3A_353 : i32 to index
        %swap3A_403 = arith.constant 96 : index
        %swap3A_404 = tpu.vector_load %arg10[%swap3A_402, %swap3A_403] {strides = array<i32>} : memref<128x128xf32, #tpu.memory_space<vmem>>, vector<16xf32>,
        tpu.vector_store %arg10[%swap3A_402, %swap3A_403], %mul3A_401 {strides = array<i32>} : memref<128x128xf32, #tpu.memory_space<vmem>>, vector<16xf32>,
        %get3A_405 = arith.index_cast %scan3A_353 : i32 to index
        %get3A_406 = arith.constant 112 : index
        %get3A_407 = tpu.vector_load %arg10[%get3A_405, %get3A_406] {strides = array<i32>} : memref<128x128xf32, #tpu.memory_space<vmem>>, vector<16xf32>,
        %mul3A_408 = arith.mulf %get3A_407, %gather3A_355 : vector<16xf32>
        %swap3A_409 = arith.index_cast %scan3A_353 : i32 to index
        %swap3A_410 = arith.constant 112 : index
        %swap3A_411 = tpu.vector_load %arg10[%swap3A_409, %swap3A_410] {strides = array<i32>} : memref<128x128xf32, #tpu.memory_space<vmem>>, vector<16xf32>,
        tpu.vector_store %arg10[%swap3A_409, %swap3A_410], %mul3A_408 {strides = array<i32>} : memref<128x128xf32, #tpu.memory_space<vmem>>, vector<16xf32>,
        %scan3A_412 = arith.constant 0 : i32
        %scan3A_413 = arith.constant 2 : i32
        %scan3A_414 = arith.addi %scan3A_294, %scan3A_413 : i32
        %broadcast_in_dim3A_415 = vector.broadcast %scan3A_414 : i32 to vector<16xi32>
        %gather3A_416 = tpu.vector_load_idx %arg21[%broadcast_in_dim3A_415] : memref<128xf32, #tpu.memory_space<vmem>>[vector<16xi32>], vector<16xf32>,
        %get3A_417 = arith.index_cast %scan3A_414 : i32 to index
        %get3A_418 = arith.constant 0 : index
        %get3A_419 = tpu.vector_load %arg10[%get3A_417, %get3A_418] {strides = array<i32>} : memref<128x128xf32, #tpu.memory_space<vmem>>, vector<16xf32>,
        %mul3A_420 = arith.mulf %get3A_419, %gather3A_416 : vector<16xf32>
        %swap3A_421 = arith.index_cast %scan3A_414 : i32 to index
        %swap3A_422 = arith.constant 0 : index
        %swap3A_423 = tpu.vector_load %arg10[%swap3A_421, %swap3A_422] {strides = array<i32>} : memref<128x128xf32, #tpu.memory_space<vmem>>, vector<16xf32>,
        tpu.vector_store %arg10[%swap3A_421, %swap3A_422], %mul3A_420 {strides = array<i32>} : memref<128x128xf32, #tpu.memory_space<vmem>>, vector<16xf32>,
        %get3A_424 = arith.index_cast %scan3A_414 : i32 to index
        %get3A_425 = arith.constant 16 : index
        %get3A_426 = tpu.vector_load %arg10[%get3A_424, %get3A_425] {strides = array<i32>} : memref<128x128xf32, #tpu.memory_space<vmem>>, vector<16xf32>,
        %mul3A_427 = arith.mulf %get3A_426, %gather3A_416 : vector<16xf32>
        %swap3A_428 = arith.index_cast %scan3A_414 : i32 to index
        %swap3A_429 = arith.constant 16 : index
        %swap3A_430 = tpu.vector_load %arg10[%swap3A_428, %swap3A_429] {strides = array<i32>} : memref<128x128xf32, #tpu.memory_space<vmem>>, vector<16xf32>,
        tpu.vector_store %arg10[%swap3A_428, %swap3A_429], %mul3A_427 {strides = array<i32>} : memref<128x128xf32, #tpu.memory_space<vmem>>, vector<16xf32>,
        %get3A_431 = arith.index_cast %scan3A_414 : i32 to index
        %get3A_432 = arith.constant 32 : index
        %get3A_433 = tpu.vector_load %arg10[%get3A_431, %get3A_432] {strides = array<i32>} : memref<128x128xf32, #tpu.memory_space<vmem>>, vector<16xf32>,
        %mul3A_434 = arith.mulf %get3A_433, %gather3A_416 : vector<16xf32>
        %swap3A_435 = arith.index_cast %scan3A_414 : i32 to index
        %swap3A_436 = arith.constant 32 : index
        %swap3A_437 = tpu.vector_load %arg10[%swap3A_435, %swap3A_436] {strides = array<i32>} : memref<128x128xf32, #tpu.memory_space<vmem>>, vector<16xf32>,
        tpu.vector_store %arg10[%swap3A_435, %swap3A_436], %mul3A_434 {strides = array<i32>} : memref<128x128xf32, #tpu.memory_space<vmem>>, vector<16xf32>,
        %get3A_438 = arith.index_cast %scan3A_414 : i32 to index
        %get3A_439 = arith.constant 48 : index
        %get3A_440 = tpu.vector_load %arg10[%get3A_438, %get3A_439] {strides = array<i32>} : memref<128x128xf32, #tpu.memory_space<vmem>>, vector<16xf32>,
        %mul3A_441 = arith.mulf %get3A_440, %gather3A_416 : vector<16xf32>
        %swap3A_442 = arith.index_cast %scan3A_414 : i32 to index
        %swap3A_443 = arith.constant 48 : index
        %swap3A_444 = tpu.vector_load %arg10[%swap3A_442, %swap3A_443] {strides = array<i32>} : memref<128x128xf32, #tpu.memory_space<vmem>>, vector<16xf32>,
        tpu.vector_store %arg10[%swap3A_442, %swap3A_443], %mul3A_441 {strides = array<i32>} : memref<128x128xf32, #tpu.memory_space<vmem>>, vector<16xf32>,
        %get3A_445 = arith.index_cast %scan3A_414 : i32 to index
        %get3A_446 = arith.constant 64 : index
        %get3A_447 = tpu.vector_load %arg10[%get3A_445, %get3A_446] {strides = array<i32>} : memref<128x128xf32, #tpu.memory_space<vmem>>, vector<16xf32>,
        %mul3A_448 = arith.mulf %get3A_447, %gather3A_416 : vector<16xf32>
        %swap3A_449 = arith.index_cast %scan3A_414 : i32 to index
        %swap3A_450 = arith.constant 64 : index
        %swap3A_451 = tpu.vector_load %arg10[%swap3A_449, %swap3A_450] {strides = array<i32>} : memref<128x128xf32, #tpu.memory_space<vmem>>, vector<16xf32>,
        tpu.vector_store %arg10[%swap3A_449, %swap3A_450], %mul3A_448 {strides = array<i32>} : memref<128x128xf32, #tpu.memory_space<vmem>>, vector<16xf32>,
        %get3A_452 = arith.index_cast %scan3A_414 : i32 to index
        %get3A_453 = arith.constant 80 : index
        %get3A_454 = tpu.vector_load %arg10[%get3A_452, %get3A_453] {strides = array<i32>} : memref<128x128xf32, #tpu.memory_space<vmem>>, vector<16xf32>,
        %mul3A_455 = arith.mulf %get3A_454, %gather3A_416 : vector<16xf32>
        %swap3A_456 = arith.index_cast %scan3A_414 : i32 to index
        %swap3A_457 = arith.constant 80 : index
        %swap3A_458 = tpu.vector_load %arg10[%swap3A_456, %swap3A_457] {strides = array<i32>} : memref<128x128xf32, #tpu.memory_space<vmem>>, vector<16xf32>,
        tpu.vector_store %arg10[%swap3A_456, %swap3A_457], %mul3A_455 {strides = array<i32>} : memref<128x128xf32, #tpu.memory_space<vmem>>, vector<16xf32>,
        %get3A_459 = arith.index_cast %scan3A_414 : i32 to index
        %get3A_460 = arith.constant 96 : index
        %get3A_461 = tpu.vector_load %arg10[%get3A_459, %get3A_460] {strides = array<i32>} : memref<128x128xf32, #tpu.memory_space<vmem>>, vector<16xf32>,
        %mul3A_462 = arith.mulf %get3A_461, %gather3A_416 : vector<16xf32>
        %swap3A_463 = arith.index_cast %scan3A_414 : i32 to index
        %swap3A_464 = arith.constant 96 : index
        %swap3A_465 = tpu.vector_load %arg10[%swap3A_463, %swap3A_464] {strides = array<i32>} : memref<128x128xf32, #tpu.memory_space<vmem>>, vector<16xf32>,
        tpu.vector_store %arg10[%swap3A_463, %swap3A_464], %mul3A_462 {strides = array<i32>} : memref<128x128xf32, #tpu.memory_space<vmem>>, vector<16xf32>,
        %get3A_466 = arith.index_cast %scan3A_414 : i32 to index
        %get3A_467 = arith.constant 112 : index
        %get3A_468 = tpu.vector_load %arg10[%get3A_466, %get3A_467] {strides = array<i32>} : memref<128x128xf32, #tpu.memory_space<vmem>>, vector<16xf32>,
        %mul3A_469 = arith.mulf %get3A_468, %gather3A_416 : vector<16xf32>
        %swap3A_470 = arith.index_cast %scan3A_414 : i32 to index
        %swap3A_471 = arith.constant 112 : index
        %swap3A_472 = tpu.vector_load %arg10[%swap3A_470, %swap3A_471] {strides = array<i32>} : memref<128x128xf32, #tpu.memory_space<vmem>>, vector<16xf32>,
        tpu.vector_store %arg10[%swap3A_470, %swap3A_471], %mul3A_469 {strides = array<i32>} : memref<128x128xf32, #tpu.memory_space<vmem>>, vector<16xf32>,
        %scan3A_473 = arith.constant 0 : i32
        %scan3A_474 = arith.constant 3 : i32
        %scan3A_475 = arith.addi %scan3A_294, %scan3A_474 : i32
        %broadcast_in_dim3A_476 = vector.broadcast %scan3A_475 : i32 to vector<16xi32>
        %gather3A_477 = tpu.vector_load_idx %arg21[%broadcast_in_dim3A_476] : memref<128xf32, #tpu.memory_space<vmem>>[vector<16xi32>], vector<16xf32>,
        %get3A_478 = arith.index_cast %scan3A_475 : i32 to index
        %get3A_479 = arith.constant 0 : index
        %get3A_480 = tpu.vector_load %arg10[%get3A_478, %get3A_479] {strides = array<i32>} : memref<128x128xf32, #tpu.memory_space<vmem>>, vector<16xf32>,
        %mul3A_481 = arith.mulf %get3A_480, %gather3A_477 : vector<16xf32>
        %swap3A_482 = arith.index_cast %scan3A_475 : i32 to index
        %swap3A_483 = arith.constant 0 : index
        %swap3A_484 = tpu.vector_load %arg10[%swap3A_482, %swap3A_483] {strides = array<i32>} : memref<128x128xf32, #tpu.memory_space<vmem>>, vector<16xf32>,
        tpu.vector_store %arg10[%swap3A_482, %swap3A_483], %mul3A_481 {strides = array<i32>} : memref<128x128xf32, #tpu.memory_space<vmem>>, vector<16xf32>,
        %get3A_485 = arith.index_cast %scan3A_475 : i32 to index
        %get3A_486 = arith.constant 16 : index
        %get3A_487 = tpu.vector_load %arg10[%get3A_485, %get3A_486] {strides = array<i32>} : memref<128x128xf32, #tpu.memory_space<vmem>>, vector<16xf32>,
        %mul3A_488 = arith.mulf %get3A_487, %gather3A_477 : vector<16xf32>
        %swap3A_489 = arith.index_cast %scan3A_475 : i32 to index
        %swap3A_490 = arith.constant 16 : index
        %swap3A_491 = tpu.vector_load %arg10[%swap3A_489, %swap3A_490] {strides = array<i32>} : memref<128x128xf32, #tpu.memory_space<vmem>>, vector<16xf32>,
        tpu.vector_store %arg10[%swap3A_489, %swap3A_490], %mul3A_488 {strides = array<i32>} : memref<128x128xf32, #tpu.memory_space<vmem>>, vector<16xf32>,
        %get3A_492 = arith.index_cast %scan3A_475 : i32 to index
        %get3A_493 = arith.constant 32 : index
        %get3A_494 = tpu.vector_load %arg10[%get3A_492, %get3A_493] {strides = array<i32>} : memref<128x128xf32, #tpu.memory_space<vmem>>, vector<16xf32>,
        %mul3A_495 = arith.mulf %get3A_494, %gather3A_477 : vector<16xf32>
        %swap3A_496 = arith.index_cast %scan3A_475 : i32 to index
        %swap3A_497 = arith.constant 32 : index
        %swap3A_498 = tpu.vector_load %arg10[%swap3A_496, %swap3A_497] {strides = array<i32>} : memref<128x128xf32, #tpu.memory_space<vmem>>, vector<16xf32>,
        tpu.vector_store %arg10[%swap3A_496, %swap3A_497], %mul3A_495 {strides = array<i32>} : memref<128x128xf32, #tpu.memory_space<vmem>>, vector<16xf32>,
        %get3A_499 = arith.index_cast %scan3A_475 : i32 to index
        %get3A_500 = arith.constant 48 : index
        %get3A_501 = tpu.vector_load %arg10[%get3A_499, %get3A_500] {strides = array<i32>} : memref<128x128xf32, #tpu.memory_space<vmem>>, vector<16xf32>,
        %mul3A_502 = arith.mulf %get3A_501, %gather3A_477 : vector<16xf32>
        %swap3A_503 = arith.index_cast %scan3A_475 : i32 to index
        %swap3A_504 = arith.constant 48 : index
        %swap3A_505 = tpu.vector_load %arg10[%swap3A_503, %swap3A_504] {strides = array<i32>} : memref<128x128xf32, #tpu.memory_space<vmem>>, vector<16xf32>,
        tpu.vector_store %arg10[%swap3A_503, %swap3A_504], %mul3A_502 {strides = array<i32>} : memref<128x128xf32, #tpu.memory_space<vmem>>, vector<16xf32>,
        %get3A_506 = arith.index_cast %scan3A_475 : i32 to index
        %get3A_507 = arith.constant 64 : index
        %get3A_508 = tpu.vector_load %arg10[%get3A_506, %get3A_507] {strides = array<i32>} : memref<128x128xf32, #tpu.memory_space<vmem>>, vector<16xf32>,
        %mul3A_509 = arith.mulf %get3A_508, %gather3A_477 : vector<16xf32>
        %swap3A_510 = arith.index_cast %scan3A_475 : i32 to index
        %swap3A_511 = arith.constant 64 : index
        %swap3A_512 = tpu.vector_load %arg10[%swap3A_510, %swap3A_511] {strides = array<i32>} : memref<128x128xf32, #tpu.memory_space<vmem>>, vector<16xf32>,
        tpu.vector_store %arg10[%swap3A_510, %swap3A_511], %mul3A_509 {strides = array<i32>} : memref<128x128xf32, #tpu.memory_space<vmem>>, vector<16xf32>,
        %get3A_513 = arith.index_cast %scan3A_475 : i32 to index
        %get3A_514 = arith.constant 80 : index
        %get3A_515 = tpu.vector_load %arg10[%get3A_513, %get3A_514] {strides = array<i32>} : memref<128x128xf32, #tpu.memory_space<vmem>>, vector<16xf32>,
        %mul3A_516 = arith.mulf %get3A_515, %gather3A_477 : vector<16xf32>
        %swap3A_517 = arith.index_cast %scan3A_475 : i32 to index
        %swap3A_518 = arith.constant 80 : index
        %swap3A_519 = tpu.vector_load %arg10[%swap3A_517, %swap3A_518] {strides = array<i32>} : memref<128x128xf32, #tpu.memory_space<vmem>>, vector<16xf32>,
        tpu.vector_store %arg10[%swap3A_517, %swap3A_518], %mul3A_516 {strides = array<i32>} : memref<128x128xf32, #tpu.memory_space<vmem>>, vector<16xf32>,
        %get3A_520 = arith.index_cast %scan3A_475 : i32 to index
        %get3A_521 = arith.constant 96 : index
        %get3A_522 = tpu.vector_load %arg10[%get3A_520, %get3A_521] {strides = array<i32>} : memref<128x128xf32, #tpu.memory_space<vmem>>, vector<16xf32>,
        %mul3A_523 = arith.mulf %get3A_522, %gather3A_477 : vector<16xf32>
        %swap3A_524 = arith.index_cast %scan3A_475 : i32 to index
        %swap3A_525 = arith.constant 96 : index
        %swap3A_526 = tpu.vector_load %arg10[%swap3A_524, %swap3A_525] {strides = array<i32>} : memref<128x128xf32, #tpu.memory_space<vmem>>, vector<16xf32>,
        tpu.vector_store %arg10[%swap3A_524, %swap3A_525], %mul3A_523 {strides = array<i32>} : memref<128x128xf32, #tpu.memory_space<vmem>>, vector<16xf32>,
        %get3A_527 = arith.index_cast %scan3A_475 : i32 to index
        %get3A_528 = arith.constant 112 : index
        %get3A_529 = tpu.vector_load %arg10[%get3A_527, %get3A_528] {strides = array<i32>} : memref<128x128xf32, #tpu.memory_space<vmem>>, vector<16xf32>,
        %mul3A_530 = arith.mulf %get3A_529, %gather3A_477 : vector<16xf32>
        %swap3A_531 = arith.index_cast %scan3A_475 : i32 to index
        %swap3A_532 = arith.constant 112 : index
        %swap3A_533 = tpu.vector_load %arg10[%swap3A_531, %swap3A_532] {strides = array<i32>} : memref<128x128xf32, #tpu.memory_space<vmem>>, vector<16xf32>,
        tpu.vector_store %arg10[%swap3A_531, %swap3A_532], %mul3A_530 {strides = array<i32>} : memref<128x128xf32, #tpu.memory_space<vmem>>, vector<16xf32>,
        %scan3A_534 = arith.constant 0 : i32
        %scan3A_535 = arith.constant 4 : i32
        %scan3A_536 = arith.addi %scan3A_294, %scan3A_535 : i32
        %broadcast_in_dim3A_537 = vector.broadcast %scan3A_536 : i32 to vector<16xi32>
        %gather3A_538 = tpu.vector_load_idx %arg21[%broadcast_in_dim3A_537] : memref<128xf32, #tpu.memory_space<vmem>>[vector<16xi32>], vector<16xf32>,
        %get3A_539 = arith.index_cast %scan3A_536 : i32 to index
        %get3A_540 = arith.constant 0 : index
        %get3A_541 = tpu.vector_load %arg10[%get3A_539, %get3A_540] {strides = array<i32>} : memref<128x128xf32, #tpu.memory_space<vmem>>, vector<16xf32>,
        %mul3A_542 = arith.mulf %get3A_541, %gather3A_538 : vector<16xf32>
        %swap3A_543 = arith.index_cast %scan3A_536 : i32 to index
        %swap3A_544 = arith.constant 0 : index
        %swap3A_545 = tpu.vector_load %arg10[%swap3A_543, %swap3A_544] {strides = array<i32>} : memref<128x128xf32, #tpu.memory_space<vmem>>, vector<16xf32>,
        tpu.vector_store %arg10[%swap3A_543, %swap3A_544], %mul3A_542 {strides = array<i32>} : memref<128x128xf32, #tpu.memory_space<vmem>>, vector<16xf32>,
        %get3A_546 = arith.index_cast %scan3A_536 : i32 to index
        %get3A_547 = arith.constant 16 : index
        %get3A_548 = tpu.vector_load %arg10[%get3A_546, %get3A_547] {strides = array<i32>} : memref<128x128xf32, #tpu.memory_space<vmem>>, vector<16xf32>,
        %mul3A_549 = arith.mulf %get3A_548, %gather3A_538 : vector<16xf32>
        %swap3A_550 = arith.index_cast %scan3A_536 : i32 to index
        %swap3A_551 = arith.constant 16 : index
        %swap3A_552 = tpu.vector_load %arg10[%swap3A_550, %swap3A_551] {strides = array<i32>} : memref<128x128xf32, #tpu.memory_space<vmem>>, vector<16xf32>,
        tpu.vector_store %arg10[%swap3A_550, %swap3A_551], %mul3A_549 {strides = array<i32>} : memref<128x128xf32, #tpu.memory_space<vmem>>, vector<16xf32>,
        %get3A_553 = arith.index_cast %scan3A_536 : i32 to index
        %get3A_554 = arith.constant 32 : index
        %get3A_555 = tpu.vector_load %arg10[%get3A_553, %get3A_554] {strides = array<i32>} : memref<128x128xf32, #tpu.memory_space<vmem>>, vector<16xf32>,
        %mul3A_556 = arith.mulf %get3A_555, %gather3A_538 : vector<16xf32>
        %swap3A_557 = arith.index_cast %scan3A_536 : i32 to index
        %swap3A_558 = arith.constant 32 : index
        %swap3A_559 = tpu.vector_load %arg10[%swap3A_557, %swap3A_558] {strides = array<i32>} : memref<128x128xf32, #tpu.memory_space<vmem>>, vector<16xf32>,
        tpu.vector_store %arg10[%swap3A_557, %swap3A_558], %mul3A_556 {strides = array<i32>} : memref<128x128xf32, #tpu.memory_space<vmem>>, vector<16xf32>,
        %get3A_560 = arith.index_cast %scan3A_536 : i32 to index
        %get3A_561 = arith.constant 48 : index
        %get3A_562 = tpu.vector_load %arg10[%get3A_560, %get3A_561] {strides = array<i32>} : memref<128x128xf32, #tpu.memory_space<vmem>>, vector<16xf32>,
        %mul3A_563 = arith.mulf %get3A_562, %gather3A_538 : vector<16xf32>
        %swap3A_564 = arith.index_cast %scan3A_536 : i32 to index
        %swap3A_565 = arith.constant 48 : index
        %swap3A_566 = tpu.vector_load %arg10[%swap3A_564, %swap3A_565] {strides = array<i32>} : memref<128x128xf32, #tpu.memory_space<vmem>>, vector<16xf32>,
        tpu.vector_store %arg10[%swap3A_564, %swap3A_565], %mul3A_563 {strides = array<i32>} : memref<128x128xf32, #tpu.memory_space<vmem>>, vector<16xf32>,
        %get3A_567 = arith.index_cast %scan3A_536 : i32 to index
        %get3A_568 = arith.constant 64 : index
        %get3A_569 = tpu.vector_load %arg10[%get3A_567, %get3A_568] {strides = array<i32>} : memref<128x128xf32, #tpu.memory_space<vmem>>, vector<16xf32>,
        %mul3A_570 = arith.mulf %get3A_569, %gather3A_538 : vector<16xf32>
        %swap3A_571 = arith.index_cast %scan3A_536 : i32 to index
        %swap3A_572 = arith.constant 64 : index
        %swap3A_573 = tpu.vector_load %arg10[%swap3A_571, %swap3A_572] {strides = array<i32>} : memref<128x128xf32, #tpu.memory_space<vmem>>, vector<16xf32>,
        tpu.vector_store %arg10[%swap3A_571, %swap3A_572], %mul3A_570 {strides = array<i32>} : memref<128x128xf32, #tpu.memory_space<vmem>>, vector<16xf32>,
        %get3A_574 = arith.index_cast %scan3A_536 : i32 to index
        %get3A_575 = arith.constant 80 : index
        %get3A_576 = tpu.vector_load %arg10[%get3A_574, %get3A_575] {strides = array<i32>} : memref<128x128xf32, #tpu.memory_space<vmem>>, vector<16xf32>,
        %mul3A_577 = arith.mulf %get3A_576, %gather3A_538 : vector<16xf32>
        %swap3A_578 = arith.index_cast %scan3A_536 : i32 to index
        %swap3A_579 = arith.constant 80 : index
        %swap3A_580 = tpu.vector_load %arg10[%swap3A_578, %swap3A_579] {strides = array<i32>} : memref<128x128xf32, #tpu.memory_space<vmem>>, vector<16xf32>,
        tpu.vector_store %arg10[%swap3A_578, %swap3A_579], %mul3A_577 {strides = array<i32>} : memref<128x128xf32, #tpu.memory_space<vmem>>, vector<16xf32>,
        %get3A_581 = arith.index_cast %scan3A_536 : i32 to index
        %get3A_582 = arith.constant 96 : index
        %get3A_583 = tpu.vector_load %arg10[%get3A_581, %get3A_582] {strides = array<i32>} : memref<128x128xf32, #tpu.memory_space<vmem>>, vector<16xf32>,
        %mul3A_584 = arith.mulf %get3A_583, %gather3A_538 : vector<16xf32>
        %swap3A_585 = arith.index_cast %scan3A_536 : i32 to index
        %swap3A_586 = arith.constant 96 : index
        %swap3A_587 = tpu.vector_load %arg10[%swap3A_585, %swap3A_586] {strides = array<i32>} : memref<128x128xf32, #tpu.memory_space<vmem>>, vector<16xf32>,
        tpu.vector_store %arg10[%swap3A_585, %swap3A_586], %mul3A_584 {strides = array<i32>} : memref<128x128xf32, #tpu.memory_space<vmem>>, vector<16xf32>,
        %get3A_588 = arith.index_cast %scan3A_536 : i32 to index
        %get3A_589 = arith.constant 112 : index
        %get3A_590 = tpu.vector_load %arg10[%get3A_588, %get3A_589] {strides = array<i32>} : memref<128x128xf32, #tpu.memory_space<vmem>>, vector<16xf32>,
        %mul3A_591 = arith.mulf %get3A_590, %gather3A_538 : vector<16xf32>
        %swap3A_592 = arith.index_cast %scan3A_536 : i32 to index
        %swap3A_593 = arith.constant 112 : index
        %swap3A_594 = tpu.vector_load %arg10[%swap3A_592, %swap3A_593] {strides = array<i32>} : memref<128x128xf32, #tpu.memory_space<vmem>>, vector<16xf32>,
        tpu.vector_store %arg10[%swap3A_592, %swap3A_593], %mul3A_591 {strides = array<i32>} : memref<128x128xf32, #tpu.memory_space<vmem>>, vector<16xf32>,
        %scan3A_595 = arith.constant 0 : i32
        %scan3A_596 = arith.constant 5 : i32
        %scan3A_597 = arith.addi %scan3A_294, %scan3A_596 : i32
        %broadcast_in_dim3A_598 = vector.broadcast %scan3A_597 : i32 to vector<16xi32>
        %gather3A_599 = tpu.vector_load_idx %arg21[%broadcast_in_dim3A_598] : memref<128xf32, #tpu.memory_space<vmem>>[vector<16xi32>], vector<16xf32>,
        %get3A_600 = arith.index_cast %scan3A_597 : i32 to index
        %get3A_601 = arith.constant 0 : index
        %get3A_602 = tpu.vector_load %arg10[%get3A_600, %get3A_601] {strides = array<i32>} : memref<128x128xf32, #tpu.memory_space<vmem>>, vector<16xf32>,
        %mul3A_603 = arith.mulf %get3A_602, %gather3A_599 : vector<16xf32>
        %swap3A_604 = arith.index_cast %scan3A_597 : i32 to index
        %swap3A_605 = arith.constant 0 : index
        %swap3A_606 = tpu.vector_load %arg10[%swap3A_604, %swap3A_605] {strides = array<i32>} : memref<128x128xf32, #tpu.memory_space<vmem>>, vector<16xf32>,
        tpu.vector_store %arg10[%swap3A_604, %swap3A_605], %mul3A_603 {strides = array<i32>} : memref<128x128xf32, #tpu.memory_space<vmem>>, vector<16xf32>,
        %get3A_607 = arith.index_cast %scan3A_597 : i32 to index
        %get3A_608 = arith.constant 16 : index
        %get3A_609 = tpu.vector_load %arg10[%get3A_607, %get3A_608] {strides = array<i32>} : memref<128x128xf32, #tpu.memory_space<vmem>>, vector<16xf32>,
        %mul3A_610 = arith.mulf %get3A_609, %gather3A_599 : vector<16xf32>
        %swap3A_611 = arith.index_cast %scan3A_597 : i32 to index
        %swap3A_612 = arith.constant 16 : index
        %swap3A_613 = tpu.vector_load %arg10[%swap3A_611, %swap3A_612] {strides = array<i32>} : memref<128x128xf32, #tpu.memory_space<vmem>>, vector<16xf32>,
        tpu.vector_store %arg10[%swap3A_611, %swap3A_612], %mul3A_610 {strides = array<i32>} : memref<128x128xf32, #tpu.memory_space<vmem>>, vector<16xf32>,
        %get3A_614 = arith.index_cast %scan3A_597 : i32 to index
        %get3A_615 = arith.constant 32 : index
        %get3A_616 = tpu.vector_load %arg10[%get3A_614, %get3A_615] {strides = array<i32>} : memref<128x128xf32, #tpu.memory_space<vmem>>, vector<16xf32>,
        %mul3A_617 = arith.mulf %get3A_616, %gather3A_599 : vector<16xf32>
        %swap3A_618 = arith.index_cast %scan3A_597 : i32 to index
        %swap3A_619 = arith.constant 32 : index
        %swap3A_620 = tpu.vector_load %arg10[%swap3A_618, %swap3A_619] {strides = array<i32>} : memref<128x128xf32, #tpu.memory_space<vmem>>, vector<16xf32>,
        tpu.vector_store %arg10[%swap3A_618, %swap3A_619], %mul3A_617 {strides = array<i32>} : memref<128x128xf32, #tpu.memory_space<vmem>>, vector<16xf32>,
        %get3A_621 = arith.index_cast %scan3A_597 : i32 to index
        %get3A_622 = arith.constant 48 : index
        %get3A_623 = tpu.vector_load %arg10[%get3A_621, %get3A_622] {strides = array<i32>} : memref<128x128xf32, #tpu.memory_space<vmem>>, vector<16xf32>,
        %mul3A_624 = arith.mulf %get3A_623, %gather3A_599 : vector<16xf32>
        %swap3A_625 = arith.index_cast %scan3A_597 : i32 to index
        %swap3A_626 = arith.constant 48 : index
        %swap3A_627 = tpu.vector_load %arg10[%swap3A_625, %swap3A_626] {strides = array<i32>} : memref<128x128xf32, #tpu.memory_space<vmem>>, vector<16xf32>,
        tpu.vector_store %arg10[%swap3A_625, %swap3A_626], %mul3A_624 {strides = array<i32>} : memref<128x128xf32, #tpu.memory_space<vmem>>, vector<16xf32>,
        %get3A_628 = arith.index_cast %scan3A_597 : i32 to index
        %get3A_629 = arith.constant 64 : index
        %get3A_630 = tpu.vector_load %arg10[%get3A_628, %get3A_629] {strides = array<i32>} : memref<128x128xf32, #tpu.memory_space<vmem>>, vector<16xf32>,
        %mul3A_631 = arith.mulf %get3A_630, %gather3A_599 : vector<16xf32>
        %swap3A_632 = arith.index_cast %scan3A_597 : i32 to index
        %swap3A_633 = arith.constant 64 : index
        %swap3A_634 = tpu.vector_load %arg10[%swap3A_632, %swap3A_633] {strides = array<i32>} : memref<128x128xf32, #tpu.memory_space<vmem>>, vector<16xf32>,
        tpu.vector_store %arg10[%swap3A_632, %swap3A_633], %mul3A_631 {strides = array<i32>} : memref<128x128xf32, #tpu.memory_space<vmem>>, vector<16xf32>,
        %get3A_635 = arith.index_cast %scan3A_597 : i32 to index
        %get3A_636 = arith.constant 80 : index
        %get3A_637 = tpu.vector_load %arg10[%get3A_635, %get3A_636] {strides = array<i32>} : memref<128x128xf32, #tpu.memory_space<vmem>>, vector<16xf32>,
        %mul3A_638 = arith.mulf %get3A_637, %gather3A_599 : vector<16xf32>
        %swap3A_639 = arith.index_cast %scan3A_597 : i32 to index
        %swap3A_640 = arith.constant 80 : index
        %swap3A_641 = tpu.vector_load %arg10[%swap3A_639, %swap3A_640] {strides = array<i32>} : memref<128x128xf32, #tpu.memory_space<vmem>>, vector<16xf32>,
        tpu.vector_store %arg10[%swap3A_639, %swap3A_640], %mul3A_638 {strides = array<i32>} : memref<128x128xf32, #tpu.memory_space<vmem>>, vector<16xf32>,
        %get3A_642 = arith.index_cast %scan3A_597 : i32 to index
        %get3A_643 = arith.constant 96 : index
        %get3A_644 = tpu.vector_load %arg10[%get3A_642, %get3A_643] {strides = array<i32>} : memref<128x128xf32, #tpu.memory_space<vmem>>, vector<16xf32>,
        %mul3A_645 = arith.mulf %get3A_644, %gather3A_599 : vector<16xf32>
        %swap3A_646 = arith.index_cast %scan3A_597 : i32 to index
        %swap3A_647 = arith.constant 96 : index
        %swap3A_648 = tpu.vector_load %arg10[%swap3A_646, %swap3A_647] {strides = array<i32>} : memref<128x128xf32, #tpu.memory_space<vmem>>, vector<16xf32>,
        tpu.vector_store %arg10[%swap3A_646, %swap3A_647], %mul3A_645 {strides = array<i32>} : memref<128x128xf32, #tpu.memory_space<vmem>>, vector<16xf32>,
        %get3A_649 = arith.index_cast %scan3A_597 : i32 to index
        %get3A_650 = arith.constant 112 : index
        %get3A_651 = tpu.vector_load %arg10[%get3A_649, %get3A_650] {strides = array<i32>} : memref<128x128xf32, #tpu.memory_space<vmem>>, vector<16xf32>,
        %mul3A_652 = arith.mulf %get3A_651, %gather3A_599 : vector<16xf32>
        %swap3A_653 = arith.index_cast %scan3A_597 : i32 to index
        %swap3A_654 = arith.constant 112 : index
        %swap3A_655 = tpu.vector_load %arg10[%swap3A_653, %swap3A_654] {strides = array<i32>} : memref<128x128xf32, #tpu.memory_space<vmem>>, vector<16xf32>,
        tpu.vector_store %arg10[%swap3A_653, %swap3A_654], %mul3A_652 {strides = array<i32>} : memref<128x128xf32, #tpu.memory_space<vmem>>, vector<16xf32>,
        %scan3A_656 = arith.constant 0 : i32
        %scan3A_657 = arith.constant 6 : i32
        %scan3A_658 = arith.addi %scan3A_294, %scan3A_657 : i32
        %broadcast_in_dim3A_659 = vector.broadcast %scan3A_658 : i32 to vector<16xi32>
        %gather3A_660 = tpu.vector_load_idx %arg21[%broadcast_in_dim3A_659] : memref<128xf32, #tpu.memory_space<vmem>>[vector<16xi32>], vector<16xf32>,
        %get3A_661 = arith.index_cast %scan3A_658 : i32 to index
        %get3A_662 = arith.constant 0 : index
        %get3A_663 = tpu.vector_load %arg10[%get3A_661, %get3A_662] {strides = array<i32>} : memref<128x128xf32, #tpu.memory_space<vmem>>, vector<16xf32>,
        %mul3A_664 = arith.mulf %get3A_663, %gather3A_660 : vector<16xf32>
        %swap3A_665 = arith.index_cast %scan3A_658 : i32 to index
        %swap3A_666 = arith.constant 0 : index
        %swap3A_667 = tpu.vector_load %arg10[%swap3A_665, %swap3A_666] {strides = array<i32>} : memref<128x128xf32, #tpu.memory_space<vmem>>, vector<16xf32>,
        tpu.vector_store %arg10[%swap3A_665, %swap3A_666], %mul3A_664 {strides = array<i32>} : memref<128x128xf32, #tpu.memory_space<vmem>>, vector<16xf32>,
        %get3A_668 = arith.index_cast %scan3A_658 : i32 to index
        %get3A_669 = arith.constant 16 : index
        %get3A_670 = tpu.vector_load %arg10[%get3A_668, %get3A_669] {strides = array<i32>} : memref<128x128xf32, #tpu.memory_space<vmem>>, vector<16xf32>,
        %mul3A_671 = arith.mulf %get3A_670, %gather3A_660 : vector<16xf32>
        %swap3A_672 = arith.index_cast %scan3A_658 : i32 to index
        %swap3A_673 = arith.constant 16 : index
        %swap3A_674 = tpu.vector_load %arg10[%swap3A_672, %swap3A_673] {strides = array<i32>} : memref<128x128xf32, #tpu.memory_space<vmem>>, vector<16xf32>,
        tpu.vector_store %arg10[%swap3A_672, %swap3A_673], %mul3A_671 {strides = array<i32>} : memref<128x128xf32, #tpu.memory_space<vmem>>, vector<16xf32>,
        %get3A_675 = arith.index_cast %scan3A_658 : i32 to index
        %get3A_676 = arith.constant 32 : index
        %get3A_677 = tpu.vector_load %arg10[%get3A_675, %get3A_676] {strides = array<i32>} : memref<128x128xf32, #tpu.memory_space<vmem>>, vector<16xf32>,
        %mul3A_678 = arith.mulf %get3A_677, %gather3A_660 : vector<16xf32>
        %swap3A_679 = arith.index_cast %scan3A_658 : i32 to index
        %swap3A_680 = arith.constant 32 : index
        %swap3A_681 = tpu.vector_load %arg10[%swap3A_679, %swap3A_680] {strides = array<i32>} : memref<128x128xf32, #tpu.memory_space<vmem>>, vector<16xf32>,
        tpu.vector_store %arg10[%swap3A_679, %swap3A_680], %mul3A_678 {strides = array<i32>} : memref<128x128xf32, #tpu.memory_space<vmem>>, vector<16xf32>,
        %get3A_682 = arith.index_cast %scan3A_658 : i32 to index
        %get3A_683 = arith.constant 48 : index
        %get3A_684 = tpu.vector_load %arg10[%get3A_682, %get3A_683] {strides = array<i32>} : memref<128x128xf32, #tpu.memory_space<vmem>>, vector<16xf32>,
        %mul3A_685 = arith.mulf %get3A_684, %gather3A_660 : vector<16xf32>
        %swap3A_686 = arith.index_cast %scan3A_658 : i32 to index
        %swap3A_687 = arith.constant 48 : index
        %swap3A_688 = tpu.vector_load %arg10[%swap3A_686, %swap3A_687] {strides = array<i32>} : memref<128x128xf32, #tpu.memory_space<vmem>>, vector<16xf32>,
        tpu.vector_store %arg10[%swap3A_686, %swap3A_687], %mul3A_685 {strides = array<i32>} : memref<128x128xf32, #tpu.memory_space<vmem>>, vector<16xf32>,
        %get3A_689 = arith.index_cast %scan3A_658 : i32 to index
        %get3A_690 = arith.constant 64 : index
        %get3A_691 = tpu.vector_load %arg10[%get3A_689, %get3A_690] {strides = array<i32>} : memref<128x128xf32, #tpu.memory_space<vmem>>, vector<16xf32>,
        %mul3A_692 = arith.mulf %get3A_691, %gather3A_660 : vector<16xf32>
        %swap3A_693 = arith.index_cast %scan3A_658 : i32 to index
        %swap3A_694 = arith.constant 64 : index
        %swap3A_695 = tpu.vector_load %arg10[%swap3A_693, %swap3A_694] {strides = array<i32>} : memref<128x128xf32, #tpu.memory_space<vmem>>, vector<16xf32>,
        tpu.vector_store %arg10[%swap3A_693, %swap3A_694], %mul3A_692 {strides = array<i32>} : memref<128x128xf32, #tpu.memory_space<vmem>>, vector<16xf32>,
        %get3A_696 = arith.index_cast %scan3A_658 : i32 to index
        %get3A_697 = arith.constant 80 : index
        %get3A_698 = tpu.vector_load %arg10[%get3A_696, %get3A_697] {strides = array<i32>} : memref<128x128xf32, #tpu.memory_space<vmem>>, vector<16xf32>,
        %mul3A_699 = arith.mulf %get3A_698, %gather3A_660 : vector<16xf32>
        %swap3A_700 = arith.index_cast %scan3A_658 : i32 to index
        %swap3A_701 = arith.constant 80 : index
        %swap3A_702 = tpu.vector_load %arg10[%swap3A_700, %swap3A_701] {strides = array<i32>} : memref<128x128xf32, #tpu.memory_space<vmem>>, vector<16xf32>,
        tpu.vector_store %arg10[%swap3A_700, %swap3A_701], %mul3A_699 {strides = array<i32>} : memref<128x128xf32, #tpu.memory_space<vmem>>, vector<16xf32>,
        %get3A_703 = arith.index_cast %scan3A_658 : i32 to index
        %get3A_704 = arith.constant 96 : index
        %get3A_705 = tpu.vector_load %arg10[%get3A_703, %get3A_704] {strides = array<i32>} : memref<128x128xf32, #tpu.memory_space<vmem>>, vector<16xf32>,
        %mul3A_706 = arith.mulf %get3A_705, %gather3A_660 : vector<16xf32>
        %swap3A_707 = arith.index_cast %scan3A_658 : i32 to index
        %swap3A_708 = arith.constant 96 : index
        %swap3A_709 = tpu.vector_load %arg10[%swap3A_707, %swap3A_708] {strides = array<i32>} : memref<128x128xf32, #tpu.memory_space<vmem>>, vector<16xf32>,
        tpu.vector_store %arg10[%swap3A_707, %swap3A_708], %mul3A_706 {strides = array<i32>} : memref<128x128xf32, #tpu.memory_space<vmem>>, vector<16xf32>,
        %get3A_710 = arith.index_cast %scan3A_658 : i32 to index
        %get3A_711 = arith.constant 112 : index
        %get3A_712 = tpu.vector_load %arg10[%get3A_710, %get3A_711] {strides = array<i32>} : memref<128x128xf32, #tpu.memory_space<vmem>>, vector<16xf32>,
        %mul3A_713 = arith.mulf %get3A_712, %gather3A_660 : vector<16xf32>
        %swap3A_714 = arith.index_cast %scan3A_658 : i32 to index
        %swap3A_715 = arith.constant 112 : index
        %swap3A_716 = tpu.vector_load %arg10[%swap3A_714, %swap3A_715] {strides = array<i32>} : memref<128x128xf32, #tpu.memory_space<vmem>>, vector<16xf32>,
        tpu.vector_store %arg10[%swap3A_714, %swap3A_715], %mul3A_713 {strides = array<i32>} : memref<128x128xf32, #tpu.memory_space<vmem>>, vector<16xf32>,
        %scan3A_717 = arith.constant 0 : i32
        %scan3A_718 = arith.constant 7 : i32
        %scan3A_719 = arith.addi %scan3A_294, %scan3A_718 : i32
        %broadcast_in_dim3A_720 = vector.broadcast %scan3A_719 : i32 to vector<16xi32>
        %gather3A_721 = tpu.vector_load_idx %arg21[%broadcast_in_dim3A_720] : memref<128xf32, #tpu.memory_space<vmem>>[vector<16xi32>], vector<16xf32>,
        %get3A_722 = arith.index_cast %scan3A_719 : i32 to index
        %get3A_723 = arith.constant 0 : index
        %get3A_724 = tpu.vector_load %arg10[%get3A_722, %get3A_723] {strides = array<i32>} : memref<128x128xf32, #tpu.memory_space<vmem>>, vector<16xf32>,
        %mul3A_725 = arith.mulf %get3A_724, %gather3A_721 : vector<16xf32>
        %swap3A_726 = arith.index_cast %scan3A_719 : i32 to index
        %swap3A_727 = arith.constant 0 : index
        %swap3A_728 = tpu.vector_load %arg10[%swap3A_726, %swap3A_727] {strides = array<i32>} : memref<128x128xf32, #tpu.memory_space<vmem>>, vector<16xf32>,
        tpu.vector_store %arg10[%swap3A_726, %swap3A_727], %mul3A_725 {strides = array<i32>} : memref<128x128xf32, #tpu.memory_space<vmem>>, vector<16xf32>,
        %get3A_729 = arith.index_cast %scan3A_719 : i32 to index
        %get3A_730 = arith.constant 16 : index
        %get3A_731 = tpu.vector_load %arg10[%get3A_729, %get3A_730] {strides = array<i32>} : memref<128x128xf32, #tpu.memory_space<vmem>>, vector<16xf32>,
        %mul3A_732 = arith.mulf %get3A_731, %gather3A_721 : vector<16xf32>
        %swap3A_733 = arith.index_cast %scan3A_719 : i32 to index
        %swap3A_734 = arith.constant 16 : index
        %swap3A_735 = tpu.vector_load %arg10[%swap3A_733, %swap3A_734] {strides = array<i32>} : memref<128x128xf32, #tpu.memory_space<vmem>>, vector<16xf32>,
        tpu.vector_store %arg10[%swap3A_733, %swap3A_734], %mul3A_732 {strides = array<i32>} : memref<128x128xf32, #tpu.memory_space<vmem>>, vector<16xf32>,
        %get3A_736 = arith.index_cast %scan3A_719 : i32 to index
        %get3A_737 = arith.constant 32 : index
        %get3A_738 = tpu.vector_load %arg10[%get3A_736, %get3A_737] {strides = array<i32>} : memref<128x128xf32, #tpu.memory_space<vmem>>, vector<16xf32>,
        %mul3A_739 = arith.mulf %get3A_738, %gather3A_721 : vector<16xf32>
        %swap3A_740 = arith.index_cast %scan3A_719 : i32 to index
        %swap3A_741 = arith.constant 32 : index
        %swap3A_742 = tpu.vector_load %arg10[%swap3A_740, %swap3A_741] {strides = array<i32>} : memref<128x128xf32, #tpu.memory_space<vmem>>, vector<16xf32>,
        tpu.vector_store %arg10[%swap3A_740, %swap3A_741], %mul3A_739 {strides = array<i32>} : memref<128x128xf32, #tpu.memory_space<vmem>>, vector<16xf32>,
        %get3A_743 = arith.index_cast %scan3A_719 : i32 to index
        %get3A_744 = arith.constant 48 : index
        %get3A_745 = tpu.vector_load %arg10[%get3A_743, %get3A_744] {strides = array<i32>} : memref<128x128xf32, #tpu.memory_space<vmem>>, vector<16xf32>,
        %mul3A_746 = arith.mulf %get3A_745, %gather3A_721 : vector<16xf32>
        %swap3A_747 = arith.index_cast %scan3A_719 : i32 to index
        %swap3A_748 = arith.constant 48 : index
        %swap3A_749 = tpu.vector_load %arg10[%swap3A_747, %swap3A_748] {strides = array<i32>} : memref<128x128xf32, #tpu.memory_space<vmem>>, vector<16xf32>,
        tpu.vector_store %arg10[%swap3A_747, %swap3A_748], %mul3A_746 {strides = array<i32>} : memref<128x128xf32, #tpu.memory_space<vmem>>, vector<16xf32>,
        %get3A_750 = arith.index_cast %scan3A_719 : i32 to index
        %get3A_751 = arith.constant 64 : index
        %get3A_752 = tpu.vector_load %arg10[%get3A_750, %get3A_751] {strides = array<i32>} : memref<128x128xf32, #tpu.memory_space<vmem>>, vector<16xf32>,
        %mul3A_753 = arith.mulf %get3A_752, %gather3A_721 : vector<16xf32>
        %swap3A_754 = arith.index_cast %scan3A_719 : i32 to index
        %swap3A_755 = arith.constant 64 : index
        %swap3A_756 = tpu.vector_load %arg10[%swap3A_754, %swap3A_755] {strides = array<i32>} : memref<128x128xf32, #tpu.memory_space<vmem>>, vector<16xf32>,
        tpu.vector_store %arg10[%swap3A_754, %swap3A_755], %mul3A_753 {strides = array<i32>} : memref<128x128xf32, #tpu.memory_space<vmem>>, vector<16xf32>,
        %get3A_757 = arith.index_cast %scan3A_719 : i32 to index
        %get3A_758 = arith.constant 80 : index
        %get3A_759 = tpu.vector_load %arg10[%get3A_757, %get3A_758] {strides = array<i32>} : memref<128x128xf32, #tpu.memory_space<vmem>>, vector<16xf32>,
        %mul3A_760 = arith.mulf %get3A_759, %gather3A_721 : vector<16xf32>
        %swap3A_761 = arith.index_cast %scan3A_719 : i32 to index
        %swap3A_762 = arith.constant 80 : index
        %swap3A_763 = tpu.vector_load %arg10[%swap3A_761, %swap3A_762] {strides = array<i32>} : memref<128x128xf32, #tpu.memory_space<vmem>>, vector<16xf32>,
        tpu.vector_store %arg10[%swap3A_761, %swap3A_762], %mul3A_760 {strides = array<i32>} : memref<128x128xf32, #tpu.memory_space<vmem>>, vector<16xf32>,
        %get3A_764 = arith.index_cast %scan3A_719 : i32 to index
        %get3A_765 = arith.constant 96 : index
        %get3A_766 = tpu.vector_load %arg10[%get3A_764, %get3A_765] {strides = array<i32>} : memref<128x128xf32, #tpu.memory_space<vmem>>, vector<16xf32>,
        %mul3A_767 = arith.mulf %get3A_766, %gather3A_721 : vector<16xf32>
        %swap3A_768 = arith.index_cast %scan3A_719 : i32 to index
        %swap3A_769 = arith.constant 96 : index
        %swap3A_770 = tpu.vector_load %arg10[%swap3A_768, %swap3A_769] {strides = array<i32>} : memref<128x128xf32, #tpu.memory_space<vmem>>, vector<16xf32>,
        tpu.vector_store %arg10[%swap3A_768, %swap3A_769], %mul3A_767 {strides = array<i32>} : memref<128x128xf32, #tpu.memory_space<vmem>>, vector<16xf32>,
        %get3A_771 = arith.index_cast %scan3A_719 : i32 to index
        %get3A_772 = arith.constant 112 : index
        %get3A_773 = tpu.vector_load %arg10[%get3A_771, %get3A_772] {strides = array<i32>} : memref<128x128xf32, #tpu.memory_space<vmem>>, vector<16xf32>,
        %mul3A_774 = arith.mulf %get3A_773, %gather3A_721 : vector<16xf32>
        %swap3A_775 = arith.index_cast %scan3A_719 : i32 to index
        %swap3A_776 = arith.constant 112 : index
        %swap3A_777 = tpu.vector_load %arg10[%swap3A_775, %swap3A_776] {strides = array<i32>} : memref<128x128xf32, #tpu.memory_space<vmem>>, vector<16xf32>,
        tpu.vector_store %arg10[%swap3A_775, %swap3A_776], %mul3A_774 {strides = array<i32>} : memref<128x128xf32, #tpu.memory_space<vmem>>, vector<16xf32>,
        %scan3A_778 = arith.constant 0 : i32
        scf.yield %scan3A_778 : i32
      }
      %scan3A_165 = arith.constant 128 : i32
      %dma_wait3A_166 = arith.constant 0 : i32
      %dma_wait3A_167 = arith.constant 0 : i32
      %dma_wait3A_168 = tpu.memref_slice %arg23[%dma_wait3A_166, %dma_wait3A_167] : memref<1024x128xf32, #tpu.memory_space<vmem_shared>> -> memref<1024x128xf32, #tpu.memory_space<vmem_shared>>
      tpu.wait_indirect_dma semaphore(%arg27 : memref<!tpu.dma_semaphore, #tpu.memory_space<semaphore_mem>>) src(%arg9 : memref<128x128xf32, #tpu.memory_space<vmem>>) dst(%dma_wait3A_168 : memref<1024x128xf32, #tpu.memory_space<vmem_shared>>)
      %add3A_169 = arith.constant 2 : i32
      %add3A_170 = arith.addi %add3A_135, %add3A_169 : i32
      %mul3A_171 = arith.constant 25 : i32
      %mul3A_172 = arith.muli %add3A, %mul3A_171 : i32
      %add3A_173 = arith.addi %mul3A_172, %add3A_170 : i32
      %lt3A_174 = arith.constant 781 : i32
      %lt3A_175 = arith.cmpi slt, %add3A_173, %lt3A_174 : i32
      %convert_element_type3A_176 = arith.extui %lt3A_175 : i1 to i32
      %cond3A_177 = arith.constant 0 : i32
      %cond3A_178 = arith.cmpi ne, %convert_element_type3A_176, %cond3A_177 : i32
      scf.if %cond3A_178 {
        %mul3A_294 = arith.constant 128 : i32
        %mul3A_295 = arith.muli %add3A_173, %mul3A_294 : i32
        %dma_start3A_296 = arith.constant 0 : i32
        %dma_start3A_297 = tpu.memref_slice %arg2[%mul3A_295, %dma_start3A_296] : memref<100000x128xf32, #tpu.memory_space<hbm>> -> memref<128x128xf32, #tpu.memory_space<hbm>>
        %dma_start3A_298 = arith.constant 0 : i32
        %dma_start3A_299 = tpu.memref_slice %arg2[%mul3A_295, %dma_start3A_298] : memref<100000x128xf32, #tpu.memory_space<hbm>> -> memref<128x128xf32, #tpu.memory_space<hbm>>
        tpu.enqueue_dma source(%dma_start3A_299 : memref<128x128xf32, #tpu.memory_space<hbm>>) target(%arg9 : memref<128x128xf32, #tpu.memory_space<vmem>>) target_semaphore(%arg24 : memref<!tpu.dma_semaphore, #tpu.memory_space<semaphore_mem>>)
        %dma_start3A_300 = arith.constant 0 : i32
        %dma_start3A_301 = tpu.memref_slice %arg3[%mul3A_295, %dma_start3A_300] : memref<100000x3xi32, #tpu.memory_space<hbm>> -> memref<128x3xi32, #tpu.memory_space<hbm>>
        %dma_start3A_302 = arith.constant 0 : i32
        %dma_start3A_303 = tpu.memref_slice %arg3[%mul3A_295, %dma_start3A_302] : memref<100000x3xi32, #tpu.memory_space<hbm>> -> memref<128x3xi32, #tpu.memory_space<hbm>>
        tpu.enqueue_dma source(%dma_start3A_303 : memref<128x3xi32, #tpu.memory_space<hbm>>) target(%arg12 : memref<128x3xi32, #tpu.memory_space<vmem>>) target_semaphore(%arg24 : memref<!tpu.dma_semaphore, #tpu.memory_space<semaphore_mem>>)
        %dma_start3A_304 = tpu.memref_slice %arg4[%mul3A_295] : memref<100000xi32, #tpu.memory_space<hbm>> -> memref<128xi32, #tpu.memory_space<hbm>>
        %dma_start3A_305 = tpu.memref_slice %arg4[%mul3A_295] : memref<100000xi32, #tpu.memory_space<hbm>> -> memref<128xi32, #tpu.memory_space<hbm>>
        tpu.enqueue_dma source(%dma_start3A_305 : memref<128xi32, #tpu.memory_space<hbm>>) target(%arg15 : memref<128xi32, #tpu.memory_space<vmem>>) target_semaphore(%arg24 : memref<!tpu.dma_semaphore, #tpu.memory_space<semaphore_mem>>)
      } else {
      }
      %ge3A_179 = arith.constant 781 : i32
      %ge3A_180 = arith.cmpi sge, %add3A_173, %ge3A_179 : i32
      %convert_element_type3A_181 = arith.extui %ge3A_180 : i1 to i32
      %cond3A_182 = arith.constant 0 : i32
      %cond3A_183 = arith.cmpi ne, %convert_element_type3A_181, %cond3A_182 : i32
      scf.if %cond3A_183 {
        %eq3A = arith.constant 781 : i32
        %eq3A_294 = arith.cmpi eq, %add3A_173, %eq3A : i32
        %jit3A = arith.constant 0 : i32
        %jit3A_295 = arith.constant 128 : i32
        %select_n3A = arith.select %eq3A_294, %jit3A, %jit3A_295 : i32
        %dma_start3A_296 = arith.constant 0 : i32
        %dma_start3A_297 = tpu.memref_slice %arg5[%select_n3A, %dma_start3A_296] : memref<256x128xf32, #tpu.memory_space<hbm>> -> memref<128x128xf32, #tpu.memory_space<hbm>>
        %dma_start3A_298 = arith.constant 0 : i32
        %dma_start3A_299 = tpu.memref_slice %arg5[%select_n3A, %dma_start3A_298] : memref<256x128xf32, #tpu.memory_space<hbm>> -> memref<128x128xf32, #tpu.memory_space<hbm>>
        tpu.enqueue_dma source(%dma_start3A_299 : memref<128x128xf32, #tpu.memory_space<hbm>>) target(%arg9 : memref<128x128xf32, #tpu.memory_space<vmem>>) target_semaphore(%arg24 : memref<!tpu.dma_semaphore, #tpu.memory_space<semaphore_mem>>)
        %dma_start3A_300 = arith.constant 0 : i32
        %dma_start3A_301 = tpu.memref_slice %arg6[%select_n3A, %dma_start3A_300] : memref<256x3xi32, #tpu.memory_space<hbm>> -> memref<128x3xi32, #tpu.memory_space<hbm>>
        %dma_start3A_302 = arith.constant 0 : i32
        %dma_start3A_303 = tpu.memref_slice %arg6[%select_n3A, %dma_start3A_302] : memref<256x3xi32, #tpu.memory_space<hbm>> -> memref<128x3xi32, #tpu.memory_space<hbm>>
        tpu.enqueue_dma source(%dma_start3A_303 : memref<128x3xi32, #tpu.memory_space<hbm>>) target(%arg12 : memref<128x3xi32, #tpu.memory_space<vmem>>) target_semaphore(%arg24 : memref<!tpu.dma_semaphore, #tpu.memory_space<semaphore_mem>>)
        %dma_start3A_304 = tpu.memref_slice %arg7[%select_n3A] : memref<256xi32, #tpu.memory_space<hbm>> -> memref<128xi32, #tpu.memory_space<hbm>>
        %dma_start3A_305 = tpu.memref_slice %arg7[%select_n3A] : memref<256xi32, #tpu.memory_space<hbm>> -> memref<128xi32, #tpu.memory_space<hbm>>
        tpu.enqueue_dma source(%dma_start3A_305 : memref<128xi32, #tpu.memory_space<hbm>>) target(%arg15 : memref<128xi32, #tpu.memory_space<vmem>>) target_semaphore(%arg24 : memref<!tpu.dma_semaphore, #tpu.memory_space<semaphore_mem>>)
      } else {
      }
      %dma_start3A_184 = arith.constant 0 : i32
      %dma_start3A_185 = arith.constant 0 : i32
      %dma_start3A_186 = tpu.memref_slice %arg23[%dma_start3A_184, %dma_start3A_185] : memref<1024x128xf32, #tpu.memory_space<vmem_shared>> -> memref<1024x128xf32, #tpu.memory_space<vmem_shared>>
      tpu.enqueue_indirect_dma source(%arg10 : memref<128x128xf32, #tpu.memory_space<vmem>>) target(%dma_start3A_186 : memref<1024x128xf32, #tpu.memory_space<vmem_shared>>) offsets(%arg19 : memref<128xi32, #tpu.memory_space<vmem>>) semaphore(%arg28 : memref<!tpu.dma_semaphore, #tpu.memory_space<semaphore_mem>>) {add = true}
      %add3A_187 = arith.constant 2 : i32
      %add3A_188 = arith.addi %mul3A_133, %add3A_187 : i32
      %dma_wait3A_189 = arith.constant 0 : i32
      %dma_wait3A_190 = arith.constant 0 : i32
      %dma_wait3A_191 = tpu.memref_slice %arg2[%dma_wait3A_189, %dma_wait3A_190] : memref<100000x128xf32, #tpu.memory_space<hbm>> -> memref<128x128xf32, #tpu.memory_space<hbm>>
      %dma_wait3A_192 = arith.constant 0 : i32
      %dma_wait3A_193 = arith.constant 0 : i32
      %dma_wait3A_194 = tpu.memref_slice %arg2[%dma_wait3A_192, %dma_wait3A_193] : memref<100000x128xf32, #tpu.memory_space<hbm>> -> memref<128x128xf32, #tpu.memory_space<hbm>>
      tpu.wait_dma2 semaphore(%arg26 : memref<!tpu.dma_semaphore, #tpu.memory_space<semaphore_mem>>) src(%dma_wait3A_194 : memref<128x128xf32, #tpu.memory_space<hbm>>) dst(%arg11 : memref<128x128xf32, #tpu.memory_space<vmem>>)
      %dma_wait3A_195 = arith.constant 0 : i32
      %dma_wait3A_196 = arith.constant 0 : i32
      %dma_wait3A_197 = tpu.memref_slice %arg3[%dma_wait3A_195, %dma_wait3A_196] : memref<100000x3xi32, #tpu.memory_space<hbm>> -> memref<128x3xi32, #tpu.memory_space<hbm>>
      %dma_wait3A_198 = arith.constant 0 : i32
      %dma_wait3A_199 = arith.constant 0 : i32
      %dma_wait3A_200 = tpu.memref_slice %arg3[%dma_wait3A_198, %dma_wait3A_199] : memref<100000x3xi32, #tpu.memory_space<hbm>> -> memref<128x3xi32, #tpu.memory_space<hbm>>
      tpu.wait_dma2 semaphore(%arg26 : memref<!tpu.dma_semaphore, #tpu.memory_space<semaphore_mem>>) src(%dma_wait3A_200 : memref<128x3xi32, #tpu.memory_space<hbm>>) dst(%arg14 : memref<128x3xi32, #tpu.memory_space<vmem>>)
      %dma_wait3A_201 = arith.constant 0 : i32
      %dma_wait3A_202 = tpu.memref_slice %arg4[%dma_wait3A_201] : memref<100000xi32, #tpu.memory_space<hbm>> -> memref<128xi32, #tpu.memory_space<hbm>>
      %dma_wait3A_203 = arith.constant 0 : i32
      %dma_wait3A_204 = tpu.memref_slice %arg4[%dma_wait3A_203] : memref<100000xi32, #tpu.memory_space<hbm>> -> memref<128xi32, #tpu.memory_space<hbm>>
      tpu.wait_dma2 semaphore(%arg26 : memref<!tpu.dma_semaphore, #tpu.memory_space<semaphore_mem>>) src(%dma_wait3A_204 : memref<128xi32, #tpu.memory_space<hbm>>) dst(%arg17 : memref<128xi32, #tpu.memory_space<vmem>>)
      %scan3A_205 = arith.constant 0 : i32
      %scan3A_206 = arith.constant 0 : i32
      %scan3A_207 = arith.constant 8 : i32
      %scan3A_208 = arith.addi %scan3A_206, %scan3A_207 : i32
      %scan3A_209 = arith.constant 2 : i32
      %scan3A_210 = scf.for %scan3A_294 = %scan3A_206 to %scan3A_208 step %scan3A_209 iter_args(%scan3A_295 = %scan3A_205) -> (i32)  : i32 {
        %mul3A_296 = arith.constant 16 : i32
        %mul3A_297 = arith.muli %scan3A_294, %mul3A_296 : i32
        %add3A_298 = vector.broadcast %mul3A_297 : i32 to vector<16xi32>
        %add3A_299 = arith.addi %iota3A, %add3A_298 : vector<16xi32>
        %gather3A = tpu.vector_load_idx %arg14[%add3A_299, %broadcast_in_dim3A_1] : memref<128x3xi32, #tpu.memory_space<vmem>>[vector<16xi32>, vector<16xi32>], vector<16xi32>,
        %gather3A_300 = tpu.vector_load_idx %arg14[%add3A_299, %broadcast_in_dim3A_3] : memref<128x3xi32, #tpu.memory_space<vmem>>[vector<16xi32>, vector<16xi32>], vector<16xi32>,
        %gather3A_301 = tpu.vector_load_idx %arg14[%add3A_299, %broadcast_in_dim3A_5] : memref<128x3xi32, #tpu.memory_space<vmem>>[vector<16xi32>, vector<16xi32>], vector<16xi32>,
        %mul3A_302 = arith.constant 16 : i32
        %mul3A_303 = arith.muli %scan3A_294, %mul3A_302 : i32
        %get3A = arith.index_cast %mul3A_303 : i32 to index
        %get3A_304 = tpu.vector_load %arg17[%get3A] {strides = array<i32>} : memref<128xi32, #tpu.memory_space<vmem>>, vector<16xi32>,
        %mul3A_305 = arith.constant 64 : i32
        %mul3A_306 = vector.broadcast %mul3A_305 : i32 to vector<16xi32>
        %mul3A_307 = arith.muli %get3A_304, %mul3A_306 : vector<16xi32>
        %mul3A_308 = arith.constant 8 : i32
        %mul3A_309 = vector.broadcast %mul3A_308 : i32 to vector<16xi32>
        %mul3A_310 = arith.muli %gather3A, %mul3A_309 : vector<16xi32>
        %add3A_311 = arith.addi %mul3A_307, %mul3A_310 : vector<16xi32>
        %add3A_312 = arith.addi %add3A_311, %gather3A_300 : vector<16xi32>
        %swap3A = arith.index_cast %mul3A_303 : i32 to index
        %swap3A_313 = tpu.vector_load %arg20[%swap3A] {strides = array<i32>} : memref<128xi32, #tpu.memory_space<vmem>>, vector<16xi32>,
        tpu.vector_store %arg20[%swap3A], %add3A_312 {strides = array<i32>} : memref<128xi32, #tpu.memory_space<vmem>>, vector<16xi32>,
        %convert_element_type3A_314 = arith.sitofp %gather3A_301 : vector<16xi32> to vector<16xf32>
        %div3A = arith.constant 1.000000e+00 : f32
        %div3A_315 = vector.broadcast %div3A : f32 to vector<16xf32>
        %div3A_316 = arith.divf %div3A_315, %convert_element_type3A_314 : vector<16xf32>
        %swap3A_317 = arith.index_cast %mul3A_303 : i32 to index
        %swap3A_318 = tpu.vector_load %arg21[%swap3A_317] {strides = array<i32>} : memref<128xf32, #tpu.memory_space<vmem>>, vector<16xf32>,
        tpu.vector_store %arg21[%swap3A_317], %div3A_316 {strides = array<i32>} : memref<128xf32, #tpu.memory_space<vmem>>, vector<16xf32>,
        %scan3A_319 = arith.constant 0 : i32
        %scan3A_320 = arith.constant 1 : i32
        %scan3A_321 = arith.addi %scan3A_294, %scan3A_320 : i32
        %mul3A_322 = arith.constant 16 : i32
        %mul3A_323 = arith.muli %scan3A_321, %mul3A_322 : i32
        %add3A_324 = vector.broadcast %mul3A_323 : i32 to vector<16xi32>
        %add3A_325 = arith.addi %iota3A, %add3A_324 : vector<16xi32>
        %gather3A_326 = tpu.vector_load_idx %arg14[%add3A_325, %broadcast_in_dim3A_1] : memref<128x3xi32, #tpu.memory_space<vmem>>[vector<16xi32>, vector<16xi32>], vector<16xi32>,
        %gather3A_327 = tpu.vector_load_idx %arg14[%add3A_325, %broadcast_in_dim3A_3] : memref<128x3xi32, #tpu.memory_space<vmem>>[vector<16xi32>, vector<16xi32>], vector<16xi32>,
        %gather3A_328 = tpu.vector_load_idx %arg14[%add3A_325, %broadcast_in_dim3A_5] : memref<128x3xi32, #tpu.memory_space<vmem>>[vector<16xi32>, vector<16xi32>], vector<16xi32>,
        %mul3A_329 = arith.constant 16 : i32
        %mul3A_330 = arith.muli %scan3A_321, %mul3A_329 : i32
        %get3A_331 = arith.index_cast %mul3A_330 : i32 to index
        %get3A_332 = tpu.vector_load %arg17[%get3A_331] {strides = array<i32>} : memref<128xi32, #tpu.memory_space<vmem>>, vector<16xi32>,
        %mul3A_333 = arith.constant 64 : i32
        %mul3A_334 = vector.broadcast %mul3A_333 : i32 to vector<16xi32>
        %mul3A_335 = arith.muli %get3A_332, %mul3A_334 : vector<16xi32>
        %mul3A_336 = arith.constant 8 : i32
        %mul3A_337 = vector.broadcast %mul3A_336 : i32 to vector<16xi32>
        %mul3A_338 = arith.muli %gather3A_326, %mul3A_337 : vector<16xi32>
        %add3A_339 = arith.addi %mul3A_335, %mul3A_338 : vector<16xi32>
        %add3A_340 = arith.addi %add3A_339, %gather3A_327 : vector<16xi32>
        %swap3A_341 = arith.index_cast %mul3A_330 : i32 to index
        %swap3A_342 = tpu.vector_load %arg20[%swap3A_341] {strides = array<i32>} : memref<128xi32, #tpu.memory_space<vmem>>, vector<16xi32>,
        tpu.vector_store %arg20[%swap3A_341], %add3A_340 {strides = array<i32>} : memref<128xi32, #tpu.memory_space<vmem>>, vector<16xi32>,
        %convert_element_type3A_343 = arith.sitofp %gather3A_328 : vector<16xi32> to vector<16xf32>
        %div3A_344 = arith.constant 1.000000e+00 : f32
        %div3A_345 = vector.broadcast %div3A_344 : f32 to vector<16xf32>
        %div3A_346 = arith.divf %div3A_345, %convert_element_type3A_343 : vector<16xf32>
        %swap3A_347 = arith.index_cast %mul3A_330 : i32 to index
        %swap3A_348 = tpu.vector_load %arg21[%swap3A_347] {strides = array<i32>} : memref<128xf32, #tpu.memory_space<vmem>>, vector<16xf32>,
        tpu.vector_store %arg21[%swap3A_347], %div3A_346 {strides = array<i32>} : memref<128xf32, #tpu.memory_space<vmem>>, vector<16xf32>,
        %scan3A_349 = arith.constant 0 : i32
        scf.yield %scan3A_349 : i32
      }
      %scan3A_211 = arith.constant 8 : i32
      %scan3A_212 = arith.constant 0 : i32
      %scan3A_213 = arith.constant 0 : i32
      %scan3A_214 = arith.constant 128 : i32
      %scan3A_215 = arith.addi %scan3A_213, %scan3A_214 : i32
      %scan3A_216 = arith.constant 8 : i32
      %scan3A_217 = scf.for %scan3A_294 = %scan3A_213 to %scan3A_215 step %scan3A_216 iter_args(%scan3A_295 = %scan3A_212) -> (i32)  : i32 {
        %broadcast_in_dim3A_296 = vector.broadcast %scan3A_294 : i32 to vector<16xi32>
        %gather3A = tpu.vector_load_idx %arg21[%broadcast_in_dim3A_296] : memref<128xf32, #tpu.memory_space<vmem>>[vector<16xi32>], vector<16xf32>,
        %get3A = arith.index_cast %scan3A_294 : i32 to index
        %get3A_297 = arith.constant 0 : index
        %get3A_298 = tpu.vector_load %arg11[%get3A, %get3A_297] {strides = array<i32>} : memref<128x128xf32, #tpu.memory_space<vmem>>, vector<16xf32>,
        %mul3A_299 = arith.mulf %get3A_298, %gather3A : vector<16xf32>
        %swap3A = arith.index_cast %scan3A_294 : i32 to index
        %swap3A_300 = arith.constant 0 : index
        %swap3A_301 = tpu.vector_load %arg11[%swap3A, %swap3A_300] {strides = array<i32>} : memref<128x128xf32, #tpu.memory_space<vmem>>, vector<16xf32>,
        tpu.vector_store %arg11[%swap3A, %swap3A_300], %mul3A_299 {strides = array<i32>} : memref<128x128xf32, #tpu.memory_space<vmem>>, vector<16xf32>,
        %get3A_302 = arith.index_cast %scan3A_294 : i32 to index
        %get3A_303 = arith.constant 16 : index
        %get3A_304 = tpu.vector_load %arg11[%get3A_302, %get3A_303] {strides = array<i32>} : memref<128x128xf32, #tpu.memory_space<vmem>>, vector<16xf32>,
        %mul3A_305 = arith.mulf %get3A_304, %gather3A : vector<16xf32>
        %swap3A_306 = arith.index_cast %scan3A_294 : i32 to index
        %swap3A_307 = arith.constant 16 : index
        %swap3A_308 = tpu.vector_load %arg11[%swap3A_306, %swap3A_307] {strides = array<i32>} : memref<128x128xf32, #tpu.memory_space<vmem>>, vector<16xf32>,
        tpu.vector_store %arg11[%swap3A_306, %swap3A_307], %mul3A_305 {strides = array<i32>} : memref<128x128xf32, #tpu.memory_space<vmem>>, vector<16xf32>,
        %get3A_309 = arith.index_cast %scan3A_294 : i32 to index
        %get3A_310 = arith.constant 32 : index
        %get3A_311 = tpu.vector_load %arg11[%get3A_309, %get3A_310] {strides = array<i32>} : memref<128x128xf32, #tpu.memory_space<vmem>>, vector<16xf32>,
        %mul3A_312 = arith.mulf %get3A_311, %gather3A : vector<16xf32>
        %swap3A_313 = arith.index_cast %scan3A_294 : i32 to index
        %swap3A_314 = arith.constant 32 : index
        %swap3A_315 = tpu.vector_load %arg11[%swap3A_313, %swap3A_314] {strides = array<i32>} : memref<128x128xf32, #tpu.memory_space<vmem>>, vector<16xf32>,
        tpu.vector_store %arg11[%swap3A_313, %swap3A_314], %mul3A_312 {strides = array<i32>} : memref<128x128xf32, #tpu.memory_space<vmem>>, vector<16xf32>,
        %get3A_316 = arith.index_cast %scan3A_294 : i32 to index
        %get3A_317 = arith.constant 48 : index
        %get3A_318 = tpu.vector_load %arg11[%get3A_316, %get3A_317] {strides = array<i32>} : memref<128x128xf32, #tpu.memory_space<vmem>>, vector<16xf32>,
        %mul3A_319 = arith.mulf %get3A_318, %gather3A : vector<16xf32>
        %swap3A_320 = arith.index_cast %scan3A_294 : i32 to index
        %swap3A_321 = arith.constant 48 : index
        %swap3A_322 = tpu.vector_load %arg11[%swap3A_320, %swap3A_321] {strides = array<i32>} : memref<128x128xf32, #tpu.memory_space<vmem>>, vector<16xf32>,
        tpu.vector_store %arg11[%swap3A_320, %swap3A_321], %mul3A_319 {strides = array<i32>} : memref<128x128xf32, #tpu.memory_space<vmem>>, vector<16xf32>,
        %get3A_323 = arith.index_cast %scan3A_294 : i32 to index
        %get3A_324 = arith.constant 64 : index
        %get3A_325 = tpu.vector_load %arg11[%get3A_323, %get3A_324] {strides = array<i32>} : memref<128x128xf32, #tpu.memory_space<vmem>>, vector<16xf32>,
        %mul3A_326 = arith.mulf %get3A_325, %gather3A : vector<16xf32>
        %swap3A_327 = arith.index_cast %scan3A_294 : i32 to index
        %swap3A_328 = arith.constant 64 : index
        %swap3A_329 = tpu.vector_load %arg11[%swap3A_327, %swap3A_328] {strides = array<i32>} : memref<128x128xf32, #tpu.memory_space<vmem>>, vector<16xf32>,
        tpu.vector_store %arg11[%swap3A_327, %swap3A_328], %mul3A_326 {strides = array<i32>} : memref<128x128xf32, #tpu.memory_space<vmem>>, vector<16xf32>,
        %get3A_330 = arith.index_cast %scan3A_294 : i32 to index
        %get3A_331 = arith.constant 80 : index
        %get3A_332 = tpu.vector_load %arg11[%get3A_330, %get3A_331] {strides = array<i32>} : memref<128x128xf32, #tpu.memory_space<vmem>>, vector<16xf32>,
        %mul3A_333 = arith.mulf %get3A_332, %gather3A : vector<16xf32>
        %swap3A_334 = arith.index_cast %scan3A_294 : i32 to index
        %swap3A_335 = arith.constant 80 : index
        %swap3A_336 = tpu.vector_load %arg11[%swap3A_334, %swap3A_335] {strides = array<i32>} : memref<128x128xf32, #tpu.memory_space<vmem>>, vector<16xf32>,
        tpu.vector_store %arg11[%swap3A_334, %swap3A_335], %mul3A_333 {strides = array<i32>} : memref<128x128xf32, #tpu.memory_space<vmem>>, vector<16xf32>,
        %get3A_337 = arith.index_cast %scan3A_294 : i32 to index
        %get3A_338 = arith.constant 96 : index
        %get3A_339 = tpu.vector_load %arg11[%get3A_337, %get3A_338] {strides = array<i32>} : memref<128x128xf32, #tpu.memory_space<vmem>>, vector<16xf32>,
        %mul3A_340 = arith.mulf %get3A_339, %gather3A : vector<16xf32>
        %swap3A_341 = arith.index_cast %scan3A_294 : i32 to index
        %swap3A_342 = arith.constant 96 : index
        %swap3A_343 = tpu.vector_load %arg11[%swap3A_341, %swap3A_342] {strides = array<i32>} : memref<128x128xf32, #tpu.memory_space<vmem>>, vector<16xf32>,
        tpu.vector_store %arg11[%swap3A_341, %swap3A_342], %mul3A_340 {strides = array<i32>} : memref<128x128xf32, #tpu.memory_space<vmem>>, vector<16xf32>,
        %get3A_344 = arith.index_cast %scan3A_294 : i32 to index
        %get3A_345 = arith.constant 112 : index
        %get3A_346 = tpu.vector_load %arg11[%get3A_344, %get3A_345] {strides = array<i32>} : memref<128x128xf32, #tpu.memory_space<vmem>>, vector<16xf32>,
        %mul3A_347 = arith.mulf %get3A_346, %gather3A : vector<16xf32>
        %swap3A_348 = arith.index_cast %scan3A_294 : i32 to index
        %swap3A_349 = arith.constant 112 : index
        %swap3A_350 = tpu.vector_load %arg11[%swap3A_348, %swap3A_349] {strides = array<i32>} : memref<128x128xf32, #tpu.memory_space<vmem>>, vector<16xf32>,
        tpu.vector_store %arg11[%swap3A_348, %swap3A_349], %mul3A_347 {strides = array<i32>} : memref<128x128xf32, #tpu.memory_space<vmem>>, vector<16xf32>,
        %scan3A_351 = arith.constant 0 : i32
        %scan3A_352 = arith.constant 1 : i32
        %scan3A_353 = arith.addi %scan3A_294, %scan3A_352 : i32
        %broadcast_in_dim3A_354 = vector.broadcast %scan3A_353 : i32 to vector<16xi32>
        %gather3A_355 = tpu.vector_load_idx %arg21[%broadcast_in_dim3A_354] : memref<128xf32, #tpu.memory_space<vmem>>[vector<16xi32>], vector<16xf32>,
        %get3A_356 = arith.index_cast %scan3A_353 : i32 to index
        %get3A_357 = arith.constant 0 : index
        %get3A_358 = tpu.vector_load %arg11[%get3A_356, %get3A_357] {strides = array<i32>} : memref<128x128xf32, #tpu.memory_space<vmem>>, vector<16xf32>,
        %mul3A_359 = arith.mulf %get3A_358, %gather3A_355 : vector<16xf32>
        %swap3A_360 = arith.index_cast %scan3A_353 : i32 to index
        %swap3A_361 = arith.constant 0 : index
        %swap3A_362 = tpu.vector_load %arg11[%swap3A_360, %swap3A_361] {strides = array<i32>} : memref<128x128xf32, #tpu.memory_space<vmem>>, vector<16xf32>,
        tpu.vector_store %arg11[%swap3A_360, %swap3A_361], %mul3A_359 {strides = array<i32>} : memref<128x128xf32, #tpu.memory_space<vmem>>, vector<16xf32>,
        %get3A_363 = arith.index_cast %scan3A_353 : i32 to index
        %get3A_364 = arith.constant 16 : index
        %get3A_365 = tpu.vector_load %arg11[%get3A_363, %get3A_364] {strides = array<i32>} : memref<128x128xf32, #tpu.memory_space<vmem>>, vector<16xf32>,
        %mul3A_366 = arith.mulf %get3A_365, %gather3A_355 : vector<16xf32>
        %swap3A_367 = arith.index_cast %scan3A_353 : i32 to index
        %swap3A_368 = arith.constant 16 : index
        %swap3A_369 = tpu.vector_load %arg11[%swap3A_367, %swap3A_368] {strides = array<i32>} : memref<128x128xf32, #tpu.memory_space<vmem>>, vector<16xf32>,
        tpu.vector_store %arg11[%swap3A_367, %swap3A_368], %mul3A_366 {strides = array<i32>} : memref<128x128xf32, #tpu.memory_space<vmem>>, vector<16xf32>,
        %get3A_370 = arith.index_cast %scan3A_353 : i32 to index
        %get3A_371 = arith.constant 32 : index
        %get3A_372 = tpu.vector_load %arg11[%get3A_370, %get3A_371] {strides = array<i32>} : memref<128x128xf32, #tpu.memory_space<vmem>>, vector<16xf32>,
        %mul3A_373 = arith.mulf %get3A_372, %gather3A_355 : vector<16xf32>
        %swap3A_374 = arith.index_cast %scan3A_353 : i32 to index
        %swap3A_375 = arith.constant 32 : index
        %swap3A_376 = tpu.vector_load %arg11[%swap3A_374, %swap3A_375] {strides = array<i32>} : memref<128x128xf32, #tpu.memory_space<vmem>>, vector<16xf32>,
        tpu.vector_store %arg11[%swap3A_374, %swap3A_375], %mul3A_373 {strides = array<i32>} : memref<128x128xf32, #tpu.memory_space<vmem>>, vector<16xf32>,
        %get3A_377 = arith.index_cast %scan3A_353 : i32 to index
        %get3A_378 = arith.constant 48 : index
        %get3A_379 = tpu.vector_load %arg11[%get3A_377, %get3A_378] {strides = array<i32>} : memref<128x128xf32, #tpu.memory_space<vmem>>, vector<16xf32>,
        %mul3A_380 = arith.mulf %get3A_379, %gather3A_355 : vector<16xf32>
        %swap3A_381 = arith.index_cast %scan3A_353 : i32 to index
        %swap3A_382 = arith.constant 48 : index
        %swap3A_383 = tpu.vector_load %arg11[%swap3A_381, %swap3A_382] {strides = array<i32>} : memref<128x128xf32, #tpu.memory_space<vmem>>, vector<16xf32>,
        tpu.vector_store %arg11[%swap3A_381, %swap3A_382], %mul3A_380 {strides = array<i32>} : memref<128x128xf32, #tpu.memory_space<vmem>>, vector<16xf32>,
        %get3A_384 = arith.index_cast %scan3A_353 : i32 to index
        %get3A_385 = arith.constant 64 : index
        %get3A_386 = tpu.vector_load %arg11[%get3A_384, %get3A_385] {strides = array<i32>} : memref<128x128xf32, #tpu.memory_space<vmem>>, vector<16xf32>,
        %mul3A_387 = arith.mulf %get3A_386, %gather3A_355 : vector<16xf32>
        %swap3A_388 = arith.index_cast %scan3A_353 : i32 to index
        %swap3A_389 = arith.constant 64 : index
        %swap3A_390 = tpu.vector_load %arg11[%swap3A_388, %swap3A_389] {strides = array<i32>} : memref<128x128xf32, #tpu.memory_space<vmem>>, vector<16xf32>,
        tpu.vector_store %arg11[%swap3A_388, %swap3A_389], %mul3A_387 {strides = array<i32>} : memref<128x128xf32, #tpu.memory_space<vmem>>, vector<16xf32>,
        %get3A_391 = arith.index_cast %scan3A_353 : i32 to index
        %get3A_392 = arith.constant 80 : index
        %get3A_393 = tpu.vector_load %arg11[%get3A_391, %get3A_392] {strides = array<i32>} : memref<128x128xf32, #tpu.memory_space<vmem>>, vector<16xf32>,
        %mul3A_394 = arith.mulf %get3A_393, %gather3A_355 : vector<16xf32>
        %swap3A_395 = arith.index_cast %scan3A_353 : i32 to index
        %swap3A_396 = arith.constant 80 : index
        %swap3A_397 = tpu.vector_load %arg11[%swap3A_395, %swap3A_396] {strides = array<i32>} : memref<128x128xf32, #tpu.memory_space<vmem>>, vector<16xf32>,
        tpu.vector_store %arg11[%swap3A_395, %swap3A_396], %mul3A_394 {strides = array<i32>} : memref<128x128xf32, #tpu.memory_space<vmem>>, vector<16xf32>,
        %get3A_398 = arith.index_cast %scan3A_353 : i32 to index
        %get3A_399 = arith.constant 96 : index
        %get3A_400 = tpu.vector_load %arg11[%get3A_398, %get3A_399] {strides = array<i32>} : memref<128x128xf32, #tpu.memory_space<vmem>>, vector<16xf32>,
        %mul3A_401 = arith.mulf %get3A_400, %gather3A_355 : vector<16xf32>
        %swap3A_402 = arith.index_cast %scan3A_353 : i32 to index
        %swap3A_403 = arith.constant 96 : index
        %swap3A_404 = tpu.vector_load %arg11[%swap3A_402, %swap3A_403] {strides = array<i32>} : memref<128x128xf32, #tpu.memory_space<vmem>>, vector<16xf32>,
        tpu.vector_store %arg11[%swap3A_402, %swap3A_403], %mul3A_401 {strides = array<i32>} : memref<128x128xf32, #tpu.memory_space<vmem>>, vector<16xf32>,
        %get3A_405 = arith.index_cast %scan3A_353 : i32 to index
        %get3A_406 = arith.constant 112 : index
        %get3A_407 = tpu.vector_load %arg11[%get3A_405, %get3A_406] {strides = array<i32>} : memref<128x128xf32, #tpu.memory_space<vmem>>, vector<16xf32>,
        %mul3A_408 = arith.mulf %get3A_407, %gather3A_355 : vector<16xf32>
        %swap3A_409 = arith.index_cast %scan3A_353 : i32 to index
        %swap3A_410 = arith.constant 112 : index
        %swap3A_411 = tpu.vector_load %arg11[%swap3A_409, %swap3A_410] {strides = array<i32>} : memref<128x128xf32, #tpu.memory_space<vmem>>, vector<16xf32>,
        tpu.vector_store %arg11[%swap3A_409, %swap3A_410], %mul3A_408 {strides = array<i32>} : memref<128x128xf32, #tpu.memory_space<vmem>>, vector<16xf32>,
        %scan3A_412 = arith.constant 0 : i32
        %scan3A_413 = arith.constant 2 : i32
        %scan3A_414 = arith.addi %scan3A_294, %scan3A_413 : i32
        %broadcast_in_dim3A_415 = vector.broadcast %scan3A_414 : i32 to vector<16xi32>
        %gather3A_416 = tpu.vector_load_idx %arg21[%broadcast_in_dim3A_415] : memref<128xf32, #tpu.memory_space<vmem>>[vector<16xi32>], vector<16xf32>,
        %get3A_417 = arith.index_cast %scan3A_414 : i32 to index
        %get3A_418 = arith.constant 0 : index
        %get3A_419 = tpu.vector_load %arg11[%get3A_417, %get3A_418] {strides = array<i32>} : memref<128x128xf32, #tpu.memory_space<vmem>>, vector<16xf32>,
        %mul3A_420 = arith.mulf %get3A_419, %gather3A_416 : vector<16xf32>
        %swap3A_421 = arith.index_cast %scan3A_414 : i32 to index
        %swap3A_422 = arith.constant 0 : index
        %swap3A_423 = tpu.vector_load %arg11[%swap3A_421, %swap3A_422] {strides = array<i32>} : memref<128x128xf32, #tpu.memory_space<vmem>>, vector<16xf32>,
        tpu.vector_store %arg11[%swap3A_421, %swap3A_422], %mul3A_420 {strides = array<i32>} : memref<128x128xf32, #tpu.memory_space<vmem>>, vector<16xf32>,
        %get3A_424 = arith.index_cast %scan3A_414 : i32 to index
        %get3A_425 = arith.constant 16 : index
        %get3A_426 = tpu.vector_load %arg11[%get3A_424, %get3A_425] {strides = array<i32>} : memref<128x128xf32, #tpu.memory_space<vmem>>, vector<16xf32>,
        %mul3A_427 = arith.mulf %get3A_426, %gather3A_416 : vector<16xf32>
        %swap3A_428 = arith.index_cast %scan3A_414 : i32 to index
        %swap3A_429 = arith.constant 16 : index
        %swap3A_430 = tpu.vector_load %arg11[%swap3A_428, %swap3A_429] {strides = array<i32>} : memref<128x128xf32, #tpu.memory_space<vmem>>, vector<16xf32>,
        tpu.vector_store %arg11[%swap3A_428, %swap3A_429], %mul3A_427 {strides = array<i32>} : memref<128x128xf32, #tpu.memory_space<vmem>>, vector<16xf32>,
        %get3A_431 = arith.index_cast %scan3A_414 : i32 to index
        %get3A_432 = arith.constant 32 : index
        %get3A_433 = tpu.vector_load %arg11[%get3A_431, %get3A_432] {strides = array<i32>} : memref<128x128xf32, #tpu.memory_space<vmem>>, vector<16xf32>,
        %mul3A_434 = arith.mulf %get3A_433, %gather3A_416 : vector<16xf32>
        %swap3A_435 = arith.index_cast %scan3A_414 : i32 to index
        %swap3A_436 = arith.constant 32 : index
        %swap3A_437 = tpu.vector_load %arg11[%swap3A_435, %swap3A_436] {strides = array<i32>} : memref<128x128xf32, #tpu.memory_space<vmem>>, vector<16xf32>,
        tpu.vector_store %arg11[%swap3A_435, %swap3A_436], %mul3A_434 {strides = array<i32>} : memref<128x128xf32, #tpu.memory_space<vmem>>, vector<16xf32>,
        %get3A_438 = arith.index_cast %scan3A_414 : i32 to index
        %get3A_439 = arith.constant 48 : index
        %get3A_440 = tpu.vector_load %arg11[%get3A_438, %get3A_439] {strides = array<i32>} : memref<128x128xf32, #tpu.memory_space<vmem>>, vector<16xf32>,
        %mul3A_441 = arith.mulf %get3A_440, %gather3A_416 : vector<16xf32>
        %swap3A_442 = arith.index_cast %scan3A_414 : i32 to index
        %swap3A_443 = arith.constant 48 : index
        %swap3A_444 = tpu.vector_load %arg11[%swap3A_442, %swap3A_443] {strides = array<i32>} : memref<128x128xf32, #tpu.memory_space<vmem>>, vector<16xf32>,
        tpu.vector_store %arg11[%swap3A_442, %swap3A_443], %mul3A_441 {strides = array<i32>} : memref<128x128xf32, #tpu.memory_space<vmem>>, vector<16xf32>,
        %get3A_445 = arith.index_cast %scan3A_414 : i32 to index
        %get3A_446 = arith.constant 64 : index
        %get3A_447 = tpu.vector_load %arg11[%get3A_445, %get3A_446] {strides = array<i32>} : memref<128x128xf32, #tpu.memory_space<vmem>>, vector<16xf32>,
        %mul3A_448 = arith.mulf %get3A_447, %gather3A_416 : vector<16xf32>
        %swap3A_449 = arith.index_cast %scan3A_414 : i32 to index
        %swap3A_450 = arith.constant 64 : index
        %swap3A_451 = tpu.vector_load %arg11[%swap3A_449, %swap3A_450] {strides = array<i32>} : memref<128x128xf32, #tpu.memory_space<vmem>>, vector<16xf32>,
        tpu.vector_store %arg11[%swap3A_449, %swap3A_450], %mul3A_448 {strides = array<i32>} : memref<128x128xf32, #tpu.memory_space<vmem>>, vector<16xf32>,
        %get3A_452 = arith.index_cast %scan3A_414 : i32 to index
        %get3A_453 = arith.constant 80 : index
        %get3A_454 = tpu.vector_load %arg11[%get3A_452, %get3A_453] {strides = array<i32>} : memref<128x128xf32, #tpu.memory_space<vmem>>, vector<16xf32>,
        %mul3A_455 = arith.mulf %get3A_454, %gather3A_416 : vector<16xf32>
        %swap3A_456 = arith.index_cast %scan3A_414 : i32 to index
        %swap3A_457 = arith.constant 80 : index
        %swap3A_458 = tpu.vector_load %arg11[%swap3A_456, %swap3A_457] {strides = array<i32>} : memref<128x128xf32, #tpu.memory_space<vmem>>, vector<16xf32>,
        tpu.vector_store %arg11[%swap3A_456, %swap3A_457], %mul3A_455 {strides = array<i32>} : memref<128x128xf32, #tpu.memory_space<vmem>>, vector<16xf32>,
        %get3A_459 = arith.index_cast %scan3A_414 : i32 to index
        %get3A_460 = arith.constant 96 : index
        %get3A_461 = tpu.vector_load %arg11[%get3A_459, %get3A_460] {strides = array<i32>} : memref<128x128xf32, #tpu.memory_space<vmem>>, vector<16xf32>,
        %mul3A_462 = arith.mulf %get3A_461, %gather3A_416 : vector<16xf32>
        %swap3A_463 = arith.index_cast %scan3A_414 : i32 to index
        %swap3A_464 = arith.constant 96 : index
        %swap3A_465 = tpu.vector_load %arg11[%swap3A_463, %swap3A_464] {strides = array<i32>} : memref<128x128xf32, #tpu.memory_space<vmem>>, vector<16xf32>,
        tpu.vector_store %arg11[%swap3A_463, %swap3A_464], %mul3A_462 {strides = array<i32>} : memref<128x128xf32, #tpu.memory_space<vmem>>, vector<16xf32>,
        %get3A_466 = arith.index_cast %scan3A_414 : i32 to index
        %get3A_467 = arith.constant 112 : index
        %get3A_468 = tpu.vector_load %arg11[%get3A_466, %get3A_467] {strides = array<i32>} : memref<128x128xf32, #tpu.memory_space<vmem>>, vector<16xf32>,
        %mul3A_469 = arith.mulf %get3A_468, %gather3A_416 : vector<16xf32>
        %swap3A_470 = arith.index_cast %scan3A_414 : i32 to index
        %swap3A_471 = arith.constant 112 : index
        %swap3A_472 = tpu.vector_load %arg11[%swap3A_470, %swap3A_471] {strides = array<i32>} : memref<128x128xf32, #tpu.memory_space<vmem>>, vector<16xf32>,
        tpu.vector_store %arg11[%swap3A_470, %swap3A_471], %mul3A_469 {strides = array<i32>} : memref<128x128xf32, #tpu.memory_space<vmem>>, vector<16xf32>,
        %scan3A_473 = arith.constant 0 : i32
        %scan3A_474 = arith.constant 3 : i32
        %scan3A_475 = arith.addi %scan3A_294, %scan3A_474 : i32
        %broadcast_in_dim3A_476 = vector.broadcast %scan3A_475 : i32 to vector<16xi32>
        %gather3A_477 = tpu.vector_load_idx %arg21[%broadcast_in_dim3A_476] : memref<128xf32, #tpu.memory_space<vmem>>[vector<16xi32>], vector<16xf32>,
        %get3A_478 = arith.index_cast %scan3A_475 : i32 to index
        %get3A_479 = arith.constant 0 : index
        %get3A_480 = tpu.vector_load %arg11[%get3A_478, %get3A_479] {strides = array<i32>} : memref<128x128xf32, #tpu.memory_space<vmem>>, vector<16xf32>,
        %mul3A_481 = arith.mulf %get3A_480, %gather3A_477 : vector<16xf32>
        %swap3A_482 = arith.index_cast %scan3A_475 : i32 to index
        %swap3A_483 = arith.constant 0 : index
        %swap3A_484 = tpu.vector_load %arg11[%swap3A_482, %swap3A_483] {strides = array<i32>} : memref<128x128xf32, #tpu.memory_space<vmem>>, vector<16xf32>,
        tpu.vector_store %arg11[%swap3A_482, %swap3A_483], %mul3A_481 {strides = array<i32>} : memref<128x128xf32, #tpu.memory_space<vmem>>, vector<16xf32>,
        %get3A_485 = arith.index_cast %scan3A_475 : i32 to index
        %get3A_486 = arith.constant 16 : index
        %get3A_487 = tpu.vector_load %arg11[%get3A_485, %get3A_486] {strides = array<i32>} : memref<128x128xf32, #tpu.memory_space<vmem>>, vector<16xf32>,
        %mul3A_488 = arith.mulf %get3A_487, %gather3A_477 : vector<16xf32>
        %swap3A_489 = arith.index_cast %scan3A_475 : i32 to index
        %swap3A_490 = arith.constant 16 : index
        %swap3A_491 = tpu.vector_load %arg11[%swap3A_489, %swap3A_490] {strides = array<i32>} : memref<128x128xf32, #tpu.memory_space<vmem>>, vector<16xf32>,
        tpu.vector_store %arg11[%swap3A_489, %swap3A_490], %mul3A_488 {strides = array<i32>} : memref<128x128xf32, #tpu.memory_space<vmem>>, vector<16xf32>,
        %get3A_492 = arith.index_cast %scan3A_475 : i32 to index
        %get3A_493 = arith.constant 32 : index
        %get3A_494 = tpu.vector_load %arg11[%get3A_492, %get3A_493] {strides = array<i32>} : memref<128x128xf32, #tpu.memory_space<vmem>>, vector<16xf32>,
        %mul3A_495 = arith.mulf %get3A_494, %gather3A_477 : vector<16xf32>
        %swap3A_496 = arith.index_cast %scan3A_475 : i32 to index
        %swap3A_497 = arith.constant 32 : index
        %swap3A_498 = tpu.vector_load %arg11[%swap3A_496, %swap3A_497] {strides = array<i32>} : memref<128x128xf32, #tpu.memory_space<vmem>>, vector<16xf32>,
        tpu.vector_store %arg11[%swap3A_496, %swap3A_497], %mul3A_495 {strides = array<i32>} : memref<128x128xf32, #tpu.memory_space<vmem>>, vector<16xf32>,
        %get3A_499 = arith.index_cast %scan3A_475 : i32 to index
        %get3A_500 = arith.constant 48 : index
        %get3A_501 = tpu.vector_load %arg11[%get3A_499, %get3A_500] {strides = array<i32>} : memref<128x128xf32, #tpu.memory_space<vmem>>, vector<16xf32>,
        %mul3A_502 = arith.mulf %get3A_501, %gather3A_477 : vector<16xf32>
        %swap3A_503 = arith.index_cast %scan3A_475 : i32 to index
        %swap3A_504 = arith.constant 48 : index
        %swap3A_505 = tpu.vector_load %arg11[%swap3A_503, %swap3A_504] {strides = array<i32>} : memref<128x128xf32, #tpu.memory_space<vmem>>, vector<16xf32>,
        tpu.vector_store %arg11[%swap3A_503, %swap3A_504], %mul3A_502 {strides = array<i32>} : memref<128x128xf32, #tpu.memory_space<vmem>>, vector<16xf32>,
        %get3A_506 = arith.index_cast %scan3A_475 : i32 to index
        %get3A_507 = arith.constant 64 : index
        %get3A_508 = tpu.vector_load %arg11[%get3A_506, %get3A_507] {strides = array<i32>} : memref<128x128xf32, #tpu.memory_space<vmem>>, vector<16xf32>,
        %mul3A_509 = arith.mulf %get3A_508, %gather3A_477 : vector<16xf32>
        %swap3A_510 = arith.index_cast %scan3A_475 : i32 to index
        %swap3A_511 = arith.constant 64 : index
        %swap3A_512 = tpu.vector_load %arg11[%swap3A_510, %swap3A_511] {strides = array<i32>} : memref<128x128xf32, #tpu.memory_space<vmem>>, vector<16xf32>,
        tpu.vector_store %arg11[%swap3A_510, %swap3A_511], %mul3A_509 {strides = array<i32>} : memref<128x128xf32, #tpu.memory_space<vmem>>, vector<16xf32>,
        %get3A_513 = arith.index_cast %scan3A_475 : i32 to index
        %get3A_514 = arith.constant 80 : index
        %get3A_515 = tpu.vector_load %arg11[%get3A_513, %get3A_514] {strides = array<i32>} : memref<128x128xf32, #tpu.memory_space<vmem>>, vector<16xf32>,
        %mul3A_516 = arith.mulf %get3A_515, %gather3A_477 : vector<16xf32>
        %swap3A_517 = arith.index_cast %scan3A_475 : i32 to index
        %swap3A_518 = arith.constant 80 : index
        %swap3A_519 = tpu.vector_load %arg11[%swap3A_517, %swap3A_518] {strides = array<i32>} : memref<128x128xf32, #tpu.memory_space<vmem>>, vector<16xf32>,
        tpu.vector_store %arg11[%swap3A_517, %swap3A_518], %mul3A_516 {strides = array<i32>} : memref<128x128xf32, #tpu.memory_space<vmem>>, vector<16xf32>,
        %get3A_520 = arith.index_cast %scan3A_475 : i32 to index
        %get3A_521 = arith.constant 96 : index
        %get3A_522 = tpu.vector_load %arg11[%get3A_520, %get3A_521] {strides = array<i32>} : memref<128x128xf32, #tpu.memory_space<vmem>>, vector<16xf32>,
        %mul3A_523 = arith.mulf %get3A_522, %gather3A_477 : vector<16xf32>
        %swap3A_524 = arith.index_cast %scan3A_475 : i32 to index
        %swap3A_525 = arith.constant 96 : index
        %swap3A_526 = tpu.vector_load %arg11[%swap3A_524, %swap3A_525] {strides = array<i32>} : memref<128x128xf32, #tpu.memory_space<vmem>>, vector<16xf32>,
        tpu.vector_store %arg11[%swap3A_524, %swap3A_525], %mul3A_523 {strides = array<i32>} : memref<128x128xf32, #tpu.memory_space<vmem>>, vector<16xf32>,
        %get3A_527 = arith.index_cast %scan3A_475 : i32 to index
        %get3A_528 = arith.constant 112 : index
        %get3A_529 = tpu.vector_load %arg11[%get3A_527, %get3A_528] {strides = array<i32>} : memref<128x128xf32, #tpu.memory_space<vmem>>, vector<16xf32>,
        %mul3A_530 = arith.mulf %get3A_529, %gather3A_477 : vector<16xf32>
        %swap3A_531 = arith.index_cast %scan3A_475 : i32 to index
        %swap3A_532 = arith.constant 112 : index
        %swap3A_533 = tpu.vector_load %arg11[%swap3A_531, %swap3A_532] {strides = array<i32>} : memref<128x128xf32, #tpu.memory_space<vmem>>, vector<16xf32>,
        tpu.vector_store %arg11[%swap3A_531, %swap3A_532], %mul3A_530 {strides = array<i32>} : memref<128x128xf32, #tpu.memory_space<vmem>>, vector<16xf32>,
        %scan3A_534 = arith.constant 0 : i32
        %scan3A_535 = arith.constant 4 : i32
        %scan3A_536 = arith.addi %scan3A_294, %scan3A_535 : i32
        %broadcast_in_dim3A_537 = vector.broadcast %scan3A_536 : i32 to vector<16xi32>
        %gather3A_538 = tpu.vector_load_idx %arg21[%broadcast_in_dim3A_537] : memref<128xf32, #tpu.memory_space<vmem>>[vector<16xi32>], vector<16xf32>,
        %get3A_539 = arith.index_cast %scan3A_536 : i32 to index
        %get3A_540 = arith.constant 0 : index
        %get3A_541 = tpu.vector_load %arg11[%get3A_539, %get3A_540] {strides = array<i32>} : memref<128x128xf32, #tpu.memory_space<vmem>>, vector<16xf32>,
        %mul3A_542 = arith.mulf %get3A_541, %gather3A_538 : vector<16xf32>
        %swap3A_543 = arith.index_cast %scan3A_536 : i32 to index
        %swap3A_544 = arith.constant 0 : index
        %swap3A_545 = tpu.vector_load %arg11[%swap3A_543, %swap3A_544] {strides = array<i32>} : memref<128x128xf32, #tpu.memory_space<vmem>>, vector<16xf32>,
        tpu.vector_store %arg11[%swap3A_543, %swap3A_544], %mul3A_542 {strides = array<i32>} : memref<128x128xf32, #tpu.memory_space<vmem>>, vector<16xf32>,
        %get3A_546 = arith.index_cast %scan3A_536 : i32 to index
        %get3A_547 = arith.constant 16 : index
        %get3A_548 = tpu.vector_load %arg11[%get3A_546, %get3A_547] {strides = array<i32>} : memref<128x128xf32, #tpu.memory_space<vmem>>, vector<16xf32>,
        %mul3A_549 = arith.mulf %get3A_548, %gather3A_538 : vector<16xf32>
        %swap3A_550 = arith.index_cast %scan3A_536 : i32 to index
        %swap3A_551 = arith.constant 16 : index
        %swap3A_552 = tpu.vector_load %arg11[%swap3A_550, %swap3A_551] {strides = array<i32>} : memref<128x128xf32, #tpu.memory_space<vmem>>, vector<16xf32>,
        tpu.vector_store %arg11[%swap3A_550, %swap3A_551], %mul3A_549 {strides = array<i32>} : memref<128x128xf32, #tpu.memory_space<vmem>>, vector<16xf32>,
        %get3A_553 = arith.index_cast %scan3A_536 : i32 to index
        %get3A_554 = arith.constant 32 : index
        %get3A_555 = tpu.vector_load %arg11[%get3A_553, %get3A_554] {strides = array<i32>} : memref<128x128xf32, #tpu.memory_space<vmem>>, vector<16xf32>,
        %mul3A_556 = arith.mulf %get3A_555, %gather3A_538 : vector<16xf32>
        %swap3A_557 = arith.index_cast %scan3A_536 : i32 to index
        %swap3A_558 = arith.constant 32 : index
        %swap3A_559 = tpu.vector_load %arg11[%swap3A_557, %swap3A_558] {strides = array<i32>} : memref<128x128xf32, #tpu.memory_space<vmem>>, vector<16xf32>,
        tpu.vector_store %arg11[%swap3A_557, %swap3A_558], %mul3A_556 {strides = array<i32>} : memref<128x128xf32, #tpu.memory_space<vmem>>, vector<16xf32>,
        %get3A_560 = arith.index_cast %scan3A_536 : i32 to index
        %get3A_561 = arith.constant 48 : index
        %get3A_562 = tpu.vector_load %arg11[%get3A_560, %get3A_561] {strides = array<i32>} : memref<128x128xf32, #tpu.memory_space<vmem>>, vector<16xf32>,
        %mul3A_563 = arith.mulf %get3A_562, %gather3A_538 : vector<16xf32>
        %swap3A_564 = arith.index_cast %scan3A_536 : i32 to index
        %swap3A_565 = arith.constant 48 : index
        %swap3A_566 = tpu.vector_load %arg11[%swap3A_564, %swap3A_565] {strides = array<i32>} : memref<128x128xf32, #tpu.memory_space<vmem>>, vector<16xf32>,
        tpu.vector_store %arg11[%swap3A_564, %swap3A_565], %mul3A_563 {strides = array<i32>} : memref<128x128xf32, #tpu.memory_space<vmem>>, vector<16xf32>,
        %get3A_567 = arith.index_cast %scan3A_536 : i32 to index
        %get3A_568 = arith.constant 64 : index
        %get3A_569 = tpu.vector_load %arg11[%get3A_567, %get3A_568] {strides = array<i32>} : memref<128x128xf32, #tpu.memory_space<vmem>>, vector<16xf32>,
        %mul3A_570 = arith.mulf %get3A_569, %gather3A_538 : vector<16xf32>
        %swap3A_571 = arith.index_cast %scan3A_536 : i32 to index
        %swap3A_572 = arith.constant 64 : index
        %swap3A_573 = tpu.vector_load %arg11[%swap3A_571, %swap3A_572] {strides = array<i32>} : memref<128x128xf32, #tpu.memory_space<vmem>>, vector<16xf32>,
        tpu.vector_store %arg11[%swap3A_571, %swap3A_572], %mul3A_570 {strides = array<i32>} : memref<128x128xf32, #tpu.memory_space<vmem>>, vector<16xf32>,
        %get3A_574 = arith.index_cast %scan3A_536 : i32 to index
        %get3A_575 = arith.constant 80 : index
        %get3A_576 = tpu.vector_load %arg11[%get3A_574, %get3A_575] {strides = array<i32>} : memref<128x128xf32, #tpu.memory_space<vmem>>, vector<16xf32>,
        %mul3A_577 = arith.mulf %get3A_576, %gather3A_538 : vector<16xf32>
        %swap3A_578 = arith.index_cast %scan3A_536 : i32 to index
        %swap3A_579 = arith.constant 80 : index
        %swap3A_580 = tpu.vector_load %arg11[%swap3A_578, %swap3A_579] {strides = array<i32>} : memref<128x128xf32, #tpu.memory_space<vmem>>, vector<16xf32>,
        tpu.vector_store %arg11[%swap3A_578, %swap3A_579], %mul3A_577 {strides = array<i32>} : memref<128x128xf32, #tpu.memory_space<vmem>>, vector<16xf32>,
        %get3A_581 = arith.index_cast %scan3A_536 : i32 to index
        %get3A_582 = arith.constant 96 : index
        %get3A_583 = tpu.vector_load %arg11[%get3A_581, %get3A_582] {strides = array<i32>} : memref<128x128xf32, #tpu.memory_space<vmem>>, vector<16xf32>,
        %mul3A_584 = arith.mulf %get3A_583, %gather3A_538 : vector<16xf32>
        %swap3A_585 = arith.index_cast %scan3A_536 : i32 to index
        %swap3A_586 = arith.constant 96 : index
        %swap3A_587 = tpu.vector_load %arg11[%swap3A_585, %swap3A_586] {strides = array<i32>} : memref<128x128xf32, #tpu.memory_space<vmem>>, vector<16xf32>,
        tpu.vector_store %arg11[%swap3A_585, %swap3A_586], %mul3A_584 {strides = array<i32>} : memref<128x128xf32, #tpu.memory_space<vmem>>, vector<16xf32>,
        %get3A_588 = arith.index_cast %scan3A_536 : i32 to index
        %get3A_589 = arith.constant 112 : index
        %get3A_590 = tpu.vector_load %arg11[%get3A_588, %get3A_589] {strides = array<i32>} : memref<128x128xf32, #tpu.memory_space<vmem>>, vector<16xf32>,
        %mul3A_591 = arith.mulf %get3A_590, %gather3A_538 : vector<16xf32>
        %swap3A_592 = arith.index_cast %scan3A_536 : i32 to index
        %swap3A_593 = arith.constant 112 : index
        %swap3A_594 = tpu.vector_load %arg11[%swap3A_592, %swap3A_593] {strides = array<i32>} : memref<128x128xf32, #tpu.memory_space<vmem>>, vector<16xf32>,
        tpu.vector_store %arg11[%swap3A_592, %swap3A_593], %mul3A_591 {strides = array<i32>} : memref<128x128xf32, #tpu.memory_space<vmem>>, vector<16xf32>,
        %scan3A_595 = arith.constant 0 : i32
        %scan3A_596 = arith.constant 5 : i32
        %scan3A_597 = arith.addi %scan3A_294, %scan3A_596 : i32
        %broadcast_in_dim3A_598 = vector.broadcast %scan3A_597 : i32 to vector<16xi32>
        %gather3A_599 = tpu.vector_load_idx %arg21[%broadcast_in_dim3A_598] : memref<128xf32, #tpu.memory_space<vmem>>[vector<16xi32>], vector<16xf32>,
        %get3A_600 = arith.index_cast %scan3A_597 : i32 to index
        %get3A_601 = arith.constant 0 : index
        %get3A_602 = tpu.vector_load %arg11[%get3A_600, %get3A_601] {strides = array<i32>} : memref<128x128xf32, #tpu.memory_space<vmem>>, vector<16xf32>,
        %mul3A_603 = arith.mulf %get3A_602, %gather3A_599 : vector<16xf32>
        %swap3A_604 = arith.index_cast %scan3A_597 : i32 to index
        %swap3A_605 = arith.constant 0 : index
        %swap3A_606 = tpu.vector_load %arg11[%swap3A_604, %swap3A_605] {strides = array<i32>} : memref<128x128xf32, #tpu.memory_space<vmem>>, vector<16xf32>,
        tpu.vector_store %arg11[%swap3A_604, %swap3A_605], %mul3A_603 {strides = array<i32>} : memref<128x128xf32, #tpu.memory_space<vmem>>, vector<16xf32>,
        %get3A_607 = arith.index_cast %scan3A_597 : i32 to index
        %get3A_608 = arith.constant 16 : index
        %get3A_609 = tpu.vector_load %arg11[%get3A_607, %get3A_608] {strides = array<i32>} : memref<128x128xf32, #tpu.memory_space<vmem>>, vector<16xf32>,
        %mul3A_610 = arith.mulf %get3A_609, %gather3A_599 : vector<16xf32>
        %swap3A_611 = arith.index_cast %scan3A_597 : i32 to index
        %swap3A_612 = arith.constant 16 : index
        %swap3A_613 = tpu.vector_load %arg11[%swap3A_611, %swap3A_612] {strides = array<i32>} : memref<128x128xf32, #tpu.memory_space<vmem>>, vector<16xf32>,
        tpu.vector_store %arg11[%swap3A_611, %swap3A_612], %mul3A_610 {strides = array<i32>} : memref<128x128xf32, #tpu.memory_space<vmem>>, vector<16xf32>,
        %get3A_614 = arith.index_cast %scan3A_597 : i32 to index
        %get3A_615 = arith.constant 32 : index
        %get3A_616 = tpu.vector_load %arg11[%get3A_614, %get3A_615] {strides = array<i32>} : memref<128x128xf32, #tpu.memory_space<vmem>>, vector<16xf32>,
        %mul3A_617 = arith.mulf %get3A_616, %gather3A_599 : vector<16xf32>
        %swap3A_618 = arith.index_cast %scan3A_597 : i32 to index
        %swap3A_619 = arith.constant 32 : index
        %swap3A_620 = tpu.vector_load %arg11[%swap3A_618, %swap3A_619] {strides = array<i32>} : memref<128x128xf32, #tpu.memory_space<vmem>>, vector<16xf32>,
        tpu.vector_store %arg11[%swap3A_618, %swap3A_619], %mul3A_617 {strides = array<i32>} : memref<128x128xf32, #tpu.memory_space<vmem>>, vector<16xf32>,
        %get3A_621 = arith.index_cast %scan3A_597 : i32 to index
        %get3A_622 = arith.constant 48 : index
        %get3A_623 = tpu.vector_load %arg11[%get3A_621, %get3A_622] {strides = array<i32>} : memref<128x128xf32, #tpu.memory_space<vmem>>, vector<16xf32>,
        %mul3A_624 = arith.mulf %get3A_623, %gather3A_599 : vector<16xf32>
        %swap3A_625 = arith.index_cast %scan3A_597 : i32 to index
        %swap3A_626 = arith.constant 48 : index
        %swap3A_627 = tpu.vector_load %arg11[%swap3A_625, %swap3A_626] {strides = array<i32>} : memref<128x128xf32, #tpu.memory_space<vmem>>, vector<16xf32>,
        tpu.vector_store %arg11[%swap3A_625, %swap3A_626], %mul3A_624 {strides = array<i32>} : memref<128x128xf32, #tpu.memory_space<vmem>>, vector<16xf32>,
        %get3A_628 = arith.index_cast %scan3A_597 : i32 to index
        %get3A_629 = arith.constant 64 : index
        %get3A_630 = tpu.vector_load %arg11[%get3A_628, %get3A_629] {strides = array<i32>} : memref<128x128xf32, #tpu.memory_space<vmem>>, vector<16xf32>,
        %mul3A_631 = arith.mulf %get3A_630, %gather3A_599 : vector<16xf32>
        %swap3A_632 = arith.index_cast %scan3A_597 : i32 to index
        %swap3A_633 = arith.constant 64 : index
        %swap3A_634 = tpu.vector_load %arg11[%swap3A_632, %swap3A_633] {strides = array<i32>} : memref<128x128xf32, #tpu.memory_space<vmem>>, vector<16xf32>,
        tpu.vector_store %arg11[%swap3A_632, %swap3A_633], %mul3A_631 {strides = array<i32>} : memref<128x128xf32, #tpu.memory_space<vmem>>, vector<16xf32>,
        %get3A_635 = arith.index_cast %scan3A_597 : i32 to index
        %get3A_636 = arith.constant 80 : index
        %get3A_637 = tpu.vector_load %arg11[%get3A_635, %get3A_636] {strides = array<i32>} : memref<128x128xf32, #tpu.memory_space<vmem>>, vector<16xf32>,
        %mul3A_638 = arith.mulf %get3A_637, %gather3A_599 : vector<16xf32>
        %swap3A_639 = arith.index_cast %scan3A_597 : i32 to index
        %swap3A_640 = arith.constant 80 : index
        %swap3A_641 = tpu.vector_load %arg11[%swap3A_639, %swap3A_640] {strides = array<i32>} : memref<128x128xf32, #tpu.memory_space<vmem>>, vector<16xf32>,
        tpu.vector_store %arg11[%swap3A_639, %swap3A_640], %mul3A_638 {strides = array<i32>} : memref<128x128xf32, #tpu.memory_space<vmem>>, vector<16xf32>,
        %get3A_642 = arith.index_cast %scan3A_597 : i32 to index
        %get3A_643 = arith.constant 96 : index
        %get3A_644 = tpu.vector_load %arg11[%get3A_642, %get3A_643] {strides = array<i32>} : memref<128x128xf32, #tpu.memory_space<vmem>>, vector<16xf32>,
        %mul3A_645 = arith.mulf %get3A_644, %gather3A_599 : vector<16xf32>
        %swap3A_646 = arith.index_cast %scan3A_597 : i32 to index
        %swap3A_647 = arith.constant 96 : index
        %swap3A_648 = tpu.vector_load %arg11[%swap3A_646, %swap3A_647] {strides = array<i32>} : memref<128x128xf32, #tpu.memory_space<vmem>>, vector<16xf32>,
        tpu.vector_store %arg11[%swap3A_646, %swap3A_647], %mul3A_645 {strides = array<i32>} : memref<128x128xf32, #tpu.memory_space<vmem>>, vector<16xf32>,
        %get3A_649 = arith.index_cast %scan3A_597 : i32 to index
        %get3A_650 = arith.constant 112 : index
        %get3A_651 = tpu.vector_load %arg11[%get3A_649, %get3A_650] {strides = array<i32>} : memref<128x128xf32, #tpu.memory_space<vmem>>, vector<16xf32>,
        %mul3A_652 = arith.mulf %get3A_651, %gather3A_599 : vector<16xf32>
        %swap3A_653 = arith.index_cast %scan3A_597 : i32 to index
        %swap3A_654 = arith.constant 112 : index
        %swap3A_655 = tpu.vector_load %arg11[%swap3A_653, %swap3A_654] {strides = array<i32>} : memref<128x128xf32, #tpu.memory_space<vmem>>, vector<16xf32>,
        tpu.vector_store %arg11[%swap3A_653, %swap3A_654], %mul3A_652 {strides = array<i32>} : memref<128x128xf32, #tpu.memory_space<vmem>>, vector<16xf32>,
        %scan3A_656 = arith.constant 0 : i32
        %scan3A_657 = arith.constant 6 : i32
        %scan3A_658 = arith.addi %scan3A_294, %scan3A_657 : i32
        %broadcast_in_dim3A_659 = vector.broadcast %scan3A_658 : i32 to vector<16xi32>
        %gather3A_660 = tpu.vector_load_idx %arg21[%broadcast_in_dim3A_659] : memref<128xf32, #tpu.memory_space<vmem>>[vector<16xi32>], vector<16xf32>,
        %get3A_661 = arith.index_cast %scan3A_658 : i32 to index
        %get3A_662 = arith.constant 0 : index
        %get3A_663 = tpu.vector_load %arg11[%get3A_661, %get3A_662] {strides = array<i32>} : memref<128x128xf32, #tpu.memory_space<vmem>>, vector<16xf32>,
        %mul3A_664 = arith.mulf %get3A_663, %gather3A_660 : vector<16xf32>
        %swap3A_665 = arith.index_cast %scan3A_658 : i32 to index
        %swap3A_666 = arith.constant 0 : index
        %swap3A_667 = tpu.vector_load %arg11[%swap3A_665, %swap3A_666] {strides = array<i32>} : memref<128x128xf32, #tpu.memory_space<vmem>>, vector<16xf32>,
        tpu.vector_store %arg11[%swap3A_665, %swap3A_666], %mul3A_664 {strides = array<i32>} : memref<128x128xf32, #tpu.memory_space<vmem>>, vector<16xf32>,
        %get3A_668 = arith.index_cast %scan3A_658 : i32 to index
        %get3A_669 = arith.constant 16 : index
        %get3A_670 = tpu.vector_load %arg11[%get3A_668, %get3A_669] {strides = array<i32>} : memref<128x128xf32, #tpu.memory_space<vmem>>, vector<16xf32>,
        %mul3A_671 = arith.mulf %get3A_670, %gather3A_660 : vector<16xf32>
        %swap3A_672 = arith.index_cast %scan3A_658 : i32 to index
        %swap3A_673 = arith.constant 16 : index
        %swap3A_674 = tpu.vector_load %arg11[%swap3A_672, %swap3A_673] {strides = array<i32>} : memref<128x128xf32, #tpu.memory_space<vmem>>, vector<16xf32>,
        tpu.vector_store %arg11[%swap3A_672, %swap3A_673], %mul3A_671 {strides = array<i32>} : memref<128x128xf32, #tpu.memory_space<vmem>>, vector<16xf32>,
        %get3A_675 = arith.index_cast %scan3A_658 : i32 to index
        %get3A_676 = arith.constant 32 : index
        %get3A_677 = tpu.vector_load %arg11[%get3A_675, %get3A_676] {strides = array<i32>} : memref<128x128xf32, #tpu.memory_space<vmem>>, vector<16xf32>,
        %mul3A_678 = arith.mulf %get3A_677, %gather3A_660 : vector<16xf32>
        %swap3A_679 = arith.index_cast %scan3A_658 : i32 to index
        %swap3A_680 = arith.constant 32 : index
        %swap3A_681 = tpu.vector_load %arg11[%swap3A_679, %swap3A_680] {strides = array<i32>} : memref<128x128xf32, #tpu.memory_space<vmem>>, vector<16xf32>,
        tpu.vector_store %arg11[%swap3A_679, %swap3A_680], %mul3A_678 {strides = array<i32>} : memref<128x128xf32, #tpu.memory_space<vmem>>, vector<16xf32>,
        %get3A_682 = arith.index_cast %scan3A_658 : i32 to index
        %get3A_683 = arith.constant 48 : index
        %get3A_684 = tpu.vector_load %arg11[%get3A_682, %get3A_683] {strides = array<i32>} : memref<128x128xf32, #tpu.memory_space<vmem>>, vector<16xf32>,
        %mul3A_685 = arith.mulf %get3A_684, %gather3A_660 : vector<16xf32>
        %swap3A_686 = arith.index_cast %scan3A_658 : i32 to index
        %swap3A_687 = arith.constant 48 : index
        %swap3A_688 = tpu.vector_load %arg11[%swap3A_686, %swap3A_687] {strides = array<i32>} : memref<128x128xf32, #tpu.memory_space<vmem>>, vector<16xf32>,
        tpu.vector_store %arg11[%swap3A_686, %swap3A_687], %mul3A_685 {strides = array<i32>} : memref<128x128xf32, #tpu.memory_space<vmem>>, vector<16xf32>,
        %get3A_689 = arith.index_cast %scan3A_658 : i32 to index
        %get3A_690 = arith.constant 64 : index
        %get3A_691 = tpu.vector_load %arg11[%get3A_689, %get3A_690] {strides = array<i32>} : memref<128x128xf32, #tpu.memory_space<vmem>>, vector<16xf32>,
        %mul3A_692 = arith.mulf %get3A_691, %gather3A_660 : vector<16xf32>
        %swap3A_693 = arith.index_cast %scan3A_658 : i32 to index
        %swap3A_694 = arith.constant 64 : index
        %swap3A_695 = tpu.vector_load %arg11[%swap3A_693, %swap3A_694] {strides = array<i32>} : memref<128x128xf32, #tpu.memory_space<vmem>>, vector<16xf32>,
        tpu.vector_store %arg11[%swap3A_693, %swap3A_694], %mul3A_692 {strides = array<i32>} : memref<128x128xf32, #tpu.memory_space<vmem>>, vector<16xf32>,
        %get3A_696 = arith.index_cast %scan3A_658 : i32 to index
        %get3A_697 = arith.constant 80 : index
        %get3A_698 = tpu.vector_load %arg11[%get3A_696, %get3A_697] {strides = array<i32>} : memref<128x128xf32, #tpu.memory_space<vmem>>, vector<16xf32>,
        %mul3A_699 = arith.mulf %get3A_698, %gather3A_660 : vector<16xf32>
        %swap3A_700 = arith.index_cast %scan3A_658 : i32 to index
        %swap3A_701 = arith.constant 80 : index
        %swap3A_702 = tpu.vector_load %arg11[%swap3A_700, %swap3A_701] {strides = array<i32>} : memref<128x128xf32, #tpu.memory_space<vmem>>, vector<16xf32>,
        tpu.vector_store %arg11[%swap3A_700, %swap3A_701], %mul3A_699 {strides = array<i32>} : memref<128x128xf32, #tpu.memory_space<vmem>>, vector<16xf32>,
        %get3A_703 = arith.index_cast %scan3A_658 : i32 to index
        %get3A_704 = arith.constant 96 : index
        %get3A_705 = tpu.vector_load %arg11[%get3A_703, %get3A_704] {strides = array<i32>} : memref<128x128xf32, #tpu.memory_space<vmem>>, vector<16xf32>,
        %mul3A_706 = arith.mulf %get3A_705, %gather3A_660 : vector<16xf32>
        %swap3A_707 = arith.index_cast %scan3A_658 : i32 to index
        %swap3A_708 = arith.constant 96 : index
        %swap3A_709 = tpu.vector_load %arg11[%swap3A_707, %swap3A_708] {strides = array<i32>} : memref<128x128xf32, #tpu.memory_space<vmem>>, vector<16xf32>,
        tpu.vector_store %arg11[%swap3A_707, %swap3A_708], %mul3A_706 {strides = array<i32>} : memref<128x128xf32, #tpu.memory_space<vmem>>, vector<16xf32>,
        %get3A_710 = arith.index_cast %scan3A_658 : i32 to index
        %get3A_711 = arith.constant 112 : index
        %get3A_712 = tpu.vector_load %arg11[%get3A_710, %get3A_711] {strides = array<i32>} : memref<128x128xf32, #tpu.memory_space<vmem>>, vector<16xf32>,
        %mul3A_713 = arith.mulf %get3A_712, %gather3A_660 : vector<16xf32>
        %swap3A_714 = arith.index_cast %scan3A_658 : i32 to index
        %swap3A_715 = arith.constant 112 : index
        %swap3A_716 = tpu.vector_load %arg11[%swap3A_714, %swap3A_715] {strides = array<i32>} : memref<128x128xf32, #tpu.memory_space<vmem>>, vector<16xf32>,
        tpu.vector_store %arg11[%swap3A_714, %swap3A_715], %mul3A_713 {strides = array<i32>} : memref<128x128xf32, #tpu.memory_space<vmem>>, vector<16xf32>,
        %scan3A_717 = arith.constant 0 : i32
        %scan3A_718 = arith.constant 7 : i32
        %scan3A_719 = arith.addi %scan3A_294, %scan3A_718 : i32
        %broadcast_in_dim3A_720 = vector.broadcast %scan3A_719 : i32 to vector<16xi32>
        %gather3A_721 = tpu.vector_load_idx %arg21[%broadcast_in_dim3A_720] : memref<128xf32, #tpu.memory_space<vmem>>[vector<16xi32>], vector<16xf32>,
        %get3A_722 = arith.index_cast %scan3A_719 : i32 to index
        %get3A_723 = arith.constant 0 : index
        %get3A_724 = tpu.vector_load %arg11[%get3A_722, %get3A_723] {strides = array<i32>} : memref<128x128xf32, #tpu.memory_space<vmem>>, vector<16xf32>,
        %mul3A_725 = arith.mulf %get3A_724, %gather3A_721 : vector<16xf32>
        %swap3A_726 = arith.index_cast %scan3A_719 : i32 to index
        %swap3A_727 = arith.constant 0 : index
        %swap3A_728 = tpu.vector_load %arg11[%swap3A_726, %swap3A_727] {strides = array<i32>} : memref<128x128xf32, #tpu.memory_space<vmem>>, vector<16xf32>,
        tpu.vector_store %arg11[%swap3A_726, %swap3A_727], %mul3A_725 {strides = array<i32>} : memref<128x128xf32, #tpu.memory_space<vmem>>, vector<16xf32>,
        %get3A_729 = arith.index_cast %scan3A_719 : i32 to index
        %get3A_730 = arith.constant 16 : index
        %get3A_731 = tpu.vector_load %arg11[%get3A_729, %get3A_730] {strides = array<i32>} : memref<128x128xf32, #tpu.memory_space<vmem>>, vector<16xf32>,
        %mul3A_732 = arith.mulf %get3A_731, %gather3A_721 : vector<16xf32>
        %swap3A_733 = arith.index_cast %scan3A_719 : i32 to index
        %swap3A_734 = arith.constant 16 : index
        %swap3A_735 = tpu.vector_load %arg11[%swap3A_733, %swap3A_734] {strides = array<i32>} : memref<128x128xf32, #tpu.memory_space<vmem>>, vector<16xf32>,
        tpu.vector_store %arg11[%swap3A_733, %swap3A_734], %mul3A_732 {strides = array<i32>} : memref<128x128xf32, #tpu.memory_space<vmem>>, vector<16xf32>,
        %get3A_736 = arith.index_cast %scan3A_719 : i32 to index
        %get3A_737 = arith.constant 32 : index
        %get3A_738 = tpu.vector_load %arg11[%get3A_736, %get3A_737] {strides = array<i32>} : memref<128x128xf32, #tpu.memory_space<vmem>>, vector<16xf32>,
        %mul3A_739 = arith.mulf %get3A_738, %gather3A_721 : vector<16xf32>
        %swap3A_740 = arith.index_cast %scan3A_719 : i32 to index
        %swap3A_741 = arith.constant 32 : index
        %swap3A_742 = tpu.vector_load %arg11[%swap3A_740, %swap3A_741] {strides = array<i32>} : memref<128x128xf32, #tpu.memory_space<vmem>>, vector<16xf32>,
        tpu.vector_store %arg11[%swap3A_740, %swap3A_741], %mul3A_739 {strides = array<i32>} : memref<128x128xf32, #tpu.memory_space<vmem>>, vector<16xf32>,
        %get3A_743 = arith.index_cast %scan3A_719 : i32 to index
        %get3A_744 = arith.constant 48 : index
        %get3A_745 = tpu.vector_load %arg11[%get3A_743, %get3A_744] {strides = array<i32>} : memref<128x128xf32, #tpu.memory_space<vmem>>, vector<16xf32>,
        %mul3A_746 = arith.mulf %get3A_745, %gather3A_721 : vector<16xf32>
        %swap3A_747 = arith.index_cast %scan3A_719 : i32 to index
        %swap3A_748 = arith.constant 48 : index
        %swap3A_749 = tpu.vector_load %arg11[%swap3A_747, %swap3A_748] {strides = array<i32>} : memref<128x128xf32, #tpu.memory_space<vmem>>, vector<16xf32>,
        tpu.vector_store %arg11[%swap3A_747, %swap3A_748], %mul3A_746 {strides = array<i32>} : memref<128x128xf32, #tpu.memory_space<vmem>>, vector<16xf32>,
        %get3A_750 = arith.index_cast %scan3A_719 : i32 to index
        %get3A_751 = arith.constant 64 : index
        %get3A_752 = tpu.vector_load %arg11[%get3A_750, %get3A_751] {strides = array<i32>} : memref<128x128xf32, #tpu.memory_space<vmem>>, vector<16xf32>,
        %mul3A_753 = arith.mulf %get3A_752, %gather3A_721 : vector<16xf32>
        %swap3A_754 = arith.index_cast %scan3A_719 : i32 to index
        %swap3A_755 = arith.constant 64 : index
        %swap3A_756 = tpu.vector_load %arg11[%swap3A_754, %swap3A_755] {strides = array<i32>} : memref<128x128xf32, #tpu.memory_space<vmem>>, vector<16xf32>,
        tpu.vector_store %arg11[%swap3A_754, %swap3A_755], %mul3A_753 {strides = array<i32>} : memref<128x128xf32, #tpu.memory_space<vmem>>, vector<16xf32>,
        %get3A_757 = arith.index_cast %scan3A_719 : i32 to index
        %get3A_758 = arith.constant 80 : index
        %get3A_759 = tpu.vector_load %arg11[%get3A_757, %get3A_758] {strides = array<i32>} : memref<128x128xf32, #tpu.memory_space<vmem>>, vector<16xf32>,
        %mul3A_760 = arith.mulf %get3A_759, %gather3A_721 : vector<16xf32>
        %swap3A_761 = arith.index_cast %scan3A_719 : i32 to index
        %swap3A_762 = arith.constant 80 : index
        %swap3A_763 = tpu.vector_load %arg11[%swap3A_761, %swap3A_762] {strides = array<i32>} : memref<128x128xf32, #tpu.memory_space<vmem>>, vector<16xf32>,
        tpu.vector_store %arg11[%swap3A_761, %swap3A_762], %mul3A_760 {strides = array<i32>} : memref<128x128xf32, #tpu.memory_space<vmem>>, vector<16xf32>,
        %get3A_764 = arith.index_cast %scan3A_719 : i32 to index
        %get3A_765 = arith.constant 96 : index
        %get3A_766 = tpu.vector_load %arg11[%get3A_764, %get3A_765] {strides = array<i32>} : memref<128x128xf32, #tpu.memory_space<vmem>>, vector<16xf32>,
        %mul3A_767 = arith.mulf %get3A_766, %gather3A_721 : vector<16xf32>
        %swap3A_768 = arith.index_cast %scan3A_719 : i32 to index
        %swap3A_769 = arith.constant 96 : index
        %swap3A_770 = tpu.vector_load %arg11[%swap3A_768, %swap3A_769] {strides = array<i32>} : memref<128x128xf32, #tpu.memory_space<vmem>>, vector<16xf32>,
        tpu.vector_store %arg11[%swap3A_768, %swap3A_769], %mul3A_767 {strides = array<i32>} : memref<128x128xf32, #tpu.memory_space<vmem>>, vector<16xf32>,
        %get3A_771 = arith.index_cast %scan3A_719 : i32 to index
        %get3A_772 = arith.constant 112 : index
        %get3A_773 = tpu.vector_load %arg11[%get3A_771, %get3A_772] {strides = array<i32>} : memref<128x128xf32, #tpu.memory_space<vmem>>, vector<16xf32>,
        %mul3A_774 = arith.mulf %get3A_773, %gather3A_721 : vector<16xf32>
        %swap3A_775 = arith.index_cast %scan3A_719 : i32 to index
        %swap3A_776 = arith.constant 112 : index
        %swap3A_777 = tpu.vector_load %arg11[%swap3A_775, %swap3A_776] {strides = array<i32>} : memref<128x128xf32, #tpu.memory_space<vmem>>, vector<16xf32>,
        tpu.vector_store %arg11[%swap3A_775, %swap3A_776], %mul3A_774 {strides = array<i32>} : memref<128x128xf32, #tpu.memory_space<vmem>>, vector<16xf32>,
        %scan3A_778 = arith.constant 0 : i32
        scf.yield %scan3A_778 : i32
      }
      %scan3A_218 = arith.constant 128 : i32
      %dma_wait3A_219 = arith.constant 0 : i32
      %dma_wait3A_220 = arith.constant 0 : i32
      %dma_wait3A_221 = tpu.memref_slice %arg23[%dma_wait3A_219, %dma_wait3A_220] : memref<1024x128xf32, #tpu.memory_space<vmem_shared>> -> memref<1024x128xf32, #tpu.memory_space<vmem_shared>>
      tpu.wait_indirect_dma semaphore(%arg28 : memref<!tpu.dma_semaphore, #tpu.memory_space<semaphore_mem>>) src(%arg10 : memref<128x128xf32, #tpu.memory_space<vmem>>) dst(%dma_wait3A_221 : memref<1024x128xf32, #tpu.memory_space<vmem_shared>>)
      %add3A_222 = arith.constant 2 : i32
      %add3A_223 = arith.addi %add3A_188, %add3A_222 : i32
      %mul3A_224 = arith.constant 25 : i32
      %mul3A_225 = arith.muli %add3A, %mul3A_224 : i32
      %add3A_226 = arith.addi %mul3A_225, %add3A_223 : i32
      %lt3A_227 = arith.constant 781 : i32
      %lt3A_228 = arith.cmpi slt, %add3A_226, %lt3A_227 : i32
      %convert_element_type3A_229 = arith.extui %lt3A_228 : i1 to i32
      %cond3A_230 = arith.constant 0 : i32
      %cond3A_231 = arith.cmpi ne, %convert_element_type3A_229, %cond3A_230 : i32
      scf.if %cond3A_231 {
        %mul3A_294 = arith.constant 128 : i32
        %mul3A_295 = arith.muli %add3A_226, %mul3A_294 : i32
        %dma_start3A_296 = arith.constant 0 : i32
        %dma_start3A_297 = tpu.memref_slice %arg2[%mul3A_295, %dma_start3A_296] : memref<100000x128xf32, #tpu.memory_space<hbm>> -> memref<128x128xf32, #tpu.memory_space<hbm>>
        %dma_start3A_298 = arith.constant 0 : i32
        %dma_start3A_299 = tpu.memref_slice %arg2[%mul3A_295, %dma_start3A_298] : memref<100000x128xf32, #tpu.memory_space<hbm>> -> memref<128x128xf32, #tpu.memory_space<hbm>>
        tpu.enqueue_dma source(%dma_start3A_299 : memref<128x128xf32, #tpu.memory_space<hbm>>) target(%arg10 : memref<128x128xf32, #tpu.memory_space<vmem>>) target_semaphore(%arg25 : memref<!tpu.dma_semaphore, #tpu.memory_space<semaphore_mem>>)
        %dma_start3A_300 = arith.constant 0 : i32
        %dma_start3A_301 = tpu.memref_slice %arg3[%mul3A_295, %dma_start3A_300] : memref<100000x3xi32, #tpu.memory_space<hbm>> -> memref<128x3xi32, #tpu.memory_space<hbm>>
        %dma_start3A_302 = arith.constant 0 : i32
        %dma_start3A_303 = tpu.memref_slice %arg3[%mul3A_295, %dma_start3A_302] : memref<100000x3xi32, #tpu.memory_space<hbm>> -> memref<128x3xi32, #tpu.memory_space<hbm>>
        tpu.enqueue_dma source(%dma_start3A_303 : memref<128x3xi32, #tpu.memory_space<hbm>>) target(%arg13 : memref<128x3xi32, #tpu.memory_space<vmem>>) target_semaphore(%arg25 : memref<!tpu.dma_semaphore, #tpu.memory_space<semaphore_mem>>)
        %dma_start3A_304 = tpu.memref_slice %arg4[%mul3A_295] : memref<100000xi32, #tpu.memory_space<hbm>> -> memref<128xi32, #tpu.memory_space<hbm>>
        %dma_start3A_305 = tpu.memref_slice %arg4[%mul3A_295] : memref<100000xi32, #tpu.memory_space<hbm>> -> memref<128xi32, #tpu.memory_space<hbm>>
        tpu.enqueue_dma source(%dma_start3A_305 : memref<128xi32, #tpu.memory_space<hbm>>) target(%arg16 : memref<128xi32, #tpu.memory_space<vmem>>) target_semaphore(%arg25 : memref<!tpu.dma_semaphore, #tpu.memory_space<semaphore_mem>>)
      } else {
      }
      %ge3A_232 = arith.constant 781 : i32
      %ge3A_233 = arith.cmpi sge, %add3A_226, %ge3A_232 : i32
      %convert_element_type3A_234 = arith.extui %ge3A_233 : i1 to i32
      %cond3A_235 = arith.constant 0 : i32
      %cond3A_236 = arith.cmpi ne, %convert_element_type3A_234, %cond3A_235 : i32
      scf.if %cond3A_236 {
        %eq3A = arith.constant 781 : i32
        %eq3A_294 = arith.cmpi eq, %add3A_226, %eq3A : i32
        %jit3A = arith.constant 0 : i32
        %jit3A_295 = arith.constant 128 : i32
        %select_n3A = arith.select %eq3A_294, %jit3A, %jit3A_295 : i32
        %dma_start3A_296 = arith.constant 0 : i32
        %dma_start3A_297 = tpu.memref_slice %arg5[%select_n3A, %dma_start3A_296] : memref<256x128xf32, #tpu.memory_space<hbm>> -> memref<128x128xf32, #tpu.memory_space<hbm>>
        %dma_start3A_298 = arith.constant 0 : i32
        %dma_start3A_299 = tpu.memref_slice %arg5[%select_n3A, %dma_start3A_298] : memref<256x128xf32, #tpu.memory_space<hbm>> -> memref<128x128xf32, #tpu.memory_space<hbm>>
        tpu.enqueue_dma source(%dma_start3A_299 : memref<128x128xf32, #tpu.memory_space<hbm>>) target(%arg10 : memref<128x128xf32, #tpu.memory_space<vmem>>) target_semaphore(%arg25 : memref<!tpu.dma_semaphore, #tpu.memory_space<semaphore_mem>>)
        %dma_start3A_300 = arith.constant 0 : i32
        %dma_start3A_301 = tpu.memref_slice %arg6[%select_n3A, %dma_start3A_300] : memref<256x3xi32, #tpu.memory_space<hbm>> -> memref<128x3xi32, #tpu.memory_space<hbm>>
        %dma_start3A_302 = arith.constant 0 : i32
        %dma_start3A_303 = tpu.memref_slice %arg6[%select_n3A, %dma_start3A_302] : memref<256x3xi32, #tpu.memory_space<hbm>> -> memref<128x3xi32, #tpu.memory_space<hbm>>
        tpu.enqueue_dma source(%dma_start3A_303 : memref<128x3xi32, #tpu.memory_space<hbm>>) target(%arg13 : memref<128x3xi32, #tpu.memory_space<vmem>>) target_semaphore(%arg25 : memref<!tpu.dma_semaphore, #tpu.memory_space<semaphore_mem>>)
        %dma_start3A_304 = tpu.memref_slice %arg7[%select_n3A] : memref<256xi32, #tpu.memory_space<hbm>> -> memref<128xi32, #tpu.memory_space<hbm>>
        %dma_start3A_305 = tpu.memref_slice %arg7[%select_n3A] : memref<256xi32, #tpu.memory_space<hbm>> -> memref<128xi32, #tpu.memory_space<hbm>>
        tpu.enqueue_dma source(%dma_start3A_305 : memref<128xi32, #tpu.memory_space<hbm>>) target(%arg16 : memref<128xi32, #tpu.memory_space<vmem>>) target_semaphore(%arg25 : memref<!tpu.dma_semaphore, #tpu.memory_space<semaphore_mem>>)
      } else {
      }
      %dma_start3A_237 = arith.constant 0 : i32
      %dma_start3A_238 = arith.constant 0 : i32
      %dma_start3A_239 = tpu.memref_slice %arg23[%dma_start3A_237, %dma_start3A_238] : memref<1024x128xf32, #tpu.memory_space<vmem_shared>> -> memref<1024x128xf32, #tpu.memory_space<vmem_shared>>
      tpu.enqueue_indirect_dma source(%arg11 : memref<128x128xf32, #tpu.memory_space<vmem>>) target(%dma_start3A_239 : memref<1024x128xf32, #tpu.memory_space<vmem_shared>>) offsets(%arg20 : memref<128xi32, #tpu.memory_space<vmem>>) semaphore(%arg29 : memref<!tpu.dma_semaphore, #tpu.memory_space<semaphore_mem>>) {add = true}
      %add3A_240 = arith.constant 3 : i32
      %add3A_241 = arith.addi %mul3A_133, %add3A_240 : i32
      %dma_wait3A_242 = arith.constant 0 : i32
      %dma_wait3A_243 = arith.constant 0 : i32
      %dma_wait3A_244 = tpu.memref_slice %arg2[%dma_wait3A_242, %dma_wait3A_243] : memref<100000x128xf32, #tpu.memory_space<hbm>> -> memref<128x128xf32, #tpu.memory_space<hbm>>
      %dma_wait3A_245 = arith.constant 0 : i32
      %dma_wait3A_246 = arith.constant 0 : i32
      %dma_wait3A_247 = tpu.memref_slice %arg2[%dma_wait3A_245, %dma_wait3A_246] : memref<100000x128xf32, #tpu.memory_space<hbm>> -> memref<128x128xf32, #tpu.memory_space<hbm>>
      tpu.wait_dma2 semaphore(%arg24 : memref<!tpu.dma_semaphore, #tpu.memory_space<semaphore_mem>>) src(%dma_wait3A_247 : memref<128x128xf32, #tpu.memory_space<hbm>>) dst(%arg9 : memref<128x128xf32, #tpu.memory_space<vmem>>)
      %dma_wait3A_248 = arith.constant 0 : i32
      %dma_wait3A_249 = arith.constant 0 : i32
      %dma_wait3A_250 = tpu.memref_slice %arg3[%dma_wait3A_248, %dma_wait3A_249] : memref<100000x3xi32, #tpu.memory_space<hbm>> -> memref<128x3xi32, #tpu.memory_space<hbm>>
      %dma_wait3A_251 = arith.constant 0 : i32
      %dma_wait3A_252 = arith.constant 0 : i32
      %dma_wait3A_253 = tpu.memref_slice %arg3[%dma_wait3A_251, %dma_wait3A_252] : memref<100000x3xi32, #tpu.memory_space<hbm>> -> memref<128x3xi32, #tpu.memory_space<hbm>>
      tpu.wait_dma2 semaphore(%arg24 : memref<!tpu.dma_semaphore, #tpu.memory_space<semaphore_mem>>) src(%dma_wait3A_253 : memref<128x3xi32, #tpu.memory_space<hbm>>) dst(%arg12 : memref<128x3xi32, #tpu.memory_space<vmem>>)
      %dma_wait3A_254 = arith.constant 0 : i32
      %dma_wait3A_255 = tpu.memref_slice %arg4[%dma_wait3A_254] : memref<100000xi32, #tpu.memory_space<hbm>> -> memref<128xi32, #tpu.memory_space<hbm>>
      %dma_wait3A_256 = arith.constant 0 : i32
      %dma_wait3A_257 = tpu.memref_slice %arg4[%dma_wait3A_256] : memref<100000xi32, #tpu.memory_space<hbm>> -> memref<128xi32, #tpu.memory_space<hbm>>
      tpu.wait_dma2 semaphore(%arg24 : memref<!tpu.dma_semaphore, #tpu.memory_space<semaphore_mem>>) src(%dma_wait3A_257 : memref<128xi32, #tpu.memory_space<hbm>>) dst(%arg15 : memref<128xi32, #tpu.memory_space<vmem>>)
      %scan3A_258 = arith.constant 0 : i32
      %scan3A_259 = arith.constant 0 : i32
      %scan3A_260 = arith.constant 8 : i32
      %scan3A_261 = arith.addi %scan3A_259, %scan3A_260 : i32
      %scan3A_262 = arith.constant 2 : i32
      %scan3A_263 = scf.for %scan3A_294 = %scan3A_259 to %scan3A_261 step %scan3A_262 iter_args(%scan3A_295 = %scan3A_258) -> (i32)  : i32 {
        %mul3A_296 = arith.constant 16 : i32
        %mul3A_297 = arith.muli %scan3A_294, %mul3A_296 : i32
        %add3A_298 = vector.broadcast %mul3A_297 : i32 to vector<16xi32>
        %add3A_299 = arith.addi %iota3A, %add3A_298 : vector<16xi32>
        %gather3A = tpu.vector_load_idx %arg12[%add3A_299, %broadcast_in_dim3A_1] : memref<128x3xi32, #tpu.memory_space<vmem>>[vector<16xi32>, vector<16xi32>], vector<16xi32>,
        %gather3A_300 = tpu.vector_load_idx %arg12[%add3A_299, %broadcast_in_dim3A_3] : memref<128x3xi32, #tpu.memory_space<vmem>>[vector<16xi32>, vector<16xi32>], vector<16xi32>,
        %gather3A_301 = tpu.vector_load_idx %arg12[%add3A_299, %broadcast_in_dim3A_5] : memref<128x3xi32, #tpu.memory_space<vmem>>[vector<16xi32>, vector<16xi32>], vector<16xi32>,
        %mul3A_302 = arith.constant 16 : i32
        %mul3A_303 = arith.muli %scan3A_294, %mul3A_302 : i32
        %get3A = arith.index_cast %mul3A_303 : i32 to index
        %get3A_304 = tpu.vector_load %arg15[%get3A] {strides = array<i32>} : memref<128xi32, #tpu.memory_space<vmem>>, vector<16xi32>,
        %mul3A_305 = arith.constant 64 : i32
        %mul3A_306 = vector.broadcast %mul3A_305 : i32 to vector<16xi32>
        %mul3A_307 = arith.muli %get3A_304, %mul3A_306 : vector<16xi32>
        %mul3A_308 = arith.constant 8 : i32
        %mul3A_309 = vector.broadcast %mul3A_308 : i32 to vector<16xi32>
        %mul3A_310 = arith.muli %gather3A, %mul3A_309 : vector<16xi32>
        %add3A_311 = arith.addi %mul3A_307, %mul3A_310 : vector<16xi32>
        %add3A_312 = arith.addi %add3A_311, %gather3A_300 : vector<16xi32>
        %swap3A = arith.index_cast %mul3A_303 : i32 to index
        %swap3A_313 = tpu.vector_load %arg18[%swap3A] {strides = array<i32>} : memref<128xi32, #tpu.memory_space<vmem>>, vector<16xi32>,
        tpu.vector_store %arg18[%swap3A], %add3A_312 {strides = array<i32>} : memref<128xi32, #tpu.memory_space<vmem>>, vector<16xi32>,
        %convert_element_type3A_314 = arith.sitofp %gather3A_301 : vector<16xi32> to vector<16xf32>
        %div3A = arith.constant 1.000000e+00 : f32
        %div3A_315 = vector.broadcast %div3A : f32 to vector<16xf32>
        %div3A_316 = arith.divf %div3A_315, %convert_element_type3A_314 : vector<16xf32>
        %swap3A_317 = arith.index_cast %mul3A_303 : i32 to index
        %swap3A_318 = tpu.vector_load %arg21[%swap3A_317] {strides = array<i32>} : memref<128xf32, #tpu.memory_space<vmem>>, vector<16xf32>,
        tpu.vector_store %arg21[%swap3A_317], %div3A_316 {strides = array<i32>} : memref<128xf32, #tpu.memory_space<vmem>>, vector<16xf32>,
        %scan3A_319 = arith.constant 0 : i32
        %scan3A_320 = arith.constant 1 : i32
        %scan3A_321 = arith.addi %scan3A_294, %scan3A_320 : i32
        %mul3A_322 = arith.constant 16 : i32
        %mul3A_323 = arith.muli %scan3A_321, %mul3A_322 : i32
        %add3A_324 = vector.broadcast %mul3A_323 : i32 to vector<16xi32>
        %add3A_325 = arith.addi %iota3A, %add3A_324 : vector<16xi32>
        %gather3A_326 = tpu.vector_load_idx %arg12[%add3A_325, %broadcast_in_dim3A_1] : memref<128x3xi32, #tpu.memory_space<vmem>>[vector<16xi32>, vector<16xi32>], vector<16xi32>,
        %gather3A_327 = tpu.vector_load_idx %arg12[%add3A_325, %broadcast_in_dim3A_3] : memref<128x3xi32, #tpu.memory_space<vmem>>[vector<16xi32>, vector<16xi32>], vector<16xi32>,
        %gather3A_328 = tpu.vector_load_idx %arg12[%add3A_325, %broadcast_in_dim3A_5] : memref<128x3xi32, #tpu.memory_space<vmem>>[vector<16xi32>, vector<16xi32>], vector<16xi32>,
        %mul3A_329 = arith.constant 16 : i32
        %mul3A_330 = arith.muli %scan3A_321, %mul3A_329 : i32
        %get3A_331 = arith.index_cast %mul3A_330 : i32 to index
        %get3A_332 = tpu.vector_load %arg15[%get3A_331] {strides = array<i32>} : memref<128xi32, #tpu.memory_space<vmem>>, vector<16xi32>,
        %mul3A_333 = arith.constant 64 : i32
        %mul3A_334 = vector.broadcast %mul3A_333 : i32 to vector<16xi32>
        %mul3A_335 = arith.muli %get3A_332, %mul3A_334 : vector<16xi32>
        %mul3A_336 = arith.constant 8 : i32
        %mul3A_337 = vector.broadcast %mul3A_336 : i32 to vector<16xi32>
        %mul3A_338 = arith.muli %gather3A_326, %mul3A_337 : vector<16xi32>
        %add3A_339 = arith.addi %mul3A_335, %mul3A_338 : vector<16xi32>
        %add3A_340 = arith.addi %add3A_339, %gather3A_327 : vector<16xi32>
        %swap3A_341 = arith.index_cast %mul3A_330 : i32 to index
        %swap3A_342 = tpu.vector_load %arg18[%swap3A_341] {strides = array<i32>} : memref<128xi32, #tpu.memory_space<vmem>>, vector<16xi32>,
        tpu.vector_store %arg18[%swap3A_341], %add3A_340 {strides = array<i32>} : memref<128xi32, #tpu.memory_space<vmem>>, vector<16xi32>,
        %convert_element_type3A_343 = arith.sitofp %gather3A_328 : vector<16xi32> to vector<16xf32>
        %div3A_344 = arith.constant 1.000000e+00 : f32
        %div3A_345 = vector.broadcast %div3A_344 : f32 to vector<16xf32>
        %div3A_346 = arith.divf %div3A_345, %convert_element_type3A_343 : vector<16xf32>
        %swap3A_347 = arith.index_cast %mul3A_330 : i32 to index
        %swap3A_348 = tpu.vector_load %arg21[%swap3A_347] {strides = array<i32>} : memref<128xf32, #tpu.memory_space<vmem>>, vector<16xf32>,
        tpu.vector_store %arg21[%swap3A_347], %div3A_346 {strides = array<i32>} : memref<128xf32, #tpu.memory_space<vmem>>, vector<16xf32>,
        %scan3A_349 = arith.constant 0 : i32
        scf.yield %scan3A_349 : i32
      }
      %scan3A_264 = arith.constant 8 : i32
      %scan3A_265 = arith.constant 0 : i32
      %scan3A_266 = arith.constant 0 : i32
      %scan3A_267 = arith.constant 128 : i32
      %scan3A_268 = arith.addi %scan3A_266, %scan3A_267 : i32
      %scan3A_269 = arith.constant 8 : i32
      %scan3A_270 = scf.for %scan3A_294 = %scan3A_266 to %scan3A_268 step %scan3A_269 iter_args(%scan3A_295 = %scan3A_265) -> (i32)  : i32 {
        %broadcast_in_dim3A_296 = vector.broadcast %scan3A_294 : i32 to vector<16xi32>
        %gather3A = tpu.vector_load_idx %arg21[%broadcast_in_dim3A_296] : memref<128xf32, #tpu.memory_space<vmem>>[vector<16xi32>], vector<16xf32>,
        %get3A = arith.index_cast %scan3A_294 : i32 to index
        %get3A_297 = arith.constant 0 : index
        %get3A_298 = tpu.vector_load %arg9[%get3A, %get3A_297] {strides = array<i32>} : memref<128x128xf32, #tpu.memory_space<vmem>>, vector<16xf32>,
        %mul3A_299 = arith.mulf %get3A_298, %gather3A : vector<16xf32>
        %swap3A = arith.index_cast %scan3A_294 : i32 to index
        %swap3A_300 = arith.constant 0 : index
        %swap3A_301 = tpu.vector_load %arg9[%swap3A, %swap3A_300] {strides = array<i32>} : memref<128x128xf32, #tpu.memory_space<vmem>>, vector<16xf32>,
        tpu.vector_store %arg9[%swap3A, %swap3A_300], %mul3A_299 {strides = array<i32>} : memref<128x128xf32, #tpu.memory_space<vmem>>, vector<16xf32>,
        %get3A_302 = arith.index_cast %scan3A_294 : i32 to index
        %get3A_303 = arith.constant 16 : index
        %get3A_304 = tpu.vector_load %arg9[%get3A_302, %get3A_303] {strides = array<i32>} : memref<128x128xf32, #tpu.memory_space<vmem>>, vector<16xf32>,
        %mul3A_305 = arith.mulf %get3A_304, %gather3A : vector<16xf32>
        %swap3A_306 = arith.index_cast %scan3A_294 : i32 to index
        %swap3A_307 = arith.constant 16 : index
        %swap3A_308 = tpu.vector_load %arg9[%swap3A_306, %swap3A_307] {strides = array<i32>} : memref<128x128xf32, #tpu.memory_space<vmem>>, vector<16xf32>,
        tpu.vector_store %arg9[%swap3A_306, %swap3A_307], %mul3A_305 {strides = array<i32>} : memref<128x128xf32, #tpu.memory_space<vmem>>, vector<16xf32>,
        %get3A_309 = arith.index_cast %scan3A_294 : i32 to index
        %get3A_310 = arith.constant 32 : index
        %get3A_311 = tpu.vector_load %arg9[%get3A_309, %get3A_310] {strides = array<i32>} : memref<128x128xf32, #tpu.memory_space<vmem>>, vector<16xf32>,
        %mul3A_312 = arith.mulf %get3A_311, %gather3A : vector<16xf32>
        %swap3A_313 = arith.index_cast %scan3A_294 : i32 to index
        %swap3A_314 = arith.constant 32 : index
        %swap3A_315 = tpu.vector_load %arg9[%swap3A_313, %swap3A_314] {strides = array<i32>} : memref<128x128xf32, #tpu.memory_space<vmem>>, vector<16xf32>,
        tpu.vector_store %arg9[%swap3A_313, %swap3A_314], %mul3A_312 {strides = array<i32>} : memref<128x128xf32, #tpu.memory_space<vmem>>, vector<16xf32>,
        %get3A_316 = arith.index_cast %scan3A_294 : i32 to index
        %get3A_317 = arith.constant 48 : index
        %get3A_318 = tpu.vector_load %arg9[%get3A_316, %get3A_317] {strides = array<i32>} : memref<128x128xf32, #tpu.memory_space<vmem>>, vector<16xf32>,
        %mul3A_319 = arith.mulf %get3A_318, %gather3A : vector<16xf32>
        %swap3A_320 = arith.index_cast %scan3A_294 : i32 to index
        %swap3A_321 = arith.constant 48 : index
        %swap3A_322 = tpu.vector_load %arg9[%swap3A_320, %swap3A_321] {strides = array<i32>} : memref<128x128xf32, #tpu.memory_space<vmem>>, vector<16xf32>,
        tpu.vector_store %arg9[%swap3A_320, %swap3A_321], %mul3A_319 {strides = array<i32>} : memref<128x128xf32, #tpu.memory_space<vmem>>, vector<16xf32>,
        %get3A_323 = arith.index_cast %scan3A_294 : i32 to index
        %get3A_324 = arith.constant 64 : index
        %get3A_325 = tpu.vector_load %arg9[%get3A_323, %get3A_324] {strides = array<i32>} : memref<128x128xf32, #tpu.memory_space<vmem>>, vector<16xf32>,
        %mul3A_326 = arith.mulf %get3A_325, %gather3A : vector<16xf32>
        %swap3A_327 = arith.index_cast %scan3A_294 : i32 to index
        %swap3A_328 = arith.constant 64 : index
        %swap3A_329 = tpu.vector_load %arg9[%swap3A_327, %swap3A_328] {strides = array<i32>} : memref<128x128xf32, #tpu.memory_space<vmem>>, vector<16xf32>,
        tpu.vector_store %arg9[%swap3A_327, %swap3A_328], %mul3A_326 {strides = array<i32>} : memref<128x128xf32, #tpu.memory_space<vmem>>, vector<16xf32>,
        %get3A_330 = arith.index_cast %scan3A_294 : i32 to index
        %get3A_331 = arith.constant 80 : index
        %get3A_332 = tpu.vector_load %arg9[%get3A_330, %get3A_331] {strides = array<i32>} : memref<128x128xf32, #tpu.memory_space<vmem>>, vector<16xf32>,
        %mul3A_333 = arith.mulf %get3A_332, %gather3A : vector<16xf32>
        %swap3A_334 = arith.index_cast %scan3A_294 : i32 to index
        %swap3A_335 = arith.constant 80 : index
        %swap3A_336 = tpu.vector_load %arg9[%swap3A_334, %swap3A_335] {strides = array<i32>} : memref<128x128xf32, #tpu.memory_space<vmem>>, vector<16xf32>,
        tpu.vector_store %arg9[%swap3A_334, %swap3A_335], %mul3A_333 {strides = array<i32>} : memref<128x128xf32, #tpu.memory_space<vmem>>, vector<16xf32>,
        %get3A_337 = arith.index_cast %scan3A_294 : i32 to index
        %get3A_338 = arith.constant 96 : index
        %get3A_339 = tpu.vector_load %arg9[%get3A_337, %get3A_338] {strides = array<i32>} : memref<128x128xf32, #tpu.memory_space<vmem>>, vector<16xf32>,
        %mul3A_340 = arith.mulf %get3A_339, %gather3A : vector<16xf32>
        %swap3A_341 = arith.index_cast %scan3A_294 : i32 to index
        %swap3A_342 = arith.constant 96 : index
        %swap3A_343 = tpu.vector_load %arg9[%swap3A_341, %swap3A_342] {strides = array<i32>} : memref<128x128xf32, #tpu.memory_space<vmem>>, vector<16xf32>,
        tpu.vector_store %arg9[%swap3A_341, %swap3A_342], %mul3A_340 {strides = array<i32>} : memref<128x128xf32, #tpu.memory_space<vmem>>, vector<16xf32>,
        %get3A_344 = arith.index_cast %scan3A_294 : i32 to index
        %get3A_345 = arith.constant 112 : index
        %get3A_346 = tpu.vector_load %arg9[%get3A_344, %get3A_345] {strides = array<i32>} : memref<128x128xf32, #tpu.memory_space<vmem>>, vector<16xf32>,
        %mul3A_347 = arith.mulf %get3A_346, %gather3A : vector<16xf32>
        %swap3A_348 = arith.index_cast %scan3A_294 : i32 to index
        %swap3A_349 = arith.constant 112 : index
        %swap3A_350 = tpu.vector_load %arg9[%swap3A_348, %swap3A_349] {strides = array<i32>} : memref<128x128xf32, #tpu.memory_space<vmem>>, vector<16xf32>,
        tpu.vector_store %arg9[%swap3A_348, %swap3A_349], %mul3A_347 {strides = array<i32>} : memref<128x128xf32, #tpu.memory_space<vmem>>, vector<16xf32>,
        %scan3A_351 = arith.constant 0 : i32
        %scan3A_352 = arith.constant 1 : i32
        %scan3A_353 = arith.addi %scan3A_294, %scan3A_352 : i32
        %broadcast_in_dim3A_354 = vector.broadcast %scan3A_353 : i32 to vector<16xi32>
        %gather3A_355 = tpu.vector_load_idx %arg21[%broadcast_in_dim3A_354] : memref<128xf32, #tpu.memory_space<vmem>>[vector<16xi32>], vector<16xf32>,
        %get3A_356 = arith.index_cast %scan3A_353 : i32 to index
        %get3A_357 = arith.constant 0 : index
        %get3A_358 = tpu.vector_load %arg9[%get3A_356, %get3A_357] {strides = array<i32>} : memref<128x128xf32, #tpu.memory_space<vmem>>, vector<16xf32>,
        %mul3A_359 = arith.mulf %get3A_358, %gather3A_355 : vector<16xf32>
        %swap3A_360 = arith.index_cast %scan3A_353 : i32 to index
        %swap3A_361 = arith.constant 0 : index
        %swap3A_362 = tpu.vector_load %arg9[%swap3A_360, %swap3A_361] {strides = array<i32>} : memref<128x128xf32, #tpu.memory_space<vmem>>, vector<16xf32>,
        tpu.vector_store %arg9[%swap3A_360, %swap3A_361], %mul3A_359 {strides = array<i32>} : memref<128x128xf32, #tpu.memory_space<vmem>>, vector<16xf32>,
        %get3A_363 = arith.index_cast %scan3A_353 : i32 to index
        %get3A_364 = arith.constant 16 : index
        %get3A_365 = tpu.vector_load %arg9[%get3A_363, %get3A_364] {strides = array<i32>} : memref<128x128xf32, #tpu.memory_space<vmem>>, vector<16xf32>,
        %mul3A_366 = arith.mulf %get3A_365, %gather3A_355 : vector<16xf32>
        %swap3A_367 = arith.index_cast %scan3A_353 : i32 to index
        %swap3A_368 = arith.constant 16 : index
        %swap3A_369 = tpu.vector_load %arg9[%swap3A_367, %swap3A_368] {strides = array<i32>} : memref<128x128xf32, #tpu.memory_space<vmem>>, vector<16xf32>,
        tpu.vector_store %arg9[%swap3A_367, %swap3A_368], %mul3A_366 {strides = array<i32>} : memref<128x128xf32, #tpu.memory_space<vmem>>, vector<16xf32>,
        %get3A_370 = arith.index_cast %scan3A_353 : i32 to index
        %get3A_371 = arith.constant 32 : index
        %get3A_372 = tpu.vector_load %arg9[%get3A_370, %get3A_371] {strides = array<i32>} : memref<128x128xf32, #tpu.memory_space<vmem>>, vector<16xf32>,
        %mul3A_373 = arith.mulf %get3A_372, %gather3A_355 : vector<16xf32>
        %swap3A_374 = arith.index_cast %scan3A_353 : i32 to index
        %swap3A_375 = arith.constant 32 : index
        %swap3A_376 = tpu.vector_load %arg9[%swap3A_374, %swap3A_375] {strides = array<i32>} : memref<128x128xf32, #tpu.memory_space<vmem>>, vector<16xf32>,
        tpu.vector_store %arg9[%swap3A_374, %swap3A_375], %mul3A_373 {strides = array<i32>} : memref<128x128xf32, #tpu.memory_space<vmem>>, vector<16xf32>,
        %get3A_377 = arith.index_cast %scan3A_353 : i32 to index
        %get3A_378 = arith.constant 48 : index
        %get3A_379 = tpu.vector_load %arg9[%get3A_377, %get3A_378] {strides = array<i32>} : memref<128x128xf32, #tpu.memory_space<vmem>>, vector<16xf32>,
        %mul3A_380 = arith.mulf %get3A_379, %gather3A_355 : vector<16xf32>
        %swap3A_381 = arith.index_cast %scan3A_353 : i32 to index
        %swap3A_382 = arith.constant 48 : index
        %swap3A_383 = tpu.vector_load %arg9[%swap3A_381, %swap3A_382] {strides = array<i32>} : memref<128x128xf32, #tpu.memory_space<vmem>>, vector<16xf32>,
        tpu.vector_store %arg9[%swap3A_381, %swap3A_382], %mul3A_380 {strides = array<i32>} : memref<128x128xf32, #tpu.memory_space<vmem>>, vector<16xf32>,
        %get3A_384 = arith.index_cast %scan3A_353 : i32 to index
        %get3A_385 = arith.constant 64 : index
        %get3A_386 = tpu.vector_load %arg9[%get3A_384, %get3A_385] {strides = array<i32>} : memref<128x128xf32, #tpu.memory_space<vmem>>, vector<16xf32>,
        %mul3A_387 = arith.mulf %get3A_386, %gather3A_355 : vector<16xf32>
        %swap3A_388 = arith.index_cast %scan3A_353 : i32 to index
        %swap3A_389 = arith.constant 64 : index
        %swap3A_390 = tpu.vector_load %arg9[%swap3A_388, %swap3A_389] {strides = array<i32>} : memref<128x128xf32, #tpu.memory_space<vmem>>, vector<16xf32>,
        tpu.vector_store %arg9[%swap3A_388, %swap3A_389], %mul3A_387 {strides = array<i32>} : memref<128x128xf32, #tpu.memory_space<vmem>>, vector<16xf32>,
        %get3A_391 = arith.index_cast %scan3A_353 : i32 to index
        %get3A_392 = arith.constant 80 : index
        %get3A_393 = tpu.vector_load %arg9[%get3A_391, %get3A_392] {strides = array<i32>} : memref<128x128xf32, #tpu.memory_space<vmem>>, vector<16xf32>,
        %mul3A_394 = arith.mulf %get3A_393, %gather3A_355 : vector<16xf32>
        %swap3A_395 = arith.index_cast %scan3A_353 : i32 to index
        %swap3A_396 = arith.constant 80 : index
        %swap3A_397 = tpu.vector_load %arg9[%swap3A_395, %swap3A_396] {strides = array<i32>} : memref<128x128xf32, #tpu.memory_space<vmem>>, vector<16xf32>,
        tpu.vector_store %arg9[%swap3A_395, %swap3A_396], %mul3A_394 {strides = array<i32>} : memref<128x128xf32, #tpu.memory_space<vmem>>, vector<16xf32>,
        %get3A_398 = arith.index_cast %scan3A_353 : i32 to index
        %get3A_399 = arith.constant 96 : index
        %get3A_400 = tpu.vector_load %arg9[%get3A_398, %get3A_399] {strides = array<i32>} : memref<128x128xf32, #tpu.memory_space<vmem>>, vector<16xf32>,
        %mul3A_401 = arith.mulf %get3A_400, %gather3A_355 : vector<16xf32>
        %swap3A_402 = arith.index_cast %scan3A_353 : i32 to index
        %swap3A_403 = arith.constant 96 : index
        %swap3A_404 = tpu.vector_load %arg9[%swap3A_402, %swap3A_403] {strides = array<i32>} : memref<128x128xf32, #tpu.memory_space<vmem>>, vector<16xf32>,
        tpu.vector_store %arg9[%swap3A_402, %swap3A_403], %mul3A_401 {strides = array<i32>} : memref<128x128xf32, #tpu.memory_space<vmem>>, vector<16xf32>,
        %get3A_405 = arith.index_cast %scan3A_353 : i32 to index
        %get3A_406 = arith.constant 112 : index
        %get3A_407 = tpu.vector_load %arg9[%get3A_405, %get3A_406] {strides = array<i32>} : memref<128x128xf32, #tpu.memory_space<vmem>>, vector<16xf32>,
        %mul3A_408 = arith.mulf %get3A_407, %gather3A_355 : vector<16xf32>
        %swap3A_409 = arith.index_cast %scan3A_353 : i32 to index
        %swap3A_410 = arith.constant 112 : index
        %swap3A_411 = tpu.vector_load %arg9[%swap3A_409, %swap3A_410] {strides = array<i32>} : memref<128x128xf32, #tpu.memory_space<vmem>>, vector<16xf32>,
        tpu.vector_store %arg9[%swap3A_409, %swap3A_410], %mul3A_408 {strides = array<i32>} : memref<128x128xf32, #tpu.memory_space<vmem>>, vector<16xf32>,
        %scan3A_412 = arith.constant 0 : i32
        %scan3A_413 = arith.constant 2 : i32
        %scan3A_414 = arith.addi %scan3A_294, %scan3A_413 : i32
        %broadcast_in_dim3A_415 = vector.broadcast %scan3A_414 : i32 to vector<16xi32>
        %gather3A_416 = tpu.vector_load_idx %arg21[%broadcast_in_dim3A_415] : memref<128xf32, #tpu.memory_space<vmem>>[vector<16xi32>], vector<16xf32>,
        %get3A_417 = arith.index_cast %scan3A_414 : i32 to index
        %get3A_418 = arith.constant 0 : index
        %get3A_419 = tpu.vector_load %arg9[%get3A_417, %get3A_418] {strides = array<i32>} : memref<128x128xf32, #tpu.memory_space<vmem>>, vector<16xf32>,
        %mul3A_420 = arith.mulf %get3A_419, %gather3A_416 : vector<16xf32>
        %swap3A_421 = arith.index_cast %scan3A_414 : i32 to index
        %swap3A_422 = arith.constant 0 : index
        %swap3A_423 = tpu.vector_load %arg9[%swap3A_421, %swap3A_422] {strides = array<i32>} : memref<128x128xf32, #tpu.memory_space<vmem>>, vector<16xf32>,
        tpu.vector_store %arg9[%swap3A_421, %swap3A_422], %mul3A_420 {strides = array<i32>} : memref<128x128xf32, #tpu.memory_space<vmem>>, vector<16xf32>,
        %get3A_424 = arith.index_cast %scan3A_414 : i32 to index
        %get3A_425 = arith.constant 16 : index
        %get3A_426 = tpu.vector_load %arg9[%get3A_424, %get3A_425] {strides = array<i32>} : memref<128x128xf32, #tpu.memory_space<vmem>>, vector<16xf32>,
        %mul3A_427 = arith.mulf %get3A_426, %gather3A_416 : vector<16xf32>
        %swap3A_428 = arith.index_cast %scan3A_414 : i32 to index
        %swap3A_429 = arith.constant 16 : index
        %swap3A_430 = tpu.vector_load %arg9[%swap3A_428, %swap3A_429] {strides = array<i32>} : memref<128x128xf32, #tpu.memory_space<vmem>>, vector<16xf32>,
        tpu.vector_store %arg9[%swap3A_428, %swap3A_429], %mul3A_427 {strides = array<i32>} : memref<128x128xf32, #tpu.memory_space<vmem>>, vector<16xf32>,
        %get3A_431 = arith.index_cast %scan3A_414 : i32 to index
        %get3A_432 = arith.constant 32 : index
        %get3A_433 = tpu.vector_load %arg9[%get3A_431, %get3A_432] {strides = array<i32>} : memref<128x128xf32, #tpu.memory_space<vmem>>, vector<16xf32>,
        %mul3A_434 = arith.mulf %get3A_433, %gather3A_416 : vector<16xf32>
        %swap3A_435 = arith.index_cast %scan3A_414 : i32 to index
        %swap3A_436 = arith.constant 32 : index
        %swap3A_437 = tpu.vector_load %arg9[%swap3A_435, %swap3A_436] {strides = array<i32>} : memref<128x128xf32, #tpu.memory_space<vmem>>, vector<16xf32>,
        tpu.vector_store %arg9[%swap3A_435, %swap3A_436], %mul3A_434 {strides = array<i32>} : memref<128x128xf32, #tpu.memory_space<vmem>>, vector<16xf32>,
        %get3A_438 = arith.index_cast %scan3A_414 : i32 to index
        %get3A_439 = arith.constant 48 : index
        %get3A_440 = tpu.vector_load %arg9[%get3A_438, %get3A_439] {strides = array<i32>} : memref<128x128xf32, #tpu.memory_space<vmem>>, vector<16xf32>,
        %mul3A_441 = arith.mulf %get3A_440, %gather3A_416 : vector<16xf32>
        %swap3A_442 = arith.index_cast %scan3A_414 : i32 to index
        %swap3A_443 = arith.constant 48 : index
        %swap3A_444 = tpu.vector_load %arg9[%swap3A_442, %swap3A_443] {strides = array<i32>} : memref<128x128xf32, #tpu.memory_space<vmem>>, vector<16xf32>,
        tpu.vector_store %arg9[%swap3A_442, %swap3A_443], %mul3A_441 {strides = array<i32>} : memref<128x128xf32, #tpu.memory_space<vmem>>, vector<16xf32>,
        %get3A_445 = arith.index_cast %scan3A_414 : i32 to index
        %get3A_446 = arith.constant 64 : index
        %get3A_447 = tpu.vector_load %arg9[%get3A_445, %get3A_446] {strides = array<i32>} : memref<128x128xf32, #tpu.memory_space<vmem>>, vector<16xf32>,
        %mul3A_448 = arith.mulf %get3A_447, %gather3A_416 : vector<16xf32>
        %swap3A_449 = arith.index_cast %scan3A_414 : i32 to index
        %swap3A_450 = arith.constant 64 : index
        %swap3A_451 = tpu.vector_load %arg9[%swap3A_449, %swap3A_450] {strides = array<i32>} : memref<128x128xf32, #tpu.memory_space<vmem>>, vector<16xf32>,
        tpu.vector_store %arg9[%swap3A_449, %swap3A_450], %mul3A_448 {strides = array<i32>} : memref<128x128xf32, #tpu.memory_space<vmem>>, vector<16xf32>,
        %get3A_452 = arith.index_cast %scan3A_414 : i32 to index
        %get3A_453 = arith.constant 80 : index
        %get3A_454 = tpu.vector_load %arg9[%get3A_452, %get3A_453] {strides = array<i32>} : memref<128x128xf32, #tpu.memory_space<vmem>>, vector<16xf32>,
        %mul3A_455 = arith.mulf %get3A_454, %gather3A_416 : vector<16xf32>
        %swap3A_456 = arith.index_cast %scan3A_414 : i32 to index
        %swap3A_457 = arith.constant 80 : index
        %swap3A_458 = tpu.vector_load %arg9[%swap3A_456, %swap3A_457] {strides = array<i32>} : memref<128x128xf32, #tpu.memory_space<vmem>>, vector<16xf32>,
        tpu.vector_store %arg9[%swap3A_456, %swap3A_457], %mul3A_455 {strides = array<i32>} : memref<128x128xf32, #tpu.memory_space<vmem>>, vector<16xf32>,
        %get3A_459 = arith.index_cast %scan3A_414 : i32 to index
        %get3A_460 = arith.constant 96 : index
        %get3A_461 = tpu.vector_load %arg9[%get3A_459, %get3A_460] {strides = array<i32>} : memref<128x128xf32, #tpu.memory_space<vmem>>, vector<16xf32>,
        %mul3A_462 = arith.mulf %get3A_461, %gather3A_416 : vector<16xf32>
        %swap3A_463 = arith.index_cast %scan3A_414 : i32 to index
        %swap3A_464 = arith.constant 96 : index
        %swap3A_465 = tpu.vector_load %arg9[%swap3A_463, %swap3A_464] {strides = array<i32>} : memref<128x128xf32, #tpu.memory_space<vmem>>, vector<16xf32>,
        tpu.vector_store %arg9[%swap3A_463, %swap3A_464], %mul3A_462 {strides = array<i32>} : memref<128x128xf32, #tpu.memory_space<vmem>>, vector<16xf32>,
        %get3A_466 = arith.index_cast %scan3A_414 : i32 to index
        %get3A_467 = arith.constant 112 : index
        %get3A_468 = tpu.vector_load %arg9[%get3A_466, %get3A_467] {strides = array<i32>} : memref<128x128xf32, #tpu.memory_space<vmem>>, vector<16xf32>,
        %mul3A_469 = arith.mulf %get3A_468, %gather3A_416 : vector<16xf32>
        %swap3A_470 = arith.index_cast %scan3A_414 : i32 to index
        %swap3A_471 = arith.constant 112 : index
        %swap3A_472 = tpu.vector_load %arg9[%swap3A_470, %swap3A_471] {strides = array<i32>} : memref<128x128xf32, #tpu.memory_space<vmem>>, vector<16xf32>,
        tpu.vector_store %arg9[%swap3A_470, %swap3A_471], %mul3A_469 {strides = array<i32>} : memref<128x128xf32, #tpu.memory_space<vmem>>, vector<16xf32>,
        %scan3A_473 = arith.constant 0 : i32
        %scan3A_474 = arith.constant 3 : i32
        %scan3A_475 = arith.addi %scan3A_294, %scan3A_474 : i32
        %broadcast_in_dim3A_476 = vector.broadcast %scan3A_475 : i32 to vector<16xi32>
        %gather3A_477 = tpu.vector_load_idx %arg21[%broadcast_in_dim3A_476] : memref<128xf32, #tpu.memory_space<vmem>>[vector<16xi32>], vector<16xf32>,
        %get3A_478 = arith.index_cast %scan3A_475 : i32 to index
        %get3A_479 = arith.constant 0 : index
        %get3A_480 = tpu.vector_load %arg9[%get3A_478, %get3A_479] {strides = array<i32>} : memref<128x128xf32, #tpu.memory_space<vmem>>, vector<16xf32>,
        %mul3A_481 = arith.mulf %get3A_480, %gather3A_477 : vector<16xf32>
        %swap3A_482 = arith.index_cast %scan3A_475 : i32 to index
        %swap3A_483 = arith.constant 0 : index
        %swap3A_484 = tpu.vector_load %arg9[%swap3A_482, %swap3A_483] {strides = array<i32>} : memref<128x128xf32, #tpu.memory_space<vmem>>, vector<16xf32>,
        tpu.vector_store %arg9[%swap3A_482, %swap3A_483], %mul3A_481 {strides = array<i32>} : memref<128x128xf32, #tpu.memory_space<vmem>>, vector<16xf32>,
        %get3A_485 = arith.index_cast %scan3A_475 : i32 to index
        %get3A_486 = arith.constant 16 : index
        %get3A_487 = tpu.vector_load %arg9[%get3A_485, %get3A_486] {strides = array<i32>} : memref<128x128xf32, #tpu.memory_space<vmem>>, vector<16xf32>,
        %mul3A_488 = arith.mulf %get3A_487, %gather3A_477 : vector<16xf32>
        %swap3A_489 = arith.index_cast %scan3A_475 : i32 to index
        %swap3A_490 = arith.constant 16 : index
        %swap3A_491 = tpu.vector_load %arg9[%swap3A_489, %swap3A_490] {strides = array<i32>} : memref<128x128xf32, #tpu.memory_space<vmem>>, vector<16xf32>,
        tpu.vector_store %arg9[%swap3A_489, %swap3A_490], %mul3A_488 {strides = array<i32>} : memref<128x128xf32, #tpu.memory_space<vmem>>, vector<16xf32>,
        %get3A_492 = arith.index_cast %scan3A_475 : i32 to index
        %get3A_493 = arith.constant 32 : index
        %get3A_494 = tpu.vector_load %arg9[%get3A_492, %get3A_493] {strides = array<i32>} : memref<128x128xf32, #tpu.memory_space<vmem>>, vector<16xf32>,
        %mul3A_495 = arith.mulf %get3A_494, %gather3A_477 : vector<16xf32>
        %swap3A_496 = arith.index_cast %scan3A_475 : i32 to index
        %swap3A_497 = arith.constant 32 : index
        %swap3A_498 = tpu.vector_load %arg9[%swap3A_496, %swap3A_497] {strides = array<i32>} : memref<128x128xf32, #tpu.memory_space<vmem>>, vector<16xf32>,
        tpu.vector_store %arg9[%swap3A_496, %swap3A_497], %mul3A_495 {strides = array<i32>} : memref<128x128xf32, #tpu.memory_space<vmem>>, vector<16xf32>,
        %get3A_499 = arith.index_cast %scan3A_475 : i32 to index
        %get3A_500 = arith.constant 48 : index
        %get3A_501 = tpu.vector_load %arg9[%get3A_499, %get3A_500] {strides = array<i32>} : memref<128x128xf32, #tpu.memory_space<vmem>>, vector<16xf32>,
        %mul3A_502 = arith.mulf %get3A_501, %gather3A_477 : vector<16xf32>
        %swap3A_503 = arith.index_cast %scan3A_475 : i32 to index
        %swap3A_504 = arith.constant 48 : index
        %swap3A_505 = tpu.vector_load %arg9[%swap3A_503, %swap3A_504] {strides = array<i32>} : memref<128x128xf32, #tpu.memory_space<vmem>>, vector<16xf32>,
        tpu.vector_store %arg9[%swap3A_503, %swap3A_504], %mul3A_502 {strides = array<i32>} : memref<128x128xf32, #tpu.memory_space<vmem>>, vector<16xf32>,
        %get3A_506 = arith.index_cast %scan3A_475 : i32 to index
        %get3A_507 = arith.constant 64 : index
        %get3A_508 = tpu.vector_load %arg9[%get3A_506, %get3A_507] {strides = array<i32>} : memref<128x128xf32, #tpu.memory_space<vmem>>, vector<16xf32>,
        %mul3A_509 = arith.mulf %get3A_508, %gather3A_477 : vector<16xf32>
        %swap3A_510 = arith.index_cast %scan3A_475 : i32 to index
        %swap3A_511 = arith.constant 64 : index
        %swap3A_512 = tpu.vector_load %arg9[%swap3A_510, %swap3A_511] {strides = array<i32>} : memref<128x128xf32, #tpu.memory_space<vmem>>, vector<16xf32>,
        tpu.vector_store %arg9[%swap3A_510, %swap3A_511], %mul3A_509 {strides = array<i32>} : memref<128x128xf32, #tpu.memory_space<vmem>>, vector<16xf32>,
        %get3A_513 = arith.index_cast %scan3A_475 : i32 to index
        %get3A_514 = arith.constant 80 : index
        %get3A_515 = tpu.vector_load %arg9[%get3A_513, %get3A_514] {strides = array<i32>} : memref<128x128xf32, #tpu.memory_space<vmem>>, vector<16xf32>,
        %mul3A_516 = arith.mulf %get3A_515, %gather3A_477 : vector<16xf32>
        %swap3A_517 = arith.index_cast %scan3A_475 : i32 to index
        %swap3A_518 = arith.constant 80 : index
        %swap3A_519 = tpu.vector_load %arg9[%swap3A_517, %swap3A_518] {strides = array<i32>} : memref<128x128xf32, #tpu.memory_space<vmem>>, vector<16xf32>,
        tpu.vector_store %arg9[%swap3A_517, %swap3A_518], %mul3A_516 {strides = array<i32>} : memref<128x128xf32, #tpu.memory_space<vmem>>, vector<16xf32>,
        %get3A_520 = arith.index_cast %scan3A_475 : i32 to index
        %get3A_521 = arith.constant 96 : index
        %get3A_522 = tpu.vector_load %arg9[%get3A_520, %get3A_521] {strides = array<i32>} : memref<128x128xf32, #tpu.memory_space<vmem>>, vector<16xf32>,
        %mul3A_523 = arith.mulf %get3A_522, %gather3A_477 : vector<16xf32>
        %swap3A_524 = arith.index_cast %scan3A_475 : i32 to index
        %swap3A_525 = arith.constant 96 : index
        %swap3A_526 = tpu.vector_load %arg9[%swap3A_524, %swap3A_525] {strides = array<i32>} : memref<128x128xf32, #tpu.memory_space<vmem>>, vector<16xf32>,
        tpu.vector_store %arg9[%swap3A_524, %swap3A_525], %mul3A_523 {strides = array<i32>} : memref<128x128xf32, #tpu.memory_space<vmem>>, vector<16xf32>,
        %get3A_527 = arith.index_cast %scan3A_475 : i32 to index
        %get3A_528 = arith.constant 112 : index
        %get3A_529 = tpu.vector_load %arg9[%get3A_527, %get3A_528] {strides = array<i32>} : memref<128x128xf32, #tpu.memory_space<vmem>>, vector<16xf32>,
        %mul3A_530 = arith.mulf %get3A_529, %gather3A_477 : vector<16xf32>
        %swap3A_531 = arith.index_cast %scan3A_475 : i32 to index
        %swap3A_532 = arith.constant 112 : index
        %swap3A_533 = tpu.vector_load %arg9[%swap3A_531, %swap3A_532] {strides = array<i32>} : memref<128x128xf32, #tpu.memory_space<vmem>>, vector<16xf32>,
        tpu.vector_store %arg9[%swap3A_531, %swap3A_532], %mul3A_530 {strides = array<i32>} : memref<128x128xf32, #tpu.memory_space<vmem>>, vector<16xf32>,
        %scan3A_534 = arith.constant 0 : i32
        %scan3A_535 = arith.constant 4 : i32
        %scan3A_536 = arith.addi %scan3A_294, %scan3A_535 : i32
        %broadcast_in_dim3A_537 = vector.broadcast %scan3A_536 : i32 to vector<16xi32>
        %gather3A_538 = tpu.vector_load_idx %arg21[%broadcast_in_dim3A_537] : memref<128xf32, #tpu.memory_space<vmem>>[vector<16xi32>], vector<16xf32>,
        %get3A_539 = arith.index_cast %scan3A_536 : i32 to index
        %get3A_540 = arith.constant 0 : index
        %get3A_541 = tpu.vector_load %arg9[%get3A_539, %get3A_540] {strides = array<i32>} : memref<128x128xf32, #tpu.memory_space<vmem>>, vector<16xf32>,
        %mul3A_542 = arith.mulf %get3A_541, %gather3A_538 : vector<16xf32>
        %swap3A_543 = arith.index_cast %scan3A_536 : i32 to index
        %swap3A_544 = arith.constant 0 : index
        %swap3A_545 = tpu.vector_load %arg9[%swap3A_543, %swap3A_544] {strides = array<i32>} : memref<128x128xf32, #tpu.memory_space<vmem>>, vector<16xf32>,
        tpu.vector_store %arg9[%swap3A_543, %swap3A_544], %mul3A_542 {strides = array<i32>} : memref<128x128xf32, #tpu.memory_space<vmem>>, vector<16xf32>,
        %get3A_546 = arith.index_cast %scan3A_536 : i32 to index
        %get3A_547 = arith.constant 16 : index
        %get3A_548 = tpu.vector_load %arg9[%get3A_546, %get3A_547] {strides = array<i32>} : memref<128x128xf32, #tpu.memory_space<vmem>>, vector<16xf32>,
        %mul3A_549 = arith.mulf %get3A_548, %gather3A_538 : vector<16xf32>
        %swap3A_550 = arith.index_cast %scan3A_536 : i32 to index
        %swap3A_551 = arith.constant 16 : index
        %swap3A_552 = tpu.vector_load %arg9[%swap3A_550, %swap3A_551] {strides = array<i32>} : memref<128x128xf32, #tpu.memory_space<vmem>>, vector<16xf32>,
        tpu.vector_store %arg9[%swap3A_550, %swap3A_551], %mul3A_549 {strides = array<i32>} : memref<128x128xf32, #tpu.memory_space<vmem>>, vector<16xf32>,
        %get3A_553 = arith.index_cast %scan3A_536 : i32 to index
        %get3A_554 = arith.constant 32 : index
        %get3A_555 = tpu.vector_load %arg9[%get3A_553, %get3A_554] {strides = array<i32>} : memref<128x128xf32, #tpu.memory_space<vmem>>, vector<16xf32>,
        %mul3A_556 = arith.mulf %get3A_555, %gather3A_538 : vector<16xf32>
        %swap3A_557 = arith.index_cast %scan3A_536 : i32 to index
        %swap3A_558 = arith.constant 32 : index
        %swap3A_559 = tpu.vector_load %arg9[%swap3A_557, %swap3A_558] {strides = array<i32>} : memref<128x128xf32, #tpu.memory_space<vmem>>, vector<16xf32>,
        tpu.vector_store %arg9[%swap3A_557, %swap3A_558], %mul3A_556 {strides = array<i32>} : memref<128x128xf32, #tpu.memory_space<vmem>>, vector<16xf32>,
        %get3A_560 = arith.index_cast %scan3A_536 : i32 to index
        %get3A_561 = arith.constant 48 : index
        %get3A_562 = tpu.vector_load %arg9[%get3A_560, %get3A_561] {strides = array<i32>} : memref<128x128xf32, #tpu.memory_space<vmem>>, vector<16xf32>,
        %mul3A_563 = arith.mulf %get3A_562, %gather3A_538 : vector<16xf32>
        %swap3A_564 = arith.index_cast %scan3A_536 : i32 to index
        %swap3A_565 = arith.constant 48 : index
        %swap3A_566 = tpu.vector_load %arg9[%swap3A_564, %swap3A_565] {strides = array<i32>} : memref<128x128xf32, #tpu.memory_space<vmem>>, vector<16xf32>,
        tpu.vector_store %arg9[%swap3A_564, %swap3A_565], %mul3A_563 {strides = array<i32>} : memref<128x128xf32, #tpu.memory_space<vmem>>, vector<16xf32>,
        %get3A_567 = arith.index_cast %scan3A_536 : i32 to index
        %get3A_568 = arith.constant 64 : index
        %get3A_569 = tpu.vector_load %arg9[%get3A_567, %get3A_568] {strides = array<i32>} : memref<128x128xf32, #tpu.memory_space<vmem>>, vector<16xf32>,
        %mul3A_570 = arith.mulf %get3A_569, %gather3A_538 : vector<16xf32>
        %swap3A_571 = arith.index_cast %scan3A_536 : i32 to index
        %swap3A_572 = arith.constant 64 : index
        %swap3A_573 = tpu.vector_load %arg9[%swap3A_571, %swap3A_572] {strides = array<i32>} : memref<128x128xf32, #tpu.memory_space<vmem>>, vector<16xf32>,
        tpu.vector_store %arg9[%swap3A_571, %swap3A_572], %mul3A_570 {strides = array<i32>} : memref<128x128xf32, #tpu.memory_space<vmem>>, vector<16xf32>,
        %get3A_574 = arith.index_cast %scan3A_536 : i32 to index
        %get3A_575 = arith.constant 80 : index
        %get3A_576 = tpu.vector_load %arg9[%get3A_574, %get3A_575] {strides = array<i32>} : memref<128x128xf32, #tpu.memory_space<vmem>>, vector<16xf32>,
        %mul3A_577 = arith.mulf %get3A_576, %gather3A_538 : vector<16xf32>
        %swap3A_578 = arith.index_cast %scan3A_536 : i32 to index
        %swap3A_579 = arith.constant 80 : index
        %swap3A_580 = tpu.vector_load %arg9[%swap3A_578, %swap3A_579] {strides = array<i32>} : memref<128x128xf32, #tpu.memory_space<vmem>>, vector<16xf32>,
        tpu.vector_store %arg9[%swap3A_578, %swap3A_579], %mul3A_577 {strides = array<i32>} : memref<128x128xf32, #tpu.memory_space<vmem>>, vector<16xf32>,
        %get3A_581 = arith.index_cast %scan3A_536 : i32 to index
        %get3A_582 = arith.constant 96 : index
        %get3A_583 = tpu.vector_load %arg9[%get3A_581, %get3A_582] {strides = array<i32>} : memref<128x128xf32, #tpu.memory_space<vmem>>, vector<16xf32>,
        %mul3A_584 = arith.mulf %get3A_583, %gather3A_538 : vector<16xf32>
        %swap3A_585 = arith.index_cast %scan3A_536 : i32 to index
        %swap3A_586 = arith.constant 96 : index
        %swap3A_587 = tpu.vector_load %arg9[%swap3A_585, %swap3A_586] {strides = array<i32>} : memref<128x128xf32, #tpu.memory_space<vmem>>, vector<16xf32>,
        tpu.vector_store %arg9[%swap3A_585, %swap3A_586], %mul3A_584 {strides = array<i32>} : memref<128x128xf32, #tpu.memory_space<vmem>>, vector<16xf32>,
        %get3A_588 = arith.index_cast %scan3A_536 : i32 to index
        %get3A_589 = arith.constant 112 : index
        %get3A_590 = tpu.vector_load %arg9[%get3A_588, %get3A_589] {strides = array<i32>} : memref<128x128xf32, #tpu.memory_space<vmem>>, vector<16xf32>,
        %mul3A_591 = arith.mulf %get3A_590, %gather3A_538 : vector<16xf32>
        %swap3A_592 = arith.index_cast %scan3A_536 : i32 to index
        %swap3A_593 = arith.constant 112 : index
        %swap3A_594 = tpu.vector_load %arg9[%swap3A_592, %swap3A_593] {strides = array<i32>} : memref<128x128xf32, #tpu.memory_space<vmem>>, vector<16xf32>,
        tpu.vector_store %arg9[%swap3A_592, %swap3A_593], %mul3A_591 {strides = array<i32>} : memref<128x128xf32, #tpu.memory_space<vmem>>, vector<16xf32>,
        %scan3A_595 = arith.constant 0 : i32
        %scan3A_596 = arith.constant 5 : i32
        %scan3A_597 = arith.addi %scan3A_294, %scan3A_596 : i32
        %broadcast_in_dim3A_598 = vector.broadcast %scan3A_597 : i32 to vector<16xi32>
        %gather3A_599 = tpu.vector_load_idx %arg21[%broadcast_in_dim3A_598] : memref<128xf32, #tpu.memory_space<vmem>>[vector<16xi32>], vector<16xf32>,
        %get3A_600 = arith.index_cast %scan3A_597 : i32 to index
        %get3A_601 = arith.constant 0 : index
        %get3A_602 = tpu.vector_load %arg9[%get3A_600, %get3A_601] {strides = array<i32>} : memref<128x128xf32, #tpu.memory_space<vmem>>, vector<16xf32>,
        %mul3A_603 = arith.mulf %get3A_602, %gather3A_599 : vector<16xf32>
        %swap3A_604 = arith.index_cast %scan3A_597 : i32 to index
        %swap3A_605 = arith.constant 0 : index
        %swap3A_606 = tpu.vector_load %arg9[%swap3A_604, %swap3A_605] {strides = array<i32>} : memref<128x128xf32, #tpu.memory_space<vmem>>, vector<16xf32>,
        tpu.vector_store %arg9[%swap3A_604, %swap3A_605], %mul3A_603 {strides = array<i32>} : memref<128x128xf32, #tpu.memory_space<vmem>>, vector<16xf32>,
        %get3A_607 = arith.index_cast %scan3A_597 : i32 to index
        %get3A_608 = arith.constant 16 : index
        %get3A_609 = tpu.vector_load %arg9[%get3A_607, %get3A_608] {strides = array<i32>} : memref<128x128xf32, #tpu.memory_space<vmem>>, vector<16xf32>,
        %mul3A_610 = arith.mulf %get3A_609, %gather3A_599 : vector<16xf32>
        %swap3A_611 = arith.index_cast %scan3A_597 : i32 to index
        %swap3A_612 = arith.constant 16 : index
        %swap3A_613 = tpu.vector_load %arg9[%swap3A_611, %swap3A_612] {strides = array<i32>} : memref<128x128xf32, #tpu.memory_space<vmem>>, vector<16xf32>,
        tpu.vector_store %arg9[%swap3A_611, %swap3A_612], %mul3A_610 {strides = array<i32>} : memref<128x128xf32, #tpu.memory_space<vmem>>, vector<16xf32>,
        %get3A_614 = arith.index_cast %scan3A_597 : i32 to index
        %get3A_615 = arith.constant 32 : index
        %get3A_616 = tpu.vector_load %arg9[%get3A_614, %get3A_615] {strides = array<i32>} : memref<128x128xf32, #tpu.memory_space<vmem>>, vector<16xf32>,
        %mul3A_617 = arith.mulf %get3A_616, %gather3A_599 : vector<16xf32>
        %swap3A_618 = arith.index_cast %scan3A_597 : i32 to index
        %swap3A_619 = arith.constant 32 : index
        %swap3A_620 = tpu.vector_load %arg9[%swap3A_618, %swap3A_619] {strides = array<i32>} : memref<128x128xf32, #tpu.memory_space<vmem>>, vector<16xf32>,
        tpu.vector_store %arg9[%swap3A_618, %swap3A_619], %mul3A_617 {strides = array<i32>} : memref<128x128xf32, #tpu.memory_space<vmem>>, vector<16xf32>,
        %get3A_621 = arith.index_cast %scan3A_597 : i32 to index
        %get3A_622 = arith.constant 48 : index
        %get3A_623 = tpu.vector_load %arg9[%get3A_621, %get3A_622] {strides = array<i32>} : memref<128x128xf32, #tpu.memory_space<vmem>>, vector<16xf32>,
        %mul3A_624 = arith.mulf %get3A_623, %gather3A_599 : vector<16xf32>
        %swap3A_625 = arith.index_cast %scan3A_597 : i32 to index
        %swap3A_626 = arith.constant 48 : index
        %swap3A_627 = tpu.vector_load %arg9[%swap3A_625, %swap3A_626] {strides = array<i32>} : memref<128x128xf32, #tpu.memory_space<vmem>>, vector<16xf32>,
        tpu.vector_store %arg9[%swap3A_625, %swap3A_626], %mul3A_624 {strides = array<i32>} : memref<128x128xf32, #tpu.memory_space<vmem>>, vector<16xf32>,
        %get3A_628 = arith.index_cast %scan3A_597 : i32 to index
        %get3A_629 = arith.constant 64 : index
        %get3A_630 = tpu.vector_load %arg9[%get3A_628, %get3A_629] {strides = array<i32>} : memref<128x128xf32, #tpu.memory_space<vmem>>, vector<16xf32>,
        %mul3A_631 = arith.mulf %get3A_630, %gather3A_599 : vector<16xf32>
        %swap3A_632 = arith.index_cast %scan3A_597 : i32 to index
        %swap3A_633 = arith.constant 64 : index
        %swap3A_634 = tpu.vector_load %arg9[%swap3A_632, %swap3A_633] {strides = array<i32>} : memref<128x128xf32, #tpu.memory_space<vmem>>, vector<16xf32>,
        tpu.vector_store %arg9[%swap3A_632, %swap3A_633], %mul3A_631 {strides = array<i32>} : memref<128x128xf32, #tpu.memory_space<vmem>>, vector<16xf32>,
        %get3A_635 = arith.index_cast %scan3A_597 : i32 to index
        %get3A_636 = arith.constant 80 : index
        %get3A_637 = tpu.vector_load %arg9[%get3A_635, %get3A_636] {strides = array<i32>} : memref<128x128xf32, #tpu.memory_space<vmem>>, vector<16xf32>,
        %mul3A_638 = arith.mulf %get3A_637, %gather3A_599 : vector<16xf32>
        %swap3A_639 = arith.index_cast %scan3A_597 : i32 to index
        %swap3A_640 = arith.constant 80 : index
        %swap3A_641 = tpu.vector_load %arg9[%swap3A_639, %swap3A_640] {strides = array<i32>} : memref<128x128xf32, #tpu.memory_space<vmem>>, vector<16xf32>,
        tpu.vector_store %arg9[%swap3A_639, %swap3A_640], %mul3A_638 {strides = array<i32>} : memref<128x128xf32, #tpu.memory_space<vmem>>, vector<16xf32>,
        %get3A_642 = arith.index_cast %scan3A_597 : i32 to index
        %get3A_643 = arith.constant 96 : index
        %get3A_644 = tpu.vector_load %arg9[%get3A_642, %get3A_643] {strides = array<i32>} : memref<128x128xf32, #tpu.memory_space<vmem>>, vector<16xf32>,
        %mul3A_645 = arith.mulf %get3A_644, %gather3A_599 : vector<16xf32>
        %swap3A_646 = arith.index_cast %scan3A_597 : i32 to index
        %swap3A_647 = arith.constant 96 : index
        %swap3A_648 = tpu.vector_load %arg9[%swap3A_646, %swap3A_647] {strides = array<i32>} : memref<128x128xf32, #tpu.memory_space<vmem>>, vector<16xf32>,
        tpu.vector_store %arg9[%swap3A_646, %swap3A_647], %mul3A_645 {strides = array<i32>} : memref<128x128xf32, #tpu.memory_space<vmem>>, vector<16xf32>,
        %get3A_649 = arith.index_cast %scan3A_597 : i32 to index
        %get3A_650 = arith.constant 112 : index
        %get3A_651 = tpu.vector_load %arg9[%get3A_649, %get3A_650] {strides = array<i32>} : memref<128x128xf32, #tpu.memory_space<vmem>>, vector<16xf32>,
        %mul3A_652 = arith.mulf %get3A_651, %gather3A_599 : vector<16xf32>
        %swap3A_653 = arith.index_cast %scan3A_597 : i32 to index
        %swap3A_654 = arith.constant 112 : index
        %swap3A_655 = tpu.vector_load %arg9[%swap3A_653, %swap3A_654] {strides = array<i32>} : memref<128x128xf32, #tpu.memory_space<vmem>>, vector<16xf32>,
        tpu.vector_store %arg9[%swap3A_653, %swap3A_654], %mul3A_652 {strides = array<i32>} : memref<128x128xf32, #tpu.memory_space<vmem>>, vector<16xf32>,
        %scan3A_656 = arith.constant 0 : i32
        %scan3A_657 = arith.constant 6 : i32
        %scan3A_658 = arith.addi %scan3A_294, %scan3A_657 : i32
        %broadcast_in_dim3A_659 = vector.broadcast %scan3A_658 : i32 to vector<16xi32>
        %gather3A_660 = tpu.vector_load_idx %arg21[%broadcast_in_dim3A_659] : memref<128xf32, #tpu.memory_space<vmem>>[vector<16xi32>], vector<16xf32>,
        %get3A_661 = arith.index_cast %scan3A_658 : i32 to index
        %get3A_662 = arith.constant 0 : index
        %get3A_663 = tpu.vector_load %arg9[%get3A_661, %get3A_662] {strides = array<i32>} : memref<128x128xf32, #tpu.memory_space<vmem>>, vector<16xf32>,
        %mul3A_664 = arith.mulf %get3A_663, %gather3A_660 : vector<16xf32>
        %swap3A_665 = arith.index_cast %scan3A_658 : i32 to index
        %swap3A_666 = arith.constant 0 : index
        %swap3A_667 = tpu.vector_load %arg9[%swap3A_665, %swap3A_666] {strides = array<i32>} : memref<128x128xf32, #tpu.memory_space<vmem>>, vector<16xf32>,
        tpu.vector_store %arg9[%swap3A_665, %swap3A_666], %mul3A_664 {strides = array<i32>} : memref<128x128xf32, #tpu.memory_space<vmem>>, vector<16xf32>,
        %get3A_668 = arith.index_cast %scan3A_658 : i32 to index
        %get3A_669 = arith.constant 16 : index
        %get3A_670 = tpu.vector_load %arg9[%get3A_668, %get3A_669] {strides = array<i32>} : memref<128x128xf32, #tpu.memory_space<vmem>>, vector<16xf32>,
        %mul3A_671 = arith.mulf %get3A_670, %gather3A_660 : vector<16xf32>
        %swap3A_672 = arith.index_cast %scan3A_658 : i32 to index
        %swap3A_673 = arith.constant 16 : index
        %swap3A_674 = tpu.vector_load %arg9[%swap3A_672, %swap3A_673] {strides = array<i32>} : memref<128x128xf32, #tpu.memory_space<vmem>>, vector<16xf32>,
        tpu.vector_store %arg9[%swap3A_672, %swap3A_673], %mul3A_671 {strides = array<i32>} : memref<128x128xf32, #tpu.memory_space<vmem>>, vector<16xf32>,
        %get3A_675 = arith.index_cast %scan3A_658 : i32 to index
        %get3A_676 = arith.constant 32 : index
        %get3A_677 = tpu.vector_load %arg9[%get3A_675, %get3A_676] {strides = array<i32>} : memref<128x128xf32, #tpu.memory_space<vmem>>, vector<16xf32>,
        %mul3A_678 = arith.mulf %get3A_677, %gather3A_660 : vector<16xf32>
        %swap3A_679 = arith.index_cast %scan3A_658 : i32 to index
        %swap3A_680 = arith.constant 32 : index
        %swap3A_681 = tpu.vector_load %arg9[%swap3A_679, %swap3A_680] {strides = array<i32>} : memref<128x128xf32, #tpu.memory_space<vmem>>, vector<16xf32>,
        tpu.vector_store %arg9[%swap3A_679, %swap3A_680], %mul3A_678 {strides = array<i32>} : memref<128x128xf32, #tpu.memory_space<vmem>>, vector<16xf32>,
        %get3A_682 = arith.index_cast %scan3A_658 : i32 to index
        %get3A_683 = arith.constant 48 : index
        %get3A_684 = tpu.vector_load %arg9[%get3A_682, %get3A_683] {strides = array<i32>} : memref<128x128xf32, #tpu.memory_space<vmem>>, vector<16xf32>,
        %mul3A_685 = arith.mulf %get3A_684, %gather3A_660 : vector<16xf32>
        %swap3A_686 = arith.index_cast %scan3A_658 : i32 to index
        %swap3A_687 = arith.constant 48 : index
        %swap3A_688 = tpu.vector_load %arg9[%swap3A_686, %swap3A_687] {strides = array<i32>} : memref<128x128xf32, #tpu.memory_space<vmem>>, vector<16xf32>,
        tpu.vector_store %arg9[%swap3A_686, %swap3A_687], %mul3A_685 {strides = array<i32>} : memref<128x128xf32, #tpu.memory_space<vmem>>, vector<16xf32>,
        %get3A_689 = arith.index_cast %scan3A_658 : i32 to index
        %get3A_690 = arith.constant 64 : index
        %get3A_691 = tpu.vector_load %arg9[%get3A_689, %get3A_690] {strides = array<i32>} : memref<128x128xf32, #tpu.memory_space<vmem>>, vector<16xf32>,
        %mul3A_692 = arith.mulf %get3A_691, %gather3A_660 : vector<16xf32>
        %swap3A_693 = arith.index_cast %scan3A_658 : i32 to index
        %swap3A_694 = arith.constant 64 : index
        %swap3A_695 = tpu.vector_load %arg9[%swap3A_693, %swap3A_694] {strides = array<i32>} : memref<128x128xf32, #tpu.memory_space<vmem>>, vector<16xf32>,
        tpu.vector_store %arg9[%swap3A_693, %swap3A_694], %mul3A_692 {strides = array<i32>} : memref<128x128xf32, #tpu.memory_space<vmem>>, vector<16xf32>,
        %get3A_696 = arith.index_cast %scan3A_658 : i32 to index
        %get3A_697 = arith.constant 80 : index
        %get3A_698 = tpu.vector_load %arg9[%get3A_696, %get3A_697] {strides = array<i32>} : memref<128x128xf32, #tpu.memory_space<vmem>>, vector<16xf32>,
        %mul3A_699 = arith.mulf %get3A_698, %gather3A_660 : vector<16xf32>
        %swap3A_700 = arith.index_cast %scan3A_658 : i32 to index
        %swap3A_701 = arith.constant 80 : index
        %swap3A_702 = tpu.vector_load %arg9[%swap3A_700, %swap3A_701] {strides = array<i32>} : memref<128x128xf32, #tpu.memory_space<vmem>>, vector<16xf32>,
        tpu.vector_store %arg9[%swap3A_700, %swap3A_701], %mul3A_699 {strides = array<i32>} : memref<128x128xf32, #tpu.memory_space<vmem>>, vector<16xf32>,
        %get3A_703 = arith.index_cast %scan3A_658 : i32 to index
        %get3A_704 = arith.constant 96 : index
        %get3A_705 = tpu.vector_load %arg9[%get3A_703, %get3A_704] {strides = array<i32>} : memref<128x128xf32, #tpu.memory_space<vmem>>, vector<16xf32>,
        %mul3A_706 = arith.mulf %get3A_705, %gather3A_660 : vector<16xf32>
        %swap3A_707 = arith.index_cast %scan3A_658 : i32 to index
        %swap3A_708 = arith.constant 96 : index
        %swap3A_709 = tpu.vector_load %arg9[%swap3A_707, %swap3A_708] {strides = array<i32>} : memref<128x128xf32, #tpu.memory_space<vmem>>, vector<16xf32>,
        tpu.vector_store %arg9[%swap3A_707, %swap3A_708], %mul3A_706 {strides = array<i32>} : memref<128x128xf32, #tpu.memory_space<vmem>>, vector<16xf32>,
        %get3A_710 = arith.index_cast %scan3A_658 : i32 to index
        %get3A_711 = arith.constant 112 : index
        %get3A_712 = tpu.vector_load %arg9[%get3A_710, %get3A_711] {strides = array<i32>} : memref<128x128xf32, #tpu.memory_space<vmem>>, vector<16xf32>,
        %mul3A_713 = arith.mulf %get3A_712, %gather3A_660 : vector<16xf32>
        %swap3A_714 = arith.index_cast %scan3A_658 : i32 to index
        %swap3A_715 = arith.constant 112 : index
        %swap3A_716 = tpu.vector_load %arg9[%swap3A_714, %swap3A_715] {strides = array<i32>} : memref<128x128xf32, #tpu.memory_space<vmem>>, vector<16xf32>,
        tpu.vector_store %arg9[%swap3A_714, %swap3A_715], %mul3A_713 {strides = array<i32>} : memref<128x128xf32, #tpu.memory_space<vmem>>, vector<16xf32>,
        %scan3A_717 = arith.constant 0 : i32
        %scan3A_718 = arith.constant 7 : i32
        %scan3A_719 = arith.addi %scan3A_294, %scan3A_718 : i32
        %broadcast_in_dim3A_720 = vector.broadcast %scan3A_719 : i32 to vector<16xi32>
        %gather3A_721 = tpu.vector_load_idx %arg21[%broadcast_in_dim3A_720] : memref<128xf32, #tpu.memory_space<vmem>>[vector<16xi32>], vector<16xf32>,
        %get3A_722 = arith.index_cast %scan3A_719 : i32 to index
        %get3A_723 = arith.constant 0 : index
        %get3A_724 = tpu.vector_load %arg9[%get3A_722, %get3A_723] {strides = array<i32>} : memref<128x128xf32, #tpu.memory_space<vmem>>, vector<16xf32>,
        %mul3A_725 = arith.mulf %get3A_724, %gather3A_721 : vector<16xf32>
        %swap3A_726 = arith.index_cast %scan3A_719 : i32 to index
        %swap3A_727 = arith.constant 0 : index
        %swap3A_728 = tpu.vector_load %arg9[%swap3A_726, %swap3A_727] {strides = array<i32>} : memref<128x128xf32, #tpu.memory_space<vmem>>, vector<16xf32>,
        tpu.vector_store %arg9[%swap3A_726, %swap3A_727], %mul3A_725 {strides = array<i32>} : memref<128x128xf32, #tpu.memory_space<vmem>>, vector<16xf32>,
        %get3A_729 = arith.index_cast %scan3A_719 : i32 to index
        %get3A_730 = arith.constant 16 : index
        %get3A_731 = tpu.vector_load %arg9[%get3A_729, %get3A_730] {strides = array<i32>} : memref<128x128xf32, #tpu.memory_space<vmem>>, vector<16xf32>,
        %mul3A_732 = arith.mulf %get3A_731, %gather3A_721 : vector<16xf32>
        %swap3A_733 = arith.index_cast %scan3A_719 : i32 to index
        %swap3A_734 = arith.constant 16 : index
        %swap3A_735 = tpu.vector_load %arg9[%swap3A_733, %swap3A_734] {strides = array<i32>} : memref<128x128xf32, #tpu.memory_space<vmem>>, vector<16xf32>,
        tpu.vector_store %arg9[%swap3A_733, %swap3A_734], %mul3A_732 {strides = array<i32>} : memref<128x128xf32, #tpu.memory_space<vmem>>, vector<16xf32>,
        %get3A_736 = arith.index_cast %scan3A_719 : i32 to index
        %get3A_737 = arith.constant 32 : index
        %get3A_738 = tpu.vector_load %arg9[%get3A_736, %get3A_737] {strides = array<i32>} : memref<128x128xf32, #tpu.memory_space<vmem>>, vector<16xf32>,
        %mul3A_739 = arith.mulf %get3A_738, %gather3A_721 : vector<16xf32>
        %swap3A_740 = arith.index_cast %scan3A_719 : i32 to index
        %swap3A_741 = arith.constant 32 : index
        %swap3A_742 = tpu.vector_load %arg9[%swap3A_740, %swap3A_741] {strides = array<i32>} : memref<128x128xf32, #tpu.memory_space<vmem>>, vector<16xf32>,
        tpu.vector_store %arg9[%swap3A_740, %swap3A_741], %mul3A_739 {strides = array<i32>} : memref<128x128xf32, #tpu.memory_space<vmem>>, vector<16xf32>,
        %get3A_743 = arith.index_cast %scan3A_719 : i32 to index
        %get3A_744 = arith.constant 48 : index
        %get3A_745 = tpu.vector_load %arg9[%get3A_743, %get3A_744] {strides = array<i32>} : memref<128x128xf32, #tpu.memory_space<vmem>>, vector<16xf32>,
        %mul3A_746 = arith.mulf %get3A_745, %gather3A_721 : vector<16xf32>
        %swap3A_747 = arith.index_cast %scan3A_719 : i32 to index
        %swap3A_748 = arith.constant 48 : index
        %swap3A_749 = tpu.vector_load %arg9[%swap3A_747, %swap3A_748] {strides = array<i32>} : memref<128x128xf32, #tpu.memory_space<vmem>>, vector<16xf32>,
        tpu.vector_store %arg9[%swap3A_747, %swap3A_748], %mul3A_746 {strides = array<i32>} : memref<128x128xf32, #tpu.memory_space<vmem>>, vector<16xf32>,
        %get3A_750 = arith.index_cast %scan3A_719 : i32 to index
        %get3A_751 = arith.constant 64 : index
        %get3A_752 = tpu.vector_load %arg9[%get3A_750, %get3A_751] {strides = array<i32>} : memref<128x128xf32, #tpu.memory_space<vmem>>, vector<16xf32>,
        %mul3A_753 = arith.mulf %get3A_752, %gather3A_721 : vector<16xf32>
        %swap3A_754 = arith.index_cast %scan3A_719 : i32 to index
        %swap3A_755 = arith.constant 64 : index
        %swap3A_756 = tpu.vector_load %arg9[%swap3A_754, %swap3A_755] {strides = array<i32>} : memref<128x128xf32, #tpu.memory_space<vmem>>, vector<16xf32>,
        tpu.vector_store %arg9[%swap3A_754, %swap3A_755], %mul3A_753 {strides = array<i32>} : memref<128x128xf32, #tpu.memory_space<vmem>>, vector<16xf32>,
        %get3A_757 = arith.index_cast %scan3A_719 : i32 to index
        %get3A_758 = arith.constant 80 : index
        %get3A_759 = tpu.vector_load %arg9[%get3A_757, %get3A_758] {strides = array<i32>} : memref<128x128xf32, #tpu.memory_space<vmem>>, vector<16xf32>,
        %mul3A_760 = arith.mulf %get3A_759, %gather3A_721 : vector<16xf32>
        %swap3A_761 = arith.index_cast %scan3A_719 : i32 to index
        %swap3A_762 = arith.constant 80 : index
        %swap3A_763 = tpu.vector_load %arg9[%swap3A_761, %swap3A_762] {strides = array<i32>} : memref<128x128xf32, #tpu.memory_space<vmem>>, vector<16xf32>,
        tpu.vector_store %arg9[%swap3A_761, %swap3A_762], %mul3A_760 {strides = array<i32>} : memref<128x128xf32, #tpu.memory_space<vmem>>, vector<16xf32>,
        %get3A_764 = arith.index_cast %scan3A_719 : i32 to index
        %get3A_765 = arith.constant 96 : index
        %get3A_766 = tpu.vector_load %arg9[%get3A_764, %get3A_765] {strides = array<i32>} : memref<128x128xf32, #tpu.memory_space<vmem>>, vector<16xf32>,
        %mul3A_767 = arith.mulf %get3A_766, %gather3A_721 : vector<16xf32>
        %swap3A_768 = arith.index_cast %scan3A_719 : i32 to index
        %swap3A_769 = arith.constant 96 : index
        %swap3A_770 = tpu.vector_load %arg9[%swap3A_768, %swap3A_769] {strides = array<i32>} : memref<128x128xf32, #tpu.memory_space<vmem>>, vector<16xf32>,
        tpu.vector_store %arg9[%swap3A_768, %swap3A_769], %mul3A_767 {strides = array<i32>} : memref<128x128xf32, #tpu.memory_space<vmem>>, vector<16xf32>,
        %get3A_771 = arith.index_cast %scan3A_719 : i32 to index
        %get3A_772 = arith.constant 112 : index
        %get3A_773 = tpu.vector_load %arg9[%get3A_771, %get3A_772] {strides = array<i32>} : memref<128x128xf32, #tpu.memory_space<vmem>>, vector<16xf32>,
        %mul3A_774 = arith.mulf %get3A_773, %gather3A_721 : vector<16xf32>
        %swap3A_775 = arith.index_cast %scan3A_719 : i32 to index
        %swap3A_776 = arith.constant 112 : index
        %swap3A_777 = tpu.vector_load %arg9[%swap3A_775, %swap3A_776] {strides = array<i32>} : memref<128x128xf32, #tpu.memory_space<vmem>>, vector<16xf32>,
        tpu.vector_store %arg9[%swap3A_775, %swap3A_776], %mul3A_774 {strides = array<i32>} : memref<128x128xf32, #tpu.memory_space<vmem>>, vector<16xf32>,
        %scan3A_778 = arith.constant 0 : i32
        scf.yield %scan3A_778 : i32
      }
      %scan3A_271 = arith.constant 128 : i32
      %dma_wait3A_272 = arith.constant 0 : i32
      %dma_wait3A_273 = arith.constant 0 : i32
      %dma_wait3A_274 = tpu.memref_slice %arg23[%dma_wait3A_272, %dma_wait3A_273] : memref<1024x128xf32, #tpu.memory_space<vmem_shared>> -> memref<1024x128xf32, #tpu.memory_space<vmem_shared>>
      tpu.wait_indirect_dma semaphore(%arg29 : memref<!tpu.dma_semaphore, #tpu.memory_space<semaphore_mem>>) src(%arg11 : memref<128x128xf32, #tpu.memory_space<vmem>>) dst(%dma_wait3A_274 : memref<1024x128xf32, #tpu.memory_space<vmem_shared>>)
      %add3A_275 = arith.constant 2 : i32
      %add3A_276 = arith.addi %add3A_241, %add3A_275 : i32
      %mul3A_277 = arith.constant 25 : i32
      %mul3A_278 = arith.muli %add3A, %mul3A_277 : i32
      %add3A_279 = arith.addi %mul3A_278, %add3A_276 : i32
      %lt3A_280 = arith.constant 781 : i32
      %lt3A_281 = arith.cmpi slt, %add3A_279, %lt3A_280 : i32
      %convert_element_type3A_282 = arith.extui %lt3A_281 : i1 to i32
      %cond3A_283 = arith.constant 0 : i32
      %cond3A_284 = arith.cmpi ne, %convert_element_type3A_282, %cond3A_283 : i32
      scf.if %cond3A_284 {
        %mul3A_294 = arith.constant 128 : i32
        %mul3A_295 = arith.muli %add3A_279, %mul3A_294 : i32
        %dma_start3A_296 = arith.constant 0 : i32
        %dma_start3A_297 = tpu.memref_slice %arg2[%mul3A_295, %dma_start3A_296] : memref<100000x128xf32, #tpu.memory_space<hbm>> -> memref<128x128xf32, #tpu.memory_space<hbm>>
        %dma_start3A_298 = arith.constant 0 : i32
        %dma_start3A_299 = tpu.memref_slice %arg2[%mul3A_295, %dma_start3A_298] : memref<100000x128xf32, #tpu.memory_space<hbm>> -> memref<128x128xf32, #tpu.memory_space<hbm>>
        tpu.enqueue_dma source(%dma_start3A_299 : memref<128x128xf32, #tpu.memory_space<hbm>>) target(%arg11 : memref<128x128xf32, #tpu.memory_space<vmem>>) target_semaphore(%arg26 : memref<!tpu.dma_semaphore, #tpu.memory_space<semaphore_mem>>)
        %dma_start3A_300 = arith.constant 0 : i32
        %dma_start3A_301 = tpu.memref_slice %arg3[%mul3A_295, %dma_start3A_300] : memref<100000x3xi32, #tpu.memory_space<hbm>> -> memref<128x3xi32, #tpu.memory_space<hbm>>
        %dma_start3A_302 = arith.constant 0 : i32
        %dma_start3A_303 = tpu.memref_slice %arg3[%mul3A_295, %dma_start3A_302] : memref<100000x3xi32, #tpu.memory_space<hbm>> -> memref<128x3xi32, #tpu.memory_space<hbm>>
        tpu.enqueue_dma source(%dma_start3A_303 : memref<128x3xi32, #tpu.memory_space<hbm>>) target(%arg14 : memref<128x3xi32, #tpu.memory_space<vmem>>) target_semaphore(%arg26 : memref<!tpu.dma_semaphore, #tpu.memory_space<semaphore_mem>>)
        %dma_start3A_304 = tpu.memref_slice %arg4[%mul3A_295] : memref<100000xi32, #tpu.memory_space<hbm>> -> memref<128xi32, #tpu.memory_space<hbm>>
        %dma_start3A_305 = tpu.memref_slice %arg4[%mul3A_295] : memref<100000xi32, #tpu.memory_space<hbm>> -> memref<128xi32, #tpu.memory_space<hbm>>
        tpu.enqueue_dma source(%dma_start3A_305 : memref<128xi32, #tpu.memory_space<hbm>>) target(%arg17 : memref<128xi32, #tpu.memory_space<vmem>>) target_semaphore(%arg26 : memref<!tpu.dma_semaphore, #tpu.memory_space<semaphore_mem>>)
      } else {
      }
      %ge3A_285 = arith.constant 781 : i32
      %ge3A_286 = arith.cmpi sge, %add3A_279, %ge3A_285 : i32
      %convert_element_type3A_287 = arith.extui %ge3A_286 : i1 to i32
      %cond3A_288 = arith.constant 0 : i32
      %cond3A_289 = arith.cmpi ne, %convert_element_type3A_287, %cond3A_288 : i32
      scf.if %cond3A_289 {
        %eq3A = arith.constant 781 : i32
        %eq3A_294 = arith.cmpi eq, %add3A_279, %eq3A : i32
        %jit3A = arith.constant 0 : i32
        %jit3A_295 = arith.constant 128 : i32
        %select_n3A = arith.select %eq3A_294, %jit3A, %jit3A_295 : i32
        %dma_start3A_296 = arith.constant 0 : i32
        %dma_start3A_297 = tpu.memref_slice %arg5[%select_n3A, %dma_start3A_296] : memref<256x128xf32, #tpu.memory_space<hbm>> -> memref<128x128xf32, #tpu.memory_space<hbm>>
        %dma_start3A_298 = arith.constant 0 : i32
        %dma_start3A_299 = tpu.memref_slice %arg5[%select_n3A, %dma_start3A_298] : memref<256x128xf32, #tpu.memory_space<hbm>> -> memref<128x128xf32, #tpu.memory_space<hbm>>
        tpu.enqueue_dma source(%dma_start3A_299 : memref<128x128xf32, #tpu.memory_space<hbm>>) target(%arg11 : memref<128x128xf32, #tpu.memory_space<vmem>>) target_semaphore(%arg26 : memref<!tpu.dma_semaphore, #tpu.memory_space<semaphore_mem>>)
        %dma_start3A_300 = arith.constant 0 : i32
        %dma_start3A_301 = tpu.memref_slice %arg6[%select_n3A, %dma_start3A_300] : memref<256x3xi32, #tpu.memory_space<hbm>> -> memref<128x3xi32, #tpu.memory_space<hbm>>
        %dma_start3A_302 = arith.constant 0 : i32
        %dma_start3A_303 = tpu.memref_slice %arg6[%select_n3A, %dma_start3A_302] : memref<256x3xi32, #tpu.memory_space<hbm>> -> memref<128x3xi32, #tpu.memory_space<hbm>>
        tpu.enqueue_dma source(%dma_start3A_303 : memref<128x3xi32, #tpu.memory_space<hbm>>) target(%arg14 : memref<128x3xi32, #tpu.memory_space<vmem>>) target_semaphore(%arg26 : memref<!tpu.dma_semaphore, #tpu.memory_space<semaphore_mem>>)
        %dma_start3A_304 = tpu.memref_slice %arg7[%select_n3A] : memref<256xi32, #tpu.memory_space<hbm>> -> memref<128xi32, #tpu.memory_space<hbm>>
        %dma_start3A_305 = tpu.memref_slice %arg7[%select_n3A] : memref<256xi32, #tpu.memory_space<hbm>> -> memref<128xi32, #tpu.memory_space<hbm>>
        tpu.enqueue_dma source(%dma_start3A_305 : memref<128xi32, #tpu.memory_space<hbm>>) target(%arg17 : memref<128xi32, #tpu.memory_space<vmem>>) target_semaphore(%arg26 : memref<!tpu.dma_semaphore, #tpu.memory_space<semaphore_mem>>)
      } else {
      }
      %dma_start3A_290 = arith.constant 0 : i32
      %dma_start3A_291 = arith.constant 0 : i32
      %dma_start3A_292 = tpu.memref_slice %arg23[%dma_start3A_290, %dma_start3A_291] : memref<1024x128xf32, #tpu.memory_space<vmem_shared>> -> memref<1024x128xf32, #tpu.memory_space<vmem_shared>>
      tpu.enqueue_indirect_dma source(%arg9 : memref<128x128xf32, #tpu.memory_space<vmem>>) target(%dma_start3A_292 : memref<1024x128xf32, #tpu.memory_space<vmem_shared>>) offsets(%arg18 : memref<128xi32, #tpu.memory_space<vmem>>) semaphore(%arg27 : memref<!tpu.dma_semaphore, #tpu.memory_space<semaphore_mem>>) {add = true}
      %scan3A_293 = arith.constant 0 : i32
      scf.yield %scan3A_293 : i32
    }
    %scan3A_91 = arith.constant 8 : i32
    %dma_wait3A_92 = arith.constant 0 : i32
    %dma_wait3A_93 = arith.constant 0 : i32
    %dma_wait3A_94 = tpu.memref_slice %arg23[%dma_wait3A_92, %dma_wait3A_93] : memref<1024x128xf32, #tpu.memory_space<vmem_shared>> -> memref<1024x128xf32, #tpu.memory_space<vmem_shared>>
    tpu.wait_indirect_dma semaphore(%arg27 : memref<!tpu.dma_semaphore, #tpu.memory_space<semaphore_mem>>) src(%arg9 : memref<128x128xf32, #tpu.memory_space<vmem>>) dst(%dma_wait3A_94 : memref<1024x128xf32, #tpu.memory_space<vmem_shared>>)
    %dma_wait3A_95 = arith.constant 0 : i32
    %dma_wait3A_96 = arith.constant 0 : i32
    %dma_wait3A_97 = tpu.memref_slice %arg2[%dma_wait3A_95, %dma_wait3A_96] : memref<100000x128xf32, #tpu.memory_space<hbm>> -> memref<128x128xf32, #tpu.memory_space<hbm>>
    %dma_wait3A_98 = arith.constant 0 : i32
    %dma_wait3A_99 = arith.constant 0 : i32
    %dma_wait3A_100 = tpu.memref_slice %arg2[%dma_wait3A_98, %dma_wait3A_99] : memref<100000x128xf32, #tpu.memory_space<hbm>> -> memref<128x128xf32, #tpu.memory_space<hbm>>
    tpu.wait_dma2 semaphore(%arg25 : memref<!tpu.dma_semaphore, #tpu.memory_space<semaphore_mem>>) src(%dma_wait3A_100 : memref<128x128xf32, #tpu.memory_space<hbm>>) dst(%arg10 : memref<128x128xf32, #tpu.memory_space<vmem>>)
    %dma_wait3A_101 = arith.constant 0 : i32
    %dma_wait3A_102 = arith.constant 0 : i32
    %dma_wait3A_103 = tpu.memref_slice %arg3[%dma_wait3A_101, %dma_wait3A_102] : memref<100000x3xi32, #tpu.memory_space<hbm>> -> memref<128x3xi32, #tpu.memory_space<hbm>>
    %dma_wait3A_104 = arith.constant 0 : i32
    %dma_wait3A_105 = arith.constant 0 : i32
    %dma_wait3A_106 = tpu.memref_slice %arg3[%dma_wait3A_104, %dma_wait3A_105] : memref<100000x3xi32, #tpu.memory_space<hbm>> -> memref<128x3xi32, #tpu.memory_space<hbm>>
    tpu.wait_dma2 semaphore(%arg25 : memref<!tpu.dma_semaphore, #tpu.memory_space<semaphore_mem>>) src(%dma_wait3A_106 : memref<128x3xi32, #tpu.memory_space<hbm>>) dst(%arg13 : memref<128x3xi32, #tpu.memory_space<vmem>>)
    %dma_wait3A_107 = arith.constant 0 : i32
    %dma_wait3A_108 = tpu.memref_slice %arg4[%dma_wait3A_107] : memref<100000xi32, #tpu.memory_space<hbm>> -> memref<128xi32, #tpu.memory_space<hbm>>
    %dma_wait3A_109 = arith.constant 0 : i32
    %dma_wait3A_110 = tpu.memref_slice %arg4[%dma_wait3A_109] : memref<100000xi32, #tpu.memory_space<hbm>> -> memref<128xi32, #tpu.memory_space<hbm>>
    tpu.wait_dma2 semaphore(%arg25 : memref<!tpu.dma_semaphore, #tpu.memory_space<semaphore_mem>>) src(%dma_wait3A_110 : memref<128xi32, #tpu.memory_space<hbm>>) dst(%arg16 : memref<128xi32, #tpu.memory_space<vmem>>)
    %dma_wait3A_111 = arith.constant 0 : i32
    %dma_wait3A_112 = arith.constant 0 : i32
    %dma_wait3A_113 = tpu.memref_slice %arg2[%dma_wait3A_111, %dma_wait3A_112] : memref<100000x128xf32, #tpu.memory_space<hbm>> -> memref<128x128xf32, #tpu.memory_space<hbm>>
    %dma_wait3A_114 = arith.constant 0 : i32
    %dma_wait3A_115 = arith.constant 0 : i32
    %dma_wait3A_116 = tpu.memref_slice %arg2[%dma_wait3A_114, %dma_wait3A_115] : memref<100000x128xf32, #tpu.memory_space<hbm>> -> memref<128x128xf32, #tpu.memory_space<hbm>>
    tpu.wait_dma2 semaphore(%arg26 : memref<!tpu.dma_semaphore, #tpu.memory_space<semaphore_mem>>) src(%dma_wait3A_116 : memref<128x128xf32, #tpu.memory_space<hbm>>) dst(%arg11 : memref<128x128xf32, #tpu.memory_space<vmem>>)
    %dma_wait3A_117 = arith.constant 0 : i32
    %dma_wait3A_118 = arith.constant 0 : i32
    %dma_wait3A_119 = tpu.memref_slice %arg3[%dma_wait3A_117, %dma_wait3A_118] : memref<100000x3xi32, #tpu.memory_space<hbm>> -> memref<128x3xi32, #tpu.memory_space<hbm>>
    %dma_wait3A_120 = arith.constant 0 : i32
    %dma_wait3A_121 = arith.constant 0 : i32
    %dma_wait3A_122 = tpu.memref_slice %arg3[%dma_wait3A_120, %dma_wait3A_121] : memref<100000x3xi32, #tpu.memory_space<hbm>> -> memref<128x3xi32, #tpu.memory_space<hbm>>
    tpu.wait_dma2 semaphore(%arg26 : memref<!tpu.dma_semaphore, #tpu.memory_space<semaphore_mem>>) src(%dma_wait3A_122 : memref<128x3xi32, #tpu.memory_space<hbm>>) dst(%arg14 : memref<128x3xi32, #tpu.memory_space<vmem>>)
    %dma_wait3A_123 = arith.constant 0 : i32
    %dma_wait3A_124 = tpu.memref_slice %arg4[%dma_wait3A_123] : memref<100000xi32, #tpu.memory_space<hbm>> -> memref<128xi32, #tpu.memory_space<hbm>>
    %dma_wait3A_125 = arith.constant 0 : i32
    %dma_wait3A_126 = tpu.memref_slice %arg4[%dma_wait3A_125] : memref<100000xi32, #tpu.memory_space<hbm>> -> memref<128xi32, #tpu.memory_space<hbm>>
    tpu.wait_dma2 semaphore(%arg26 : memref<!tpu.dma_semaphore, #tpu.memory_space<semaphore_mem>>) src(%dma_wait3A_126 : memref<128xi32, #tpu.memory_space<hbm>>) dst(%arg17 : memref<128xi32, #tpu.memory_space<vmem>>)
    %barrier3A_127 = arith.constant 0 : index
    tpu.barrier barrier_id(%barrier3A_127)
    %mul3A_128 = arith.constant 64 : i32
    %mul3A_129 = arith.muli %arg1, %mul3A_128 : i32
    "tpu.region"() ({
      %run_scoped3A = tpu.sem_alloc : memref<!tpu.dma_semaphore, #tpu.memory_space<semaphore_mem>>
      %dma_start3A_130 = arith.constant 0 : i32
      %dma_start3A_131 = tpu.memref_slice %arg23[%mul3A_129, %dma_start3A_130] : memref<1024x128xf32, #tpu.memory_space<vmem_shared>> -> memref<64x128xf32, #tpu.memory_space<vmem_shared>>
      %dma_start3A_132 = arith.constant 0 : i32
      %dma_start3A_133 = tpu.memref_slice %arg23[%mul3A_129, %dma_start3A_132] : memref<1024x128xf32, #tpu.memory_space<vmem_shared>> -> memref<64x128xf32, #tpu.memory_space<vmem_shared>>
      tpu.enqueue_dma source(%dma_start3A_133 : memref<64x128xf32, #tpu.memory_space<vmem_shared>>) target(%arg22 : memref<64x128xf32, #tpu.memory_space<vmem>>) target_semaphore(%run_scoped3A : memref<!tpu.dma_semaphore, #tpu.memory_space<semaphore_mem>>)
      %dma_wait3A_134 = arith.constant 0 : i32
      %dma_wait3A_135 = tpu.memref_slice %arg23[%mul3A_129, %dma_wait3A_134] : memref<1024x128xf32, #tpu.memory_space<vmem_shared>> -> memref<64x128xf32, #tpu.memory_space<vmem_shared>>
      %dma_wait3A_136 = arith.constant 0 : i32
      %dma_wait3A_137 = tpu.memref_slice %arg23[%mul3A_129, %dma_wait3A_136] : memref<1024x128xf32, #tpu.memory_space<vmem_shared>> -> memref<64x128xf32, #tpu.memory_space<vmem_shared>>
      tpu.wait_dma2 semaphore(%run_scoped3A : memref<!tpu.dma_semaphore, #tpu.memory_space<semaphore_mem>>) src(%dma_wait3A_137 : memref<64x128xf32, #tpu.memory_space<vmem_shared>>) dst(%arg22 : memref<64x128xf32, #tpu.memory_space<vmem>>)
      tpu.yield
    }) : () -> ()
    "tpu.region"() ({
      %run_scoped3A = tpu.sem_alloc : memref<!tpu.dma_semaphore, #tpu.memory_space<semaphore_mem>>
      %dma_start3A_130 = arith.constant 0 : i32
      %dma_start3A_131 = tpu.memref_slice %arg8[%arg0, %mul3A_129, %dma_start3A_130] : memref<2x1024x128xf32, #tpu.memory_space<hbm>> -> memref<1x64x128xf32, #tpu.memory_space<hbm>>
      %dma_start3A_132 = tpu.memref_squeeze %dma_start3A_131 : memref<1x64x128xf32, #tpu.memory_space<hbm>> -> memref<64x128xf32, #tpu.memory_space<hbm>>
      %dma_start3A_133 = arith.constant 0 : i32
      %dma_start3A_134 = tpu.memref_slice %arg8[%arg0, %mul3A_129, %dma_start3A_133] : memref<2x1024x128xf32, #tpu.memory_space<hbm>> -> memref<1x64x128xf32, #tpu.memory_space<hbm>>
      %dma_start3A_135 = tpu.memref_squeeze %dma_start3A_134 : memref<1x64x128xf32, #tpu.memory_space<hbm>> -> memref<64x128xf32, #tpu.memory_space<hbm>>
      tpu.enqueue_dma source(%arg22 : memref<64x128xf32, #tpu.memory_space<vmem>>) target(%dma_start3A_135 : memref<64x128xf32, #tpu.memory_space<hbm>>) target_semaphore(%run_scoped3A : memref<!tpu.dma_semaphore, #tpu.memory_space<semaphore_mem>>)
      %dma_wait3A_136 = arith.constant 0 : i32
      %dma_wait3A_137 = tpu.memref_slice %arg8[%arg0, %mul3A_129, %dma_wait3A_136] : memref<2x1024x128xf32, #tpu.memory_space<hbm>> -> memref<1x64x128xf32, #tpu.memory_space<hbm>>
      %dma_wait3A_138 = tpu.memref_squeeze %dma_wait3A_137 : memref<1x64x128xf32, #tpu.memory_space<hbm>> -> memref<64x128xf32, #tpu.memory_space<hbm>>
      %dma_wait3A_139 = arith.constant 0 : i32
      %dma_wait3A_140 = tpu.memref_slice %arg8[%arg0, %mul3A_129, %dma_wait3A_139] : memref<2x1024x128xf32, #tpu.memory_space<hbm>> -> memref<1x64x128xf32, #tpu.memory_space<hbm>>
      %dma_wait3A_141 = tpu.memref_squeeze %dma_wait3A_140 : memref<1x64x128xf32, #tpu.memory_space<hbm>> -> memref<64x128xf32, #tpu.memory_space<hbm>>
      tpu.wait_dma2 semaphore(%run_scoped3A : memref<!tpu.dma_semaphore, #tpu.memory_space<semaphore_mem>>) src(%arg22 : memref<64x128xf32, #tpu.memory_space<vmem>>) dst(%dma_wait3A_141 : memref<64x128xf32, #tpu.memory_space<hbm>>)
      tpu.yield
    }) : () -> ()
    return
  }
}

module attributes {stable_mosaic.version = 14 : i64} {
  func.func @_add_partials_body(%arg0: memref<2x1024x128xf32, #tpu.memory_space<vmem>>, %arg1: memref<1024x128xf32, #tpu.memory_space<vmem>>) attributes {dimension_semantics = [], scalar_prefetch = 0 : i64, scratch_operands = 0 : i64, tpu.core_type = #tpu.core_type<tc>} {
    %get3A = arith.constant 0 : index
    %get3A_0 = arith.constant 0 : index
    %get3A_1 = arith.constant 0 : index
    %get3A_2 = vector.load %arg0[%get3A, %get3A_0, %get3A_1] : memref<2x1024x128xf32, #tpu.memory_space<vmem>>, vector<1x1024x128xf32>
    %get3A_3 = vector.shape_cast %get3A_2 : vector<1x1024x128xf32> to vector<1024x128xf32>
    %get3A_4 = arith.constant 1 : index
    %get3A_5 = arith.constant 0 : index
    %get3A_6 = arith.constant 0 : index
    %get3A_7 = vector.load %arg0[%get3A_4, %get3A_5, %get3A_6] : memref<2x1024x128xf32, #tpu.memory_space<vmem>>, vector<1x1024x128xf32>
    %get3A_8 = vector.shape_cast %get3A_7 : vector<1x1024x128xf32> to vector<1024x128xf32>
    %add3A = arith.addf %get3A_3, %get3A_8 : vector<1024x128xf32>
    %swap3A = arith.constant 0 : index
    %swap3A_9 = arith.constant 0 : index
    %swap3A_10 = vector.load %arg1[%swap3A, %swap3A_9] : memref<1024x128xf32, #tpu.memory_space<vmem>>, vector<1024x128xf32>
    tpu.vector_store %arg1[%swap3A, %swap3A_9], %add3A {strides = array<i32>} : memref<1024x128xf32, #tpu.memory_space<vmem>>, vector<1024x128xf32>,
    return
  }
}

</mosaic_0001>

<sc_bundles>
// kernel: kernel.4.cloned.1.call-start
scs
__scs_entry_jumppad:
0x0: {  	(pc) =	sbr.rel $0x88, $3  }
0x1: {  	(tag) =	ssettag $0x0;
	lr =	simm.s32 $0x1  }
0x2: {  	[smem:$0x3F9E] =	sst lr;
	_ =	strace $0xD0000000  }
0x3: {  	_ = 	snop  }
0x4: {  	_ = 	snop  }
0x5: {  	_ = 	snop  }
0x6: {  	_ = 	snop  }
0x7: {  	_ = 	snop  }
__scs_overlays_trampoline_lowered:
0x8: {  	[smem:$0x3FAD] =	sst s0  }
0x9: {  	[smem:$0x3FAE] =	sst s1  }
0xa: {  	[smem:$0x3FAF] =	sst s2  }
0xb: {  	[smem:$0x3FB0] =	sst s3  }
0xc: {  	[smem:$0x3FB1] =	sst s4  }
0xd: {  	[smem:$0x3FB2] =	sst s5  }
0xe: {  	[smem:$0x3FB3] =	sst s6  }
0xf: {  	[smem:$0x3FB4] =	sst s7  }
0x10: {  	[smem:$0x3FB5] =	sst s8  }
0x11: {  	[smem:$0x3FB6] =	sst s9;
	s0 =	simm.s32 @!p0 $0x0  }
0x12: {  	s1 =	sld [smem:$0x3F9C];
	s0 =	simm.s32 @p0 $0x1  }
0x13: {  	[smem:$0x3FB7] =	sst s0;
	s0 =	simm.s32 @!p1 $0x0  }
0x14: {  	s2 =	sld [smem:$0x3F9B];
	s0 =	simm.s32 @p1 $0x1  }
0x15: {  	[smem:$0x3FB8] =	sst s0;
	s0 =	simm.s32 @!p2 $0x0  }
0x16: {  	s3 =	sld [smem:$0x3FDB];
	s0 =	simm.s32 @p2 $0x1  }
0x17: {  	s4 =	simm.s32 $0x1BF5;
	[smem:$0x3FBA] =	sst s0  }
0x18: {  	s0 =	sld [smem:$0x3F9D];
	_ =	swait.ge [sflag:s4], $0x0  }
0x19: {  	s7 =	sld [smem:$0x3F9E]  }
0x1a: {  	s8 =	sadd.s32 $0xFFFFE003, lr  }
0x1b: {  	s9 =	sadd.s32 $0xFFFFFEF7, lr;
	s5 =	simm.s32 $0xFFFFFFFF;
	p2 =	slt.u32 s8, $0xFFFFF086  }
0x1c: {  	p1 =	slt.u32 s9, $0xF7A;
	s5 =	simm.s32 @!p2 $0x0  }
0x1d: {  	s5 =	simm.s32 @p1 $0x1;
	p0 =	seq.s32 s7, s2  }
0x1e: {  	s7 =	smul.u32 @!p0 $0xF7A, s2;
	p2 =	seq.s32 @!p0 s5, $0x0  }
0x1f: {  	s9 =	smul.u32 $0xF7A, s1;
	s8 =	simm.s32 @!p0 $0x1BF5;
	p2 =	por !p2, p0  }
0x20: {  	[sflag:s8] =	ssyncset.s32 @!p0 $0xFFFFF086;
	s6 =	sadd.s32 @!p0 s3, s7;
	s7 =	simm.s32 @!p0 $0x108  }
0x21: {  	s3 =	sadd.s32 s3, s9;
	s6 =	sadd.s32 @!p0 $0x88, s6;
	s7 =	simm.s32 @p2 $0x1082  }
0x22: {  	[simem:s7], [sflag:s8] =	dma.local @!p0 [hbm:s6], $0xF7A  }
0x23: {  	s9 =	sor.u32 $0xD0000000, s2;
	s6 =	simm.s32 $0x108;
	_ =	swait.ge @!p0 [sflag:s8], $0x0  }
0x24: {  	s3 =	sadd.s32 $0x88, s3;
	s6 =	simm.s32 @!p1 $0x1082;
	[sflag:s4] =	ssyncset.s32 $0xFFFFF086  }
0x25: {  	[simem:s6], [sflag:s4] =	dma.local [hbm:s3], $0xF7A  }
0x26: {  	[smem:$0x3F9E] =	sst s1;
	(tag) =	ssettag s2;
	_ =	strace s9  }
0x27: {  	s1 =	sld [smem:$0x3FAE]  }
0x28: {  	s2 =	sld [smem:$0x3FAF]  }
0x29: {  	s4 =	sld [smem:$0x3FB1]  }
0x2a: {  	p0 =	seq.s32 s5, $0x0;
	s5 =	sld [smem:$0x3FB2]  }
0x2b: {  	s6 =	sld [smem:$0x3FB3]  }
0x2c: {  	s7 =	sld [smem:$0x3FB4]  }
0x2d: {  	s3 =	simm.s32 $0x108;
	s8 =	sld [smem:$0x3FB5]  }
0x2e: {  	s3 =	simm.s32 @!p0 $0x1082;
	s9 =	sld [smem:$0x3FB6]  }
0x2f: {  	lr =	sadd.s32 s0, s3;
	s0 =	sld [smem:$0x3FAD]  }
0x30: {  	s3 =	sld [smem:$0x3FB0]  }
0x31: {  	[smem:$0x3FB9] =	sst s10  }
0x32: {  	s10 =	sld [smem:$0x3FB7];
	_ =	sdelay $0x3  }
0x33: {  	p0 =	seq.s32 s10, $0x1;
	s10 =	sld [smem:$0x3FB9];
	_ =	sdelay $0x3  }
0x34: {  	[smem:$0x3FB9] =	sst s10  }
0x35: {  	s10 =	sld [smem:$0x3FB8];
	_ =	sdelay $0x3  }
0x36: {  	p1 =	seq.s32 s10, $0x1;
	s10 =	sld [smem:$0x3FB9];
	_ =	sdelay $0x3  }
0x37: {  	[smem:$0x3FB9] =	sst s10  }
0x38: {  	s10 =	sld [smem:$0x3FBA]  }
0x39: {  	_ = 	snop;
	(pc) =	sbr.ind lr, $3  }
0x3a: {  	_ = 	snop  }
0x3b: {  	_ = 	snop  }
0x3c: {  	p2 =	seq.s32 s10, $0x1;
	s10 =	sld [smem:$0x3FB9]  }
0x3d: {  	_ =	shalt  }
0x3e: {  	_ =	shalt  }
0x3f: {  	_ =	shalt  }
0x40: {  	_ =	shalt  }
0x41: {  	_ =	shalt  }
0x42: {  	_ =	shalt  }
0x43: {  	_ =	shalt  }
0x44: {  	_ =	shalt  }
0x45: {  	_ =	shalt  }
0x46: {  	_ =	shalt  }
0x47: {  	_ =	shalt  }
0x48: {  	_ =	shalt  }
0x49: {  	_ =	shalt  }
0x4a: {  	_ =	shalt  }
0x4b: {  	_ =	shalt  }
0x4c: {  	_ =	shalt  }
0x4d: {  	_ =	shalt  }
0x4e: {  	_ =	shalt  }
0x4f: {  	_ =	shalt  }
0x50: {  	_ =	shalt  }
0x51: {  	_ =	shalt  }
0x52: {  	_ =	shalt  }
0x53: {  	_ =	shalt  }
0x54: {  	_ =	shalt  }
0x55: {  	_ =	shalt  }
0x56: {  	_ =	shalt  }
0x57: {  	_ =	shalt  }
0x58: {  	_ =	shalt  }
0x59: {  	_ =	shalt  }
0x5a: {  	_ =	shalt  }
0x5b: {  	_ =	shalt  }
0x5c: {  	_ =	shalt  }
0x5d: {  	_ =	shalt  }
0x5e: {  	_ =	shalt  }
0x5f: {  	_ =	shalt  }
0x60: {  	_ =	shalt  }
0x61: {  	_ =	shalt  }
0x62: {  	_ =	shalt  }
0x63: {  	_ =	shalt  }
0x64: {  	_ =	shalt  }
0x65: {  	_ =	shalt  }
0x66: {  	_ =	shalt  }
0x67: {  	_ =	shalt  }
0x68: {  	_ =	shalt  }
0x69: {  	_ =	shalt  }
0x6a: {  	_ =	shalt  }
0x6b: {  	_ =	shalt  }
0x6c: {  	_ =	shalt  }
0x6d: {  	_ =	shalt  }
0x6e: {  	_ =	shalt  }
0x6f: {  	_ =	shalt  }
0x70: {  	_ =	shalt  }
0x71: {  	_ =	shalt  }
0x72: {  	_ =	shalt  }
0x73: {  	_ =	shalt  }
0x74: {  	_ =	shalt  }
0x75: {  	_ =	shalt  }
0x76: {  	_ =	shalt  }
0x77: {  	_ =	shalt  }
0x78: {  	_ =	shalt  }
0x79: {  	_ =	shalt  }
0x7a: {  	_ =	shalt  }
0x7b: {  	_ =	shalt  }
0x7c: {  	_ =	shalt  }
0x7d: {  	_ =	shalt  }
0x7e: {  	_ =	shalt  }
0x7f: {  	_ =	shalt  }
0x80: {  	_ =	shalt  }
0x81: {  	_ =	shalt  }
0x82: {  	_ =	shalt  }
0x83: {  	_ =	shalt  }
0x84: {  	_ =	shalt  }
0x85: {  	_ =	shalt  }
0x86: {  	_ =	shalt  }
0x87: {  	_ =	shalt  }
.Lfunc_end0:
.L_simem_size_0:
called_computation_lowered:
.L_overlay_start_0:
0x88: {  	s2 =	sld [smem:$0x3FD9]  }
0x89: {  	s3 =	sld [smem:$0x3FFE];
	_ =	sdelay $0x1  }
0x8a: {  	s1 =	srdreg.scid  }
0x8b: {  	s0 =	sand.u32 $0x1, s1  }
0x8c: {  	s17 =	sshll.u32 s0, $0xA;
	s2 =	sadd.s32 s3, s2  }
0x8d: {  	s2 =	sadd.s32 s2, s17  }
0x8e: {  	[smem:$0x3FC5] =	sst s2  }
0x8f: {  	_ = 	snop  }
0x90: {  	s2 =	sld [smem:$0x3FC9]  }
0x91: {  	s18 =	sld [smem:$0x3FC7]  }
0x92: {  	s4 =	sld [smem:$0x3FD0];
	(tm) =	ssettm $0x1  }
0x93: {  	s5 =	sld [smem:$0x3FFB];
	_ =	sdelay $0x3  }
0x94: {  	_ =	strace s5  }
0x95: {  	s5 =	sld [smem:$0x3FFC];
	_ =	sdelay $0x3  }
0x96: {  	_ =	strace s5  }
0x97: {  	s5 =	sld [smem:$0x3FFD];
	_ =	sdelay $0x3  }
0x98: {  	_ =	strace s5  }
0x99: {  	_ =	strace $0x8FFFFFFF  }
0x9a: {  	s19 =	sld [smem:$0x3FDB];
	_ =	sdelay $0x1  }
0x9b: {  	s6 =	simm.s32 $_scs_section_size  }
0x9c: {  	s7 =	simm.s32 $_size__tile_overlayer_lowered;
	s8 =	simm.s32 $_tile_overlayer_lowered  }
0x9d: {  	s22 =	simm.s32 $0x1BFF;
	s21 =	sshll.u32 s8, $0x1;
	s5 =	sadd.s32 s6, s19  }
0x9e: {  	s9 =	simm.s32 $0x0;
	s20 =	sshll.u32 s7, $0x1;
	s7 =	sadd.s32 s21, s5  }
0x9f: {  	[timem:s9], [sflag:s22] =	dma.local [hbm:s7], s20  }
0xa0: {  	_ =	swait.ge [sflag:s22], s20  }
0xa1: {  	s6 =	ssub.s32 $0x0, s20;
	[sflag:s22] =	ssyncset.done $0x0  }
0xa2: {  	[sflag:s22] =	ssyncadd.s32 s6;
	_ =	sdelay $0x1  }
0xa3: {  	s23 =	simm.s32 $0x1B8B  }
0xa4: {  	_ =	swait.ge [sflag:s23], $0x1  }
0xa5: {  	[sflag:s23] =	ssyncset.done $0x0  }
0xa6: {  	s25 =	simm.s32 $0x1B8E;
	s24 =	sld [smem:$0x3FFE];
	[sflag:s23] =	ssyncadd.s32 $0xFFFFFFFF  }
0xa7: {  	s26 =	simm.s32 $execute0_lowered;
	[smem:$0x3FD2] =	sst s25  }
0xa8: {  	s7 =	sshll.u32 s26, $0x1;
	_ =	strace $0x80000046;
	[dreg:$0x1] =	wrdreg $0xFFFFFFFF  }
0xa9: {  	s28 =	simm.s32 $_size_execute0_lowered;
	s5 =	sadd.s32 s5, s7;
	[dreg:$0x0] =	wrdreg $0x0  }
0xaa: {  	s7 =	sshll.u32 s28, $0x1;
	[dreg:$0x2] =	wrdreg s5  }
0xab: {  	[dreg:$0x3] =	wrdreg s7  }
0xac: {  	[dreg:$0x4] =	wrdreg $0xC0  }
0xad: {  	_ =	task [dreg:s9], $0x5FFFF  }
0xae: {  	[dreg:$0x1] =	wrdreg $0xFFFFFFFF  }
0xaf: {  	[dreg:$0x0] =	wrdreg $0x60  }
0xb0: {  	[dreg:$0x2] =	wrdreg s2  }
0xb1: {  	[dreg:$0x3] =	wrdreg s24  }
0xb2: {  	[dreg:$0x4] =	wrdreg s18  }
0xb3: {  	[dreg:$0x5] =	wrdreg s4  }
0xb4: {  	[dreg:$0x6] =	wrdreg $0x1A3800  }
0xb5: {  	[dreg:$0x7] =	wrdreg $0x9  }
0xb6: {  	_ =	task.clear_ibuf [dreg:s9], $0x8FFFF;
	_ =	strace $0x90000046  }
0xb7: {  	s29 =	simm.s32 $0x9;
	_ =	strace $0x80000048  }
0xb8: {  	_ =	swait.ge [sflag:s29], $0x1  }
0xb9: {  	[sflag:s29] =	ssyncadd.s32 $0xFFFFFFFF  }
0xba: {  	_ =	strace $0x90000048  }
0xbb: {  	_ =	sfence  }
0xbc: {  	s30 =	sld [smem:$0x0];
	_ =	sdelay $0x2  }
0xbd: {  	s31 =	sshll.u32 s1, $0xD;
	s1 =	sshrl.u32 s1, $0x2  }
0xbe: {  	s3 =	sand.u32 $0x4000, s31;
	s1 =	sadd.s32 s1, s30  }
0xbf: {  	s0 =	sor.u32 s3, s0;
	s1 =	sshll.u32 s1, $0x11  }
0xc0: {  	s0 =	sor.u32 s1, s0  }
0xc1: {  	s0 =	sadd.s32 $0x8F2B, s0  }
0xc2: {  	[sflag:s0] =	ssyncadd.remote.s32 $0x1  }
0xc3: {  	_ =	sfence.sel $0xFFFF  }
0xc4: {  	[dreg:$0x0] =	wrdreg $0xFFFFFFFF;
	(pc) =	sbr.abs _section_cstart, $3  }
0xc5: {  	[dreg:$0x1] =	wrdreg $0xFFFFFFFF  }
0xc6: {  	_ =	task.clear_ibuf [dreg:s9], $0x2FFFF;
	_ =	strace $0x9FFFFFFF  }
0xc7: {  	(tm) =	ssettm $0x7FFFFFFF  }
tec
execute0_lowered:
.L_overlay_start_1:
0x0: {  	(tag) =	ssettag $0x1  }
0x1: {  	s1 =	rddreg [dreg:$0x0]  }
0x2: {  	s0 =	rddreg [dreg:$0x1]  }
0x3: {  	s2 =	rddreg [dreg:$0x2]  }
0x4: {  	s3 =	rddreg [dreg:$0x3]  }
0x5: {  	s4 =	rddreg [dreg:$0x4]  }
0x6: {  	s5 =	simm.s32 $0x0;
	s6 =	srdreg.scid;
	s15 =	stileid.u32  }
0x7: {  	s29 =	simm.s32 $0x10000;
	s17 =	simm.s32 $0x2;
	[smem:$0x7FF] =	sst s5  }
0x8: {  	s6 =	sand.u32 $0x1, s6;
	s7 =	sadd.s32 $0x1200, s0;
	s8 =	sadd.s32 $0x187E00, s0  }
0x9: {  	s9 =	sadd.s32 $0x187C00, s0;
	s11 =	sshll.u32 s15, $0xA;
	s24 =	sshll.u32 s15, $0xD  }
0xa: {  	_ =	strace $0x80000047;
	s10 =	sshll.u32 s6, $0x4;
	s12 =	ssub.s32 $0x2, s6  }
0xb: {  	s0 =	sadd.s32 s11, s0;
	s6 =	sshll.u32 s6, $0xE;
	s10 =	sor.u32 s15, s10  }
0xc: {  	s18 =	sshrl.u32 s12, $0x1;
	s15 =	sadd.s32 s24, s4;
	s13 =	smul.u32 $0x19, s10  }
0xd: {  	s0 =	sadd.s32 s6, s0;
	s6 =	simm.s32 $0x1;
	s14 =	smul.u32 $0xC800, s10  }
0xe: {  	s24 =	simm.s32 $0x5;
	s11 =	ssub.s32 s12, s18;
	s10 =	smul.u32 $0x190, s10  }
0xf: {  	s0 =	sadd.s32 $0x188E00, s0;
	s12 =	simm.s32 $0x14000;
	[dreg:$0xc] =	wrdreg s15  }
0x10: {  	s18 =	simm.s32 $0x4;
	[dreg:$0x10] =	wrdreg s0;
	s31 =	smax.u32 s11, $0x1  }
0x11: {  	s11 =	simm.s32 $0x0;
	s16 =	sadd.s32 s1, s14;
	[dreg:$0x11] =	wrdreg s31  }
0x12: {  	s19 =	sadd.s32 $0x1, s13;
	s14 =	sadd.s32 s7, s14;
	[dreg:$0x6] =	wrdreg s16  }
0x13: {  	s10 =	sadd.s32 s2, s10;
	s25 =	sadd.s32 $0x2, s13;
	[dreg:$0x7] =	wrdreg s14  }
0x14: {  	s20 =	sshll.u32 s19, $0xB;
	[dreg:$0x8] =	wrdreg s10;
	s23 =	sshll.u32 s19, $0x4  }
0x15: {  	s26 =	sshll.u32 s25, $0xB;
	s30 =	sshll.u32 s25, $0x4;
	s25 =	simm.s32 $0xC000  }
0x16: {  	s19 =	simm.s32 $0x7;
	s14 =	simm.s32 $0x80;
	s21 =	sadd.s32 s1, s20  }
0x17: {  	s16 =	simm.s32 $0x6;
	s22 =	sadd.s32 s7, s20;
	[dreg:$0x9] =	wrdreg s21  }
0x18: {  	s10 =	sadd.s32 s2, s23;
	s28 =	sadd.s32 s1, s26;
	[dreg:$0xa] =	wrdreg s22  }
0x19: {  	s20 =	sadd.s32 $0x3, s13;
	s23 =	simm.s32 $0x3;
	[dreg:$0xb] =	wrdreg s10  }
0x1a: {  	[dreg:$0xd] =	wrdreg s28;
	s10 =	sadd.s32 s7, s26;
	s21 =	sadd.s32 $0x4, s13  }
0x1b: {  	v1 =	vlaneseq.u32;
	s22 =	sadd.s32 $0x5, s13;
	[dreg:$0xe] =	wrdreg s10;
	s10 =	sadd.s32 s2, s30  }
0x1c: {  	v0 =	vimm.f32 $0.0e+00;
	v1 =	vmul.u32 $0x80, v1;
	s13 =	simm.s32 $0x18380;
	[dreg:$0xf] =	wrdreg s10;
	s10 =	simm.s32 $0x18300  }
.LBB2_1:
0x1d: {  	[dreg:$0x12] =	wrdreg s11  }
0x1e: {  	s0 =	rddreg [dreg:$0x6]  }
0x1f: {  	[tilespmem:s5], [sflag:$0x1] =	stream.linear.gather [hbm4b:s0+s5], $0x4000, $0x38;
	[tilespmem:$0x1C380] =	vst v63  }
0x20: {  	s28 =	rddreg [dreg:$0x7]  }
0x21: {  	[tilespmem:s25], [sflag:$0x1] =	stream.linear.gather [hbm4b:s28+s5], $0x4000, $0x38;
	[tilespmem:$0x1C380] =	vst v63  }
0x22: {  	s30 =	rddreg [dreg:$0x8];
	s31 =	simm.s32 $0x18000  }
0x23: {  	[tilespmem:s31], [sflag:$0x1] =	stream.linear.gather [hbm4b:s30+s5], $0x80, $0x38;
	[tilespmem:$0x1C380] =	vst v63  }
0x24: {  	s11 =	rddreg [dreg:$0x9];
	s26 =	simm.s32 $0x4000  }
0x25: {  	[tilespmem:s26], [sflag:$0x2] =	stream.linear.gather [hbm4b:s11+s5], $0x4000, $0x38;
	[tilespmem:$0x1C380] =	vst v63  }
0x26: {  	s0 =	simm.s32 $0x0;
	s28 =	rddreg [dreg:$0xa]  }
0x27: {  	[tilespmem:s29], [sflag:$0x2] =	stream.linear.gather [hbm4b:s28+s5], $0x4000, $0x38;
	[tilespmem:$0x1C380] =	vst v63  }
0x28: {  	s30 =	rddreg [dreg:$0xb];
	s31 =	simm.s32 $0x18080;
	s11 =	simm.s32 $0x200  }
0x29: {  	[tilespmem:s31], [sflag:$0x2] =	stream.linear.gather [hbm4b:s30+s5], $0x80, $0x38;
	[tilespmem:$0x1C380] =	vst v63  }
.LBB2_2:
0x2a: {  	p0 =	sne.s32 s11, $0x7E00;
	[tilespmem:s0+$0x183F0] =	vst v0  }
0x2b: {  	[tilespmem:s0+$0x18380] =	vst v0  }
0x2c: {  	[tilespmem:s0+$0x18390] =	vst v0  }
.Ltmp0:
0x2d: {  	[tilespmem:s0+$0x183A0] =	vst v0;
	(pc) =	sbr.rel @p0 .LBB2_2-.Ltmp0, $4  }
0x2e: {  	[tilespmem:s0+$0x183B0] =	vst v0  }
0x2f: {  	[tilespmem:s0+$0x183C0] =	vst v0  }
0x30: {  	[tilespmem:s0+$0x183D0] =	vst v0  }
0x31: {  	[tilespmem:s0+$0x183E0] =	vst v0;
	s0 =	sshra.s32 s11, $0x2;
	s11 =	sadd.s32 $0x200, s11  }
0x32: {  	[tilespmem:s0+$0x183F0] =	vst v0  }
0x33: {  	[tilespmem:s0+$0x18380] =	vst v0  }
0x34: {  	[tilespmem:s0+$0x18390] =	vst v0  }
0x35: {  	[tilespmem:s0+$0x183A0] =	vst v0  }
0x36: {  	[tilespmem:s0+$0x183B0] =	vst v0  }
0x37: {  	[tilespmem:s0+$0x183C0] =	vst v0  }
0x38: {  	[tilespmem:s0+$0x183D0] =	vst v0  }
0x39: {  	[tilespmem:s0+$0x183E0] =	vst v0  }
0x3a: {  	[spmem:s15] =	stream.linear.scatter [tilespmem:s13], [sflag:$0x7], $0x2000, $0x38;
	[tilespmem:$0x1C380] =	vst v63  }
0x3b: {  	_ =	swait.ge [sflag:s19], $0x2000  }
0x3c: {  	[sflag:s19] =	ssyncset.done $0x0  }
0x3d: {  	[sflag:s19] =	ssyncadd.s32 $0xFFFFE000  }
0x3e: {  	[bflag:$0x0] =	sbarrier.arrive $0xFFFF  }
0x3f: {  	s26 =	simm.s32 $0x0;
	_ =	swait.ge [sflag:s6], $0x4000  }
0x40: {  	v2 =	vmov s26;
	[sflag:s6] =	ssyncset.done $0x0  }
0x41: {  	v2 =	vshll.u32 v2, $0x7;
	[sflag:s6] =	ssyncadd.s32 $0xFFFFC000  }
0x42: {  	v2 =	vor.u32 v1, v2;
	_ =	swait.ge [sflag:s6], $0x4000  }
0x43: {  	v3 =	vor.u32 $0x2, v2;
	[sflag:s6] =	ssyncset.done $0x0  }
0x44: {  	[sflag:s6] =	ssyncadd.s32 $0xFFFFC000  }
0x45: {  	_ =	swait.ge [sflag:s6], $0x80  }
0x46: {  	[sflag:s6] =	ssyncset.done $0x0  }
0x47: {  	[sflag:s6] =	ssyncadd.s32 $0xFFFFFF80  }
0x48: {  	v3 =	vld.idx.msk [tilespmem:v3+s25+$0x0], $0xffff;
	_ =	sdelay $0x1  }
0x49: {  	v4 =	vor.u32 $0x1, v2;
	_ =	sdelay $0x2  }
0x4a: {  	v3 =	vcvt.s32.f32 v3  }
0x4b: {  	v2 =	vld.idx.msk [tilespmem:v2+s25+$0x0], $0xffff  }
0x4c: {  	s0 =	simm.s32 $0x18010;
	(erf) = vrcp.f32 v3;
	v3 =	vld.idx.msk [tilespmem:v4+s25+$0x0], $0xffff  }
0x4d: {  	v4 =	vld [tilespmem:s0+$0xFFFFFFF0];
	_ =	sdelay $0x1  }
0x4e: {  	s11 =	simm.s32 $0x10  }
0x4f: {  	v5 =	vmov s11  }
0x50: {  	v5 =	vshll.u32 v5, $0x7;
	v2 =	vshll.u32 v2, $0x3  }
0x51: {  	v5 =	vor.u32 v1, v5;
	v4 =	vshll.u32 v4, $0x6;
	v2 =	vadd.s32 v2, v3  }
0x52: {  	v6 =	vor.u32 $0x2, v5;
	v2 =	vadd.s32 v4, v2;
	_ =	sdelay $0x1  }
0x53: {  	s19 =	simm.s32 $0x18190  }
0x54: {  	s28 =	simm.s32 $0x18310;
	[tilespmem:s19+$0xFFFFFFF0] =	vst v2;
	v2 =	vpop (erf)  }
0x55: {  	[tilespmem:s28+$0xFFFFFFF0] =	vst v2  }
0x56: {  	v2 =	vld.idx.msk [tilespmem:v6+s25+$0x0], $0xffff;
	_ =	sdelay $0x1  }
0x57: {  	v3 =	vor.u32 $0x1, v5;
	_ =	sdelay $0x2  }
0x58: {  	v2 =	vcvt.s32.f32 v2  }
0x59: {  	v4 =	vld.idx.msk [tilespmem:v5+s25+$0x0], $0xffff  }
0x5a: {  	(erf) = vrcp.f32 v2;
	v2 =	vld.idx.msk [tilespmem:v3+s25+$0x0], $0xffff  }
0x5b: {  	v3 =	vld [tilespmem:s0+$0x0];
	_ =	sdelay $0x2  }
0x5c: {  	s31 =	simm.s32 $0x20  }
0x5d: {  	v5 =	vmov s31;
	v4 =	vshll.u32 v4, $0x3  }
0x5e: {  	v3 =	vshll.u32 v3, $0x6;
	v2 =	vadd.s32 v4, v2;
	v4 =	vshll.u32 v5, $0x7  }
0x5f: {  	v3 =	vadd.s32 v3, v2;
	v2 =	vor.u32 v1, v4  }
0x60: {  	v4 =	vor.u32 $0x2, v2;
	_ =	sdelay $0x2  }
0x61: {  	s30 =	simm.s32 $0x30;
	s11 =	simm.s32 $0x2;
	s26 =	simm.s32 $0x18330;
	[tilespmem:s19+$0x0] =	vst v3;
	v3 =	vor.u32 $0x1, v2;
	v5 =	vpop (erf)  }
.LBB2_4:
0x62: {  	s11 =	sadd.s32 $0x2, s11;
	[tilespmem:s28+$0x0] =	vst v5;
	s0 =	sadd.s32 $0x20, s0;
	s19 =	sadd.s32 $0x20, s19  }
0x63: {  	s28 =	smov.u32 s26;
	p0 =	slt.u32 s11, $0x6;
	v4 =	vld.idx.msk [tilespmem:v4+s25+$0x0], $0xffff;
	_ =	sdelay $0x5  }
0x64: {  	v4 =	vcvt.s32.f32 v4;
	_ =	sdelay $0x1  }
0x65: {  	v2 =	vld.idx.msk [tilespmem:v2+s25+$0x0], $0xffff;
	(erf) = vrcp.f32 v4  }
0x66: {  	v3 =	vld.idx.msk [tilespmem:v3+s25+$0x0], $0xffff  }
0x67: {  	v4 =	vld [tilespmem:s0+$0xFFFFFFF0]  }
0x68: {  	v5 =	vmov s30  }
0x69: {  	v5 =	vshll.u32 v5, $0x7  }
0x6a: {  	v5 =	vor.u32 v1, v5  }
0x6b: {  	v6 =	vor.u32 $0x2, v5;
	v2 =	vshll.u32 v2, $0x3  }
0x6c: {  	v7 =	vadd.s32 v2, v3;
	v4 =	vshll.u32 v4, $0x6  }
0x6d: {  	v3 =	vor.u32 $0x1, v5;
	v4 =	vadd.s32 v4, v7  }
0x6e: {  	[tilespmem:s19+$0xFFFFFFF0] =	vst v4;
	v2 =	vpop (erf)  }
0x6f: {  	[tilespmem:s26+$0xFFFFFFF0] =	vst v2  }
0x70: {  	v2 =	vld.idx.msk [tilespmem:v6+s25+$0x0], $0xffff  }
0x71: {  	v4 =	vld.idx.msk [tilespmem:v5+s25+$0x0], $0xffff  }
0x72: {  	v3 =	vld.idx.msk [tilespmem:v3+s25+$0x0], $0xffff  }
0x73: {  	v5 =	vld [tilespmem:s0+$0x0];
	_ =	sdelay $0x2  }
0x74: {  	v2 =	vcvt.s32.f32 v2  }
0x75: {  	v4 =	vshll.u32 v4, $0x3  }
0x76: {  	v3 =	vadd.s32 v4, v3;
	v5 =	vshll.u32 v5, $0x6;
	(erf) = vrcp.f32 v2  }
0x77: {  	s30 =	sadd.s32 $0x20, s30;
	v2 =	vadd.s32 v5, v3  }
0x78: {  	s13 =	sadd.s32 $0xFFFFFFF0, s30;
	[tilespmem:s19+$0x0] =	vst v2  }
0x79: {  	v2 =	vmov s13  }
0x7a: {  	v2 =	vshll.u32 v2, $0x7  }
.Ltmp1:
0x7b: {  	v2 =	vor.u32 v1, v2;
	(pc) =	sbr.rel @p0 .LBB2_4-.Ltmp1, $2  }
0x7c: {  	v3 =	vor.u32 $0x1, v2;
	v4 =	vor.u32 $0x2, v2;
	_ =	sdelay $0x2  }
0x7d: {  	s26 =	sadd.s32 $0x20, s26;
	v5 =	vpop (erf)  }
0x7e: {  	_ =	sdelay $0x2  }
0x7f: {  	[tilespmem:s28+$0x0] =	vst v5  }
0x80: {  	v4 =	vld.idx.msk [tilespmem:v4+s25+$0x0], $0xffff;
	_ =	sdelay $0x4  }
0x81: {  	v2 =	vld.idx.msk [tilespmem:v2+s25+$0x0], $0xffff;
	v4 =	vcvt.s32.f32 v4  }
0x82: {  	s0 =	sadd.s32 $0x20, s0;
	v3 =	vld.idx.msk [tilespmem:v3+s25+$0x0], $0xffff  }
0x83: {  	(erf) = vrcp.f32 v4;
	v4 =	vld [tilespmem:s0+$0xFFFFFFF0];
	_ =	sdelay $0x2  }
0x84: {  	v5 =	vmov s30  }
0x85: {  	v5 =	vshll.u32 v5, $0x7;
	v2 =	vshll.u32 v2, $0x3  }
0x86: {  	v5 =	vor.u32 v1, v5;
	v2 =	vadd.s32 v2, v3;
	v4 =	vshll.u32 v4, $0x6  }
0x87: {  	v6 =	vor.u32 $0x2, v5;
	v2 =	vadd.s32 v4, v2;
	_ =	sdelay $0x1  }
0x88: {  	s11 =	sadd.s32 $0x20, s19  }
0x89: {  	[tilespmem:s11+$0xFFFFFFF0] =	vst v2;
	v2 =	vpop (erf)  }
0x8a: {  	[tilespmem:s26+$0xFFFFFFF0] =	vst v2  }
0x8b: {  	v2 =	vld.idx.msk [tilespmem:v6+s25+$0x0], $0xffff;
	_ =	sdelay $0x1  }
0x8c: {  	v3 =	vor.u32 $0x1, v5;
	_ =	sdelay $0x2  }
0x8d: {  	v2 =	vcvt.s32.f32 v2  }
0x8e: {  	v4 =	vld.idx.msk [tilespmem:v5+s25+$0x0], $0xffff  }
0x8f: {  	(erf) = vrcp.f32 v2;
	v2 =	vld.idx.msk [tilespmem:v3+s25+$0x0], $0xffff  }
0x90: {  	v3 =	vld [tilespmem:s0+$0x0];
	_ =	sdelay $0x2  }
0x91: {  	s0 =	simm.s32 $0x0  }
0x92: {  	v4 =	vshll.u32 v4, $0x3;
	v5 =	vmov s0  }
0x93: {  	v5 =	vand.u32 $0xFFFFFFF8, v5;
	v3 =	vshll.u32 v3, $0x6;
	v2 =	vadd.s32 v4, v2  }
0x94: {  	v4 =	vbroadcast v5, $0x0;
	v2 =	vadd.s32 v3, v2;
	_ =	sdelay $0x2  }
0x95: {  	[tilespmem:s11+$0x0] =	vst v2;
	v2 =	vpop (erf)  }
0x96: {  	s19 =	simm.s32 $0x200;
	[tilespmem:s26+$0x0] =	vst v2  }
0x97: {  	v3 =	vld [tilespmem:s19+$0xFFFFFE70]  }
0x98: {  	v4 =	vld.idx.msk [tilespmem:v4+s10+$0x0], $0xffff  }
0x99: {  	v5 =	vld [tilespmem:s19+$0xFFFFFE00]  }
0x9a: {  	v6 =	vld [tilespmem:s19+$0xFFFFFE20]  }
0x9b: {  	v7 =	vld [tilespmem:s19+$0xFFFFFE30]  }
0x9c: {  	v2 =	vld [tilespmem:s19+$0xFFFFFE50]  }
0x9d: {  	v9 =	vld [tilespmem:s19+$0xFFFFFE10];
	v3 =	vmul.f32 v3, v4  }
0x9e: {  	s13 =	simm.s32 $0x1;
	v8 =	vld [tilespmem:s19+$0xFFFFFE60];
	v5 =	vmul.f32 v5, v4  }
0x9f: {  	v10 =	vld [tilespmem:s19+$0xFFFFFE40];
	v6 =	vmul.f32 v6, v4;
	[tilespmem:s19+$0xFFFFFE70] =	vst v3;
	v3 =	vmov s13  }
0xa0: {  	v7 =	vmul.f32 v7, v4;
	[tilespmem:s19+$0xFFFFFE00] =	vst v5;
	v3 =	vand.u32 $0xFFFFFFF9, v3  }
0xa1: {  	v2 =	vmul.f32 v2, v4;
	[tilespmem:s19+$0xFFFFFE20] =	vst v6;
	v3 =	vbroadcast v3, $0x0  }
0xa2: {  	v5 =	vmul.f32 v9, v4;
	[tilespmem:s19+$0xFFFFFE30] =	vst v7  }
0xa3: {  	v6 =	vmul.f32 v8, v4;
	[tilespmem:s19+$0xFFFFFE50] =	vst v2  }
0xa4: {  	v2 =	vmul.f32 v10, v4;
	[tilespmem:s19+$0xFFFFFE10] =	vst v5  }
0xa5: {  	[tilespmem:s19+$0xFFFFFE60] =	vst v6  }
0xa6: {  	[tilespmem:s19+$0xFFFFFE40] =	vst v2  }
0xa7: {  	v2 =	vld.idx.msk [tilespmem:v3+s10+$0x0], $0xffff  }
0xa8: {  	v3 =	vld [tilespmem:s19+$0xFFFFFE90]  }
0xa9: {  	v5 =	vld [tilespmem:s19+$0xFFFFFEC0]  }
0xaa: {  	v6 =	vld [tilespmem:s19+$0xFFFFFE80]  }
0xab: {  	v7 =	vld [tilespmem:s19+$0xFFFFFED0]  }
0xac: {  	v4 =	vld [tilespmem:s19+$0xFFFFFEF0]  }
0xad: {  	v8 =	vld [tilespmem:s19+$0xFFFFFEE0];
	v3 =	vmul.f32 v3, v2  }
0xae: {  	s15 =	simm.s32 $0x2;
	v9 =	vld [tilespmem:s19+$0xFFFFFEB0];
	v5 =	vmul.f32 v5, v2  }
0xaf: {  	v10 =	vld [tilespmem:s19+$0xFFFFFEA0];
	v6 =	vmul.f32 v6, v2;
	[tilespmem:s19+$0xFFFFFE90] =	vst v3;
	v3 =	vmov s15  }
0xb0: {  	v7 =	vmul.f32 v7, v2;
	[tilespmem:s19+$0xFFFFFEC0] =	vst v5;
	v3 =	vand.u32 $0xFFFFFFFA, v3  }
0xb1: {  	v4 =	vmul.f32 v4, v2;
	[tilespmem:s19+$0xFFFFFE80] =	vst v6;
	v3 =	vbroadcast v3, $0x0  }
0xb2: {  	v5 =	vmul.f32 v8, v2;
	[tilespmem:s19+$0xFFFFFED0] =	vst v7  }
0xb3: {  	v6 =	vmul.f32 v9, v2;
	[tilespmem:s19+$0xFFFFFEF0] =	vst v4  }
0xb4: {  	v2 =	vmul.f32 v10, v2;
	[tilespmem:s19+$0xFFFFFEE0] =	vst v5  }
0xb5: {  	[tilespmem:s19+$0xFFFFFEB0] =	vst v6  }
0xb6: {  	[tilespmem:s19+$0xFFFFFEA0] =	vst v2  }
0xb7: {  	v2 =	vld.idx.msk [tilespmem:v3+s10+$0x0], $0xffff  }
0xb8: {  	v3 =	vld [tilespmem:s19+$0xFFFFFF00]  }
0xb9: {  	v4 =	vld [tilespmem:s19+$0xFFFFFF60]  }
0xba: {  	v5 =	vld [tilespmem:s19+$0xFFFFFF10]  }
0xbb: {  	v6 =	vld [tilespmem:s19+$0xFFFFFF50]  }
0xbc: {  	v7 =	vld [tilespmem:s19+$0xFFFFFF70]  }
0xbd: {  	v8 =	vld [tilespmem:s19+$0xFFFFFF20];
	v3 =	vmul.f32 v3, v2  }
0xbe: {  	s26 =	simm.s32 $0x3;
	v9 =	vld [tilespmem:s19+$0xFFFFFF30];
	v4 =	vmul.f32 v4, v2  }
0xbf: {  	v10 =	vld [tilespmem:s19+$0xFFFFFF40];
	v5 =	vmul.f32 v5, v2;
	[tilespmem:s19+$0xFFFFFF00] =	vst v3;
	v3 =	vmov s26  }
0xc0: {  	v6 =	vmul.f32 v6, v2;
	[tilespmem:s19+$0xFFFFFF60] =	vst v4;
	v3 =	vand.u32 $0xFFFFFFFB, v3  }
0xc1: {  	v4 =	vmul.f32 v7, v2;
	[tilespmem:s19+$0xFFFFFF10] =	vst v5;
	v3 =	vbroadcast v3, $0x0  }
0xc2: {  	v5 =	vmul.f32 v8, v2;
	[tilespmem:s19+$0xFFFFFF50] =	vst v6  }
0xc3: {  	v6 =	vmul.f32 v9, v2;
	[tilespmem:s19+$0xFFFFFF70] =	vst v4  }
0xc4: {  	v2 =	vmul.f32 v10, v2;
	[tilespmem:s19+$0xFFFFFF20] =	vst v5  }
0xc5: {  	[tilespmem:s19+$0xFFFFFF30] =	vst v6  }
0xc6: {  	[tilespmem:s19+$0xFFFFFF40] =	vst v2  }
0xc7: {  	v2 =	vld.idx.msk [tilespmem:v3+s10+$0x0], $0xffff  }
0xc8: {  	v3 =	vld [tilespmem:s19+$0xFFFFFFB0]  }
0xc9: {  	v5 =	vld [tilespmem:s19+$0xFFFFFFE0]  }
0xca: {  	v6 =	vld [tilespmem:s19+$0xFFFFFF80]  }
0xcb: {  	v7 =	vld [tilespmem:s19+$0xFFFFFFD0]  }
0xcc: {  	v4 =	vld [tilespmem:s19+$0xFFFFFFF0]  }
0xcd: {  	v9 =	vld [tilespmem:s19+$0xFFFFFFA0];
	v3 =	vmul.f32 v3, v2  }
0xce: {  	s30 =	simm.s32 $0x4;
	v8 =	vld [tilespmem:s19+$0xFFFFFF90];
	v5 =	vmul.f32 v5, v2  }
0xcf: {  	v10 =	vld [tilespmem:s19+$0xFFFFFFC0];
	v6 =	vmul.f32 v6, v2;
	[tilespmem:s19+$0xFFFFFFB0] =	vst v3;
	v3 =	vmov s30  }
0xd0: {  	v7 =	vmul.f32 v7, v2;
	[tilespmem:s19+$0xFFFFFFE0] =	vst v5;
	v3 =	vand.u32 $0xFFFFFFFC, v3  }
0xd1: {  	v4 =	vmul.f32 v4, v2;
	[tilespmem:s19+$0xFFFFFF80] =	vst v6;
	v3 =	vbroadcast v3, $0x0  }
0xd2: {  	v11 =	vld [tilespmem:s19+$0x40];
	v5 =	vmul.f32 v9, v2;
	[tilespmem:s19+$0xFFFFFFD0] =	vst v7  }
0xd3: {  	v6 =	vmul.f32 v8, v2;
	[tilespmem:s19+$0xFFFFFFF0] =	vst v4;
	v9 =	vld [tilespmem:s19+$0x0]  }
0xd4: {  	v4 =	vmul.f32 v10, v2;
	v2 =	vld [tilespmem:s19+$0x70];
	[tilespmem:s19+$0xFFFFFFA0] =	vst v5  }
0xd5: {  	v8 =	vld [tilespmem:s19+$0x20];
	[tilespmem:s19+$0xFFFFFF90] =	vst v6  }
0xd6: {  	v7 =	vld [tilespmem:s19+$0x30];
	[tilespmem:s19+$0xFFFFFFC0] =	vst v4  }
0xd7: {  	p0 =	por $0x1, $0x1;
	v3 =	vld.idx.msk [tilespmem:v3+s10+$0x0], $0xffff  }
.Ltmp2:
0xd8: {  	v4 =	vld [tilespmem:s19+$0x50];
	(pc) =	sbr.rel @!p0 .LBB2_7-.Ltmp2, $3  }
0xd9: {  	v6 =	vld [tilespmem:s19+$0x10]  }
0xda: {  	v5 =	vld [tilespmem:s19+$0x60];
	_ =	sdelay $0x1  }
0xdb: {  	s31 =	simm.s32 $0x8;
	s28 =	simm.s32 $0x200;
	s26 =	simm.s32 $0x0;
	v10 =	vmul.f32 v9, v3;
	v9 =	vmul.f32 v11, v3  }
.LBB2_6:
0xdc: {  	p0 =	slt.u32 s31, $0x78;
	v8 =	vmul.f32 v8, v3;
	v7 =	vmul.f32 v7, v3;
	s11 =	sadd.s32 $0x5, s26;
	s28 =	sadd.s32 $0x400, s28  }
0xdd: {  	v4 =	vmul.f32 v4, v3;
	[tilespmem:s19+$0x0] =	vst v10;
	v6 =	vmul.f32 v6, v3;
	v10 =	vmov s11;
	s11 =	smov.u32 s31;
	s31 =	sadd.s32 $0x8, s31  }
0xde: {  	v2 =	vmul.f32 v2, v3;
	[tilespmem:s19+$0x40] =	vst v9;
	v5 =	vmul.f32 v5, v3;
	v3 =	vand.u32 $0xFFFFFFFD, v10  }
0xdf: {  	[tilespmem:s19+$0x20] =	vst v8;
	v3 =	vbroadcast v3, $0x0  }
0xe0: {  	[tilespmem:s19+$0x50] =	vst v4  }
0xe1: {  	[tilespmem:s19+$0x70] =	vst v2;
	v2 =	vld [tilespmem:s19+$0xA0]  }
0xe2: {  	[tilespmem:s19+$0x30] =	vst v7;
	v4 =	vld [tilespmem:s19+$0x80]  }
0xe3: {  	[tilespmem:s19+$0x60] =	vst v5;
	v5 =	vld [tilespmem:s19+$0xD0]  }
0xe4: {  	[tilespmem:s19+$0x10] =	vst v6;
	v6 =	vld [tilespmem:s19+$0xF0]  }
0xe5: {  	v3 =	vld.idx.msk [tilespmem:v3+s10+$0x0], $0xffff  }
0xe6: {  	v7 =	vld [tilespmem:s19+$0xC0]  }
0xe7: {  	v8 =	vld [tilespmem:s19+$0xB0]  }
0xe8: {  	v9 =	vld [tilespmem:s19+$0x90]  }
0xe9: {  	v10 =	vld [tilespmem:s19+$0xE0];
	_ =	sdelay $0x1  }
0xea: {  	v4 =	vmul.f32 v4, v3;
	v7 =	vmul.f32 v7, v3  }
0xeb: {  	s13 =	sadd.s32 $0x6, s26;
	v2 =	vmul.f32 v2, v3;
	v8 =	vmul.f32 v8, v3  }
0xec: {  	v5 =	vmul.f32 v5, v3;
	[tilespmem:s19+$0x80] =	vst v4;
	v4 =	vmul.f32 v9, v3;
	v9 =	vmov s13  }
0xed: {  	[tilespmem:s19+$0xA0] =	vst v2;
	v2 =	vmul.f32 v10, v3;
	v3 =	vmul.f32 v6, v3;
	v6 =	vand.u32 $0xFFFFFFFE, v9  }
0xee: {  	[tilespmem:s19+$0xD0] =	vst v5;
	v5 =	vbroadcast v6, $0x0  }
0xef: {  	[tilespmem:s19+$0xC0] =	vst v7  }
0xf0: {  	[tilespmem:s19+$0xF0] =	vst v3;
	v3 =	vld [tilespmem:s19+$0x120]  }
0xf1: {  	[tilespmem:s19+$0xB0] =	vst v8;
	v6 =	vld [tilespmem:s19+$0x100]  }
0xf2: {  	[tilespmem:s19+$0x90] =	vst v4;
	v4 =	vld [tilespmem:s19+$0x140]  }
0xf3: {  	[tilespmem:s19+$0xE0] =	vst v2;
	v2 =	vld [tilespmem:s19+$0x130]  }
0xf4: {  	v5 =	vld.idx.msk [tilespmem:v5+s10+$0x0], $0xffff  }
0xf5: {  	v7 =	vld [tilespmem:s19+$0x110]  }
0xf6: {  	v8 =	vld [tilespmem:s19+$0x160]  }
0xf7: {  	v9 =	vld [tilespmem:s19+$0x150]  }
0xf8: {  	v10 =	vld [tilespmem:s19+$0x170];
	_ =	sdelay $0x1  }
0xf9: {  	v6 =	vmul.f32 v6, v5;
	v7 =	vmul.f32 v7, v5  }
0xfa: {  	v3 =	vmul.f32 v3, v5;
	v2 =	vmul.f32 v2, v5  }
0xfb: {  	v4 =	vmul.f32 v4, v5;
	[tilespmem:s19+$0x100] =	vst v6;
	v6 =	vmul.f32 v9, v5  }
0xfc: {  	[tilespmem:s19+$0x120] =	vst v3;
	v3 =	vmul.f32 v8, v5;
	v5 =	vmul.f32 v10, v5  }
0xfd: {  	s13 =	sadd.s32 $0x7, s26;
	s26 =	smov.u32 s11;
	[tilespmem:s19+$0x130] =	vst v2  }
0xfe: {  	v2 =	vmov s13;
	[tilespmem:s19+$0x140] =	vst v4  }
0xff: {  	[tilespmem:s19+$0x160] =	vst v3;
	v3 =	vld [tilespmem:s19+$0x180]  }
0x100: {  	[tilespmem:s19+$0x110] =	vst v7;
	v4 =	vld [tilespmem:s19+$0x1D0]  }
0x101: {  	[tilespmem:s19+$0x150] =	vst v6;
	v6 =	vld [tilespmem:s19+$0x190]  }
0x102: {  	[tilespmem:s19+$0x170] =	vst v5;
	v5 =	vld [tilespmem:s19+$0x1F0]  }
0x103: {  	v2 =	vld.idx.msk [tilespmem:v2+s10+$0x0], $0xffff  }
0x104: {  	v7 =	vld [tilespmem:s19+$0x1B0]  }
0x105: {  	v8 =	vld [tilespmem:s19+$0x1A0]  }
0x106: {  	v9 =	vld [tilespmem:s19+$0x1C0]  }
0x107: {  	v10 =	vld [tilespmem:s19+$0x1E0];
	_ =	sdelay $0x1  }
0x108: {  	v3 =	vmul.f32 v3, v2;
	v6 =	vmul.f32 v6, v2  }
0x109: {  	v7 =	vmul.f32 v7, v2;
	v8 =	vmul.f32 v8, v2  }
0x10a: {  	v11 =	vmov s26;
	v4 =	vmul.f32 v4, v2;
	[tilespmem:s19+$0x180] =	vst v3;
	v3 =	vmul.f32 v9, v2  }
0x10b: {  	v9 =	vand.u32 $0xFFFFFFF8, v11;
	[tilespmem:s19+$0x190] =	vst v6;
	v6 =	vmul.f32 v10, v2;
	v2 =	vmul.f32 v5, v2  }
0x10c: {  	v5 =	vbroadcast v9, $0x0;
	[tilespmem:s19+$0x1D0] =	vst v4  }
0x10d: {  	[tilespmem:s19+$0x1A0] =	vst v8  }
0x10e: {  	v4 =	vld [tilespmem:s28+$0xFFFFFE50];
	[tilespmem:s19+$0x1F0] =	vst v2  }
0x10f: {  	v2 =	vld [tilespmem:s28+$0xFFFFFE30];
	[tilespmem:s19+$0x1B0] =	vst v7  }
0x110: {  	v7 =	vld [tilespmem:s28+$0xFFFFFE60];
	[tilespmem:s19+$0x1E0] =	vst v6  }
0x111: {  	v6 =	vld [tilespmem:s28+$0xFFFFFE70];
	[tilespmem:s19+$0x1C0] =	vst v3;
	s19 =	smov.u32 s28  }
0x112: {  	v3 =	vld.idx.msk [tilespmem:v5+s10+$0x0], $0xffff  }
0x113: {  	v5 =	vld [tilespmem:s28+$0xFFFFFE00]  }
0x114: {  	v8 =	vld [tilespmem:s28+$0xFFFFFE20]  }
0x115: {  	v9 =	vld [tilespmem:s28+$0xFFFFFE10]  }
0x116: {  	v10 =	vld [tilespmem:s28+$0xFFFFFE40];
	_ =	sdelay $0x1  }
0x117: {  	v6 =	vmul.f32 v6, v3;
	v5 =	vmul.f32 v5, v3  }
0x118: {  	s11 =	sadd.s32 $0x1, s26;
	v7 =	vmul.f32 v7, v3;
	v8 =	vmul.f32 v8, v3  }
0x119: {  	v2 =	vmul.f32 v2, v3;
	v9 =	vmul.f32 v9, v3;
	[tilespmem:s28+$0xFFFFFE70] =	vst v6;
	v6 =	vmov s11  }
0x11a: {  	[tilespmem:s28+$0xFFFFFE00] =	vst v5;
	v5 =	vmul.f32 v10, v3;
	v3 =	vmul.f32 v4, v3;
	v4 =	vand.u32 $0xFFFFFFF9, v6  }
0x11b: {  	[tilespmem:s28+$0xFFFFFE20] =	vst v8;
	v4 =	vbroadcast v4, $0x0  }
0x11c: {  	[tilespmem:s28+$0xFFFFFE30] =	vst v2  }
0x11d: {  	[tilespmem:s28+$0xFFFFFE50] =	vst v3;
	v2 =	vld [tilespmem:s28+$0xFFFFFEF0]  }
0x11e: {  	[tilespmem:s28+$0xFFFFFE10] =	vst v9;
	v3 =	vld [tilespmem:s28+$0xFFFFFED0]  }
0x11f: {  	[tilespmem:s28+$0xFFFFFE60] =	vst v7;
	v6 =	vld [tilespmem:s28+$0xFFFFFEB0]  }
0x120: {  	[tilespmem:s28+$0xFFFFFE40] =	vst v5;
	v5 =	vld [tilespmem:s28+$0xFFFFFEC0]  }
0x121: {  	v4 =	vld.idx.msk [tilespmem:v4+s10+$0x0], $0xffff  }
0x122: {  	v7 =	vld [tilespmem:s28+$0xFFFFFE90]  }
0x123: {  	v8 =	vld [tilespmem:s28+$0xFFFFFE80]  }
0x124: {  	v9 =	vld [tilespmem:s28+$0xFFFFFEA0]  }
0x125: {  	v10 =	vld [tilespmem:s28+$0xFFFFFEE0];
	_ =	sdelay $0x1  }
0x126: {  	v5 =	vmul.f32 v5, v4;
	v7 =	vmul.f32 v7, v4  }
0x127: {  	s11 =	sadd.s32 $0x2, s26;
	v6 =	vmul.f32 v6, v4;
	v8 =	vmul.f32 v8, v4  }
0x128: {  	v3 =	vmul.f32 v3, v4;
	[tilespmem:s28+$0xFFFFFE90] =	vst v7;
	v7 =	vmul.f32 v9, v4;
	v9 =	vmov s11  }
0x129: {  	v2 =	vmul.f32 v2, v4;
	[tilespmem:s28+$0xFFFFFEC0] =	vst v5;
	v5 =	vmul.f32 v10, v4;
	v4 =	vand.u32 $0xFFFFFFFA, v9  }
0x12a: {  	[tilespmem:s28+$0xFFFFFE80] =	vst v8;
	v4 =	vbroadcast v4, $0x0  }
0x12b: {  	[tilespmem:s28+$0xFFFFFED0] =	vst v3  }
0x12c: {  	[tilespmem:s28+$0xFFFFFEE0] =	vst v5;
	v3 =	vld [tilespmem:s28+$0xFFFFFF70]  }
0x12d: {  	[tilespmem:s28+$0xFFFFFEB0] =	vst v6;
	v5 =	vld [tilespmem:s28+$0xFFFFFF50]  }
0x12e: {  	[tilespmem:s28+$0xFFFFFEF0] =	vst v2;
	v2 =	vld [tilespmem:s28+$0xFFFFFF20]  }
0x12f: {  	[tilespmem:s28+$0xFFFFFEA0] =	vst v7;
	v6 =	vld [tilespmem:s28+$0xFFFFFF60]  }
0x130: {  	v4 =	vld.idx.msk [tilespmem:v4+s10+$0x0], $0xffff  }
0x131: {  	v7 =	vld [tilespmem:s28+$0xFFFFFF00]  }
0x132: {  	v8 =	vld [tilespmem:s28+$0xFFFFFF10]  }
0x133: {  	v9 =	vld [tilespmem:s28+$0xFFFFFF40]  }
0x134: {  	v10 =	vld [tilespmem:s28+$0xFFFFFF30];
	_ =	sdelay $0x1  }
0x135: {  	v6 =	vmul.f32 v6, v4;
	v7 =	vmul.f32 v7, v4  }
0x136: {  	s11 =	sadd.s32 $0x3, s26;
	v2 =	vmul.f32 v2, v4;
	v8 =	vmul.f32 v8, v4  }
0x137: {  	v5 =	vmul.f32 v5, v4;
	[tilespmem:s28+$0xFFFFFF00] =	vst v7;
	v7 =	vmul.f32 v9, v4;
	v9 =	vmov s11  }
0x138: {  	v3 =	vmul.f32 v3, v4;
	v10 =	vmul.f32 v10, v4;
	[tilespmem:s28+$0xFFFFFF60] =	vst v6;
	v4 =	vand.u32 $0xFFFFFFFB, v9  }
0x139: {  	[tilespmem:s28+$0xFFFFFF10] =	vst v8;
	v4 =	vbroadcast v4, $0x0  }
0x13a: {  	[tilespmem:s28+$0xFFFFFF50] =	vst v5  }
0x13b: {  	[tilespmem:s28+$0xFFFFFF70] =	vst v3;
	v3 =	vld [tilespmem:s28+$0xFFFFFFF0]  }
0x13c: {  	[tilespmem:s28+$0xFFFFFF20] =	vst v2;
	v2 =	vld [tilespmem:s28+$0xFFFFFFD0]  }
0x13d: {  	[tilespmem:s28+$0xFFFFFF30] =	vst v10;
	v5 =	vld [tilespmem:s28+$0xFFFFFF90]  }
0x13e: {  	[tilespmem:s28+$0xFFFFFF40] =	vst v7;
	v6 =	vld [tilespmem:s28+$0xFFFFFFE0]  }
0x13f: {  	v4 =	vld.idx.msk [tilespmem:v4+s10+$0x0], $0xffff  }
0x140: {  	v7 =	vld [tilespmem:s28+$0xFFFFFFB0]  }
0x141: {  	v8 =	vld [tilespmem:s28+$0xFFFFFF80]  }
0x142: {  	v9 =	vld [tilespmem:s28+$0xFFFFFFC0]  }
0x143: {  	v10 =	vld [tilespmem:s28+$0xFFFFFFA0];
	_ =	sdelay $0x1  }
0x144: {  	v6 =	vmul.f32 v6, v4;
	v7 =	vmul.f32 v7, v4  }
0x145: {  	s11 =	sadd.s32 $0x4, s26;
	v5 =	vmul.f32 v5, v4;
	v8 =	vmul.f32 v8, v4  }
0x146: {  	v2 =	vmul.f32 v2, v4;
	[tilespmem:s28+$0xFFFFFFB0] =	vst v7;
	v7 =	vmul.f32 v9, v4;
	v9 =	vmov s11  }
0x147: {  	v3 =	vmul.f32 v3, v4;
	v10 =	vmul.f32 v10, v4;
	[tilespmem:s28+$0xFFFFFFE0] =	vst v6;
	v4 =	vand.u32 $0xFFFFFFFC, v9  }
0x148: {  	[tilespmem:s28+$0xFFFFFF80] =	vst v8;
	v6 =	vbroadcast v4, $0x0  }
0x149: {  	[tilespmem:s28+$0xFFFFFFD0] =	vst v2  }
0x14a: {  	[tilespmem:s28+$0xFFFFFFF0] =	vst v3;
	v9 =	vld [tilespmem:s28+$0x0]  }
0x14b: {  	[tilespmem:s28+$0xFFFFFFA0] =	vst v10;
	v2 =	vld [tilespmem:s28+$0x70]  }
0x14c: {  	[tilespmem:s28+$0xFFFFFF90] =	vst v5;
	v4 =	vld [tilespmem:s28+$0x50]  }
0x14d: {  	[tilespmem:s28+$0xFFFFFFC0] =	vst v7;
	v8 =	vld [tilespmem:s28+$0x20]  }
0x14e: {  	v3 =	vld.idx.msk [tilespmem:v6+s10+$0x0], $0xffff  }
0x14f: {  	v11 =	vld [tilespmem:s28+$0x40]  }
.Ltmp3:
0x150: {  	v7 =	vld [tilespmem:s28+$0x30];
	(pc) =	sbr.rel @p0 .LBB2_6-.Ltmp3, $3  }
0x151: {  	v6 =	vld [tilespmem:s28+$0x10]  }
0x152: {  	v5 =	vld [tilespmem:s28+$0x60];
	_ =	sdelay $0x1  }
0x153: {  	v10 =	vmul.f32 v9, v3;
	v9 =	vmul.f32 v11, v3  }
.LBB2_7:
0x154: {  	s11 =	sadd.s32 $0x5, s26  }
0x155: {  	v8 =	vmul.f32 v8, v3;
	[tilespmem:s19+$0x0] =	vst v10;
	v27 =	vmov s11  }
0x156: {  	v4 =	vmul.f32 v4, v3;
	[tilespmem:s19+$0x40] =	vst v9;
	v28 =	vand.u32 $0xFFFFFFFD, v27  }
0x157: {  	v2 =	vmul.f32 v2, v3;
	[tilespmem:s19+$0x20] =	vst v8;
	v29 =	vbroadcast v28, $0x0  }
0x158: {  	v7 =	vmul.f32 v7, v3;
	[tilespmem:s19+$0x50] =	vst v4  }
0x159: {  	v30 =	vmul.f32 v5, v3;
	[tilespmem:s19+$0x70] =	vst v2  }
0x15a: {  	v2 =	vmul.f32 v6, v3;
	[tilespmem:s19+$0x30] =	vst v7  }
0x15b: {  	[tilespmem:s19+$0x60] =	vst v30  }
0x15c: {  	v3 =	vld [tilespmem:s19+$0x80];
	[tilespmem:s19+$0x10] =	vst v2  }
0x15d: {  	v2 =	vld.idx.msk [tilespmem:v29+s10+$0x0], $0xffff  }
0x15e: {  	v31 =	vld [tilespmem:s19+$0xA0]  }
0x15f: {  	v32 =	vld [tilespmem:s19+$0xD0]  }
0x160: {  	v33 =	vld [tilespmem:s19+$0xC0]  }
0x161: {  	v34 =	vld [tilespmem:s19+$0xF0]  }
0x162: {  	v35 =	vld [tilespmem:s19+$0xB0];
	v3 =	vmul.f32 v3, v2  }
0x163: {  	v36 =	vld [tilespmem:s19+$0x90];
	s13 =	sadd.s32 $0x6, s26;
	v4 =	vmul.f32 v31, v2  }
0x164: {  	v37 =	vld [tilespmem:s19+$0xE0];
	v38 =	vmov s13;
	[tilespmem:s19+$0x80] =	vst v3;
	v3 =	vmul.f32 v32, v2  }
0x165: {  	v39 =	vand.u32 $0xFFFFFFFE, v38;
	v6 =	vmul.f32 v33, v2;
	[tilespmem:s19+$0xA0] =	vst v4  }
0x166: {  	v40 =	vmul.f32 v34, v2;
	[tilespmem:s19+$0xD0] =	vst v3;
	v3 =	vbroadcast v39, $0x0  }
0x167: {  	v41 =	vmul.f32 v35, v2;
	[tilespmem:s19+$0xC0] =	vst v6  }
0x168: {  	v42 =	vmul.f32 v36, v2;
	[tilespmem:s19+$0xF0] =	vst v40  }
0x169: {  	v2 =	vmul.f32 v37, v2;
	[tilespmem:s19+$0xB0] =	vst v41  }
0x16a: {  	[tilespmem:s19+$0x90] =	vst v42  }
0x16b: {  	v43 =	vld [tilespmem:s19+$0x100];
	[tilespmem:s19+$0xE0] =	vst v2  }
0x16c: {  	v2 =	vld.idx.msk [tilespmem:v3+s10+$0x0], $0xffff  }
0x16d: {  	v3 =	vld [tilespmem:s19+$0x120]  }
0x16e: {  	v44 =	vld [tilespmem:s19+$0x130]  }
0x16f: {  	v45 =	vld [tilespmem:s19+$0x140]  }
0x170: {  	v47 =	vld [tilespmem:s19+$0x110]  }
0x171: {  	v48 =	vld [tilespmem:s19+$0x150];
	v4 =	vmul.f32 v43, v2  }
0x172: {  	v46 =	vld [tilespmem:s19+$0x160];
	v3 =	vmul.f32 v3, v2  }
0x173: {  	v49 =	vld [tilespmem:s19+$0x170];
	v5 =	vmul.f32 v44, v2;
	[tilespmem:s19+$0x100] =	vst v4  }
0x174: {  	v50 =	vmul.f32 v45, v2;
	[tilespmem:s19+$0x120] =	vst v3  }
0x175: {  	s15 =	sadd.s32 $0x7, s26;
	v51 =	vmul.f32 v47, v2;
	[tilespmem:s19+$0x130] =	vst v5  }
0x176: {  	v52 =	vmov s15;
	v53 =	vmul.f32 v48, v2;
	[tilespmem:s19+$0x140] =	vst v50  }
0x177: {  	v3 =	vmul.f32 v46, v2;
	[tilespmem:s19+$0x110] =	vst v51  }
0x178: {  	v2 =	vmul.f32 v49, v2;
	[tilespmem:s19+$0x150] =	vst v53  }
0x179: {  	[tilespmem:s19+$0x160] =	vst v3  }
0x17a: {  	v3 =	vld [tilespmem:s19+$0x180];
	[tilespmem:s19+$0x170] =	vst v2  }
0x17b: {  	v2 =	vld.idx.msk [tilespmem:v52+s10+$0x0], $0xffff  }
0x17c: {  	v54 =	vld [tilespmem:s19+$0x190]  }
0x17d: {  	v56 =	vld [tilespmem:s19+$0x1A0]  }
0x17e: {  	v57 =	vld [tilespmem:s19+$0x1F0]  }
0x17f: {  	v55 =	vld [tilespmem:s19+$0x1D0]  }
0x180: {  	v59 =	vld [tilespmem:s19+$0x1E0];
	v3 =	vmul.f32 v3, v2  }
0x181: {  	v58 =	vld [tilespmem:s19+$0x1B0];
	v5 =	vmul.f32 v54, v2  }
0x182: {  	v60 =	vld [tilespmem:s19+$0x1C0];
	v61 =	vmul.f32 v56, v2;
	[tilespmem:s19+$0x180] =	vst v3  }
0x183: {  	v62 =	vmul.f32 v57, v2;
	[tilespmem:s19+$0x190] =	vst v5  }
0x184: {  	v3 =	vmul.f32 v55, v2;
	[tilespmem:s19+$0x1A0] =	vst v61  }
0x185: {  	v63 =	vmul.f32 v59, v2;
	[tilespmem:s19+$0x1F0] =	vst v62  }
0x186: {  	[tilespmem:s19+$0x1D0] =	vst v3;
	v3 =	vmul.f32 v58, v2  }
0x187: {  	[tilespmem:s19+$0x1E0] =	vst v63;
	v2 =	vmul.f32 v60, v2  }
0x188: {  	[tilespmem:s19+$0x1B0] =	vst v3  }
0x189: {  	s13 =	simm.s32 $0x8000;
	[tilespmem:s19+$0x1C0] =	vst v2;
	s19 =	rddreg [dreg:$0xd]  }
0x18a: {  	[tilespmem:s13], [sflag:$0x3] =	stream.linear.gather [hbm4b:s19+s0], $0x4000, $0x38;
	[tilespmem:$0x1C380] =	vst v63  }
0x18b: {  	s26 =	rddreg [dreg:$0xe]  }
0x18c: {  	[tilespmem:s12], [sflag:$0x3] =	stream.linear.gather [hbm4b:s26+s0], $0x4000, $0x38;
	[tilespmem:$0x1C380] =	vst v63  }
0x18d: {  	s28 =	rddreg [dreg:$0xf];
	s30 =	simm.s32 $0x18100  }
0x18e: {  	[tilespmem:s30], [sflag:$0x3] =	stream.linear.gather [hbm4b:s28+s0], $0x80, $0x38;
	[tilespmem:$0x1C380] =	vst v63  }
0x18f: {  	s31 =	simm.s32 $0x18180  }
0x190: {  	[spmem:s4] =	stream.indirect.scatter.add.f32 [tilespmem:s0], [sflag:$0x4], $0x80, s31, s14, $0xb8;
	[tilespmem:$0x1C380] =	vst v63  }
.LBB2_8:
0x191: {  	_ =	swait.ge [sflag:s17], $0x4000;
	s11 =	simm.s32 $0x0  }
0x192: {  	[sflag:s17] =	ssyncset.done $0x0;
	v2 =	vmov s11  }
0x193: {  	[sflag:s17] =	ssyncadd.s32 $0xFFFFC000;
	v2 =	vshll.u32 v2, $0x7  }
0x194: {  	_ =	swait.ge [sflag:s17], $0x4000;
	v2 =	vor.u32 v1, v2  }
0x195: {  	[sflag:s17] =	ssyncset.done $0x0;
	v3 =	vor.u32 $0x2, v2  }
0x196: {  	[sflag:s17] =	ssyncadd.s32 $0xFFFFC000  }
0x197: {  	_ =	swait.ge [sflag:s17], $0x80  }
0x198: {  	[sflag:s17] =	ssyncset.done $0x0  }
0x199: {  	[sflag:s17] =	ssyncadd.s32 $0xFFFFFF80  }
0x19a: {  	v3 =	vld.idx.msk [tilespmem:v3+s29+$0x0], $0xffff;
	_ =	sdelay $0x1  }
0x19b: {  	v4 =	vor.u32 $0x1, v2;
	_ =	sdelay $0x2  }
0x19c: {  	v3 =	vcvt.s32.f32 v3  }
0x19d: {  	v2 =	vld.idx.msk [tilespmem:v2+s29+$0x0], $0xffff  }
0x19e: {  	s19 =	simm.s32 $0x18090;
	(erf) = vrcp.f32 v3;
	v3 =	vld.idx.msk [tilespmem:v4+s29+$0x0], $0xffff  }
0x19f: {  	v4 =	vld [tilespmem:s19+$0xFFFFFFF0];
	_ =	sdelay $0x1  }
0x1a0: {  	s13 =	simm.s32 $0x10  }
0x1a1: {  	v5 =	vmov s13  }
0x1a2: {  	v5 =	vshll.u32 v5, $0x7;
	v2 =	vshll.u32 v2, $0x3  }
0x1a3: {  	v5 =	vor.u32 v1, v5;
	v4 =	vshll.u32 v4, $0x6;
	v2 =	vadd.s32 v2, v3  }
0x1a4: {  	v6 =	vor.u32 $0x2, v5;
	v2 =	vadd.s32 v4, v2;
	_ =	sdelay $0x1  }
0x1a5: {  	s26 =	simm.s32 $0x18210  }
0x1a6: {  	s30 =	simm.s32 $0x18310;
	[tilespmem:s26+$0xFFFFFFF0] =	vst v2;
	v2 =	vpop (erf)  }
0x1a7: {  	[tilespmem:s30+$0xFFFFFFF0] =	vst v2  }
0x1a8: {  	v2 =	vld.idx.msk [tilespmem:v6+s29+$0x0], $0xffff;
	_ =	sdelay $0x1  }
0x1a9: {  	v3 =	vor.u32 $0x1, v5;
	_ =	sdelay $0x2  }
0x1aa: {  	v2 =	vcvt.s32.f32 v2  }
0x1ab: {  	v4 =	vld.idx.msk [tilespmem:v5+s29+$0x0], $0xffff  }
0x1ac: {  	(erf) = vrcp.f32 v2;
	v2 =	vld.idx.msk [tilespmem:v3+s29+$0x0], $0xffff  }
0x1ad: {  	v3 =	vld [tilespmem:s19+$0x0];
	_ =	sdelay $0x2  }
0x1ae: {  	s15 =	simm.s32 $0x20  }
0x1af: {  	v5 =	vmov s15;
	v4 =	vshll.u32 v4, $0x3  }
0x1b0: {  	v3 =	vshll.u32 v3, $0x6;
	v2 =	vadd.s32 v4, v2;
	v4 =	vshll.u32 v5, $0x7  }
0x1b1: {  	v3 =	vadd.s32 v3, v2;
	v2 =	vor.u32 v1, v4  }
0x1b2: {  	v4 =	vor.u32 $0x2, v2;
	_ =	sdelay $0x2  }
0x1b3: {  	s31 =	simm.s32 $0x30;
	s28 =	simm.s32 $0x18330;
	s11 =	simm.s32 $0x2;
	[tilespmem:s26+$0x0] =	vst v3;
	v3 =	vor.u32 $0x1, v2;
	v5 =	vpop (erf)  }
.LBB2_9:
0x1b4: {  	s11 =	sadd.s32 $0x2, s11;
	[tilespmem:s30+$0x0] =	vst v5;
	s19 =	sadd.s32 $0x20, s19;
	s26 =	sadd.s32 $0x20, s26  }
0x1b5: {  	s30 =	smov.u32 s28;
	p0 =	slt.u32 s11, $0x6;
	v4 =	vld.idx.msk [tilespmem:v4+s29+$0x0], $0xffff;
	_ =	sdelay $0x5  }
0x1b6: {  	v4 =	vcvt.s32.f32 v4;
	_ =	sdelay $0x1  }
0x1b7: {  	v2 =	vld.idx.msk [tilespmem:v2+s29+$0x0], $0xffff;
	(erf) = vrcp.f32 v4  }
0x1b8: {  	v3 =	vld.idx.msk [tilespmem:v3+s29+$0x0], $0xffff  }
0x1b9: {  	v4 =	vld [tilespmem:s19+$0xFFFFFFF0]  }
0x1ba: {  	v5 =	vmov s31  }
0x1bb: {  	v5 =	vshll.u32 v5, $0x7  }
0x1bc: {  	v5 =	vor.u32 v1, v5  }
0x1bd: {  	v6 =	vor.u32 $0x2, v5;
	v2 =	vshll.u32 v2, $0x3  }
0x1be: {  	v7 =	vadd.s32 v2, v3;
	v4 =	vshll.u32 v4, $0x6  }
0x1bf: {  	v3 =	vor.u32 $0x1, v5;
	v4 =	vadd.s32 v4, v7  }
0x1c0: {  	[tilespmem:s26+$0xFFFFFFF0] =	vst v4;
	v2 =	vpop (erf)  }
0x1c1: {  	[tilespmem:s28+$0xFFFFFFF0] =	vst v2  }
0x1c2: {  	v2 =	vld.idx.msk [tilespmem:v6+s29+$0x0], $0xffff  }
0x1c3: {  	v4 =	vld.idx.msk [tilespmem:v5+s29+$0x0], $0xffff  }
0x1c4: {  	v3 =	vld.idx.msk [tilespmem:v3+s29+$0x0], $0xffff  }
0x1c5: {  	v5 =	vld [tilespmem:s19+$0x0];
	_ =	sdelay $0x2  }
0x1c6: {  	v2 =	vcvt.s32.f32 v2  }
0x1c7: {  	v4 =	vshll.u32 v4, $0x3  }
0x1c8: {  	v3 =	vadd.s32 v4, v3;
	v5 =	vshll.u32 v5, $0x6;
	(erf) = vrcp.f32 v2  }
0x1c9: {  	s31 =	sadd.s32 $0x20, s31;
	v2 =	vadd.s32 v5, v3  }
0x1ca: {  	s13 =	sadd.s32 $0xFFFFFFF0, s31;
	[tilespmem:s26+$0x0] =	vst v2  }
0x1cb: {  	v2 =	vmov s13  }
0x1cc: {  	v2 =	vshll.u32 v2, $0x7  }
.Ltmp4:
0x1cd: {  	v2 =	vor.u32 v1, v2;
	(pc) =	sbr.rel @p0 .LBB2_9-.Ltmp4, $2  }
0x1ce: {  	v3 =	vor.u32 $0x1, v2;
	v4 =	vor.u32 $0x2, v2;
	_ =	sdelay $0x2  }
0x1cf: {  	s28 =	sadd.s32 $0x20, s28;
	v5 =	vpop (erf)  }
0x1d0: {  	_ =	sdelay $0x2  }
0x1d1: {  	[tilespmem:s30+$0x0] =	vst v5  }
0x1d2: {  	v4 =	vld.idx.msk [tilespmem:v4+s29+$0x0], $0xffff;
	_ =	sdelay $0x4  }
0x1d3: {  	v2 =	vld.idx.msk [tilespmem:v2+s29+$0x0], $0xffff;
	v4 =	vcvt.s32.f32 v4  }
0x1d4: {  	s11 =	sadd.s32 $0x20, s19;
	v3 =	vld.idx.msk [tilespmem:v3+s29+$0x0], $0xffff  }
0x1d5: {  	(erf) = vrcp.f32 v4;
	v4 =	vld [tilespmem:s11+$0xFFFFFFF0];
	_ =	sdelay $0x2  }
0x1d6: {  	v5 =	vmov s31  }
0x1d7: {  	v5 =	vshll.u32 v5, $0x7;
	v2 =	vshll.u32 v2, $0x3  }
0x1d8: {  	v5 =	vor.u32 v1, v5;
	v2 =	vadd.s32 v2, v3;
	v4 =	vshll.u32 v4, $0x6  }
0x1d9: {  	v6 =	vor.u32 $0x2, v5;
	v2 =	vadd.s32 v4, v2;
	_ =	sdelay $0x1  }
0x1da: {  	s13 =	sadd.s32 $0x20, s26  }
0x1db: {  	[tilespmem:s13+$0xFFFFFFF0] =	vst v2;
	v2 =	vpop (erf)  }
0x1dc: {  	[tilespmem:s28+$0xFFFFFFF0] =	vst v2  }
0x1dd: {  	v2 =	vld.idx.msk [tilespmem:v6+s29+$0x0], $0xffff;
	_ =	sdelay $0x1  }
0x1de: {  	v3 =	vor.u32 $0x1, v5;
	_ =	sdelay $0x2  }
0x1df: {  	v2 =	vcvt.s32.f32 v2  }
0x1e0: {  	v4 =	vld.idx.msk [tilespmem:v5+s29+$0x0], $0xffff  }
0x1e1: {  	(erf) = vrcp.f32 v2;
	v2 =	vld.idx.msk [tilespmem:v3+s29+$0x0], $0xffff  }
0x1e2: {  	v3 =	vld [tilespmem:s11+$0x0];
	_ =	sdelay $0x2  }
0x1e3: {  	s19 =	simm.s32 $0x0  }
0x1e4: {  	v5 =	vmov s19;
	v4 =	vshll.u32 v4, $0x3  }
0x1e5: {  	v5 =	vand.u32 $0xFFFFFFF8, v5;
	v3 =	vshll.u32 v3, $0x6;
	v2 =	vadd.s32 v4, v2  }
0x1e6: {  	v4 =	vbroadcast v5, $0x0;
	v2 =	vadd.s32 v3, v2;
	_ =	sdelay $0x2  }
0x1e7: {  	[tilespmem:s13+$0x0] =	vst v2;
	v2 =	vpop (erf)  }
0x1e8: {  	s31 =	simm.s32 $0x4200;
	[tilespmem:s28+$0x0] =	vst v2  }
0x1e9: {  	v3 =	vld [tilespmem:s31+$0xFFFFFE70]  }
0x1ea: {  	v4 =	vld.idx.msk [tilespmem:v4+s10+$0x0], $0xffff  }
0x1eb: {  	v5 =	vld [tilespmem:s31+$0xFFFFFE00]  }
0x1ec: {  	v6 =	vld [tilespmem:s31+$0xFFFFFE20]  }
0x1ed: {  	v7 =	vld [tilespmem:s31+$0xFFFFFE30]  }
0x1ee: {  	v2 =	vld [tilespmem:s31+$0xFFFFFE50]  }
0x1ef: {  	v9 =	vld [tilespmem:s31+$0xFFFFFE10];
	v3 =	vmul.f32 v3, v4  }
0x1f0: {  	s13 =	simm.s32 $0x1;
	v8 =	vld [tilespmem:s31+$0xFFFFFE60];
	v5 =	vmul.f32 v5, v4  }
0x1f1: {  	v10 =	vld [tilespmem:s31+$0xFFFFFE40];
	v6 =	vmul.f32 v6, v4;
	[tilespmem:s31+$0xFFFFFE70] =	vst v3;
	v3 =	vmov s13  }
0x1f2: {  	v7 =	vmul.f32 v7, v4;
	[tilespmem:s31+$0xFFFFFE00] =	vst v5;
	v3 =	vand.u32 $0xFFFFFFF9, v3  }
0x1f3: {  	v2 =	vmul.f32 v2, v4;
	[tilespmem:s31+$0xFFFFFE20] =	vst v6;
	v3 =	vbroadcast v3, $0x0  }
0x1f4: {  	v5 =	vmul.f32 v9, v4;
	[tilespmem:s31+$0xFFFFFE30] =	vst v7  }
0x1f5: {  	v6 =	vmul.f32 v8, v4;
	[tilespmem:s31+$0xFFFFFE50] =	vst v2  }
0x1f6: {  	v2 =	vmul.f32 v10, v4;
	[tilespmem:s31+$0xFFFFFE10] =	vst v5  }
0x1f7: {  	[tilespmem:s31+$0xFFFFFE60] =	vst v6  }
0x1f8: {  	[tilespmem:s31+$0xFFFFFE40] =	vst v2  }
0x1f9: {  	v2 =	vld.idx.msk [tilespmem:v3+s10+$0x0], $0xffff  }
0x1fa: {  	v3 =	vld [tilespmem:s31+$0xFFFFFE90]  }
0x1fb: {  	v5 =	vld [tilespmem:s31+$0xFFFFFEC0]  }
0x1fc: {  	v6 =	vld [tilespmem:s31+$0xFFFFFE80]  }
0x1fd: {  	v7 =	vld [tilespmem:s31+$0xFFFFFED0]  }
0x1fe: {  	v4 =	vld [tilespmem:s31+$0xFFFFFEF0]  }
0x1ff: {  	v8 =	vld [tilespmem:s31+$0xFFFFFEE0];
	v3 =	vmul.f32 v3, v2  }
0x200: {  	s15 =	simm.s32 $0x2;
	v9 =	vld [tilespmem:s31+$0xFFFFFEB0];
	v5 =	vmul.f32 v5, v2  }
0x201: {  	v10 =	vld [tilespmem:s31+$0xFFFFFEA0];
	v6 =	vmul.f32 v6, v2;
	[tilespmem:s31+$0xFFFFFE90] =	vst v3;
	v3 =	vmov s15  }
0x202: {  	v7 =	vmul.f32 v7, v2;
	[tilespmem:s31+$0xFFFFFEC0] =	vst v5;
	v3 =	vand.u32 $0xFFFFFFFA, v3  }
0x203: {  	v4 =	vmul.f32 v4, v2;
	[tilespmem:s31+$0xFFFFFE80] =	vst v6;
	v3 =	vbroadcast v3, $0x0  }
0x204: {  	v5 =	vmul.f32 v8, v2;
	[tilespmem:s31+$0xFFFFFED0] =	vst v7  }
0x205: {  	v6 =	vmul.f32 v9, v2;
	[tilespmem:s31+$0xFFFFFEF0] =	vst v4  }
0x206: {  	v2 =	vmul.f32 v10, v2;
	[tilespmem:s31+$0xFFFFFEE0] =	vst v5  }
0x207: {  	[tilespmem:s31+$0xFFFFFEB0] =	vst v6  }
0x208: {  	[tilespmem:s31+$0xFFFFFEA0] =	vst v2  }
0x209: {  	v2 =	vld.idx.msk [tilespmem:v3+s10+$0x0], $0xffff  }
0x20a: {  	v3 =	vld [tilespmem:s31+$0xFFFFFF00]  }
0x20b: {  	v4 =	vld [tilespmem:s31+$0xFFFFFF60]  }
0x20c: {  	v5 =	vld [tilespmem:s31+$0xFFFFFF10]  }
0x20d: {  	v6 =	vld [tilespmem:s31+$0xFFFFFF50]  }
0x20e: {  	v7 =	vld [tilespmem:s31+$0xFFFFFF70]  }
0x20f: {  	v8 =	vld [tilespmem:s31+$0xFFFFFF20];
	v3 =	vmul.f32 v3, v2  }
0x210: {  	s26 =	simm.s32 $0x3;
	v9 =	vld [tilespmem:s31+$0xFFFFFF30];
	v4 =	vmul.f32 v4, v2  }
0x211: {  	v10 =	vld [tilespmem:s31+$0xFFFFFF40];
	v5 =	vmul.f32 v5, v2;
	[tilespmem:s31+$0xFFFFFF00] =	vst v3;
	v3 =	vmov s26  }
0x212: {  	v6 =	vmul.f32 v6, v2;
	[tilespmem:s31+$0xFFFFFF60] =	vst v4;
	v3 =	vand.u32 $0xFFFFFFFB, v3  }
0x213: {  	v4 =	vmul.f32 v7, v2;
	[tilespmem:s31+$0xFFFFFF10] =	vst v5;
	v3 =	vbroadcast v3, $0x0  }
0x214: {  	v5 =	vmul.f32 v8, v2;
	[tilespmem:s31+$0xFFFFFF50] =	vst v6  }
0x215: {  	v6 =	vmul.f32 v9, v2;
	[tilespmem:s31+$0xFFFFFF70] =	vst v4  }
0x216: {  	v2 =	vmul.f32 v10, v2;
	[tilespmem:s31+$0xFFFFFF20] =	vst v5  }
0x217: {  	[tilespmem:s31+$0xFFFFFF30] =	vst v6  }
0x218: {  	[tilespmem:s31+$0xFFFFFF40] =	vst v2  }
0x219: {  	v2 =	vld.idx.msk [tilespmem:v3+s10+$0x0], $0xffff  }
0x21a: {  	v3 =	vld [tilespmem:s31+$0xFFFFFFB0]  }
0x21b: {  	v5 =	vld [tilespmem:s31+$0xFFFFFFE0]  }
0x21c: {  	v6 =	vld [tilespmem:s31+$0xFFFFFF80]  }
0x21d: {  	v7 =	vld [tilespmem:s31+$0xFFFFFFD0]  }
0x21e: {  	v4 =	vld [tilespmem:s31+$0xFFFFFFF0]  }
0x21f: {  	v9 =	vld [tilespmem:s31+$0xFFFFFFA0];
	v3 =	vmul.f32 v3, v2  }
0x220: {  	s30 =	simm.s32 $0x4;
	v8 =	vld [tilespmem:s31+$0xFFFFFF90];
	v5 =	vmul.f32 v5, v2  }
0x221: {  	v10 =	vld [tilespmem:s31+$0xFFFFFFC0];
	v6 =	vmul.f32 v6, v2;
	[tilespmem:s31+$0xFFFFFFB0] =	vst v3;
	v3 =	vmov s30  }
0x222: {  	v7 =	vmul.f32 v7, v2;
	[tilespmem:s31+$0xFFFFFFE0] =	vst v5;
	v3 =	vand.u32 $0xFFFFFFFC, v3  }
0x223: {  	v4 =	vmul.f32 v4, v2;
	[tilespmem:s31+$0xFFFFFF80] =	vst v6;
	v3 =	vbroadcast v3, $0x0  }
0x224: {  	v11 =	vld [tilespmem:s31+$0x40];
	v5 =	vmul.f32 v9, v2;
	[tilespmem:s31+$0xFFFFFFD0] =	vst v7  }
0x225: {  	v6 =	vmul.f32 v8, v2;
	[tilespmem:s31+$0xFFFFFFF0] =	vst v4;
	v9 =	vld [tilespmem:s31+$0x0]  }
0x226: {  	v4 =	vmul.f32 v10, v2;
	v2 =	vld [tilespmem:s31+$0x70];
	[tilespmem:s31+$0xFFFFFFA0] =	vst v5  }
0x227: {  	v8 =	vld [tilespmem:s31+$0x20];
	[tilespmem:s31+$0xFFFFFF90] =	vst v6  }
0x228: {  	v7 =	vld [tilespmem:s31+$0x30];
	[tilespmem:s31+$0xFFFFFFC0] =	vst v4  }
0x229: {  	p0 =	por $0x1, $0x1;
	v3 =	vld.idx.msk [tilespmem:v3+s10+$0x0], $0xffff  }
.Ltmp5:
0x22a: {  	v4 =	vld [tilespmem:s31+$0x50];
	(pc) =	sbr.rel @!p0 .LBB2_12-.Ltmp5, $3  }
0x22b: {  	v6 =	vld [tilespmem:s31+$0x10]  }
0x22c: {  	v5 =	vld [tilespmem:s31+$0x60];
	_ =	sdelay $0x1  }
0x22d: {  	s28 =	simm.s32 $0x4200;
	s26 =	simm.s32 $0x8;
	v10 =	vmul.f32 v9, v3;
	v9 =	vmul.f32 v11, v3  }
.LBB2_11:
0x22e: {  	p0 =	slt.u32 s26, $0x78;
	v8 =	vmul.f32 v8, v3;
	v7 =	vmul.f32 v7, v3;
	s11 =	sadd.s32 $0x5, s19;
	s28 =	sadd.s32 $0x400, s28  }
0x22f: {  	v4 =	vmul.f32 v4, v3;
	[tilespmem:s31+$0x0] =	vst v10;
	v6 =	vmul.f32 v6, v3;
	v10 =	vmov s11;
	s11 =	smov.u32 s26;
	s26 =	sadd.s32 $0x8, s26  }
0x230: {  	v2 =	vmul.f32 v2, v3;
	[tilespmem:s31+$0x40] =	vst v9;
	v5 =	vmul.f32 v5, v3;
	v3 =	vand.u32 $0xFFFFFFFD, v10  }
0x231: {  	[tilespmem:s31+$0x20] =	vst v8;
	v3 =	vbroadcast v3, $0x0  }
0x232: {  	[tilespmem:s31+$0x50] =	vst v4  }
0x233: {  	[tilespmem:s31+$0x70] =	vst v2;
	v2 =	vld [tilespmem:s31+$0xA0]  }
0x234: {  	[tilespmem:s31+$0x30] =	vst v7;
	v4 =	vld [tilespmem:s31+$0x80]  }
0x235: {  	[tilespmem:s31+$0x60] =	vst v5;
	v5 =	vld [tilespmem:s31+$0xD0]  }
0x236: {  	[tilespmem:s31+$0x10] =	vst v6;
	v6 =	vld [tilespmem:s31+$0xF0]  }
0x237: {  	v3 =	vld.idx.msk [tilespmem:v3+s10+$0x0], $0xffff  }
0x238: {  	v7 =	vld [tilespmem:s31+$0xC0]  }
0x239: {  	v8 =	vld [tilespmem:s31+$0xB0]  }
0x23a: {  	v9 =	vld [tilespmem:s31+$0x90]  }
0x23b: {  	v10 =	vld [tilespmem:s31+$0xE0];
	_ =	sdelay $0x1  }
0x23c: {  	v4 =	vmul.f32 v4, v3;
	v7 =	vmul.f32 v7, v3  }
0x23d: {  	s13 =	sadd.s32 $0x6, s19;
	v2 =	vmul.f32 v2, v3;
	v8 =	vmul.f32 v8, v3  }
0x23e: {  	v5 =	vmul.f32 v5, v3;
	[tilespmem:s31+$0x80] =	vst v4;
	v4 =	vmul.f32 v9, v3;
	v9 =	vmov s13  }
0x23f: {  	[tilespmem:s31+$0xA0] =	vst v2;
	v2 =	vmul.f32 v10, v3;
	v3 =	vmul.f32 v6, v3;
	v6 =	vand.u32 $0xFFFFFFFE, v9  }
0x240: {  	[tilespmem:s31+$0xD0] =	vst v5;
	v5 =	vbroadcast v6, $0x0  }
0x241: {  	[tilespmem:s31+$0xC0] =	vst v7  }
0x242: {  	[tilespmem:s31+$0xF0] =	vst v3;
	v3 =	vld [tilespmem:s31+$0x120]  }
0x243: {  	[tilespmem:s31+$0xB0] =	vst v8;
	v6 =	vld [tilespmem:s31+$0x100]  }
0x244: {  	[tilespmem:s31+$0x90] =	vst v4;
	v4 =	vld [tilespmem:s31+$0x140]  }
0x245: {  	[tilespmem:s31+$0xE0] =	vst v2;
	v2 =	vld [tilespmem:s31+$0x130]  }
0x246: {  	v5 =	vld.idx.msk [tilespmem:v5+s10+$0x0], $0xffff  }
0x247: {  	v7 =	vld [tilespmem:s31+$0x110]  }
0x248: {  	v8 =	vld [tilespmem:s31+$0x160]  }
0x249: {  	v9 =	vld [tilespmem:s31+$0x150]  }
0x24a: {  	v10 =	vld [tilespmem:s31+$0x170];
	_ =	sdelay $0x1  }
0x24b: {  	v6 =	vmul.f32 v6, v5;
	v7 =	vmul.f32 v7, v5  }
0x24c: {  	v3 =	vmul.f32 v3, v5;
	v2 =	vmul.f32 v2, v5  }
0x24d: {  	v4 =	vmul.f32 v4, v5;
	[tilespmem:s31+$0x100] =	vst v6;
	v6 =	vmul.f32 v9, v5  }
0x24e: {  	[tilespmem:s31+$0x120] =	vst v3;
	v3 =	vmul.f32 v8, v5;
	v5 =	vmul.f32 v10, v5  }
0x24f: {  	s13 =	sadd.s32 $0x7, s19;
	s19 =	smov.u32 s11;
	[tilespmem:s31+$0x130] =	vst v2  }
0x250: {  	v2 =	vmov s13;
	[tilespmem:s31+$0x140] =	vst v4  }
0x251: {  	[tilespmem:s31+$0x160] =	vst v3;
	v3 =	vld [tilespmem:s31+$0x180]  }
0x252: {  	[tilespmem:s31+$0x110] =	vst v7;
	v4 =	vld [tilespmem:s31+$0x1D0]  }
0x253: {  	[tilespmem:s31+$0x150] =	vst v6;
	v6 =	vld [tilespmem:s31+$0x190]  }
0x254: {  	[tilespmem:s31+$0x170] =	vst v5;
	v5 =	vld [tilespmem:s31+$0x1F0]  }
0x255: {  	v2 =	vld.idx.msk [tilespmem:v2+s10+$0x0], $0xffff  }
0x256: {  	v7 =	vld [tilespmem:s31+$0x1B0]  }
0x257: {  	v8 =	vld [tilespmem:s31+$0x1A0]  }
0x258: {  	v9 =	vld [tilespmem:s31+$0x1C0]  }
0x259: {  	v10 =	vld [tilespmem:s31+$0x1E0];
	_ =	sdelay $0x1  }
0x25a: {  	v3 =	vmul.f32 v3, v2;
	v6 =	vmul.f32 v6, v2  }
0x25b: {  	v7 =	vmul.f32 v7, v2;
	v8 =	vmul.f32 v8, v2  }
0x25c: {  	v11 =	vmov s19;
	v4 =	vmul.f32 v4, v2;
	[tilespmem:s31+$0x180] =	vst v3;
	v3 =	vmul.f32 v9, v2  }
0x25d: {  	v9 =	vand.u32 $0xFFFFFFF8, v11;
	[tilespmem:s31+$0x190] =	vst v6;
	v6 =	vmul.f32 v10, v2;
	v2 =	vmul.f32 v5, v2  }
0x25e: {  	v5 =	vbroadcast v9, $0x0;
	[tilespmem:s31+$0x1D0] =	vst v4  }
0x25f: {  	[tilespmem:s31+$0x1A0] =	vst v8  }
0x260: {  	v4 =	vld [tilespmem:s28+$0xFFFFFE50];
	[tilespmem:s31+$0x1F0] =	vst v2  }
0x261: {  	v2 =	vld [tilespmem:s28+$0xFFFFFE30];
	[tilespmem:s31+$0x1B0] =	vst v7  }
0x262: {  	v7 =	vld [tilespmem:s28+$0xFFFFFE60];
	[tilespmem:s31+$0x1E0] =	vst v6  }
0x263: {  	v6 =	vld [tilespmem:s28+$0xFFFFFE70];
	[tilespmem:s31+$0x1C0] =	vst v3;
	s31 =	smov.u32 s28  }
0x264: {  	v3 =	vld.idx.msk [tilespmem:v5+s10+$0x0], $0xffff  }
0x265: {  	v5 =	vld [tilespmem:s28+$0xFFFFFE00]  }
0x266: {  	v8 =	vld [tilespmem:s28+$0xFFFFFE20]  }
0x267: {  	v9 =	vld [tilespmem:s28+$0xFFFFFE10]  }
0x268: {  	v10 =	vld [tilespmem:s28+$0xFFFFFE40];
	_ =	sdelay $0x1  }
0x269: {  	v6 =	vmul.f32 v6, v3;
	v5 =	vmul.f32 v5, v3  }
0x26a: {  	s11 =	sadd.s32 $0x1, s19;
	v7 =	vmul.f32 v7, v3;
	v8 =	vmul.f32 v8, v3  }
0x26b: {  	v2 =	vmul.f32 v2, v3;
	v9 =	vmul.f32 v9, v3;
	[tilespmem:s28+$0xFFFFFE70] =	vst v6;
	v6 =	vmov s11  }
0x26c: {  	[tilespmem:s28+$0xFFFFFE00] =	vst v5;
	v5 =	vmul.f32 v10, v3;
	v3 =	vmul.f32 v4, v3;
	v4 =	vand.u32 $0xFFFFFFF9, v6  }
0x26d: {  	[tilespmem:s28+$0xFFFFFE20] =	vst v8;
	v4 =	vbroadcast v4, $0x0  }
0x26e: {  	[tilespmem:s28+$0xFFFFFE30] =	vst v2  }
0x26f: {  	[tilespmem:s28+$0xFFFFFE50] =	vst v3;
	v2 =	vld [tilespmem:s28+$0xFFFFFEF0]  }
0x270: {  	[tilespmem:s28+$0xFFFFFE10] =	vst v9;
	v3 =	vld [tilespmem:s28+$0xFFFFFED0]  }
0x271: {  	[tilespmem:s28+$0xFFFFFE60] =	vst v7;
	v6 =	vld [tilespmem:s28+$0xFFFFFEB0]  }
0x272: {  	[tilespmem:s28+$0xFFFFFE40] =	vst v5;
	v5 =	vld [tilespmem:s28+$0xFFFFFEC0]  }
0x273: {  	v4 =	vld.idx.msk [tilespmem:v4+s10+$0x0], $0xffff  }
0x274: {  	v7 =	vld [tilespmem:s28+$0xFFFFFE90]  }
0x275: {  	v8 =	vld [tilespmem:s28+$0xFFFFFE80]  }
0x276: {  	v9 =	vld [tilespmem:s28+$0xFFFFFEA0]  }
0x277: {  	v10 =	vld [tilespmem:s28+$0xFFFFFEE0];
	_ =	sdelay $0x1  }
0x278: {  	v5 =	vmul.f32 v5, v4;
	v7 =	vmul.f32 v7, v4  }
0x279: {  	s11 =	sadd.s32 $0x2, s19;
	v6 =	vmul.f32 v6, v4;
	v8 =	vmul.f32 v8, v4  }
0x27a: {  	v3 =	vmul.f32 v3, v4;
	[tilespmem:s28+$0xFFFFFE90] =	vst v7;
	v7 =	vmul.f32 v9, v4;
	v9 =	vmov s11  }
0x27b: {  	v2 =	vmul.f32 v2, v4;
	[tilespmem:s28+$0xFFFFFEC0] =	vst v5;
	v5 =	vmul.f32 v10, v4;
	v4 =	vand.u32 $0xFFFFFFFA, v9  }
0x27c: {  	[tilespmem:s28+$0xFFFFFE80] =	vst v8;
	v4 =	vbroadcast v4, $0x0  }
0x27d: {  	[tilespmem:s28+$0xFFFFFED0] =	vst v3  }
0x27e: {  	[tilespmem:s28+$0xFFFFFEE0] =	vst v5;
	v3 =	vld [tilespmem:s28+$0xFFFFFF70]  }
0x27f: {  	[tilespmem:s28+$0xFFFFFEB0] =	vst v6;
	v5 =	vld [tilespmem:s28+$0xFFFFFF50]  }
0x280: {  	[tilespmem:s28+$0xFFFFFEF0] =	vst v2;
	v2 =	vld [tilespmem:s28+$0xFFFFFF20]  }
0x281: {  	[tilespmem:s28+$0xFFFFFEA0] =	vst v7;
	v6 =	vld [tilespmem:s28+$0xFFFFFF60]  }
0x282: {  	v4 =	vld.idx.msk [tilespmem:v4+s10+$0x0], $0xffff  }
0x283: {  	v7 =	vld [tilespmem:s28+$0xFFFFFF00]  }
0x284: {  	v8 =	vld [tilespmem:s28+$0xFFFFFF10]  }
0x285: {  	v9 =	vld [tilespmem:s28+$0xFFFFFF40]  }
0x286: {  	v10 =	vld [tilespmem:s28+$0xFFFFFF30];
	_ =	sdelay $0x1  }
0x287: {  	v6 =	vmul.f32 v6, v4;
	v7 =	vmul.f32 v7, v4  }
0x288: {  	s11 =	sadd.s32 $0x3, s19;
	v2 =	vmul.f32 v2, v4;
	v8 =	vmul.f32 v8, v4  }
0x289: {  	v5 =	vmul.f32 v5, v4;
	[tilespmem:s28+$0xFFFFFF00] =	vst v7;
	v7 =	vmul.f32 v9, v4;
	v9 =	vmov s11  }
0x28a: {  	v3 =	vmul.f32 v3, v4;
	v10 =	vmul.f32 v10, v4;
	[tilespmem:s28+$0xFFFFFF60] =	vst v6;
	v4 =	vand.u32 $0xFFFFFFFB, v9  }
0x28b: {  	[tilespmem:s28+$0xFFFFFF10] =	vst v8;
	v4 =	vbroadcast v4, $0x0  }
0x28c: {  	[tilespmem:s28+$0xFFFFFF50] =	vst v5  }
0x28d: {  	[tilespmem:s28+$0xFFFFFF70] =	vst v3;
	v3 =	vld [tilespmem:s28+$0xFFFFFFF0]  }
0x28e: {  	[tilespmem:s28+$0xFFFFFF20] =	vst v2;
	v2 =	vld [tilespmem:s28+$0xFFFFFFD0]  }
0x28f: {  	[tilespmem:s28+$0xFFFFFF30] =	vst v10;
	v5 =	vld [tilespmem:s28+$0xFFFFFF90]  }
0x290: {  	[tilespmem:s28+$0xFFFFFF40] =	vst v7;
	v6 =	vld [tilespmem:s28+$0xFFFFFFE0]  }
0x291: {  	v4 =	vld.idx.msk [tilespmem:v4+s10+$0x0], $0xffff  }
0x292: {  	v7 =	vld [tilespmem:s28+$0xFFFFFFB0]  }
0x293: {  	v8 =	vld [tilespmem:s28+$0xFFFFFF80]  }
0x294: {  	v9 =	vld [tilespmem:s28+$0xFFFFFFC0]  }
0x295: {  	v10 =	vld [tilespmem:s28+$0xFFFFFFA0];
	_ =	sdelay $0x1  }
0x296: {  	v6 =	vmul.f32 v6, v4;
	v7 =	vmul.f32 v7, v4  }
0x297: {  	s11 =	sadd.s32 $0x4, s19;
	v5 =	vmul.f32 v5, v4;
	v8 =	vmul.f32 v8, v4  }
0x298: {  	v2 =	vmul.f32 v2, v4;
	[tilespmem:s28+$0xFFFFFFB0] =	vst v7;
	v7 =	vmul.f32 v9, v4;
	v9 =	vmov s11  }
0x299: {  	v3 =	vmul.f32 v3, v4;
	v10 =	vmul.f32 v10, v4;
	[tilespmem:s28+$0xFFFFFFE0] =	vst v6;
	v4 =	vand.u32 $0xFFFFFFFC, v9  }
0x29a: {  	[tilespmem:s28+$0xFFFFFF80] =	vst v8;
	v6 =	vbroadcast v4, $0x0  }
0x29b: {  	[tilespmem:s28+$0xFFFFFFD0] =	vst v2  }
0x29c: {  	[tilespmem:s28+$0xFFFFFFF0] =	vst v3;
	v9 =	vld [tilespmem:s28+$0x0]  }
0x29d: {  	[tilespmem:s28+$0xFFFFFFA0] =	vst v10;
	v2 =	vld [tilespmem:s28+$0x70]  }
0x29e: {  	[tilespmem:s28+$0xFFFFFF90] =	vst v5;
	v4 =	vld [tilespmem:s28+$0x50]  }
0x29f: {  	[tilespmem:s28+$0xFFFFFFC0] =	vst v7;
	v8 =	vld [tilespmem:s28+$0x20]  }
0x2a0: {  	v3 =	vld.idx.msk [tilespmem:v6+s10+$0x0], $0xffff  }
0x2a1: {  	v11 =	vld [tilespmem:s28+$0x40]  }
.Ltmp6:
0x2a2: {  	v7 =	vld [tilespmem:s28+$0x30];
	(pc) =	sbr.rel @p0 .LBB2_11-.Ltmp6, $3  }
0x2a3: {  	v6 =	vld [tilespmem:s28+$0x10]  }
0x2a4: {  	v5 =	vld [tilespmem:s28+$0x60];
	_ =	sdelay $0x1  }
0x2a5: {  	v10 =	vmul.f32 v9, v3;
	v9 =	vmul.f32 v11, v3  }
.LBB2_12:
0x2a6: {  	s11 =	sadd.s32 $0x5, s19  }
0x2a7: {  	v8 =	vmul.f32 v8, v3;
	[tilespmem:s31+$0x0] =	vst v10;
	v52 =	vmov s11  }
0x2a8: {  	v4 =	vmul.f32 v4, v3;
	[tilespmem:s31+$0x40] =	vst v9;
	v53 =	vand.u32 $0xFFFFFFFD, v52  }
0x2a9: {  	v2 =	vmul.f32 v2, v3;
	[tilespmem:s31+$0x20] =	vst v8;
	v54 =	vbroadcast v53, $0x0  }
0x2aa: {  	v7 =	vmul.f32 v7, v3;
	[tilespmem:s31+$0x50] =	vst v4  }
0x2ab: {  	v4 =	vmul.f32 v5, v3;
	[tilespmem:s31+$0x70] =	vst v2  }
0x2ac: {  	v2 =	vmul.f32 v6, v3;
	[tilespmem:s31+$0x30] =	vst v7  }
0x2ad: {  	[tilespmem:s31+$0x60] =	vst v4  }
0x2ae: {  	v3 =	vld [tilespmem:s31+$0x80];
	[tilespmem:s31+$0x10] =	vst v2  }
0x2af: {  	v2 =	vld.idx.msk [tilespmem:v54+s10+$0x0], $0xffff  }
0x2b0: {  	v4 =	vld [tilespmem:s31+$0xA0]  }
0x2b1: {  	v6 =	vld [tilespmem:s31+$0xC0]  }
0x2b2: {  	v5 =	vld [tilespmem:s31+$0xD0];
	_ =	sdelay $0x1  }
0x2b3: {  	v56 =	vld [tilespmem:s31+$0x90];
	v3 =	vmul.f32 v3, v2  }
0x2b4: {  	v7 =	vld [tilespmem:s31+$0xF0];
	v4 =	vmul.f32 v4, v2  }
0x2b5: {  	v55 =	vld [tilespmem:s31+$0xB0];
	s15 =	sadd.s32 $0x6, s19;
	v6 =	vmul.f32 v6, v2;
	[tilespmem:s31+$0x80] =	vst v3  }
0x2b6: {  	v57 =	vld [tilespmem:s31+$0xE0];
	v3 =	vmul.f32 v5, v2;
	v5 =	vmov s15;
	[tilespmem:s31+$0xA0] =	vst v4  }
0x2b7: {  	[tilespmem:s31+$0xC0] =	vst v6;
	v4 =	vand.u32 $0xFFFFFFFE, v5  }
0x2b8: {  	v6 =	vmul.f32 v56, v2;
	[tilespmem:s31+$0xD0] =	vst v3;
	v3 =	vbroadcast v4, $0x0  }
0x2b9: {  	v5 =	vmul.f32 v7, v2  }
0x2ba: {  	v4 =	vmul.f32 v55, v2;
	[tilespmem:s31+$0x90] =	vst v6  }
0x2bb: {  	v2 =	vmul.f32 v57, v2;
	[tilespmem:s31+$0xF0] =	vst v5  }
0x2bc: {  	[tilespmem:s31+$0xB0] =	vst v4  }
0x2bd: {  	v4 =	vld [tilespmem:s31+$0x100];
	[tilespmem:s31+$0xE0] =	vst v2  }
0x2be: {  	v2 =	vld.idx.msk [tilespmem:v3+s10+$0x0], $0xffff  }
0x2bf: {  	v3 =	vld [tilespmem:s31+$0x120]  }
0x2c0: {  	v5 =	vld [tilespmem:s31+$0x130]  }
0x2c1: {  	v6 =	vld [tilespmem:s31+$0x140]  }
0x2c2: {  	v7 =	vld [tilespmem:s31+$0x160]  }
0x2c3: {  	v58 =	vld [tilespmem:s31+$0x110];
	v4 =	vmul.f32 v4, v2  }
0x2c4: {  	v59 =	vld [tilespmem:s31+$0x150];
	v3 =	vmul.f32 v3, v2  }
0x2c5: {  	v60 =	vld [tilespmem:s31+$0x170];
	v5 =	vmul.f32 v5, v2;
	[tilespmem:s31+$0x100] =	vst v4  }
0x2c6: {  	v4 =	vmul.f32 v6, v2;
	[tilespmem:s31+$0x120] =	vst v3  }
0x2c7: {  	s19 =	sadd.s32 $0x7, s19;
	v3 =	vmul.f32 v7, v2;
	[tilespmem:s31+$0x130] =	vst v5  }
0x2c8: {  	v5 =	vmul.f32 v58, v2;
	[tilespmem:s31+$0x140] =	vst v4;
	v4 =	vmov s19  }
0x2c9: {  	v6 =	vmul.f32 v59, v2;
	[tilespmem:s31+$0x160] =	vst v3  }
0x2ca: {  	v2 =	vmul.f32 v60, v2;
	[tilespmem:s31+$0x110] =	vst v5  }
0x2cb: {  	[tilespmem:s31+$0x150] =	vst v6  }
0x2cc: {  	v3 =	vld [tilespmem:s31+$0x180];
	[tilespmem:s31+$0x170] =	vst v2  }
0x2cd: {  	v2 =	vld.idx.msk [tilespmem:v4+s10+$0x0], $0xffff  }
0x2ce: {  	v5 =	vld [tilespmem:s31+$0x190]  }
0x2cf: {  	v4 =	vld [tilespmem:s31+$0x1D0]  }
0x2d0: {  	v6 =	vld [tilespmem:s31+$0x1A0]  }
0x2d1: {  	v7 =	vld [tilespmem:s31+$0x1F0]  }
0x2d2: {  	v61 =	vld [tilespmem:s31+$0x1B0];
	v3 =	vmul.f32 v3, v2  }
0x2d3: {  	v62 =	vld [tilespmem:s31+$0x1E0];
	v5 =	vmul.f32 v5, v2  }
0x2d4: {  	v63 =	vld [tilespmem:s31+$0x1C0];
	[tilespmem:s31+$0x180] =	vst v3;
	v3 =	vmul.f32 v4, v2  }
0x2d5: {  	v4 =	vmul.f32 v6, v2;
	[tilespmem:s31+$0x190] =	vst v5  }
0x2d6: {  	s19 =	smul.u32 $0x3, s0;
	v5 =	vmul.f32 v7, v2;
	[tilespmem:s31+$0x1D0] =	vst v3  }
0x2d7: {  	v3 =	vmul.f32 v61, v2;
	[tilespmem:s31+$0x1A0] =	vst v4  }
0x2d8: {  	s11 =	sadd.s32 s19, s20;
	v4 =	vmul.f32 v62, v2;
	[tilespmem:s31+$0x1F0] =	vst v5  }
0x2d9: {  	p0 =	sgt.u32 s11, $0x30C;
	v2 =	vmul.f32 v63, v2;
	[tilespmem:s31+$0x1B0] =	vst v3  }
0x2da: {  	p1 =	seq.s32 @p0 s11, $0x30D;
	[tilespmem:s31+$0x1E0] =	vst v4  }
0x2db: {  	s13 =	simm.s32 @p0 $0x0;
	p1 =	por !p1, !p0;
	[tilespmem:s31+$0x1C0] =	vst v2  }
0x2dc: {  	s13 =	simm.s32 @p1 $0x80;
	_ =	swait.ge [sflag:s18], $0x4000  }
0x2dd: {  	s26 =	sshll.u32 @p0 s13, $0x4;
	[sflag:s18] =	ssyncset.done $0x0  }
0x2de: {  	s28 =	simm.s32 @p0 $0x0;
	s30 =	sadd.s32 @p0 s3, s26;
	[sflag:s18] =	ssyncadd.s32 $0xFFFFC000  }
0x2df: {  	[tilespmem:s28], [sflag:$0x1] =	stream.linear.gather @p0 [hbm4b:s30+s28], $0x4000, $0x38;
	[tilespmem:$0x1C380] =	vst v63  }
0x2e0: {  	s13 =	sshrl.u32 @p0 s13, $0x3;
	s26 =	sadd.s32 @p0 s8, s26;
	s30 =	simm.s32 @p0 $0xC000  }
0x2e1: {  	[tilespmem:s30], [sflag:$0x1] =	stream.linear.gather @p0 [hbm4b:s26+s28], $0x4000, $0x38;
	[tilespmem:$0x1C380] =	vst v63  }
0x2e2: {  	s13 =	sadd.s32 @p0 s9, s13;
	s26 =	sshll.u32 @!p0 s11, $0xB  }
0x2e3: {  	s30 =	simm.s32 @!p0 $0x0;
	s11 =	sshll.u32 @!p0 s11, $0x4;
	s28 =	sadd.s32 @!p0 s1, s26  }
0x2e4: {  	[tilespmem:s30], [sflag:$0x1] =	stream.linear.gather @!p0 [hbm4b:s28+s30], $0x4000, $0x38;
	[tilespmem:$0x1C380] =	vst v63  }
0x2e5: {  	s26 =	sadd.s32 @!p0 s7, s26;
	s11 =	sadd.s32 @!p0 s2, s11;
	s28 =	simm.s32 @!p0 $0xC000  }
0x2e6: {  	[tilespmem:s28], [sflag:$0x1] =	stream.linear.gather @!p0 [hbm4b:s26+s30], $0x4000, $0x38;
	[tilespmem:$0x1C380] =	vst v63  }
0x2e7: {  	s11 =	smov.u32 @p0 s13;
	s26 =	simm.s32 $0x18000  }
0x2e8: {  	[tilespmem:s26], [sflag:$0x1] =	stream.linear.gather [hbm4b:s11+s5], $0x80, $0x38;
	[tilespmem:$0x1C380] =	vst v63  }
0x2e9: {  	s15 =	simm.s32 $0x18200;
	s13 =	simm.s32 $0x4000  }
0x2ea: {  	[spmem:s4] =	stream.indirect.scatter.add.f32 [tilespmem:s13], [sflag:$0x5], $0x80, s15, s14, $0xb8;
	[tilespmem:$0x1C380] =	vst v63  }
0x2eb: {  	s26 =	simm.s32 $0x0;
	_ =	swait.ge [sflag:s23], $0x4000  }
0x2ec: {  	v2 =	vmov s26;
	[sflag:s23] =	ssyncset.done $0x0  }
0x2ed: {  	v2 =	vshll.u32 v2, $0x7;
	[sflag:s23] =	ssyncadd.s32 $0xFFFFC000  }
0x2ee: {  	v2 =	vor.u32 v1, v2;
	_ =	swait.ge [sflag:s23], $0x4000  }
0x2ef: {  	v3 =	vor.u32 $0x2, v2;
	[sflag:s23] =	ssyncset.done $0x0  }
0x2f0: {  	[sflag:s23] =	ssyncadd.s32 $0xFFFFC000  }
0x2f1: {  	_ =	swait.ge [sflag:s23], $0x80  }
0x2f2: {  	[sflag:s23] =	ssyncset.done $0x0  }
0x2f3: {  	[sflag:s23] =	ssyncadd.s32 $0xFFFFFF80  }
0x2f4: {  	v3 =	vld.idx.msk [tilespmem:v3+s12+$0x0], $0xffff;
	_ =	sdelay $0x1  }
0x2f5: {  	v4 =	vor.u32 $0x1, v2;
	_ =	sdelay $0x2  }
0x2f6: {  	v3 =	vcvt.s32.f32 v3  }
0x2f7: {  	v2 =	vld.idx.msk [tilespmem:v2+s12+$0x0], $0xffff  }
0x2f8: {  	s26 =	simm.s32 $0x18110;
	(erf) = vrcp.f32 v3;
	v3 =	vld.idx.msk [tilespmem:v4+s12+$0x0], $0xffff  }
0x2f9: {  	v4 =	vld [tilespmem:s26+$0xFFFFFFF0];
	_ =	sdelay $0x1  }
0x2fa: {  	s13 =	simm.s32 $0x10  }
0x2fb: {  	v5 =	vmov s13  }
0x2fc: {  	v5 =	vshll.u32 v5, $0x7;
	v2 =	vshll.u32 v2, $0x3  }
0x2fd: {  	v5 =	vor.u32 v1, v5;
	v4 =	vshll.u32 v4, $0x6;
	v2 =	vadd.s32 v2, v3  }
0x2fe: {  	v6 =	vor.u32 $0x2, v5;
	v2 =	vadd.s32 v4, v2;
	_ =	sdelay $0x1  }
0x2ff: {  	s28 =	simm.s32 $0x18290  }
0x300: {  	s31 =	simm.s32 $0x18310;
	[tilespmem:s28+$0xFFFFFFF0] =	vst v2;
	v2 =	vpop (erf)  }
0x301: {  	[tilespmem:s31+$0xFFFFFFF0] =	vst v2  }
0x302: {  	v2 =	vld.idx.msk [tilespmem:v6+s12+$0x0], $0xffff;
	_ =	sdelay $0x1  }
0x303: {  	v3 =	vor.u32 $0x1, v5;
	_ =	sdelay $0x2  }
0x304: {  	v2 =	vcvt.s32.f32 v2  }
0x305: {  	v4 =	vld.idx.msk [tilespmem:v5+s12+$0x0], $0xffff  }
0x306: {  	(erf) = vrcp.f32 v2;
	v2 =	vld.idx.msk [tilespmem:v3+s12+$0x0], $0xffff  }
0x307: {  	v3 =	vld [tilespmem:s26+$0x0];
	_ =	sdelay $0x2  }
0x308: {  	s15 =	simm.s32 $0x20  }
0x309: {  	v5 =	vmov s15;
	v4 =	vshll.u32 v4, $0x3  }
0x30a: {  	v3 =	vshll.u32 v3, $0x6;
	v2 =	vadd.s32 v4, v2;
	v4 =	vshll.u32 v5, $0x7  }
0x30b: {  	v3 =	vadd.s32 v3, v2;
	v2 =	vor.u32 v1, v4  }
0x30c: {  	v4 =	vor.u32 $0x2, v2;
	_ =	sdelay $0x2  }
0x30d: {  	s30 =	simm.s32 $0x18330;
	s11 =	simm.s32 $0x30;
	s13 =	simm.s32 $0x2;
	[tilespmem:s28+$0x0] =	vst v3;
	v3 =	vor.u32 $0x1, v2;
	v5 =	vpop (erf)  }
.LBB2_13:
0x30e: {  	s13 =	sadd.s32 $0x2, s13;
	[tilespmem:s31+$0x0] =	vst v5;
	s26 =	sadd.s32 $0x20, s26;
	s28 =	sadd.s32 $0x20, s28  }
0x30f: {  	s31 =	smov.u32 s30;
	p0 =	slt.u32 s13, $0x6;
	v4 =	vld.idx.msk [tilespmem:v4+s12+$0x0], $0xffff;
	_ =	sdelay $0x5  }
0x310: {  	v4 =	vcvt.s32.f32 v4;
	_ =	sdelay $0x1  }
0x311: {  	v2 =	vld.idx.msk [tilespmem:v2+s12+$0x0], $0xffff;
	(erf) = vrcp.f32 v4  }
0x312: {  	v3 =	vld.idx.msk [tilespmem:v3+s12+$0x0], $0xffff  }
0x313: {  	v4 =	vld [tilespmem:s26+$0xFFFFFFF0]  }
0x314: {  	v5 =	vmov s11  }
0x315: {  	v5 =	vshll.u32 v5, $0x7  }
0x316: {  	v5 =	vor.u32 v1, v5  }
0x317: {  	v6 =	vor.u32 $0x2, v5;
	v2 =	vshll.u32 v2, $0x3  }
0x318: {  	v7 =	vadd.s32 v2, v3;
	v4 =	vshll.u32 v4, $0x6  }
0x319: {  	v3 =	vor.u32 $0x1, v5;
	v4 =	vadd.s32 v4, v7  }
0x31a: {  	[tilespmem:s28+$0xFFFFFFF0] =	vst v4;
	v2 =	vpop (erf)  }
0x31b: {  	[tilespmem:s30+$0xFFFFFFF0] =	vst v2  }
0x31c: {  	v2 =	vld.idx.msk [tilespmem:v6+s12+$0x0], $0xffff  }
0x31d: {  	v4 =	vld.idx.msk [tilespmem:v5+s12+$0x0], $0xffff  }
0x31e: {  	v3 =	vld.idx.msk [tilespmem:v3+s12+$0x0], $0xffff  }
0x31f: {  	v5 =	vld [tilespmem:s26+$0x0];
	_ =	sdelay $0x2  }
0x320: {  	v2 =	vcvt.s32.f32 v2  }
0x321: {  	v4 =	vshll.u32 v4, $0x3  }
0x322: {  	v3 =	vadd.s32 v4, v3;
	v5 =	vshll.u32 v5, $0x6;
	(erf) = vrcp.f32 v2  }
0x323: {  	s11 =	sadd.s32 $0x20, s11;
	v2 =	vadd.s32 v5, v3  }
0x324: {  	s15 =	sadd.s32 $0xFFFFFFF0, s11;
	[tilespmem:s28+$0x0] =	vst v2  }
0x325: {  	v2 =	vmov s15  }
0x326: {  	v2 =	vshll.u32 v2, $0x7  }
.Ltmp7:
0x327: {  	v2 =	vor.u32 v1, v2;
	(pc) =	sbr.rel @p0 .LBB2_13-.Ltmp7, $2  }
0x328: {  	v3 =	vor.u32 $0x1, v2;
	v4 =	vor.u32 $0x2, v2;
	_ =	sdelay $0x2  }
0x329: {  	s30 =	sadd.s32 $0x20, s30;
	v5 =	vpop (erf)  }
0x32a: {  	_ =	sdelay $0x2  }
0x32b: {  	[tilespmem:s31+$0x0] =	vst v5  }
0x32c: {  	v4 =	vld.idx.msk [tilespmem:v4+s12+$0x0], $0xffff;
	_ =	sdelay $0x4  }
0x32d: {  	v2 =	vld.idx.msk [tilespmem:v2+s12+$0x0], $0xffff;
	v4 =	vcvt.s32.f32 v4  }
0x32e: {  	s13 =	sadd.s32 $0x20, s26;
	v3 =	vld.idx.msk [tilespmem:v3+s12+$0x0], $0xffff  }
0x32f: {  	(erf) = vrcp.f32 v4;
	v4 =	vld [tilespmem:s13+$0xFFFFFFF0];
	_ =	sdelay $0x2  }
0x330: {  	v5 =	vmov s11  }
0x331: {  	v5 =	vshll.u32 v5, $0x7;
	v2 =	vshll.u32 v2, $0x3  }
0x332: {  	v5 =	vor.u32 v1, v5;
	v2 =	vadd.s32 v2, v3;
	v4 =	vshll.u32 v4, $0x6  }
0x333: {  	v6 =	vor.u32 $0x2, v5;
	v2 =	vadd.s32 v4, v2;
	_ =	sdelay $0x1  }
0x334: {  	s15 =	sadd.s32 $0x20, s28  }
0x335: {  	[tilespmem:s15+$0xFFFFFFF0] =	vst v2;
	v2 =	vpop (erf)  }
0x336: {  	[tilespmem:s30+$0xFFFFFFF0] =	vst v2  }
0x337: {  	v2 =	vld.idx.msk [tilespmem:v6+s12+$0x0], $0xffff;
	_ =	sdelay $0x1  }
0x338: {  	v3 =	vor.u32 $0x1, v5;
	_ =	sdelay $0x2  }
0x339: {  	v2 =	vcvt.s32.f32 v2  }
0x33a: {  	v4 =	vld.idx.msk [tilespmem:v5+s12+$0x0], $0xffff  }
0x33b: {  	(erf) = vrcp.f32 v2;
	v2 =	vld.idx.msk [tilespmem:v3+s12+$0x0], $0xffff  }
0x33c: {  	v3 =	vld [tilespmem:s13+$0x0];
	_ =	sdelay $0x2  }
0x33d: {  	s26 =	simm.s32 $0x0  }
0x33e: {  	v5 =	vmov s26;
	v4 =	vshll.u32 v4, $0x3  }
0x33f: {  	v5 =	vand.u32 $0xFFFFFFF8, v5;
	v3 =	vshll.u32 v3, $0x6;
	v2 =	vadd.s32 v4, v2  }
0x340: {  	v4 =	vbroadcast v5, $0x0;
	v2 =	vadd.s32 v3, v2;
	_ =	sdelay $0x2  }
0x341: {  	[tilespmem:s15+$0x0] =	vst v2;
	v2 =	vpop (erf)  }
0x342: {  	s31 =	simm.s32 $0x8200;
	[tilespmem:s30+$0x0] =	vst v2  }
0x343: {  	v3 =	vld [tilespmem:s31+$0xFFFFFE70]  }
0x344: {  	v4 =	vld.idx.msk [tilespmem:v4+s10+$0x0], $0xffff  }
0x345: {  	v5 =	vld [tilespmem:s31+$0xFFFFFE00]  }
0x346: {  	v6 =	vld [tilespmem:s31+$0xFFFFFE20]  }
0x347: {  	v7 =	vld [tilespmem:s31+$0xFFFFFE30]  }
0x348: {  	v2 =	vld [tilespmem:s31+$0xFFFFFE50]  }
0x349: {  	v9 =	vld [tilespmem:s31+$0xFFFFFE10];
	v3 =	vmul.f32 v3, v4  }
0x34a: {  	s13 =	simm.s32 $0x1;
	v8 =	vld [tilespmem:s31+$0xFFFFFE60];
	v5 =	vmul.f32 v5, v4  }
0x34b: {  	v10 =	vld [tilespmem:s31+$0xFFFFFE40];
	v6 =	vmul.f32 v6, v4;
	[tilespmem:s31+$0xFFFFFE70] =	vst v3;
	v3 =	vmov s13  }
0x34c: {  	v7 =	vmul.f32 v7, v4;
	[tilespmem:s31+$0xFFFFFE00] =	vst v5;
	v3 =	vand.u32 $0xFFFFFFF9, v3  }
0x34d: {  	v2 =	vmul.f32 v2, v4;
	[tilespmem:s31+$0xFFFFFE20] =	vst v6;
	v3 =	vbroadcast v3, $0x0  }
0x34e: {  	v5 =	vmul.f32 v9, v4;
	[tilespmem:s31+$0xFFFFFE30] =	vst v7  }
0x34f: {  	v6 =	vmul.f32 v8, v4;
	[tilespmem:s31+$0xFFFFFE50] =	vst v2  }
0x350: {  	v2 =	vmul.f32 v10, v4;
	[tilespmem:s31+$0xFFFFFE10] =	vst v5  }
0x351: {  	[tilespmem:s31+$0xFFFFFE60] =	vst v6  }
0x352: {  	[tilespmem:s31+$0xFFFFFE40] =	vst v2  }
0x353: {  	v2 =	vld.idx.msk [tilespmem:v3+s10+$0x0], $0xffff  }
0x354: {  	v3 =	vld [tilespmem:s31+$0xFFFFFE90]  }
0x355: {  	v5 =	vld [tilespmem:s31+$0xFFFFFEC0]  }
0x356: {  	v6 =	vld [tilespmem:s31+$0xFFFFFE80]  }
0x357: {  	v7 =	vld [tilespmem:s31+$0xFFFFFED0]  }
0x358: {  	v4 =	vld [tilespmem:s31+$0xFFFFFEF0]  }
0x359: {  	v8 =	vld [tilespmem:s31+$0xFFFFFEE0];
	v3 =	vmul.f32 v3, v2  }
0x35a: {  	s15 =	simm.s32 $0x2;
	v9 =	vld [tilespmem:s31+$0xFFFFFEB0];
	v5 =	vmul.f32 v5, v2  }
0x35b: {  	v10 =	vld [tilespmem:s31+$0xFFFFFEA0];
	v6 =	vmul.f32 v6, v2;
	[tilespmem:s31+$0xFFFFFE90] =	vst v3;
	v3 =	vmov s15  }
0x35c: {  	v7 =	vmul.f32 v7, v2;
	[tilespmem:s31+$0xFFFFFEC0] =	vst v5;
	v3 =	vand.u32 $0xFFFFFFFA, v3  }
0x35d: {  	v4 =	vmul.f32 v4, v2;
	[tilespmem:s31+$0xFFFFFE80] =	vst v6;
	v3 =	vbroadcast v3, $0x0  }
0x35e: {  	v5 =	vmul.f32 v8, v2;
	[tilespmem:s31+$0xFFFFFED0] =	vst v7  }
0x35f: {  	v6 =	vmul.f32 v9, v2;
	[tilespmem:s31+$0xFFFFFEF0] =	vst v4  }
0x360: {  	v2 =	vmul.f32 v10, v2;
	[tilespmem:s31+$0xFFFFFEE0] =	vst v5  }
0x361: {  	[tilespmem:s31+$0xFFFFFEB0] =	vst v6  }
0x362: {  	[tilespmem:s31+$0xFFFFFEA0] =	vst v2  }
0x363: {  	v2 =	vld.idx.msk [tilespmem:v3+s10+$0x0], $0xffff  }
0x364: {  	v3 =	vld [tilespmem:s31+$0xFFFFFF00]  }
0x365: {  	v4 =	vld [tilespmem:s31+$0xFFFFFF60]  }
0x366: {  	v5 =	vld [tilespmem:s31+$0xFFFFFF10]  }
0x367: {  	v6 =	vld [tilespmem:s31+$0xFFFFFF50]  }
0x368: {  	v7 =	vld [tilespmem:s31+$0xFFFFFF70]  }
0x369: {  	v8 =	vld [tilespmem:s31+$0xFFFFFF20];
	v3 =	vmul.f32 v3, v2  }
0x36a: {  	s13 =	simm.s32 $0x3;
	v9 =	vld [tilespmem:s31+$0xFFFFFF30];
	v4 =	vmul.f32 v4, v2  }
0x36b: {  	v10 =	vld [tilespmem:s31+$0xFFFFFF40];
	v5 =	vmul.f32 v5, v2;
	[tilespmem:s31+$0xFFFFFF00] =	vst v3;
	v3 =	vmov s13  }
0x36c: {  	v6 =	vmul.f32 v6, v2;
	[tilespmem:s31+$0xFFFFFF60] =	vst v4;
	v3 =	vand.u32 $0xFFFFFFFB, v3  }
0x36d: {  	v4 =	vmul.f32 v7, v2;
	[tilespmem:s31+$0xFFFFFF10] =	vst v5;
	v3 =	vbroadcast v3, $0x0  }
0x36e: {  	v5 =	vmul.f32 v8, v2;
	[tilespmem:s31+$0xFFFFFF50] =	vst v6  }
0x36f: {  	v6 =	vmul.f32 v9, v2;
	[tilespmem:s31+$0xFFFFFF70] =	vst v4  }
0x370: {  	v2 =	vmul.f32 v10, v2;
	[tilespmem:s31+$0xFFFFFF20] =	vst v5  }
0x371: {  	[tilespmem:s31+$0xFFFFFF30] =	vst v6  }
0x372: {  	[tilespmem:s31+$0xFFFFFF40] =	vst v2  }
0x373: {  	v2 =	vld.idx.msk [tilespmem:v3+s10+$0x0], $0xffff  }
0x374: {  	v3 =	vld [tilespmem:s31+$0xFFFFFFB0]  }
0x375: {  	v5 =	vld [tilespmem:s31+$0xFFFFFFE0]  }
0x376: {  	v6 =	vld [tilespmem:s31+$0xFFFFFF80]  }
0x377: {  	v7 =	vld [tilespmem:s31+$0xFFFFFFD0]  }
0x378: {  	v4 =	vld [tilespmem:s31+$0xFFFFFFF0]  }
0x379: {  	v9 =	vld [tilespmem:s31+$0xFFFFFFA0];
	v3 =	vmul.f32 v3, v2  }
0x37a: {  	s15 =	simm.s32 $0x4;
	v8 =	vld [tilespmem:s31+$0xFFFFFF90];
	v5 =	vmul.f32 v5, v2  }
0x37b: {  	v10 =	vld [tilespmem:s31+$0xFFFFFFC0];
	v6 =	vmul.f32 v6, v2;
	[tilespmem:s31+$0xFFFFFFB0] =	vst v3;
	v3 =	vmov s15  }
0x37c: {  	v7 =	vmul.f32 v7, v2;
	[tilespmem:s31+$0xFFFFFFE0] =	vst v5;
	v3 =	vand.u32 $0xFFFFFFFC, v3  }
0x37d: {  	v4 =	vmul.f32 v4, v2;
	[tilespmem:s31+$0xFFFFFF80] =	vst v6;
	v3 =	vbroadcast v3, $0x0  }
0x37e: {  	v11 =	vld [tilespmem:s31+$0x40];
	v5 =	vmul.f32 v9, v2;
	[tilespmem:s31+$0xFFFFFFD0] =	vst v7  }
0x37f: {  	v6 =	vmul.f32 v8, v2;
	[tilespmem:s31+$0xFFFFFFF0] =	vst v4;
	v9 =	vld [tilespmem:s31+$0x0]  }
0x380: {  	v4 =	vmul.f32 v10, v2;
	v2 =	vld [tilespmem:s31+$0x70];
	[tilespmem:s31+$0xFFFFFFA0] =	vst v5  }
0x381: {  	v8 =	vld [tilespmem:s31+$0x20];
	[tilespmem:s31+$0xFFFFFF90] =	vst v6  }
0x382: {  	v7 =	vld [tilespmem:s31+$0x30];
	[tilespmem:s31+$0xFFFFFFC0] =	vst v4  }
0x383: {  	p0 =	por $0x1, $0x1;
	v3 =	vld.idx.msk [tilespmem:v3+s10+$0x0], $0xffff  }
.Ltmp8:
0x384: {  	v4 =	vld [tilespmem:s31+$0x50];
	(pc) =	sbr.rel @!p0 .LBB2_16-.Ltmp8, $3  }
0x385: {  	v6 =	vld [tilespmem:s31+$0x10]  }
0x386: {  	v5 =	vld [tilespmem:s31+$0x60];
	_ =	sdelay $0x1  }
0x387: {  	s28 =	simm.s32 $0x8;
	s30 =	simm.s32 $0x8200;
	v10 =	vmul.f32 v9, v3;
	v9 =	vmul.f32 v11, v3  }
.LBB2_15:
0x388: {  	p0 =	slt.u32 s28, $0x78;
	v8 =	vmul.f32 v8, v3;
	v7 =	vmul.f32 v7, v3;
	s11 =	sadd.s32 $0x5, s26;
	s30 =	sadd.s32 $0x400, s30  }
0x389: {  	v4 =	vmul.f32 v4, v3;
	[tilespmem:s31+$0x0] =	vst v10;
	v6 =	vmul.f32 v6, v3;
	v10 =	vmov s11;
	s11 =	smov.u32 s28;
	s28 =	sadd.s32 $0x8, s28  }
0x38a: {  	v2 =	vmul.f32 v2, v3;
	[tilespmem:s31+$0x40] =	vst v9;
	v5 =	vmul.f32 v5, v3;
	v3 =	vand.u32 $0xFFFFFFFD, v10  }
0x38b: {  	[tilespmem:s31+$0x20] =	vst v8;
	v3 =	vbroadcast v3, $0x0  }
0x38c: {  	[tilespmem:s31+$0x50] =	vst v4  }
0x38d: {  	[tilespmem:s31+$0x70] =	vst v2;
	v2 =	vld [tilespmem:s31+$0xA0]  }
0x38e: {  	[tilespmem:s31+$0x30] =	vst v7;
	v4 =	vld [tilespmem:s31+$0x80]  }
0x38f: {  	[tilespmem:s31+$0x60] =	vst v5;
	v5 =	vld [tilespmem:s31+$0xD0]  }
0x390: {  	[tilespmem:s31+$0x10] =	vst v6;
	v6 =	vld [tilespmem:s31+$0xF0]  }
0x391: {  	v3 =	vld.idx.msk [tilespmem:v3+s10+$0x0], $0xffff  }
0x392: {  	v7 =	vld [tilespmem:s31+$0xC0]  }
0x393: {  	v8 =	vld [tilespmem:s31+$0xB0]  }
0x394: {  	v9 =	vld [tilespmem:s31+$0x90]  }
0x395: {  	v10 =	vld [tilespmem:s31+$0xE0];
	_ =	sdelay $0x1  }
0x396: {  	v4 =	vmul.f32 v4, v3;
	v7 =	vmul.f32 v7, v3  }
0x397: {  	s13 =	sadd.s32 $0x6, s26;
	v2 =	vmul.f32 v2, v3;
	v8 =	vmul.f32 v8, v3  }
0x398: {  	v5 =	vmul.f32 v5, v3;
	[tilespmem:s31+$0x80] =	vst v4;
	v4 =	vmul.f32 v9, v3;
	v9 =	vmov s13  }
0x399: {  	[tilespmem:s31+$0xA0] =	vst v2;
	v2 =	vmul.f32 v10, v3;
	v3 =	vmul.f32 v6, v3;
	v6 =	vand.u32 $0xFFFFFFFE, v9  }
0x39a: {  	[tilespmem:s31+$0xD0] =	vst v5;
	v5 =	vbroadcast v6, $0x0  }
0x39b: {  	[tilespmem:s31+$0xC0] =	vst v7  }
0x39c: {  	[tilespmem:s31+$0xF0] =	vst v3;
	v3 =	vld [tilespmem:s31+$0x120]  }
0x39d: {  	[tilespmem:s31+$0xB0] =	vst v8;
	v6 =	vld [tilespmem:s31+$0x100]  }
0x39e: {  	[tilespmem:s31+$0x90] =	vst v4;
	v4 =	vld [tilespmem:s31+$0x140]  }
0x39f: {  	[tilespmem:s31+$0xE0] =	vst v2;
	v2 =	vld [tilespmem:s31+$0x130]  }
0x3a0: {  	v5 =	vld.idx.msk [tilespmem:v5+s10+$0x0], $0xffff  }
0x3a1: {  	v7 =	vld [tilespmem:s31+$0x110]  }
0x3a2: {  	v8 =	vld [tilespmem:s31+$0x160]  }
0x3a3: {  	v9 =	vld [tilespmem:s31+$0x150]  }
0x3a4: {  	v10 =	vld [tilespmem:s31+$0x170];
	_ =	sdelay $0x1  }
0x3a5: {  	v6 =	vmul.f32 v6, v5;
	v7 =	vmul.f32 v7, v5  }
0x3a6: {  	v3 =	vmul.f32 v3, v5;
	v2 =	vmul.f32 v2, v5  }
0x3a7: {  	v4 =	vmul.f32 v4, v5;
	[tilespmem:s31+$0x100] =	vst v6;
	v6 =	vmul.f32 v9, v5  }
0x3a8: {  	[tilespmem:s31+$0x120] =	vst v3;
	v3 =	vmul.f32 v8, v5;
	v5 =	vmul.f32 v10, v5  }
0x3a9: {  	s13 =	sadd.s32 $0x7, s26;
	s26 =	smov.u32 s11;
	[tilespmem:s31+$0x130] =	vst v2  }
0x3aa: {  	v2 =	vmov s13;
	[tilespmem:s31+$0x140] =	vst v4  }
0x3ab: {  	[tilespmem:s31+$0x160] =	vst v3;
	v3 =	vld [tilespmem:s31+$0x180]  }
0x3ac: {  	[tilespmem:s31+$0x110] =	vst v7;
	v4 =	vld [tilespmem:s31+$0x1D0]  }
0x3ad: {  	[tilespmem:s31+$0x150] =	vst v6;
	v6 =	vld [tilespmem:s31+$0x190]  }
0x3ae: {  	[tilespmem:s31+$0x170] =	vst v5;
	v5 =	vld [tilespmem:s31+$0x1F0]  }
0x3af: {  	v2 =	vld.idx.msk [tilespmem:v2+s10+$0x0], $0xffff  }
0x3b0: {  	v7 =	vld [tilespmem:s31+$0x1B0]  }
0x3b1: {  	v8 =	vld [tilespmem:s31+$0x1A0]  }
0x3b2: {  	v9 =	vld [tilespmem:s31+$0x1C0]  }
0x3b3: {  	v10 =	vld [tilespmem:s31+$0x1E0];
	_ =	sdelay $0x1  }
0x3b4: {  	v3 =	vmul.f32 v3, v2;
	v6 =	vmul.f32 v6, v2  }
0x3b5: {  	v7 =	vmul.f32 v7, v2;
	v8 =	vmul.f32 v8, v2  }
0x3b6: {  	v11 =	vmov s26;
	v4 =	vmul.f32 v4, v2;
	[tilespmem:s31+$0x180] =	vst v3;
	v3 =	vmul.f32 v9, v2  }
0x3b7: {  	v9 =	vand.u32 $0xFFFFFFF8, v11;
	[tilespmem:s31+$0x190] =	vst v6;
	v6 =	vmul.f32 v10, v2;
	v2 =	vmul.f32 v5, v2  }
0x3b8: {  	v5 =	vbroadcast v9, $0x0;
	[tilespmem:s31+$0x1D0] =	vst v4  }
0x3b9: {  	[tilespmem:s31+$0x1A0] =	vst v8  }
0x3ba: {  	v4 =	vld [tilespmem:s30+$0xFFFFFE50];
	[tilespmem:s31+$0x1F0] =	vst v2  }
0x3bb: {  	v2 =	vld [tilespmem:s30+$0xFFFFFE30];
	[tilespmem:s31+$0x1B0] =	vst v7  }
0x3bc: {  	v7 =	vld [tilespmem:s30+$0xFFFFFE60];
	[tilespmem:s31+$0x1E0] =	vst v6  }
0x3bd: {  	v6 =	vld [tilespmem:s30+$0xFFFFFE70];
	[tilespmem:s31+$0x1C0] =	vst v3;
	s31 =	smov.u32 s30  }
0x3be: {  	v3 =	vld.idx.msk [tilespmem:v5+s10+$0x0], $0xffff  }
0x3bf: {  	v5 =	vld [tilespmem:s30+$0xFFFFFE00]  }
0x3c0: {  	v8 =	vld [tilespmem:s30+$0xFFFFFE20]  }
0x3c1: {  	v9 =	vld [tilespmem:s30+$0xFFFFFE10]  }
0x3c2: {  	v10 =	vld [tilespmem:s30+$0xFFFFFE40];
	_ =	sdelay $0x1  }
0x3c3: {  	v6 =	vmul.f32 v6, v3;
	v5 =	vmul.f32 v5, v3  }
0x3c4: {  	s11 =	sadd.s32 $0x1, s26;
	v7 =	vmul.f32 v7, v3;
	v8 =	vmul.f32 v8, v3  }
0x3c5: {  	v2 =	vmul.f32 v2, v3;
	v9 =	vmul.f32 v9, v3;
	[tilespmem:s30+$0xFFFFFE70] =	vst v6;
	v6 =	vmov s11  }
0x3c6: {  	[tilespmem:s30+$0xFFFFFE00] =	vst v5;
	v5 =	vmul.f32 v10, v3;
	v3 =	vmul.f32 v4, v3;
	v4 =	vand.u32 $0xFFFFFFF9, v6  }
0x3c7: {  	[tilespmem:s30+$0xFFFFFE20] =	vst v8;
	v4 =	vbroadcast v4, $0x0  }
0x3c8: {  	[tilespmem:s30+$0xFFFFFE30] =	vst v2  }
0x3c9: {  	[tilespmem:s30+$0xFFFFFE50] =	vst v3;
	v2 =	vld [tilespmem:s30+$0xFFFFFEF0]  }
0x3ca: {  	[tilespmem:s30+$0xFFFFFE10] =	vst v9;
	v3 =	vld [tilespmem:s30+$0xFFFFFED0]  }
0x3cb: {  	[tilespmem:s30+$0xFFFFFE60] =	vst v7;
	v6 =	vld [tilespmem:s30+$0xFFFFFEB0]  }
0x3cc: {  	[tilespmem:s30+$0xFFFFFE40] =	vst v5;
	v5 =	vld [tilespmem:s30+$0xFFFFFEC0]  }
0x3cd: {  	v4 =	vld.idx.msk [tilespmem:v4+s10+$0x0], $0xffff  }
0x3ce: {  	v7 =	vld [tilespmem:s30+$0xFFFFFE90]  }
0x3cf: {  	v8 =	vld [tilespmem:s30+$0xFFFFFE80]  }
0x3d0: {  	v9 =	vld [tilespmem:s30+$0xFFFFFEA0]  }
0x3d1: {  	v10 =	vld [tilespmem:s30+$0xFFFFFEE0];
	_ =	sdelay $0x1  }
0x3d2: {  	v5 =	vmul.f32 v5, v4;
	v7 =	vmul.f32 v7, v4  }
0x3d3: {  	s11 =	sadd.s32 $0x2, s26;
	v6 =	vmul.f32 v6, v4;
	v8 =	vmul.f32 v8, v4  }
0x3d4: {  	v3 =	vmul.f32 v3, v4;
	[tilespmem:s30+$0xFFFFFE90] =	vst v7;
	v7 =	vmul.f32 v9, v4;
	v9 =	vmov s11  }
0x3d5: {  	v2 =	vmul.f32 v2, v4;
	[tilespmem:s30+$0xFFFFFEC0] =	vst v5;
	v5 =	vmul.f32 v10, v4;
	v4 =	vand.u32 $0xFFFFFFFA, v9  }
0x3d6: {  	[tilespmem:s30+$0xFFFFFE80] =	vst v8;
	v4 =	vbroadcast v4, $0x0  }
0x3d7: {  	[tilespmem:s30+$0xFFFFFED0] =	vst v3  }
0x3d8: {  	[tilespmem:s30+$0xFFFFFEE0] =	vst v5;
	v3 =	vld [tilespmem:s30+$0xFFFFFF70]  }
0x3d9: {  	[tilespmem:s30+$0xFFFFFEB0] =	vst v6;
	v5 =	vld [tilespmem:s30+$0xFFFFFF50]  }
0x3da: {  	[tilespmem:s30+$0xFFFFFEF0] =	vst v2;
	v2 =	vld [tilespmem:s30+$0xFFFFFF20]  }
0x3db: {  	[tilespmem:s30+$0xFFFFFEA0] =	vst v7;
	v6 =	vld [tilespmem:s30+$0xFFFFFF60]  }
0x3dc: {  	v4 =	vld.idx.msk [tilespmem:v4+s10+$0x0], $0xffff  }
0x3dd: {  	v7 =	vld [tilespmem:s30+$0xFFFFFF00]  }
0x3de: {  	v8 =	vld [tilespmem:s30+$0xFFFFFF10]  }
0x3df: {  	v9 =	vld [tilespmem:s30+$0xFFFFFF40]  }
0x3e0: {  	v10 =	vld [tilespmem:s30+$0xFFFFFF30];
	_ =	sdelay $0x1  }
0x3e1: {  	v6 =	vmul.f32 v6, v4;
	v7 =	vmul.f32 v7, v4  }
0x3e2: {  	s11 =	sadd.s32 $0x3, s26;
	v2 =	vmul.f32 v2, v4;
	v8 =	vmul.f32 v8, v4  }
0x3e3: {  	v5 =	vmul.f32 v5, v4;
	[tilespmem:s30+$0xFFFFFF00] =	vst v7;
	v7 =	vmul.f32 v9, v4;
	v9 =	vmov s11  }
0x3e4: {  	v3 =	vmul.f32 v3, v4;
	v10 =	vmul.f32 v10, v4;
	[tilespmem:s30+$0xFFFFFF60] =	vst v6;
	v4 =	vand.u32 $0xFFFFFFFB, v9  }
0x3e5: {  	[tilespmem:s30+$0xFFFFFF10] =	vst v8;
	v4 =	vbroadcast v4, $0x0  }
0x3e6: {  	[tilespmem:s30+$0xFFFFFF50] =	vst v5  }
0x3e7: {  	[tilespmem:s30+$0xFFFFFF70] =	vst v3;
	v3 =	vld [tilespmem:s30+$0xFFFFFFF0]  }
0x3e8: {  	[tilespmem:s30+$0xFFFFFF20] =	vst v2;
	v2 =	vld [tilespmem:s30+$0xFFFFFFD0]  }
0x3e9: {  	[tilespmem:s30+$0xFFFFFF30] =	vst v10;
	v5 =	vld [tilespmem:s30+$0xFFFFFF90]  }
0x3ea: {  	[tilespmem:s30+$0xFFFFFF40] =	vst v7;
	v6 =	vld [tilespmem:s30+$0xFFFFFFE0]  }
0x3eb: {  	v4 =	vld.idx.msk [tilespmem:v4+s10+$0x0], $0xffff  }
0x3ec: {  	v7 =	vld [tilespmem:s30+$0xFFFFFFB0]  }
0x3ed: {  	v8 =	vld [tilespmem:s30+$0xFFFFFF80]  }
0x3ee: {  	v9 =	vld [tilespmem:s30+$0xFFFFFFC0]  }
0x3ef: {  	v10 =	vld [tilespmem:s30+$0xFFFFFFA0];
	_ =	sdelay $0x1  }
0x3f0: {  	v6 =	vmul.f32 v6, v4;
	v7 =	vmul.f32 v7, v4  }
0x3f1: {  	s11 =	sadd.s32 $0x4, s26;
	v5 =	vmul.f32 v5, v4;
	v8 =	vmul.f32 v8, v4  }
0x3f2: {  	v2 =	vmul.f32 v2, v4;
	[tilespmem:s30+$0xFFFFFFB0] =	vst v7;
	v7 =	vmul.f32 v9, v4;
	v9 =	vmov s11  }
0x3f3: {  	v3 =	vmul.f32 v3, v4;
	v10 =	vmul.f32 v10, v4;
	[tilespmem:s30+$0xFFFFFFE0] =	vst v6;
	v4 =	vand.u32 $0xFFFFFFFC, v9  }
0x3f4: {  	[tilespmem:s30+$0xFFFFFF80] =	vst v8;
	v6 =	vbroadcast v4, $0x0  }
0x3f5: {  	[tilespmem:s30+$0xFFFFFFD0] =	vst v2  }
0x3f6: {  	[tilespmem:s30+$0xFFFFFFF0] =	vst v3;
	v9 =	vld [tilespmem:s30+$0x0]  }
0x3f7: {  	[tilespmem:s30+$0xFFFFFFA0] =	vst v10;
	v2 =	vld [tilespmem:s30+$0x70]  }
0x3f8: {  	[tilespmem:s30+$0xFFFFFF90] =	vst v5;
	v4 =	vld [tilespmem:s30+$0x50]  }
0x3f9: {  	[tilespmem:s30+$0xFFFFFFC0] =	vst v7;
	v8 =	vld [tilespmem:s30+$0x20]  }
0x3fa: {  	v3 =	vld.idx.msk [tilespmem:v6+s10+$0x0], $0xffff  }
0x3fb: {  	v11 =	vld [tilespmem:s30+$0x40]  }
.Ltmp9:
0x3fc: {  	v7 =	vld [tilespmem:s30+$0x30];
	(pc) =	sbr.rel @p0 .LBB2_15-.Ltmp9, $3  }
0x3fd: {  	v6 =	vld [tilespmem:s30+$0x10]  }
0x3fe: {  	v5 =	vld [tilespmem:s30+$0x60];
	_ =	sdelay $0x1  }
0x3ff: {  	v10 =	vmul.f32 v9, v3;
	v9 =	vmul.f32 v11, v3  }
.LBB2_16:
0x400: {  	s11 =	sadd.s32 $0x5, s26  }
0x401: {  	v8 =	vmul.f32 v8, v3;
	[tilespmem:s31+$0x0] =	vst v10;
	v52 =	vmov s11  }
0x402: {  	v4 =	vmul.f32 v4, v3;
	[tilespmem:s31+$0x40] =	vst v9;
	v53 =	vand.u32 $0xFFFFFFFD, v52  }
0x403: {  	v2 =	vmul.f32 v2, v3;
	[tilespmem:s31+$0x20] =	vst v8;
	v54 =	vbroadcast v53, $0x0  }
0x404: {  	v7 =	vmul.f32 v7, v3;
	[tilespmem:s31+$0x50] =	vst v4  }
0x405: {  	v4 =	vmul.f32 v5, v3;
	[tilespmem:s31+$0x70] =	vst v2  }
0x406: {  	v2 =	vmul.f32 v6, v3;
	[tilespmem:s31+$0x30] =	vst v7  }
0x407: {  	[tilespmem:s31+$0x60] =	vst v4  }
0x408: {  	v3 =	vld [tilespmem:s31+$0x80];
	[tilespmem:s31+$0x10] =	vst v2  }
0x409: {  	v2 =	vld.idx.msk [tilespmem:v54+s10+$0x0], $0xffff  }
0x40a: {  	v4 =	vld [tilespmem:s31+$0xA0]  }
0x40b: {  	v6 =	vld [tilespmem:s31+$0xC0]  }
0x40c: {  	v5 =	vld [tilespmem:s31+$0xD0];
	_ =	sdelay $0x1  }
0x40d: {  	v56 =	vld [tilespmem:s31+$0x90];
	v3 =	vmul.f32 v3, v2  }
0x40e: {  	v7 =	vld [tilespmem:s31+$0xF0];
	v4 =	vmul.f32 v4, v2  }
0x40f: {  	v55 =	vld [tilespmem:s31+$0xB0];
	s13 =	sadd.s32 $0x6, s26;
	v6 =	vmul.f32 v6, v2;
	[tilespmem:s31+$0x80] =	vst v3  }
0x410: {  	v57 =	vld [tilespmem:s31+$0xE0];
	v3 =	vmul.f32 v5, v2;
	v5 =	vmov s13;
	[tilespmem:s31+$0xA0] =	vst v4  }
0x411: {  	[tilespmem:s31+$0xC0] =	vst v6;
	v4 =	vand.u32 $0xFFFFFFFE, v5  }
0x412: {  	v6 =	vmul.f32 v56, v2;
	[tilespmem:s31+$0xD0] =	vst v3;
	v3 =	vbroadcast v4, $0x0  }
0x413: {  	v5 =	vmul.f32 v7, v2  }
0x414: {  	v4 =	vmul.f32 v55, v2;
	[tilespmem:s31+$0x90] =	vst v6  }
0x415: {  	v2 =	vmul.f32 v57, v2;
	[tilespmem:s31+$0xF0] =	vst v5  }
0x416: {  	[tilespmem:s31+$0xB0] =	vst v4  }
0x417: {  	v4 =	vld [tilespmem:s31+$0x100];
	[tilespmem:s31+$0xE0] =	vst v2  }
0x418: {  	v2 =	vld.idx.msk [tilespmem:v3+s10+$0x0], $0xffff  }
0x419: {  	v3 =	vld [tilespmem:s31+$0x120]  }
0x41a: {  	v5 =	vld [tilespmem:s31+$0x130]  }
0x41b: {  	v6 =	vld [tilespmem:s31+$0x140]  }
0x41c: {  	v7 =	vld [tilespmem:s31+$0x160]  }
0x41d: {  	v58 =	vld [tilespmem:s31+$0x110];
	v4 =	vmul.f32 v4, v2  }
0x41e: {  	v59 =	vld [tilespmem:s31+$0x150];
	v3 =	vmul.f32 v3, v2  }
0x41f: {  	v60 =	vld [tilespmem:s31+$0x170];
	v5 =	vmul.f32 v5, v2;
	[tilespmem:s31+$0x100] =	vst v4  }
0x420: {  	v4 =	vmul.f32 v6, v2;
	[tilespmem:s31+$0x120] =	vst v3  }
0x421: {  	s15 =	sadd.s32 $0x7, s26;
	v3 =	vmul.f32 v7, v2;
	[tilespmem:s31+$0x130] =	vst v5  }
0x422: {  	v5 =	vmul.f32 v58, v2;
	[tilespmem:s31+$0x140] =	vst v4;
	v4 =	vmov s15  }
0x423: {  	v6 =	vmul.f32 v59, v2;
	[tilespmem:s31+$0x160] =	vst v3  }
0x424: {  	v2 =	vmul.f32 v60, v2;
	[tilespmem:s31+$0x110] =	vst v5  }
0x425: {  	[tilespmem:s31+$0x150] =	vst v6  }
0x426: {  	v3 =	vld [tilespmem:s31+$0x180];
	[tilespmem:s31+$0x170] =	vst v2  }
0x427: {  	v2 =	vld.idx.msk [tilespmem:v4+s10+$0x0], $0xffff  }
0x428: {  	v5 =	vld [tilespmem:s31+$0x190]  }
0x429: {  	v4 =	vld [tilespmem:s31+$0x1D0]  }
0x42a: {  	v6 =	vld [tilespmem:s31+$0x1A0]  }
0x42b: {  	v7 =	vld [tilespmem:s31+$0x1F0]  }
0x42c: {  	v61 =	vld [tilespmem:s31+$0x1B0];
	v3 =	vmul.f32 v3, v2  }
0x42d: {  	v62 =	vld [tilespmem:s31+$0x1E0];
	v5 =	vmul.f32 v5, v2  }
0x42e: {  	v63 =	vld [tilespmem:s31+$0x1C0];
	[tilespmem:s31+$0x180] =	vst v3;
	v3 =	vmul.f32 v4, v2  }
0x42f: {  	v4 =	vmul.f32 v6, v2;
	[tilespmem:s31+$0x190] =	vst v5  }
0x430: {  	v5 =	vmul.f32 v7, v2;
	[tilespmem:s31+$0x1D0] =	vst v3  }
0x431: {  	v3 =	vmul.f32 v61, v2;
	[tilespmem:s31+$0x1A0] =	vst v4  }
0x432: {  	s11 =	sadd.s32 s19, s21;
	v4 =	vmul.f32 v62, v2;
	[tilespmem:s31+$0x1F0] =	vst v5  }
0x433: {  	p0 =	sgt.u32 s11, $0x30C;
	v2 =	vmul.f32 v63, v2;
	[tilespmem:s31+$0x1B0] =	vst v3  }
0x434: {  	p1 =	seq.s32 @p0 s11, $0x30D;
	[tilespmem:s31+$0x1E0] =	vst v4  }
0x435: {  	p1 =	por !p1, !p0;
	s13 =	simm.s32 @p0 $0x0;
	[tilespmem:s31+$0x1C0] =	vst v2  }
0x436: {  	s13 =	simm.s32 @p1 $0x80;
	_ =	swait.ge [sflag:s24], $0x4000  }
0x437: {  	s26 =	simm.s32 @p0 $0x0;
	s15 =	sshll.u32 @p0 s13, $0x4;
	[sflag:s24] =	ssyncset.done $0x0  }
0x438: {  	s30 =	simm.s32 @p0 $0x4000;
	s28 =	sadd.s32 @p0 s3, s15;
	[sflag:s24] =	ssyncadd.s32 $0xFFFFC000  }
0x439: {  	[tilespmem:s30], [sflag:$0x2] =	stream.linear.gather @p0 [hbm4b:s28+s26], $0x4000, $0x38;
	[tilespmem:$0x1C380] =	vst v63  }
0x43a: {  	s13 =	sshrl.u32 @p0 s13, $0x3;
	s15 =	sadd.s32 @p0 s8, s15;
	s28 =	simm.s32 @p0 $0x10000  }
0x43b: {  	[tilespmem:s28], [sflag:$0x2] =	stream.linear.gather @p0 [hbm4b:s15+s26], $0x4000, $0x38;
	[tilespmem:$0x1C380] =	vst v63  }
0x43c: {  	s13 =	sadd.s32 @p0 s9, s13;
	s30 =	simm.s32 @!p0 $0x4000;
	s15 =	sshll.u32 @!p0 s11, $0xB  }
0x43d: {  	s28 =	simm.s32 @!p0 $0x0;
	s11 =	sshll.u32 @!p0 s11, $0x4;
	s26 =	sadd.s32 @!p0 s1, s15  }
0x43e: {  	[tilespmem:s30], [sflag:$0x2] =	stream.linear.gather @!p0 [hbm4b:s26+s28], $0x4000, $0x38;
	[tilespmem:$0x1C380] =	vst v63  }
0x43f: {  	s15 =	sadd.s32 @!p0 s7, s15;
	s11 =	sadd.s32 @!p0 s2, s11;
	s26 =	simm.s32 @!p0 $0x10000  }
0x440: {  	[tilespmem:s26], [sflag:$0x2] =	stream.linear.gather @!p0 [hbm4b:s15+s28], $0x4000, $0x38;
	[tilespmem:$0x1C380] =	vst v63  }
0x441: {  	s11 =	smov.u32 @p0 s13;
	s26 =	simm.s32 $0x18080  }
0x442: {  	[tilespmem:s26], [sflag:$0x2] =	stream.linear.gather [hbm4b:s11+s5], $0x80, $0x38;
	[tilespmem:$0x1C380] =	vst v63  }
0x443: {  	s13 =	simm.s32 $0x8000;
	s15 =	simm.s32 $0x18280  }
0x444: {  	[spmem:s4] =	stream.indirect.scatter.add.f32 [tilespmem:s13], [sflag:$0x6], $0x80, s15, s14, $0xb8;
	[tilespmem:$0x1C380] =	vst v63  }
0x445: {  	s26 =	simm.s32 $0x0;
	_ =	swait.ge [sflag:s6], $0x4000  }
0x446: {  	v2 =	vmov s26;
	[sflag:s6] =	ssyncset.done $0x0  }
0x447: {  	v2 =	vshll.u32 v2, $0x7;
	[sflag:s6] =	ssyncadd.s32 $0xFFFFC000  }
0x448: {  	v2 =	vor.u32 v1, v2;
	_ =	swait.ge [sflag:s6], $0x4000  }
0x449: {  	v3 =	vor.u32 $0x2, v2;
	[sflag:s6] =	ssyncset.done $0x0  }
0x44a: {  	[sflag:s6] =	ssyncadd.s32 $0xFFFFC000  }
0x44b: {  	_ =	swait.ge [sflag:s6], $0x80  }
0x44c: {  	[sflag:s6] =	ssyncset.done $0x0  }
0x44d: {  	[sflag:s6] =	ssyncadd.s32 $0xFFFFFF80  }
0x44e: {  	v3 =	vld.idx.msk [tilespmem:v3+s25+$0x0], $0xffff;
	_ =	sdelay $0x1  }
0x44f: {  	v4 =	vor.u32 $0x1, v2;
	_ =	sdelay $0x2  }
0x450: {  	v3 =	vcvt.s32.f32 v3  }
0x451: {  	v2 =	vld.idx.msk [tilespmem:v2+s25+$0x0], $0xffff  }
0x452: {  	s26 =	simm.s32 $0x18010;
	(erf) = vrcp.f32 v3;
	v3 =	vld.idx.msk [tilespmem:v4+s25+$0x0], $0xffff  }
0x453: {  	v4 =	vld [tilespmem:s26+$0xFFFFFFF0];
	_ =	sdelay $0x1  }
0x454: {  	s13 =	simm.s32 $0x10  }
0x455: {  	v5 =	vmov s13  }
0x456: {  	v5 =	vshll.u32 v5, $0x7;
	v2 =	vshll.u32 v2, $0x3  }
0x457: {  	v5 =	vor.u32 v1, v5;
	v4 =	vshll.u32 v4, $0x6;
	v2 =	vadd.s32 v2, v3  }
0x458: {  	v6 =	vor.u32 $0x2, v5;
	v2 =	vadd.s32 v4, v2;
	_ =	sdelay $0x1  }
0x459: {  	s28 =	simm.s32 $0x18190  }
0x45a: {  	s31 =	simm.s32 $0x18310;
	[tilespmem:s28+$0xFFFFFFF0] =	vst v2;
	v2 =	vpop (erf)  }
0x45b: {  	[tilespmem:s31+$0xFFFFFFF0] =	vst v2  }
0x45c: {  	v2 =	vld.idx.msk [tilespmem:v6+s25+$0x0], $0xffff;
	_ =	sdelay $0x1  }
0x45d: {  	v3 =	vor.u32 $0x1, v5;
	_ =	sdelay $0x2  }
0x45e: {  	v2 =	vcvt.s32.f32 v2  }
0x45f: {  	v4 =	vld.idx.msk [tilespmem:v5+s25+$0x0], $0xffff  }
0x460: {  	(erf) = vrcp.f32 v2;
	v2 =	vld.idx.msk [tilespmem:v3+s25+$0x0], $0xffff  }
0x461: {  	v3 =	vld [tilespmem:s26+$0x0];
	_ =	sdelay $0x2  }
0x462: {  	s15 =	simm.s32 $0x20  }
0x463: {  	v5 =	vmov s15;
	v4 =	vshll.u32 v4, $0x3  }
0x464: {  	v3 =	vshll.u32 v3, $0x6;
	v2 =	vadd.s32 v4, v2;
	v4 =	vshll.u32 v5, $0x7  }
0x465: {  	v3 =	vadd.s32 v3, v2;
	v2 =	vor.u32 v1, v4  }
0x466: {  	v4 =	vor.u32 $0x2, v2;
	_ =	sdelay $0x2  }
0x467: {  	s30 =	simm.s32 $0x18330;
	s11 =	simm.s32 $0x30;
	s13 =	simm.s32 $0x2;
	[tilespmem:s28+$0x0] =	vst v3;
	v3 =	vor.u32 $0x1, v2;
	v5 =	vpop (erf)  }
.LBB2_17:
0x468: {  	s13 =	sadd.s32 $0x2, s13;
	[tilespmem:s31+$0x0] =	vst v5;
	s26 =	sadd.s32 $0x20, s26;
	s28 =	sadd.s32 $0x20, s28  }
0x469: {  	s31 =	smov.u32 s30;
	p0 =	slt.u32 s13, $0x6;
	v4 =	vld.idx.msk [tilespmem:v4+s25+$0x0], $0xffff;
	_ =	sdelay $0x5  }
0x46a: {  	v4 =	vcvt.s32.f32 v4;
	_ =	sdelay $0x1  }
0x46b: {  	v2 =	vld.idx.msk [tilespmem:v2+s25+$0x0], $0xffff;
	(erf) = vrcp.f32 v4  }
0x46c: {  	v3 =	vld.idx.msk [tilespmem:v3+s25+$0x0], $0xffff  }
0x46d: {  	v4 =	vld [tilespmem:s26+$0xFFFFFFF0]  }
0x46e: {  	v5 =	vmov s11  }
0x46f: {  	v5 =	vshll.u32 v5, $0x7  }
0x470: {  	v5 =	vor.u32 v1, v5  }
0x471: {  	v6 =	vor.u32 $0x2, v5;
	v2 =	vshll.u32 v2, $0x3  }
0x472: {  	v7 =	vadd.s32 v2, v3;
	v4 =	vshll.u32 v4, $0x6  }
0x473: {  	v3 =	vor.u32 $0x1, v5;
	v4 =	vadd.s32 v4, v7  }
0x474: {  	[tilespmem:s28+$0xFFFFFFF0] =	vst v4;
	v2 =	vpop (erf)  }
0x475: {  	[tilespmem:s30+$0xFFFFFFF0] =	vst v2  }
0x476: {  	v2 =	vld.idx.msk [tilespmem:v6+s25+$0x0], $0xffff  }
0x477: {  	v4 =	vld.idx.msk [tilespmem:v5+s25+$0x0], $0xffff  }
0x478: {  	v3 =	vld.idx.msk [tilespmem:v3+s25+$0x0], $0xffff  }
0x479: {  	v5 =	vld [tilespmem:s26+$0x0];
	_ =	sdelay $0x2  }
0x47a: {  	v2 =	vcvt.s32.f32 v2  }
0x47b: {  	v4 =	vshll.u32 v4, $0x3  }
0x47c: {  	v3 =	vadd.s32 v4, v3;
	v5 =	vshll.u32 v5, $0x6;
	(erf) = vrcp.f32 v2  }
0x47d: {  	s11 =	sadd.s32 $0x20, s11;
	v2 =	vadd.s32 v5, v3  }
0x47e: {  	s15 =	sadd.s32 $0xFFFFFFF0, s11;
	[tilespmem:s28+$0x0] =	vst v2  }
0x47f: {  	v2 =	vmov s15  }
0x480: {  	v2 =	vshll.u32 v2, $0x7  }
.Ltmp10:
0x481: {  	v2 =	vor.u32 v1, v2;
	(pc) =	sbr.rel @p0 .LBB2_17-.Ltmp10, $2  }
0x482: {  	v3 =	vor.u32 $0x1, v2;
	v4 =	vor.u32 $0x2, v2;
	_ =	sdelay $0x2  }
0x483: {  	s30 =	sadd.s32 $0x20, s30;
	v5 =	vpop (erf)  }
0x484: {  	_ =	sdelay $0x2  }
0x485: {  	[tilespmem:s31+$0x0] =	vst v5  }
0x486: {  	v4 =	vld.idx.msk [tilespmem:v4+s25+$0x0], $0xffff;
	_ =	sdelay $0x4  }
0x487: {  	v2 =	vld.idx.msk [tilespmem:v2+s25+$0x0], $0xffff;
	v4 =	vcvt.s32.f32 v4  }
0x488: {  	s13 =	sadd.s32 $0x20, s26;
	v3 =	vld.idx.msk [tilespmem:v3+s25+$0x0], $0xffff  }
0x489: {  	(erf) = vrcp.f32 v4;
	v4 =	vld [tilespmem:s13+$0xFFFFFFF0];
	_ =	sdelay $0x2  }
0x48a: {  	v5 =	vmov s11  }
0x48b: {  	v5 =	vshll.u32 v5, $0x7;
	v2 =	vshll.u32 v2, $0x3  }
0x48c: {  	v5 =	vor.u32 v1, v5;
	v2 =	vadd.s32 v2, v3;
	v4 =	vshll.u32 v4, $0x6  }
0x48d: {  	v6 =	vor.u32 $0x2, v5;
	v2 =	vadd.s32 v4, v2;
	_ =	sdelay $0x1  }
0x48e: {  	s15 =	sadd.s32 $0x20, s28  }
0x48f: {  	[tilespmem:s15+$0xFFFFFFF0] =	vst v2;
	v2 =	vpop (erf)  }
0x490: {  	[tilespmem:s30+$0xFFFFFFF0] =	vst v2  }
0x491: {  	v2 =	vld.idx.msk [tilespmem:v6+s25+$0x0], $0xffff;
	_ =	sdelay $0x1  }
0x492: {  	v3 =	vor.u32 $0x1, v5;
	_ =	sdelay $0x2  }
0x493: {  	v2 =	vcvt.s32.f32 v2  }
0x494: {  	v4 =	vld.idx.msk [tilespmem:v5+s25+$0x0], $0xffff  }
0x495: {  	(erf) = vrcp.f32 v2;
	v2 =	vld.idx.msk [tilespmem:v3+s25+$0x0], $0xffff  }
0x496: {  	v3 =	vld [tilespmem:s13+$0x0];
	_ =	sdelay $0x2  }
0x497: {  	s26 =	simm.s32 $0x0  }
0x498: {  	v5 =	vmov s26;
	v4 =	vshll.u32 v4, $0x3  }
0x499: {  	v5 =	vand.u32 $0xFFFFFFF8, v5;
	v3 =	vshll.u32 v3, $0x6;
	v2 =	vadd.s32 v4, v2  }
0x49a: {  	v4 =	vbroadcast v5, $0x0;
	v2 =	vadd.s32 v3, v2;
	_ =	sdelay $0x2  }
0x49b: {  	[tilespmem:s15+$0x0] =	vst v2;
	v2 =	vpop (erf)  }
0x49c: {  	s31 =	simm.s32 $0x200;
	[tilespmem:s30+$0x0] =	vst v2  }
0x49d: {  	v3 =	vld [tilespmem:s31+$0xFFFFFE70]  }
0x49e: {  	v4 =	vld.idx.msk [tilespmem:v4+s10+$0x0], $0xffff  }
0x49f: {  	v5 =	vld [tilespmem:s31+$0xFFFFFE00]  }
0x4a0: {  	v6 =	vld [tilespmem:s31+$0xFFFFFE20]  }
0x4a1: {  	v7 =	vld [tilespmem:s31+$0xFFFFFE30]  }
0x4a2: {  	v2 =	vld [tilespmem:s31+$0xFFFFFE50]  }
0x4a3: {  	v9 =	vld [tilespmem:s31+$0xFFFFFE10];
	v3 =	vmul.f32 v3, v4  }
0x4a4: {  	s13 =	simm.s32 $0x1;
	v8 =	vld [tilespmem:s31+$0xFFFFFE60];
	v5 =	vmul.f32 v5, v4  }
0x4a5: {  	v10 =	vld [tilespmem:s31+$0xFFFFFE40];
	v6 =	vmul.f32 v6, v4;
	[tilespmem:s31+$0xFFFFFE70] =	vst v3;
	v3 =	vmov s13  }
0x4a6: {  	v7 =	vmul.f32 v7, v4;
	[tilespmem:s31+$0xFFFFFE00] =	vst v5;
	v3 =	vand.u32 $0xFFFFFFF9, v3  }
0x4a7: {  	v2 =	vmul.f32 v2, v4;
	[tilespmem:s31+$0xFFFFFE20] =	vst v6;
	v3 =	vbroadcast v3, $0x0  }
0x4a8: {  	v5 =	vmul.f32 v9, v4;
	[tilespmem:s31+$0xFFFFFE30] =	vst v7  }
0x4a9: {  	v6 =	vmul.f32 v8, v4;
	[tilespmem:s31+$0xFFFFFE50] =	vst v2  }
0x4aa: {  	v2 =	vmul.f32 v10, v4;
	[tilespmem:s31+$0xFFFFFE10] =	vst v5  }
0x4ab: {  	[tilespmem:s31+$0xFFFFFE60] =	vst v6  }
0x4ac: {  	[tilespmem:s31+$0xFFFFFE40] =	vst v2  }
0x4ad: {  	v2 =	vld.idx.msk [tilespmem:v3+s10+$0x0], $0xffff  }
0x4ae: {  	v3 =	vld [tilespmem:s31+$0xFFFFFE90]  }
0x4af: {  	v5 =	vld [tilespmem:s31+$0xFFFFFEC0]  }
0x4b0: {  	v6 =	vld [tilespmem:s31+$0xFFFFFE80]  }
0x4b1: {  	v7 =	vld [tilespmem:s31+$0xFFFFFED0]  }
0x4b2: {  	v4 =	vld [tilespmem:s31+$0xFFFFFEF0]  }
0x4b3: {  	v8 =	vld [tilespmem:s31+$0xFFFFFEE0];
	v3 =	vmul.f32 v3, v2  }
0x4b4: {  	s15 =	simm.s32 $0x2;
	v9 =	vld [tilespmem:s31+$0xFFFFFEB0];
	v5 =	vmul.f32 v5, v2  }
0x4b5: {  	v10 =	vld [tilespmem:s31+$0xFFFFFEA0];
	v6 =	vmul.f32 v6, v2;
	[tilespmem:s31+$0xFFFFFE90] =	vst v3;
	v3 =	vmov s15  }
0x4b6: {  	v7 =	vmul.f32 v7, v2;
	[tilespmem:s31+$0xFFFFFEC0] =	vst v5;
	v3 =	vand.u32 $0xFFFFFFFA, v3  }
0x4b7: {  	v4 =	vmul.f32 v4, v2;
	[tilespmem:s31+$0xFFFFFE80] =	vst v6;
	v3 =	vbroadcast v3, $0x0  }
0x4b8: {  	v5 =	vmul.f32 v8, v2;
	[tilespmem:s31+$0xFFFFFED0] =	vst v7  }
0x4b9: {  	v6 =	vmul.f32 v9, v2;
	[tilespmem:s31+$0xFFFFFEF0] =	vst v4  }
0x4ba: {  	v2 =	vmul.f32 v10, v2;
	[tilespmem:s31+$0xFFFFFEE0] =	vst v5  }
0x4bb: {  	[tilespmem:s31+$0xFFFFFEB0] =	vst v6  }
0x4bc: {  	[tilespmem:s31+$0xFFFFFEA0] =	vst v2  }
0x4bd: {  	v2 =	vld.idx.msk [tilespmem:v3+s10+$0x0], $0xffff  }
0x4be: {  	v3 =	vld [tilespmem:s31+$0xFFFFFF00]  }
0x4bf: {  	v4 =	vld [tilespmem:s31+$0xFFFFFF60]  }
0x4c0: {  	v5 =	vld [tilespmem:s31+$0xFFFFFF10]  }
0x4c1: {  	v6 =	vld [tilespmem:s31+$0xFFFFFF50]  }
0x4c2: {  	v7 =	vld [tilespmem:s31+$0xFFFFFF70]  }
0x4c3: {  	v8 =	vld [tilespmem:s31+$0xFFFFFF20];
	v3 =	vmul.f32 v3, v2  }
0x4c4: {  	s13 =	simm.s32 $0x3;
	v9 =	vld [tilespmem:s31+$0xFFFFFF30];
	v4 =	vmul.f32 v4, v2  }
0x4c5: {  	v10 =	vld [tilespmem:s31+$0xFFFFFF40];
	v5 =	vmul.f32 v5, v2;
	[tilespmem:s31+$0xFFFFFF00] =	vst v3;
	v3 =	vmov s13  }
0x4c6: {  	v6 =	vmul.f32 v6, v2;
	[tilespmem:s31+$0xFFFFFF60] =	vst v4;
	v3 =	vand.u32 $0xFFFFFFFB, v3  }
0x4c7: {  	v4 =	vmul.f32 v7, v2;
	[tilespmem:s31+$0xFFFFFF10] =	vst v5;
	v3 =	vbroadcast v3, $0x0  }
0x4c8: {  	v5 =	vmul.f32 v8, v2;
	[tilespmem:s31+$0xFFFFFF50] =	vst v6  }
0x4c9: {  	v6 =	vmul.f32 v9, v2;
	[tilespmem:s31+$0xFFFFFF70] =	vst v4  }
0x4ca: {  	v2 =	vmul.f32 v10, v2;
	[tilespmem:s31+$0xFFFFFF20] =	vst v5  }
0x4cb: {  	[tilespmem:s31+$0xFFFFFF30] =	vst v6  }
0x4cc: {  	[tilespmem:s31+$0xFFFFFF40] =	vst v2  }
0x4cd: {  	v2 =	vld.idx.msk [tilespmem:v3+s10+$0x0], $0xffff  }
0x4ce: {  	v3 =	vld [tilespmem:s31+$0xFFFFFFB0]  }
0x4cf: {  	v5 =	vld [tilespmem:s31+$0xFFFFFFE0]  }
0x4d0: {  	v6 =	vld [tilespmem:s31+$0xFFFFFF80]  }
0x4d1: {  	v7 =	vld [tilespmem:s31+$0xFFFFFFD0]  }
0x4d2: {  	v4 =	vld [tilespmem:s31+$0xFFFFFFF0]  }
0x4d3: {  	v9 =	vld [tilespmem:s31+$0xFFFFFFA0];
	v3 =	vmul.f32 v3, v2  }
0x4d4: {  	s15 =	simm.s32 $0x4;
	v8 =	vld [tilespmem:s31+$0xFFFFFF90];
	v5 =	vmul.f32 v5, v2  }
0x4d5: {  	v10 =	vld [tilespmem:s31+$0xFFFFFFC0];
	v6 =	vmul.f32 v6, v2;
	[tilespmem:s31+$0xFFFFFFB0] =	vst v3;
	v3 =	vmov s15  }
0x4d6: {  	v7 =	vmul.f32 v7, v2;
	[tilespmem:s31+$0xFFFFFFE0] =	vst v5;
	v3 =	vand.u32 $0xFFFFFFFC, v3  }
0x4d7: {  	v4 =	vmul.f32 v4, v2;
	[tilespmem:s31+$0xFFFFFF80] =	vst v6;
	v3 =	vbroadcast v3, $0x0  }
0x4d8: {  	v11 =	vld [tilespmem:s31+$0x40];
	v5 =	vmul.f32 v9, v2;
	[tilespmem:s31+$0xFFFFFFD0] =	vst v7  }
0x4d9: {  	v6 =	vmul.f32 v8, v2;
	[tilespmem:s31+$0xFFFFFFF0] =	vst v4;
	v9 =	vld [tilespmem:s31+$0x0]  }
0x4da: {  	v4 =	vmul.f32 v10, v2;
	v2 =	vld [tilespmem:s31+$0x70];
	[tilespmem:s31+$0xFFFFFFA0] =	vst v5  }
0x4db: {  	v8 =	vld [tilespmem:s31+$0x20];
	[tilespmem:s31+$0xFFFFFF90] =	vst v6  }
0x4dc: {  	v7 =	vld [tilespmem:s31+$0x30];
	[tilespmem:s31+$0xFFFFFFC0] =	vst v4  }
0x4dd: {  	p0 =	por $0x1, $0x1;
	v3 =	vld.idx.msk [tilespmem:v3+s10+$0x0], $0xffff  }
.Ltmp11:
0x4de: {  	v4 =	vld [tilespmem:s31+$0x50];
	(pc) =	sbr.rel @!p0 .LBB2_20-.Ltmp11, $3  }
0x4df: {  	v6 =	vld [tilespmem:s31+$0x10]  }
0x4e0: {  	v5 =	vld [tilespmem:s31+$0x60];
	_ =	sdelay $0x1  }
0x4e1: {  	s28 =	simm.s32 $0x8;
	s30 =	simm.s32 $0x200;
	v10 =	vmul.f32 v9, v3;
	v9 =	vmul.f32 v11, v3  }
.LBB2_19:
0x4e2: {  	p0 =	slt.u32 s28, $0x78;
	v8 =	vmul.f32 v8, v3;
	v7 =	vmul.f32 v7, v3;
	s11 =	sadd.s32 $0x5, s26;
	s30 =	sadd.s32 $0x400, s30  }
0x4e3: {  	v4 =	vmul.f32 v4, v3;
	[tilespmem:s31+$0x0] =	vst v10;
	v6 =	vmul.f32 v6, v3;
	v10 =	vmov s11;
	s11 =	smov.u32 s28;
	s28 =	sadd.s32 $0x8, s28  }
0x4e4: {  	v2 =	vmul.f32 v2, v3;
	[tilespmem:s31+$0x40] =	vst v9;
	v5 =	vmul.f32 v5, v3;
	v3 =	vand.u32 $0xFFFFFFFD, v10  }
0x4e5: {  	[tilespmem:s31+$0x20] =	vst v8;
	v3 =	vbroadcast v3, $0x0  }
0x4e6: {  	[tilespmem:s31+$0x50] =	vst v4  }
0x4e7: {  	[tilespmem:s31+$0x70] =	vst v2;
	v2 =	vld [tilespmem:s31+$0xA0]  }
0x4e8: {  	[tilespmem:s31+$0x30] =	vst v7;
	v4 =	vld [tilespmem:s31+$0x80]  }
0x4e9: {  	[tilespmem:s31+$0x60] =	vst v5;
	v5 =	vld [tilespmem:s31+$0xD0]  }
0x4ea: {  	[tilespmem:s31+$0x10] =	vst v6;
	v6 =	vld [tilespmem:s31+$0xF0]  }
0x4eb: {  	v3 =	vld.idx.msk [tilespmem:v3+s10+$0x0], $0xffff  }
0x4ec: {  	v7 =	vld [tilespmem:s31+$0xC0]  }
0x4ed: {  	v8 =	vld [tilespmem:s31+$0xB0]  }
0x4ee: {  	v9 =	vld [tilespmem:s31+$0x90]  }
0x4ef: {  	v10 =	vld [tilespmem:s31+$0xE0];
	_ =	sdelay $0x1  }
0x4f0: {  	v4 =	vmul.f32 v4, v3;
	v7 =	vmul.f32 v7, v3  }
0x4f1: {  	s13 =	sadd.s32 $0x6, s26;
	v2 =	vmul.f32 v2, v3;
	v8 =	vmul.f32 v8, v3  }
0x4f2: {  	v5 =	vmul.f32 v5, v3;
	[tilespmem:s31+$0x80] =	vst v4;
	v4 =	vmul.f32 v9, v3;
	v9 =	vmov s13  }
0x4f3: {  	[tilespmem:s31+$0xA0] =	vst v2;
	v2 =	vmul.f32 v10, v3;
	v3 =	vmul.f32 v6, v3;
	v6 =	vand.u32 $0xFFFFFFFE, v9  }
0x4f4: {  	[tilespmem:s31+$0xD0] =	vst v5;
	v5 =	vbroadcast v6, $0x0  }
0x4f5: {  	[tilespmem:s31+$0xC0] =	vst v7  }
0x4f6: {  	[tilespmem:s31+$0xF0] =	vst v3;
	v3 =	vld [tilespmem:s31+$0x120]  }
0x4f7: {  	[tilespmem:s31+$0xB0] =	vst v8;
	v6 =	vld [tilespmem:s31+$0x100]  }
0x4f8: {  	[tilespmem:s31+$0x90] =	vst v4;
	v4 =	vld [tilespmem:s31+$0x140]  }
0x4f9: {  	[tilespmem:s31+$0xE0] =	vst v2;
	v2 =	vld [tilespmem:s31+$0x130]  }
0x4fa: {  	v5 =	vld.idx.msk [tilespmem:v5+s10+$0x0], $0xffff  }
0x4fb: {  	v7 =	vld [tilespmem:s31+$0x110]  }
0x4fc: {  	v8 =	vld [tilespmem:s31+$0x160]  }
0x4fd: {  	v9 =	vld [tilespmem:s31+$0x150]  }
0x4fe: {  	v10 =	vld [tilespmem:s31+$0x170];
	_ =	sdelay $0x1  }
0x4ff: {  	v6 =	vmul.f32 v6, v5;
	v7 =	vmul.f32 v7, v5  }
0x500: {  	v3 =	vmul.f32 v3, v5;
	v2 =	vmul.f32 v2, v5  }
0x501: {  	v4 =	vmul.f32 v4, v5;
	[tilespmem:s31+$0x100] =	vst v6;
	v6 =	vmul.f32 v9, v5  }
0x502: {  	[tilespmem:s31+$0x120] =	vst v3;
	v3 =	vmul.f32 v8, v5;
	v5 =	vmul.f32 v10, v5  }
0x503: {  	s13 =	sadd.s32 $0x7, s26;
	s26 =	smov.u32 s11;
	[tilespmem:s31+$0x130] =	vst v2  }
0x504: {  	v2 =	vmov s13;
	[tilespmem:s31+$0x140] =	vst v4  }
0x505: {  	[tilespmem:s31+$0x160] =	vst v3;
	v3 =	vld [tilespmem:s31+$0x180]  }
0x506: {  	[tilespmem:s31+$0x110] =	vst v7;
	v4 =	vld [tilespmem:s31+$0x1D0]  }
0x507: {  	[tilespmem:s31+$0x150] =	vst v6;
	v6 =	vld [tilespmem:s31+$0x190]  }
0x508: {  	[tilespmem:s31+$0x170] =	vst v5;
	v5 =	vld [tilespmem:s31+$0x1F0]  }
0x509: {  	v2 =	vld.idx.msk [tilespmem:v2+s10+$0x0], $0xffff  }
0x50a: {  	v7 =	vld [tilespmem:s31+$0x1B0]  }
0x50b: {  	v8 =	vld [tilespmem:s31+$0x1A0]  }
0x50c: {  	v9 =	vld [tilespmem:s31+$0x1C0]  }
0x50d: {  	v10 =	vld [tilespmem:s31+$0x1E0];
	_ =	sdelay $0x1  }
0x50e: {  	v3 =	vmul.f32 v3, v2;
	v6 =	vmul.f32 v6, v2  }
0x50f: {  	v7 =	vmul.f32 v7, v2;
	v8 =	vmul.f32 v8, v2  }
0x510: {  	v11 =	vmov s26;
	v4 =	vmul.f32 v4, v2;
	[tilespmem:s31+$0x180] =	vst v3;
	v3 =	vmul.f32 v9, v2  }
0x511: {  	v9 =	vand.u32 $0xFFFFFFF8, v11;
	[tilespmem:s31+$0x190] =	vst v6;
	v6 =	vmul.f32 v10, v2;
	v2 =	vmul.f32 v5, v2  }
0x512: {  	v5 =	vbroadcast v9, $0x0;
	[tilespmem:s31+$0x1D0] =	vst v4  }
0x513: {  	[tilespmem:s31+$0x1A0] =	vst v8  }
0x514: {  	v4 =	vld [tilespmem:s30+$0xFFFFFE50];
	[tilespmem:s31+$0x1F0] =	vst v2  }
0x515: {  	v2 =	vld [tilespmem:s30+$0xFFFFFE30];
	[tilespmem:s31+$0x1B0] =	vst v7  }
0x516: {  	v7 =	vld [tilespmem:s30+$0xFFFFFE60];
	[tilespmem:s31+$0x1E0] =	vst v6  }
0x517: {  	v6 =	vld [tilespmem:s30+$0xFFFFFE70];
	[tilespmem:s31+$0x1C0] =	vst v3;
	s31 =	smov.u32 s30  }
0x518: {  	v3 =	vld.idx.msk [tilespmem:v5+s10+$0x0], $0xffff  }
0x519: {  	v5 =	vld [tilespmem:s30+$0xFFFFFE00]  }
0x51a: {  	v8 =	vld [tilespmem:s30+$0xFFFFFE20]  }
0x51b: {  	v9 =	vld [tilespmem:s30+$0xFFFFFE10]  }
0x51c: {  	v10 =	vld [tilespmem:s30+$0xFFFFFE40];
	_ =	sdelay $0x1  }
0x51d: {  	v6 =	vmul.f32 v6, v3;
	v5 =	vmul.f32 v5, v3  }
0x51e: {  	s11 =	sadd.s32 $0x1, s26;
	v7 =	vmul.f32 v7, v3;
	v8 =	vmul.f32 v8, v3  }
0x51f: {  	v2 =	vmul.f32 v2, v3;
	v9 =	vmul.f32 v9, v3;
	[tilespmem:s30+$0xFFFFFE70] =	vst v6;
	v6 =	vmov s11  }
0x520: {  	[tilespmem:s30+$0xFFFFFE00] =	vst v5;
	v5 =	vmul.f32 v10, v3;
	v3 =	vmul.f32 v4, v3;
	v4 =	vand.u32 $0xFFFFFFF9, v6  }
0x521: {  	[tilespmem:s30+$0xFFFFFE20] =	vst v8;
	v4 =	vbroadcast v4, $0x0  }
0x522: {  	[tilespmem:s30+$0xFFFFFE30] =	vst v2  }
0x523: {  	[tilespmem:s30+$0xFFFFFE50] =	vst v3;
	v2 =	vld [tilespmem:s30+$0xFFFFFEF0]  }
0x524: {  	[tilespmem:s30+$0xFFFFFE10] =	vst v9;
	v3 =	vld [tilespmem:s30+$0xFFFFFED0]  }
0x525: {  	[tilespmem:s30+$0xFFFFFE60] =	vst v7;
	v6 =	vld [tilespmem:s30+$0xFFFFFEB0]  }
0x526: {  	[tilespmem:s30+$0xFFFFFE40] =	vst v5;
	v5 =	vld [tilespmem:s30+$0xFFFFFEC0]  }
0x527: {  	v4 =	vld.idx.msk [tilespmem:v4+s10+$0x0], $0xffff  }
0x528: {  	v7 =	vld [tilespmem:s30+$0xFFFFFE90]  }
0x529: {  	v8 =	vld [tilespmem:s30+$0xFFFFFE80]  }
0x52a: {  	v9 =	vld [tilespmem:s30+$0xFFFFFEA0]  }
0x52b: {  	v10 =	vld [tilespmem:s30+$0xFFFFFEE0];
	_ =	sdelay $0x1  }
0x52c: {  	v5 =	vmul.f32 v5, v4;
	v7 =	vmul.f32 v7, v4  }
0x52d: {  	s11 =	sadd.s32 $0x2, s26;
	v6 =	vmul.f32 v6, v4;
	v8 =	vmul.f32 v8, v4  }
0x52e: {  	v3 =	vmul.f32 v3, v4;
	[tilespmem:s30+$0xFFFFFE90] =	vst v7;
	v7 =	vmul.f32 v9, v4;
	v9 =	vmov s11  }
0x52f: {  	v2 =	vmul.f32 v2, v4;
	[tilespmem:s30+$0xFFFFFEC0] =	vst v5;
	v5 =	vmul.f32 v10, v4;
	v4 =	vand.u32 $0xFFFFFFFA, v9  }
0x530: {  	[tilespmem:s30+$0xFFFFFE80] =	vst v8;
	v4 =	vbroadcast v4, $0x0  }
0x531: {  	[tilespmem:s30+$0xFFFFFED0] =	vst v3  }
0x532: {  	[tilespmem:s30+$0xFFFFFEE0] =	vst v5;
	v3 =	vld [tilespmem:s30+$0xFFFFFF70]  }
0x533: {  	[tilespmem:s30+$0xFFFFFEB0] =	vst v6;
	v5 =	vld [tilespmem:s30+$0xFFFFFF50]  }
0x534: {  	[tilespmem:s30+$0xFFFFFEF0] =	vst v2;
	v2 =	vld [tilespmem:s30+$0xFFFFFF20]  }
0x535: {  	[tilespmem:s30+$0xFFFFFEA0] =	vst v7;
	v6 =	vld [tilespmem:s30+$0xFFFFFF60]  }
0x536: {  	v4 =	vld.idx.msk [tilespmem:v4+s10+$0x0], $0xffff  }
0x537: {  	v7 =	vld [tilespmem:s30+$0xFFFFFF00]  }
0x538: {  	v8 =	vld [tilespmem:s30+$0xFFFFFF10]  }
0x539: {  	v9 =	vld [tilespmem:s30+$0xFFFFFF40]  }
0x53a: {  	v10 =	vld [tilespmem:s30+$0xFFFFFF30];
	_ =	sdelay $0x1  }
0x53b: {  	v6 =	vmul.f32 v6, v4;
	v7 =	vmul.f32 v7, v4  }
0x53c: {  	s11 =	sadd.s32 $0x3, s26;
	v2 =	vmul.f32 v2, v4;
	v8 =	vmul.f32 v8, v4  }
0x53d: {  	v5 =	vmul.f32 v5, v4;
	[tilespmem:s30+$0xFFFFFF00] =	vst v7;
	v7 =	vmul.f32 v9, v4;
	v9 =	vmov s11  }
0x53e: {  	v3 =	vmul.f32 v3, v4;
	v10 =	vmul.f32 v10, v4;
	[tilespmem:s30+$0xFFFFFF60] =	vst v6;
	v4 =	vand.u32 $0xFFFFFFFB, v9  }
0x53f: {  	[tilespmem:s30+$0xFFFFFF10] =	vst v8;
	v4 =	vbroadcast v4, $0x0  }
0x540: {  	[tilespmem:s30+$0xFFFFFF50] =	vst v5  }
0x541: {  	[tilespmem:s30+$0xFFFFFF70] =	vst v3;
	v3 =	vld [tilespmem:s30+$0xFFFFFFF0]  }
0x542: {  	[tilespmem:s30+$0xFFFFFF20] =	vst v2;
	v2 =	vld [tilespmem:s30+$0xFFFFFFD0]  }
0x543: {  	[tilespmem:s30+$0xFFFFFF30] =	vst v10;
	v5 =	vld [tilespmem:s30+$0xFFFFFF90]  }
0x544: {  	[tilespmem:s30+$0xFFFFFF40] =	vst v7;
	v6 =	vld [tilespmem:s30+$0xFFFFFFE0]  }
0x545: {  	v4 =	vld.idx.msk [tilespmem:v4+s10+$0x0], $0xffff  }
0x546: {  	v7 =	vld [tilespmem:s30+$0xFFFFFFB0]  }
0x547: {  	v8 =	vld [tilespmem:s30+$0xFFFFFF80]  }
0x548: {  	v9 =	vld [tilespmem:s30+$0xFFFFFFC0]  }
0x549: {  	v10 =	vld [tilespmem:s30+$0xFFFFFFA0];
	_ =	sdelay $0x1  }
0x54a: {  	v6 =	vmul.f32 v6, v4;
	v7 =	vmul.f32 v7, v4  }
0x54b: {  	s11 =	sadd.s32 $0x4, s26;
	v5 =	vmul.f32 v5, v4;
	v8 =	vmul.f32 v8, v4  }
0x54c: {  	v2 =	vmul.f32 v2, v4;
	[tilespmem:s30+$0xFFFFFFB0] =	vst v7;
	v7 =	vmul.f32 v9, v4;
	v9 =	vmov s11  }
0x54d: {  	v3 =	vmul.f32 v3, v4;
	v10 =	vmul.f32 v10, v4;
	[tilespmem:s30+$0xFFFFFFE0] =	vst v6;
	v4 =	vand.u32 $0xFFFFFFFC, v9  }
0x54e: {  	[tilespmem:s30+$0xFFFFFF80] =	vst v8;
	v6 =	vbroadcast v4, $0x0  }
0x54f: {  	[tilespmem:s30+$0xFFFFFFD0] =	vst v2  }
0x550: {  	[tilespmem:s30+$0xFFFFFFF0] =	vst v3;
	v9 =	vld [tilespmem:s30+$0x0]  }
0x551: {  	[tilespmem:s30+$0xFFFFFFA0] =	vst v10;
	v2 =	vld [tilespmem:s30+$0x70]  }
0x552: {  	[tilespmem:s30+$0xFFFFFF90] =	vst v5;
	v4 =	vld [tilespmem:s30+$0x50]  }
0x553: {  	[tilespmem:s30+$0xFFFFFFC0] =	vst v7;
	v8 =	vld [tilespmem:s30+$0x20]  }
0x554: {  	v3 =	vld.idx.msk [tilespmem:v6+s10+$0x0], $0xffff  }
0x555: {  	v11 =	vld [tilespmem:s30+$0x40]  }
.Ltmp12:
0x556: {  	v7 =	vld [tilespmem:s30+$0x30];
	(pc) =	sbr.rel @p0 .LBB2_19-.Ltmp12, $3  }
0x557: {  	v6 =	vld [tilespmem:s30+$0x10]  }
0x558: {  	v5 =	vld [tilespmem:s30+$0x60];
	_ =	sdelay $0x1  }
0x559: {  	v10 =	vmul.f32 v9, v3;
	v9 =	vmul.f32 v11, v3  }
.LBB2_20:
0x55a: {  	s11 =	sadd.s32 $0x5, s26  }
0x55b: {  	v8 =	vmul.f32 v8, v3;
	[tilespmem:s31+$0x0] =	vst v10;
	v27 =	vmov s11  }
0x55c: {  	v4 =	vmul.f32 v4, v3;
	[tilespmem:s31+$0x40] =	vst v9;
	v28 =	vand.u32 $0xFFFFFFFD, v27  }
0x55d: {  	v2 =	vmul.f32 v2, v3;
	[tilespmem:s31+$0x20] =	vst v8;
	v29 =	vbroadcast v28, $0x0  }
0x55e: {  	v7 =	vmul.f32 v7, v3;
	[tilespmem:s31+$0x50] =	vst v4  }
0x55f: {  	v30 =	vmul.f32 v5, v3;
	[tilespmem:s31+$0x70] =	vst v2  }
0x560: {  	v2 =	vmul.f32 v6, v3;
	[tilespmem:s31+$0x30] =	vst v7  }
0x561: {  	[tilespmem:s31+$0x60] =	vst v30  }
0x562: {  	v3 =	vld [tilespmem:s31+$0x80];
	[tilespmem:s31+$0x10] =	vst v2  }
0x563: {  	v2 =	vld.idx.msk [tilespmem:v29+s10+$0x0], $0xffff  }
0x564: {  	v31 =	vld [tilespmem:s31+$0xA0]  }
0x565: {  	v32 =	vld [tilespmem:s31+$0xD0]  }
0x566: {  	v33 =	vld [tilespmem:s31+$0xC0]  }
0x567: {  	v34 =	vld [tilespmem:s31+$0xF0]  }
0x568: {  	v35 =	vld [tilespmem:s31+$0xB0];
	v3 =	vmul.f32 v3, v2  }
0x569: {  	v36 =	vld [tilespmem:s31+$0x90];
	s15 =	sadd.s32 $0x6, s26;
	v4 =	vmul.f32 v31, v2  }
0x56a: {  	v37 =	vld [tilespmem:s31+$0xE0];
	v38 =	vmov s15;
	[tilespmem:s31+$0x80] =	vst v3;
	v3 =	vmul.f32 v32, v2  }
0x56b: {  	v39 =	vand.u32 $0xFFFFFFFE, v38;
	v6 =	vmul.f32 v33, v2;
	[tilespmem:s31+$0xA0] =	vst v4  }
0x56c: {  	v40 =	vmul.f32 v34, v2;
	[tilespmem:s31+$0xD0] =	vst v3;
	v3 =	vbroadcast v39, $0x0  }
0x56d: {  	v41 =	vmul.f32 v35, v2;
	[tilespmem:s31+$0xC0] =	vst v6  }
0x56e: {  	v42 =	vmul.f32 v36, v2;
	[tilespmem:s31+$0xF0] =	vst v40  }
0x56f: {  	v2 =	vmul.f32 v37, v2;
	[tilespmem:s31+$0xB0] =	vst v41  }
0x570: {  	[tilespmem:s31+$0x90] =	vst v42  }
0x571: {  	v43 =	vld [tilespmem:s31+$0x100];
	[tilespmem:s31+$0xE0] =	vst v2  }
0x572: {  	v2 =	vld.idx.msk [tilespmem:v3+s10+$0x0], $0xffff  }
0x573: {  	v3 =	vld [tilespmem:s31+$0x120]  }
0x574: {  	v44 =	vld [tilespmem:s31+$0x130]  }
0x575: {  	v45 =	vld [tilespmem:s31+$0x140]  }
0x576: {  	v47 =	vld [tilespmem:s31+$0x110]  }
0x577: {  	v48 =	vld [tilespmem:s31+$0x150];
	v4 =	vmul.f32 v43, v2  }
0x578: {  	v46 =	vld [tilespmem:s31+$0x160];
	v3 =	vmul.f32 v3, v2  }
0x579: {  	v49 =	vld [tilespmem:s31+$0x170];
	v5 =	vmul.f32 v44, v2;
	[tilespmem:s31+$0x100] =	vst v4  }
0x57a: {  	v50 =	vmul.f32 v45, v2;
	[tilespmem:s31+$0x120] =	vst v3  }
0x57b: {  	s28 =	sadd.s32 $0x7, s26;
	v51 =	vmul.f32 v47, v2;
	[tilespmem:s31+$0x130] =	vst v5  }
0x57c: {  	v52 =	vmov s28;
	v53 =	vmul.f32 v48, v2;
	[tilespmem:s31+$0x140] =	vst v50  }
0x57d: {  	v3 =	vmul.f32 v46, v2;
	[tilespmem:s31+$0x110] =	vst v51  }
0x57e: {  	v2 =	vmul.f32 v49, v2;
	[tilespmem:s31+$0x150] =	vst v53  }
0x57f: {  	[tilespmem:s31+$0x160] =	vst v3  }
0x580: {  	v3 =	vld [tilespmem:s31+$0x180];
	[tilespmem:s31+$0x170] =	vst v2  }
0x581: {  	v2 =	vld.idx.msk [tilespmem:v52+s10+$0x0], $0xffff  }
0x582: {  	v54 =	vld [tilespmem:s31+$0x190]  }
0x583: {  	v56 =	vld [tilespmem:s31+$0x1A0]  }
0x584: {  	v57 =	vld [tilespmem:s31+$0x1F0]  }
0x585: {  	v55 =	vld [tilespmem:s31+$0x1D0]  }
0x586: {  	v59 =	vld [tilespmem:s31+$0x1E0];
	v3 =	vmul.f32 v3, v2  }
0x587: {  	v58 =	vld [tilespmem:s31+$0x1B0];
	v5 =	vmul.f32 v54, v2  }
0x588: {  	v60 =	vld [tilespmem:s31+$0x1C0];
	v61 =	vmul.f32 v56, v2;
	[tilespmem:s31+$0x180] =	vst v3  }
0x589: {  	v62 =	vmul.f32 v57, v2;
	[tilespmem:s31+$0x190] =	vst v5  }
0x58a: {  	v3 =	vmul.f32 v55, v2;
	[tilespmem:s31+$0x1A0] =	vst v61  }
0x58b: {  	v63 =	vmul.f32 v59, v2;
	[tilespmem:s31+$0x1F0] =	vst v62  }
0x58c: {  	s11 =	sadd.s32 s19, s22;
	[tilespmem:s31+$0x1D0] =	vst v3;
	v3 =	vmul.f32 v58, v2  }
0x58d: {  	p0 =	sgt.u32 s11, $0x30C;
	[tilespmem:s31+$0x1E0] =	vst v63;
	v2 =	vmul.f32 v60, v2  }
0x58e: {  	p1 =	seq.s32 @p0 s11, $0x30D;
	[tilespmem:s31+$0x1B0] =	vst v3  }
0x58f: {  	s13 =	simm.s32 @p0 $0x0;
	p1 =	por !p1, !p0;
	[tilespmem:s31+$0x1C0] =	vst v2  }
0x590: {  	s0 =	sadd.s32 $0x1, s0;
	s13 =	simm.s32 @p1 $0x80;
	_ =	swait.ge [sflag:s16], $0x4000  }
0x591: {  	s19 =	simm.s32 @p0 $0x0;
	s15 =	sshll.u32 @p0 s13, $0x4;
	[sflag:s16] =	ssyncset.done $0x0  }
0x592: {  	s28 =	simm.s32 @p0 $0x8000;
	s26 =	sadd.s32 @p0 s3, s15;
	[sflag:s16] =	ssyncadd.s32 $0xFFFFC000  }
0x593: {  	[tilespmem:s28], [sflag:$0x3] =	stream.linear.gather @p0 [hbm4b:s26+s19], $0x4000, $0x38;
	[tilespmem:$0x1C380] =	vst v63  }
0x594: {  	s13 =	sshrl.u32 @p0 s13, $0x3;
	s15 =	sadd.s32 @p0 s8, s15;
	s26 =	simm.s32 @p0 $0x14000  }
0x595: {  	[tilespmem:s26], [sflag:$0x3] =	stream.linear.gather @p0 [hbm4b:s15+s19], $0x4000, $0x38;
	[tilespmem:$0x1C380] =	vst v63  }
0x596: {  	s13 =	sadd.s32 @p0 s9, s13;
	s28 =	simm.s32 @!p0 $0x8000;
	s15 =	sshll.u32 @!p0 s11, $0xB  }
0x597: {  	s26 =	simm.s32 @!p0 $0x0;
	s11 =	sshll.u32 @!p0 s11, $0x4;
	s19 =	sadd.s32 @!p0 s1, s15  }
0x598: {  	[tilespmem:s28], [sflag:$0x3] =	stream.linear.gather @!p0 [hbm4b:s19+s26], $0x4000, $0x38;
	[tilespmem:$0x1C380] =	vst v63  }
0x599: {  	s15 =	sadd.s32 @!p0 s7, s15;
	s11 =	sadd.s32 @!p0 s2, s11;
	s19 =	simm.s32 @!p0 $0x14000  }
0x59a: {  	[tilespmem:s19], [sflag:$0x3] =	stream.linear.gather @!p0 [hbm4b:s15+s26], $0x4000, $0x38;
	[tilespmem:$0x1C380] =	vst v63  }
0x59b: {  	s11 =	smov.u32 @p0 s13;
	p0 =	sne.s32 s0, $0x8  }
.Ltmp13:
0x59c: {  	_ = 	snop;
	(pc) =	sbr.rel @p0 .LBB2_8-.Ltmp13, $4  }
0x59d: {  	s30 =	simm.s32 $0x18100  }
0x59e: {  	[tilespmem:s30], [sflag:$0x3] =	stream.linear.gather [hbm4b:s11+s5], $0x80, $0x38;
	[tilespmem:$0x1C380] =	vst v63  }
0x59f: {  	s31 =	simm.s32 $0x18180  }
0x5a0: {  	[spmem:s4] =	stream.indirect.scatter.add.f32 [tilespmem:s5], [sflag:$0x4], $0x80, s31, s14, $0xb8;
	[tilespmem:$0x1C380] =	vst v63  }
0x5a1: {  	_ =	swait.ge [sflag:s18], $0x4000  }
0x5a2: {  	[sflag:s18] =	ssyncset.done $0x0  }
0x5a3: {  	[sflag:s18] =	ssyncadd.s32 $0xFFFFC000  }
0x5a4: {  	_ =	swait.ge [sflag:s17], $0x4000  }
0x5a5: {  	[sflag:s17] =	ssyncset.done $0x0  }
0x5a6: {  	[sflag:s17] =	ssyncadd.s32 $0xFFFFC000  }
0x5a7: {  	_ =	swait.ge [sflag:s17], $0x4000  }
0x5a8: {  	[sflag:s17] =	ssyncset.done $0x0  }
0x5a9: {  	[sflag:s17] =	ssyncadd.s32 $0xFFFFC000  }
0x5aa: {  	_ =	swait.ge [sflag:s17], $0x80  }
0x5ab: {  	[sflag:s17] =	ssyncset.done $0x0  }
0x5ac: {  	[sflag:s17] =	ssyncadd.s32 $0xFFFFFF80  }
0x5ad: {  	_ =	swait.ge [sflag:s23], $0x4000  }
0x5ae: {  	[sflag:s23] =	ssyncset.done $0x0  }
0x5af: {  	[sflag:s23] =	ssyncadd.s32 $0xFFFFC000  }
0x5b0: {  	_ =	swait.ge [sflag:s23], $0x4000  }
0x5b1: {  	[sflag:s23] =	ssyncset.done $0x0  }
0x5b2: {  	[sflag:s23] =	ssyncadd.s32 $0xFFFFC000  }
0x5b3: {  	_ =	swait.ge [sflag:s23], $0x80  }
0x5b4: {  	[sflag:s23] =	ssyncset.done $0x0  }
0x5b5: {  	[sflag:s23] =	ssyncadd.s32 $0xFFFFFF80  }
0x5b6: {  	[bflag:$0x0] =	sbarrier.arrive $0xFFFF  }
0x5b7: {  	s13 =	simm.s32 $0x18380;
	s19 =	simm.s32 $0x7;
	s15 =	rddreg [dreg:$0xc]  }
0x5b8: {  	[tilespmem:s13], [sflag:$0x7] =	stream.linear.gather [spmem:s15], $0x2000, $0x38;
	[tilespmem:$0x1C380] =	vst v63  }
0x5b9: {  	_ =	swait.ge [sflag:s19], $0x2000  }
0x5ba: {  	[sflag:s19] =	ssyncset.done $0x0  }
0x5bb: {  	s0 =	rddreg [dreg:$0x10];
	[sflag:s19] =	ssyncadd.s32 $0xFFFFE000  }
0x5bc: {  	[hbm4b:s0+s5] =	stream.linear.scatter [tilespmem:s13], [sflag:$0x7], $0x2000, $0x38;
	[tilespmem:$0x1C380] =	vst v63  }
0x5bd: {  	_ =	swait.ge [sflag:s19], $0x2000  }
0x5be: {  	s11 =	rddreg [dreg:$0x12]  }
0x5bf: {  	s31 =	rddreg [dreg:$0x11];
	s11 =	sadd.s32 $0x1, s11  }
0x5c0: {  	p0 =	sne.s32 s11, s31  }
.Ltmp14:
0x5c1: {  	_ = 	snop;
	(pc) =	sbr.rel @p0 .LBB2_1-.Ltmp14, $3  }
0x5c2: {  	_ =	sdelay $0x1  }
0x5c3: {  	[sflag:s19] =	ssyncset.done $0x0  }
0x5c4: {  	[sflag:s19] =	ssyncadd.s32 $0xFFFFE000  }
0x5c5: {  	_ =	sfence.sel $0x180000  }
0x5c6: {  	[bflag:$0x0] =	sbarrier.arrive $0xFFFF  }
0x5c7: {  	_ =	strace $0x90000047  }
0x5c8: {  	s0 =	stileid.u32;
	[bflag:$0x2] =	sbarrier.arrive $0xFFFF  }
0x5c9: {  	p0 =	sne.s32 s0, $0x0;
	s0 =	rddreg [dreg:$0x5]  }
0x5ca: {  	s0 =	sadd.s32 @!p0 $0x100000, s0  }
0x5cb: {  	[sflag:s0] =	ssyncadd.tile.s32 @!p0 $0x1;
	_ =	shalt  }
.Lfunc_end2:
_tile_overlayer_lowered:
.L_overlay_start_2:
0x5cc: {  	(tag) =	ssettag $0x2  }
0x5cd: {  	s0 =	rddreg [dreg:$0x0];
	s2 =	stileid.u32  }
0x5ce: {  	s1 =	rddreg [dreg:$0x1];
	p0 =	sne.s32 s2, $0x0  }
0x5cf: {  	s3 =	rddreg [dreg:$0x2];
	[bflag:$0x3] =	sbarrier.arrive $0xFFFF;
	s2 =	simm.s32 @!p0 $0x1C07  }
0x5d0: {  	[timem:s3], [sflag:s2] =	dma.local @!p0 [hbm:s0], s1  }
0x5d1: {  	s0 =	simm.s32 @!p0 $0x7  }
0x5d2: {  	_ =	swait.ge @!p0 [sflag:s0], s1  }
0x5d3: {  	s1 =	ssub.s32 @!p0 $0x0, s1;
	[sflag:s0] =	ssyncset.done @!p0 $0x0  }
0x5d4: {  	[sflag:s0] =	ssyncadd.s32 @!p0 s1  }
0x5d5: {  	[bflag:$0x3] =	sbarrier.arrive $0xFFFF  }
0x5d6: {  	_ =	shalt  }

</sc_bundles>
